<compile_context>
chip_gen: v7x
topology: tpu7x:2x2x1
jax: 0.10.2.dev20260603
libtpu: 0.0.44.dev20260713+nightly
codegen_flags: <defaults>
</compile_context>

<pallas_src>
import functools

import jax
import jax.numpy as jnp
from jax import lax
from jax.experimental import pallas as pl
from jax.experimental.pallas import tpu as pltpu
from jax.experimental.pallas import tpu_sc as plsc

N_NODES = 10000
N_EDGES = 320000
EMBED = 128
HEADS = 8
DH = EMBED // HEADS

NC = 2
NS = 16
NW = NC * NS
CH = 128
EPAD = 327680
SEG = 2
HALF = EPAD // SEG
EPWH = HALF // NW
NCHUNKH = EPWH // CH
STRIPE = 1000


def _qkv_body(x_ref, w_ref, o_ref):
    o_ref[...] = jnp.dot(x_ref[...], w_ref[...],
                         preferred_element_type=jnp.float32)


def _tc_qkv(embeds, w):
    return pl.pallas_call(
        _qkv_body,
        grid=(10,),
        in_specs=[pl.BlockSpec((N_NODES // 10, EMBED), lambda i: (i, 0)),
                  pl.BlockSpec((EMBED, 3 * EMBED), lambda i: (0, 0))],
        out_specs=pl.BlockSpec((N_NODES // 10, 3 * EMBED), lambda i: (i, 0)),
        out_shape=jax.ShapeDtypeStruct((N_NODES, 3 * EMBED), jnp.float32),
    )(embeds, w)


@functools.cache
def _make_sc_gather(tag):
  mesh = plsc.VectorSubcoreMesh(
      core_axis_name="c", subcore_axis_name="s",
      num_cores=NC, num_subcores=NS)

  @functools.partial(
    pl.kernel,
    out_type=[jax.ShapeDtypeStruct((HALF, EMBED), jnp.float32),
              jax.ShapeDtypeStruct((HALF, 2 * EMBED), jnp.float32)],
    mesh=mesh,
    scratch_types=[
        pltpu.VMEM((2, 1, CH), jnp.int32),
        pltpu.VMEM((2, 1, CH), jnp.int32),
        pltpu.VMEM((2, CH, EMBED), jnp.float32),
        pltpu.VMEM((2, CH, 2 * EMBED), jnp.float32),
        pltpu.SemaphoreType.DMA,
        pltpu.SemaphoreType.DMA,
        pltpu.SemaphoreType.DMA,
        pltpu.SemaphoreType.DMA,
        pltpu.SemaphoreType.DMA,
        pltpu.SemaphoreType.DMA,
    ],
  )
  def sc_gather(q_hbm, kv_hbm, rows_hbm, cols_hbm,
                qr_hbm, kvc_hbm,
                ridx, cidx, qbuf, kvbuf, si0, si1, sq0, sq1, sk0, sk1):
    wid = lax.axis_index("s") * NC + lax.axis_index("c")
    base = wid * EPWH
    sqs = (sq0, sq1)
    sks = (sk0, sk1)
    sis = (si0, si1)

    @pl.loop(0, NCHUNKH // 2)
    def _(it):
        c0 = it * 2
        offs = (base + c0 * CH, base + c0 * CH + CH)
        ii = []
        for b in (0, 1):
            ii.append(pltpu.async_copy(
                rows_hbm.at[pl.ds(offs[b], CH)], ridx.at[b, 0], sis[b]))
            ii.append(pltpu.async_copy(
                cols_hbm.at[pl.ds(offs[b], CH)], cidx.at[b, 0], sis[b]))
        gg = []
        for b in (0, 1):
            ii[2 * b].wait()
            ii[2 * b + 1].wait()
            gg.append(pltpu.async_copy(
                q_hbm.at[ridx.at[b, 0]], qbuf.at[b], sqs[b]))
            gg.append(pltpu.async_copy(
                kv_hbm.at[cidx.at[b, 0]], kvbuf.at[b], sks[b]))
        ww = []
        for b in (0, 1):
            gg[2 * b].wait()
            ww.append(pltpu.async_copy(
                qbuf.at[b], qr_hbm.at[pl.ds(offs[b], CH)], sqs[b]))
            gg[2 * b + 1].wait()
            ww.append(pltpu.async_copy(
                kvbuf.at[b], kvc_hbm.at[pl.ds(offs[b], CH)], sks[b]))
        for w in ww:
            w.wait()

  return sc_gather


def _make_edge_body(h):
    def _edge_body(qr_ref, kvc_ref, m_ref, mt_ref, res_ref, attw_ref):
        i = pl.program_id(0)
        blk = qr_ref.shape[0]
        kc = kvc_ref[:, :EMBED]
        vc = kvc_ref[:, EMBED:]
        att = jnp.dot(qr_ref[...] * kc, m_ref[...],
                      preferred_element_type=jnp.float32)
        att = jnp.exp(jnp.clip(att, -10.0, 10.0))
        eid = h * HALF + i * blk + lax.broadcasted_iota(jnp.int32, att.shape, 0)
        att = jnp.where(eid < N_EDGES, att, 0.0)
        attw = jnp.dot(att, mt_ref[...], preferred_element_type=jnp.float32)
        res_ref[...] = vc * attw
        attw_ref[...] = attw
    return _edge_body


def _tc_edge(qr, kvc, m, mt, h):
    blk = 4096
    nblk = HALF // blk
    return pl.pallas_call(
        _make_edge_body(h),
        grid=(nblk,),
        in_specs=[pl.BlockSpec((blk, EMBED), lambda i: (i, 0)),
                  pl.BlockSpec((blk, 2 * EMBED), lambda i: (i, 0)),
                  pl.BlockSpec((EMBED, 16), lambda i: (0, 0)),
                  pl.BlockSpec((16, EMBED), lambda i: (0, 0))],
        out_specs=[pl.BlockSpec((blk, EMBED), lambda i: (i, 0)),
                   pl.BlockSpec((blk, EMBED), lambda i: (i, 0))],
        out_shape=[jax.ShapeDtypeStruct((HALF, EMBED), jnp.float32),
                   jax.ShapeDtypeStruct((HALF, EMBED), jnp.float32)],
    )(qr, kvc, m, mt)


@functools.cache
def _make_sc_scatter(tag):
  mesh = plsc.VectorSubcoreMesh(
      core_axis_name="c", subcore_axis_name="s",
      num_cores=NC, num_subcores=NS)

  @functools.partial(
    pl.kernel,
    out_type=[jax.ShapeDtypeStruct((NC, N_NODES, EMBED), jnp.float32),
              jax.ShapeDtypeStruct((NC, N_NODES, EMBED), jnp.float32)],
    mesh=mesh,
    scratch_types=[
        pltpu.VMEM_SHARED((N_NODES, EMBED), jnp.float32),
        pltpu.VMEM((2, 1, CH), jnp.int32),
        pltpu.VMEM((2, CH, EMBED), jnp.float32),
        pltpu.SemaphoreType.DMA,
        pltpu.SemaphoreType.DMA,
        pltpu.SemaphoreType.DMA,
        pltpu.SemaphoreType.DMA,
    ],
  )
  def sc_scatter(rows_hbm, res_hbm, attw_hbm, z_hbm,
                 acc_hbm, nacc_hbm,
                 a_sp, ridx, rbuf, si0, si1, sd0, sd1):
    c = lax.axis_index("c")
    s = lax.axis_index("s")
    wid = s * NC + c
    r0 = s * STRIPE
    base = wid * EPWH
    sis = (si0, si1)
    sds = (sd0, sd1)

    def one_pass(src_hbm, dst_hbm):
        @pl.when(s < N_NODES // STRIPE)
        def _():
            pltpu.sync_copy(z_hbm.at[pl.ds(r0, STRIPE)],
                            a_sp.at[pl.ds(r0, STRIPE)])

        plsc.subcore_barrier()

        @pl.loop(0, NCHUNKH // 2)
        def _(it):
            c0 = it * 2
            offs = (base + c0 * CH, base + c0 * CH + CH)
            ii = []
            ll = []
            for b in (0, 1):
                ii.append(pltpu.async_copy(
                    rows_hbm.at[pl.ds(offs[b], CH)], ridx.at[b, 0], sis[b]))
                ll.append(pltpu.async_copy(
                    src_hbm.at[pl.ds(offs[b], CH)], rbuf.at[b], sds[b]))
            ss = []
            for b in (0, 1):
                ii[b].wait()
                ll[b].wait()
                ss.append(pltpu.async_copy(
                    rbuf.at[b], a_sp.at[ridx.at[b, 0]], sds[b], add=True))
            for x in ss:
                x.wait()

        plsc.subcore_barrier()

        @pl.when(s < N_NODES // STRIPE)
        def _():
            pltpu.sync_copy(a_sp.at[pl.ds(r0, STRIPE)],
                            dst_hbm.at[c, pl.ds(r0, STRIPE)])

    one_pass(res_hbm, acc_hbm)
    one_pass(attw_hbm, nacc_hbm)

  return sc_scatter


def _fin_body(*refs):
    o_ref = refs[-1]
    accs = refs[:SEG]
    naccs = refs[SEG:2 * SEG]
    ssum = accs[0][0] + accs[0][1]
    for r in accs[1:]:
        ssum = ssum + r[0] + r[1]
    denom = naccs[0][0] + naccs[0][1] + 1e-8
    for r in naccs[1:]:
        denom = denom + r[0] + r[1]
    o_ref[...] = ssum / denom


def _tc_finalize(accs, naccs):
    blk = N_NODES // 10
    spec = pl.BlockSpec((NC, blk, EMBED), lambda i: (0, i, 0))
    return pl.pallas_call(
        _fin_body,
        grid=(10,),
        in_specs=[spec] * (2 * SEG),
        out_specs=pl.BlockSpec((blk, EMBED), lambda i: (i, 0)),
        out_shape=jax.ShapeDtypeStruct((N_NODES, EMBED), jnp.float32),
    )(*accs, *naccs)


def kernel(embeds, qTrans, kTrans, vTrans, edge_index):
    rows = edge_index[0, :].astype(jnp.int32)
    cols = edge_index[1, :].astype(jnp.int32)
    pad = EPAD - N_EDGES
    rows_p = jnp.concatenate([rows, jnp.zeros((pad,), jnp.int32)])
    cols_p = jnp.concatenate([cols, jnp.zeros((pad,), jnp.int32)])

    w = jnp.concatenate([qTrans, kTrans, vTrans], axis=1)
    qkv = _tc_qkv(embeds, w)
    q = qkv[:, :EMBED]
    kv = qkv[:, EMBED:]

    d_iota = jnp.arange(EMBED, dtype=jnp.int32)
    h_iota = jnp.arange(16, dtype=jnp.int32)
    m = (d_iota[:, None] // DH == h_iota[None, :]).astype(jnp.float32)
    mt = m.T

    z = jnp.zeros((N_NODES, EMBED), jnp.float32)

    accs, naccs = [], []
    for h in range(SEG):
        rows_h = lax.slice(rows_p, (h * HALF,), ((h + 1) * HALF,))
        cols_h = lax.slice(cols_p, (h * HALF,), ((h + 1) * HALF,))
        qr, kvc = _make_sc_gather(h)(q, kv, rows_h, cols_h)
        res, attw = _tc_edge(qr, kvc, m, mt, h)
        acc, nacc = _make_sc_scatter(h)(rows_h, res, attw, z)
        accs.append(acc)
        naccs.append(nacc)

    return _tc_finalize(accs, naccs)

# --- scband reference (transcript-rebuilt; emitter-appended) ---
"""Pipeline reference for scband-gtlayer-3599182594505 (READ-ONLY COPY).

The authoritative reference and input builder live on the scoring server;
editing this copy changes nothing except your own understanding.
"""

import jax, jax.numpy as jnp
import numpy as np

N_NODES = 10000
N_EDGES = 320000
EMBED = 128
HEADS = 8

def _xavier(key, shape):
    fan_in, fan_out = shape[0], shape[1]
    limit = float(np.sqrt(6.0 / (fan_in + fan_out)))
    return jax.random.uniform(key, shape, dtype=jnp.float32, minval=-limit, maxval=limit)

def setup_inputs(seed: int = 0) -> dict:
    key = jax.random.key(seed)
    k1, k2, k3, k4, k5 = jax.random.split(key, 5)
    edge_index = jax.random.randint(k1, (2, N_EDGES), 0, N_NODES, dtype=jnp.int64)
    embeds = jax.random.normal(k2, (N_NODES, EMBED), dtype=jnp.float32)
    qTrans = _xavier(k3, (EMBED, EMBED))
    kTrans = _xavier(k4, (EMBED, EMBED))
    vTrans = _xavier(k5, (EMBED, EMBED))
    return {"embeds": embeds, "qTrans": qTrans, "kTrans": kTrans, "vTrans": vTrans, "edge_index": edge_index}

def reference(embeds, qTrans, kTrans, vTrans, edge_index):
    rows = edge_index[0, :]
    cols = edge_index[1, :]
    n = embeds.shape[0]
    dh = EMBED // HEADS
    rowEmbeds = embeds[rows]
    colEmbeds = embeds[cols]
    qEmbeds = (rowEmbeds @ qTrans).reshape(-1, HEADS, dh)
    kEmbeds = (colEmbeds @ kTrans).reshape(-1, HEADS, dh)
    vEmbeds = (colEmbeds @ vTrans).reshape(-1, HEADS, dh)
    att = jnp.einsum('ehd,ehd->eh', qEmbeds, kEmbeds)
    att = jnp.clip(att, -10.0, 10.0)
    expAtt = jnp.exp(att)
    attNorm = jnp.zeros((n, HEADS), dtype=embeds.dtype).at[rows].add(expAtt)[rows]
    att = expAtt / (attNorm + 1e-08)
    resEmbeds = jnp.einsum('eh,ehd->ehd', att, vEmbeds).reshape(-1, EMBED)
    out = jnp.zeros((n, EMBED), dtype=embeds.dtype).at[rows].add(resEmbeds)
    return out

if __name__ == "__main__":
    import jax
    _d = setup_inputs()
    print(jax.jit(kernel)(*tuple(_d.values())))

</pallas_src>

<mosaic_0001>
#map = affine_map<(d0, d1) -> (0, 0)>
#map1 = affine_map<(d0, d1) -> (0)>
module attributes {stable_mosaic.version = 14 : i64} {
  func.func @sc_gather(%arg0: i32, %arg1: i32, %arg2: memref<10000x128xf32, #tpu.memory_space<hbm>>, %arg3: memref<10000x256xf32, #tpu.memory_space<hbm>>, %arg4: memref<163840xi32, #tpu.memory_space<hbm>>, %arg5: memref<163840xi32, #tpu.memory_space<hbm>>, %arg6: memref<163840x128xf32, #tpu.memory_space<hbm>>, %arg7: memref<163840x256xf32, #tpu.memory_space<hbm>>, %arg8: memref<2x1x128xi32, #tpu.memory_space<vmem>>, %arg9: memref<2x1x128xi32, #tpu.memory_space<vmem>>, %arg10: memref<2x128x128xf32, #tpu.memory_space<vmem>>, %arg11: memref<2x128x256xf32, #tpu.memory_space<vmem>>, %arg12: memref<!tpu.dma_semaphore, #tpu.memory_space<semaphore_mem>>, %arg13: memref<!tpu.dma_semaphore, #tpu.memory_space<semaphore_mem>>, %arg14: memref<!tpu.dma_semaphore, #tpu.memory_space<semaphore_mem>>, %arg15: memref<!tpu.dma_semaphore, #tpu.memory_space<semaphore_mem>>, %arg16: memref<!tpu.dma_semaphore, #tpu.memory_space<semaphore_mem>>, %arg17: memref<!tpu.dma_semaphore, #tpu.memory_space<semaphore_mem>>) attributes {dimension_semantics = [#tpu.dimension_semantics<core_parallel>, #tpu.dimension_semantics<subcore_parallel>], iteration_bounds = array<i64: 2, 16>, scalar_prefetch = 0 : i64, scratch_operands = 10 : i64, tpu.core_type = #tpu.core_type<sc_vector_subcore>, window_params = [{transform_indices = #map}, {transform_indices = #map}, {transform_indices = #map1}, {transform_indices = #map1}, {transform_indices = #map}, {transform_indices = #map}]} {
    %mul3A = arith.constant 2 : i32
    %mul3A_0 = arith.muli %arg1, %mul3A : i32
    %add3A = arith.addi %mul3A_0, %arg0 : i32
    %mul3A_1 = arith.constant 5120 : i32
    %mul3A_2 = arith.muli %add3A, %mul3A_1 : i32
    %scan3A = arith.constant 0 : i32
    %scan3A_3 = arith.constant 20 : i32
    %scan3A_4 = arith.addi %scan3A, %scan3A_3 : i32
    %scan3A_5 = arith.constant 1 : i32
    scf.for %scan3A_7 = %scan3A to %scan3A_4 step %scan3A_5  : i32 {
      %mul3A_8 = arith.constant 1 : i32
      %mul3A_9 = arith.muli %scan3A_7, %mul3A_8 : i32
      %add3A_10 = arith.constant 0 : i32
      %add3A_11 = arith.addi %add3A_10, %mul3A_9 : i32
      %mul3A_12 = arith.constant 2 : i32
      %mul3A_13 = arith.muli %add3A_11, %mul3A_12 : i32
      %mul3A_14 = arith.constant 128 : i32
      %mul3A_15 = arith.muli %mul3A_13, %mul3A_14 : i32
      %add3A_16 = arith.addi %mul3A_2, %mul3A_15 : i32
      %mul3A_17 = arith.constant 128 : i32
      %mul3A_18 = arith.muli %mul3A_13, %mul3A_17 : i32
      %add3A_19 = arith.addi %mul3A_2, %mul3A_18 : i32
      %add3A_20 = arith.constant 128 : i32
      %add3A_21 = arith.addi %add3A_19, %add3A_20 : i32
      %dma_start3A = arith.constant 0 : i32
      %dma_start3A_22 = arith.constant 0 : i32
      %dma_start3A_23 = arith.constant 0 : i32
      %dma_start3A_24 = tpu.memref_slice %arg8[%dma_start3A, %dma_start3A_22, %dma_start3A_23] : memref<2x1x128xi32, #tpu.memory_space<vmem>> -> memref<1x1x128xi32, #tpu.memory_space<vmem>>
      %dma_start3A_25 = tpu.memref_squeeze %dma_start3A_24 : memref<1x1x128xi32, #tpu.memory_space<vmem>> -> memref<128xi32, #tpu.memory_space<vmem>>
      %dma_start3A_26 = tpu.memref_slice %arg4[%add3A_16] : memref<163840xi32, #tpu.memory_space<hbm>> -> memref<128xi32, #tpu.memory_space<hbm>>
      %dma_start3A_27 = arith.constant 0 : i32
      %dma_start3A_28 = tpu.memref_slice %arg8[%dma_start3A, %dma_start3A_22, %dma_start3A_27] : memref<2x1x128xi32, #tpu.memory_space<vmem>> -> memref<1x1x128xi32, #tpu.memory_space<vmem>>
      %dma_start3A_29 = tpu.memref_squeeze %dma_start3A_28 : memref<1x1x128xi32, #tpu.memory_space<vmem>> -> memref<128xi32, #tpu.memory_space<vmem>>
      %dma_start3A_30 = tpu.memref_slice %arg4[%add3A_16] : memref<163840xi32, #tpu.memory_space<hbm>> -> memref<128xi32, #tpu.memory_space<hbm>>
      tpu.enqueue_dma source(%dma_start3A_30 : memref<128xi32, #tpu.memory_space<hbm>>) target(%dma_start3A_29 : memref<128xi32, #tpu.memory_space<vmem>>) target_semaphore(%arg12 : memref<!tpu.dma_semaphore, #tpu.memory_space<semaphore_mem>>)
      %dma_start3A_31 = arith.constant 0 : i32
      %dma_start3A_32 = arith.constant 0 : i32
      %dma_start3A_33 = arith.constant 0 : i32
      %dma_start3A_34 = tpu.memref_slice %arg9[%dma_start3A_31, %dma_start3A_32, %dma_start3A_33] : memref<2x1x128xi32, #tpu.memory_space<vmem>> -> memref<1x1x128xi32, #tpu.memory_space<vmem>>
      %dma_start3A_35 = tpu.memref_squeeze %dma_start3A_34 : memref<1x1x128xi32, #tpu.memory_space<vmem>> -> memref<128xi32, #tpu.memory_space<vmem>>
      %dma_start3A_36 = tpu.memref_slice %arg5[%add3A_16] : memref<163840xi32, #tpu.memory_space<hbm>> -> memref<128xi32, #tpu.memory_space<hbm>>
      %dma_start3A_37 = arith.constant 0 : i32
      %dma_start3A_38 = tpu.memref_slice %arg9[%dma_start3A_31, %dma_start3A_32, %dma_start3A_37] : memref<2x1x128xi32, #tpu.memory_space<vmem>> -> memref<1x1x128xi32, #tpu.memory_space<vmem>>
      %dma_start3A_39 = tpu.memref_squeeze %dma_start3A_38 : memref<1x1x128xi32, #tpu.memory_space<vmem>> -> memref<128xi32, #tpu.memory_space<vmem>>
      %dma_start3A_40 = tpu.memref_slice %arg5[%add3A_16] : memref<163840xi32, #tpu.memory_space<hbm>> -> memref<128xi32, #tpu.memory_space<hbm>>
      tpu.enqueue_dma source(%dma_start3A_40 : memref<128xi32, #tpu.memory_space<hbm>>) target(%dma_start3A_39 : memref<128xi32, #tpu.memory_space<vmem>>) target_semaphore(%arg12 : memref<!tpu.dma_semaphore, #tpu.memory_space<semaphore_mem>>)
      %dma_start3A_41 = arith.constant 1 : i32
      %dma_start3A_42 = arith.constant 0 : i32
      %dma_start3A_43 = arith.constant 0 : i32
      %dma_start3A_44 = tpu.memref_slice %arg8[%dma_start3A_41, %dma_start3A_42, %dma_start3A_43] : memref<2x1x128xi32, #tpu.memory_space<vmem>> -> memref<1x1x128xi32, #tpu.memory_space<vmem>>
      %dma_start3A_45 = tpu.memref_squeeze %dma_start3A_44 : memref<1x1x128xi32, #tpu.memory_space<vmem>> -> memref<128xi32, #tpu.memory_space<vmem>>
      %dma_start3A_46 = tpu.memref_slice %arg4[%add3A_21] : memref<163840xi32, #tpu.memory_space<hbm>> -> memref<128xi32, #tpu.memory_space<hbm>>
      %dma_start3A_47 = arith.constant 0 : i32
      %dma_start3A_48 = tpu.memref_slice %arg8[%dma_start3A_41, %dma_start3A_42, %dma_start3A_47] : memref<2x1x128xi32, #tpu.memory_space<vmem>> -> memref<1x1x128xi32, #tpu.memory_space<vmem>>
      %dma_start3A_49 = tpu.memref_squeeze %dma_start3A_48 : memref<1x1x128xi32, #tpu.memory_space<vmem>> -> memref<128xi32, #tpu.memory_space<vmem>>
      %dma_start3A_50 = tpu.memref_slice %arg4[%add3A_21] : memref<163840xi32, #tpu.memory_space<hbm>> -> memref<128xi32, #tpu.memory_space<hbm>>
      tpu.enqueue_dma source(%dma_start3A_50 : memref<128xi32, #tpu.memory_space<hbm>>) target(%dma_start3A_49 : memref<128xi32, #tpu.memory_space<vmem>>) target_semaphore(%arg13 : memref<!tpu.dma_semaphore, #tpu.memory_space<semaphore_mem>>)
      %dma_start3A_51 = arith.constant 1 : i32
      %dma_start3A_52 = arith.constant 0 : i32
      %dma_start3A_53 = arith.constant 0 : i32
      %dma_start3A_54 = tpu.memref_slice %arg9[%dma_start3A_51, %dma_start3A_52, %dma_start3A_53] : memref<2x1x128xi32, #tpu.memory_space<vmem>> -> memref<1x1x128xi32, #tpu.memory_space<vmem>>
      %dma_start3A_55 = tpu.memref_squeeze %dma_start3A_54 : memref<1x1x128xi32, #tpu.memory_space<vmem>> -> memref<128xi32, #tpu.memory_space<vmem>>
      %dma_start3A_56 = tpu.memref_slice %arg5[%add3A_21] : memref<163840xi32, #tpu.memory_space<hbm>> -> memref<128xi32, #tpu.memory_space<hbm>>
      %dma_start3A_57 = arith.constant 0 : i32
      %dma_start3A_58 = tpu.memref_slice %arg9[%dma_start3A_51, %dma_start3A_52, %dma_start3A_57] : memref<2x1x128xi32, #tpu.memory_space<vmem>> -> memref<1x1x128xi32, #tpu.memory_space<vmem>>
      %dma_start3A_59 = tpu.memref_squeeze %dma_start3A_58 : memref<1x1x128xi32, #tpu.memory_space<vmem>> -> memref<128xi32, #tpu.memory_space<vmem>>
      %dma_start3A_60 = tpu.memref_slice %arg5[%add3A_21] : memref<163840xi32, #tpu.memory_space<hbm>> -> memref<128xi32, #tpu.memory_space<hbm>>
      tpu.enqueue_dma source(%dma_start3A_60 : memref<128xi32, #tpu.memory_space<hbm>>) target(%dma_start3A_59 : memref<128xi32, #tpu.memory_space<vmem>>) target_semaphore(%arg13 : memref<!tpu.dma_semaphore, #tpu.memory_space<semaphore_mem>>)
      %dma_wait3A = arith.constant 0 : i32
      %dma_wait3A_61 = arith.constant 0 : i32
      %dma_wait3A_62 = arith.constant 0 : i32
      %dma_wait3A_63 = tpu.memref_slice %arg8[%dma_wait3A, %dma_wait3A_61, %dma_wait3A_62] : memref<2x1x128xi32, #tpu.memory_space<vmem>> -> memref<1x1x128xi32, #tpu.memory_space<vmem>>
      %dma_wait3A_64 = tpu.memref_squeeze %dma_wait3A_63 : memref<1x1x128xi32, #tpu.memory_space<vmem>> -> memref<128xi32, #tpu.memory_space<vmem>>
      %dma_wait3A_65 = tpu.memref_slice %arg4[%add3A_16] : memref<163840xi32, #tpu.memory_space<hbm>> -> memref<128xi32, #tpu.memory_space<hbm>>
      %dma_wait3A_66 = arith.constant 0 : i32
      %dma_wait3A_67 = tpu.memref_slice %arg8[%dma_wait3A, %dma_wait3A_61, %dma_wait3A_66] : memref<2x1x128xi32, #tpu.memory_space<vmem>> -> memref<1x1x128xi32, #tpu.memory_space<vmem>>
      %dma_wait3A_68 = tpu.memref_squeeze %dma_wait3A_67 : memref<1x1x128xi32, #tpu.memory_space<vmem>> -> memref<128xi32, #tpu.memory_space<vmem>>
      %dma_wait3A_69 = tpu.memref_slice %arg4[%add3A_16] : memref<163840xi32, #tpu.memory_space<hbm>> -> memref<128xi32, #tpu.memory_space<hbm>>
      tpu.wait_dma2 semaphore(%arg12 : memref<!tpu.dma_semaphore, #tpu.memory_space<semaphore_mem>>) src(%dma_wait3A_69 : memref<128xi32, #tpu.memory_space<hbm>>) dst(%dma_wait3A_68 : memref<128xi32, #tpu.memory_space<vmem>>)
      %dma_wait3A_70 = arith.constant 0 : i32
      %dma_wait3A_71 = arith.constant 0 : i32
      %dma_wait3A_72 = arith.constant 0 : i32
      %dma_wait3A_73 = tpu.memref_slice %arg9[%dma_wait3A_70, %dma_wait3A_71, %dma_wait3A_72] : memref<2x1x128xi32, #tpu.memory_space<vmem>> -> memref<1x1x128xi32, #tpu.memory_space<vmem>>
      %dma_wait3A_74 = tpu.memref_squeeze %dma_wait3A_73 : memref<1x1x128xi32, #tpu.memory_space<vmem>> -> memref<128xi32, #tpu.memory_space<vmem>>
      %dma_wait3A_75 = tpu.memref_slice %arg5[%add3A_16] : memref<163840xi32, #tpu.memory_space<hbm>> -> memref<128xi32, #tpu.memory_space<hbm>>
      %dma_wait3A_76 = arith.constant 0 : i32
      %dma_wait3A_77 = tpu.memref_slice %arg9[%dma_wait3A_70, %dma_wait3A_71, %dma_wait3A_76] : memref<2x1x128xi32, #tpu.memory_space<vmem>> -> memref<1x1x128xi32, #tpu.memory_space<vmem>>
      %dma_wait3A_78 = tpu.memref_squeeze %dma_wait3A_77 : memref<1x1x128xi32, #tpu.memory_space<vmem>> -> memref<128xi32, #tpu.memory_space<vmem>>
      %dma_wait3A_79 = tpu.memref_slice %arg5[%add3A_16] : memref<163840xi32, #tpu.memory_space<hbm>> -> memref<128xi32, #tpu.memory_space<hbm>>
      tpu.wait_dma2 semaphore(%arg12 : memref<!tpu.dma_semaphore, #tpu.memory_space<semaphore_mem>>) src(%dma_wait3A_79 : memref<128xi32, #tpu.memory_space<hbm>>) dst(%dma_wait3A_78 : memref<128xi32, #tpu.memory_space<vmem>>)
      %dma_start3A_80 = arith.constant 0 : i32
      %dma_start3A_81 = arith.constant 0 : i32
      %dma_start3A_82 = arith.constant 0 : i32
      %dma_start3A_83 = arith.constant 0 : i32
      %dma_start3A_84 = arith.constant 0 : i32
      %dma_start3A_85 = tpu.memref_slice %arg10[%dma_start3A_82, %dma_start3A_83, %dma_start3A_84] : memref<2x128x128xf32, #tpu.memory_space<vmem>> -> memref<1x128x128xf32, #tpu.memory_space<vmem>>
      %dma_start3A_86 = tpu.memref_squeeze %dma_start3A_85 : memref<1x128x128xf32, #tpu.memory_space<vmem>> -> memref<128x128xf32, #tpu.memory_space<vmem>>
      %dma_start3A_87 = arith.constant 0 : i32
      %dma_start3A_88 = tpu.memref_slice %arg8[%dma_start3A_80, %dma_start3A_81, %dma_start3A_87] : memref<2x1x128xi32, #tpu.memory_space<vmem>> -> memref<1x1x128xi32, #tpu.memory_space<vmem>>
      %dma_start3A_89 = tpu.memref_squeeze %dma_start3A_88 : memref<1x1x128xi32, #tpu.memory_space<vmem>> -> memref<128xi32, #tpu.memory_space<vmem>>
      %dma_start3A_90 = arith.constant 0 : i32
      %dma_start3A_91 = arith.constant 0 : i32
      %dma_start3A_92 = tpu.memref_slice %arg2[%dma_start3A_90, %dma_start3A_91] : memref<10000x128xf32, #tpu.memory_space<hbm>> -> memref<10000x128xf32, #tpu.memory_space<hbm>>
      tpu.enqueue_indirect_dma source(%dma_start3A_92 : memref<10000x128xf32, #tpu.memory_space<hbm>>) target(%dma_start3A_86 : memref<128x128xf32, #tpu.memory_space<vmem>>) offsets(%dma_start3A_89 : memref<128xi32, #tpu.memory_space<vmem>>) semaphore(%arg14 : memref<!tpu.dma_semaphore, #tpu.memory_space<semaphore_mem>>)
      %dma_start3A_93 = arith.constant 0 : i32
      %dma_start3A_94 = arith.constant 0 : i32
      %dma_start3A_95 = arith.constant 0 : i32
      %dma_start3A_96 = arith.constant 0 : i32
      %dma_start3A_97 = arith.constant 0 : i32
      %dma_start3A_98 = tpu.memref_slice %arg11[%dma_start3A_95, %dma_start3A_96, %dma_start3A_97] : memref<2x128x256xf32, #tpu.memory_space<vmem>> -> memref<1x128x256xf32, #tpu.memory_space<vmem>>
      %dma_start3A_99 = tpu.memref_squeeze %dma_start3A_98 : memref<1x128x256xf32, #tpu.memory_space<vmem>> -> memref<128x256xf32, #tpu.memory_space<vmem>>
      %dma_start3A_100 = arith.constant 0 : i32
      %dma_start3A_101 = tpu.memref_slice %arg9[%dma_start3A_93, %dma_start3A_94, %dma_start3A_100] : memref<2x1x128xi32, #tpu.memory_space<vmem>> -> memref<1x1x128xi32, #tpu.memory_space<vmem>>
      %dma_start3A_102 = tpu.memref_squeeze %dma_start3A_101 : memref<1x1x128xi32, #tpu.memory_space<vmem>> -> memref<128xi32, #tpu.memory_space<vmem>>
      %dma_start3A_103 = arith.constant 0 : i32
      %dma_start3A_104 = arith.constant 0 : i32
      %dma_start3A_105 = tpu.memref_slice %arg3[%dma_start3A_103, %dma_start3A_104] : memref<10000x256xf32, #tpu.memory_space<hbm>> -> memref<10000x256xf32, #tpu.memory_space<hbm>>
      tpu.enqueue_indirect_dma source(%dma_start3A_105 : memref<10000x256xf32, #tpu.memory_space<hbm>>) target(%dma_start3A_99 : memref<128x256xf32, #tpu.memory_space<vmem>>) offsets(%dma_start3A_102 : memref<128xi32, #tpu.memory_space<vmem>>) semaphore(%arg16 : memref<!tpu.dma_semaphore, #tpu.memory_space<semaphore_mem>>)
      %dma_wait3A_106 = arith.constant 1 : i32
      %dma_wait3A_107 = arith.constant 0 : i32
      %dma_wait3A_108 = arith.constant 0 : i32
      %dma_wait3A_109 = tpu.memref_slice %arg8[%dma_wait3A_106, %dma_wait3A_107, %dma_wait3A_108] : memref<2x1x128xi32, #tpu.memory_space<vmem>> -> memref<1x1x128xi32, #tpu.memory_space<vmem>>
      %dma_wait3A_110 = tpu.memref_squeeze %dma_wait3A_109 : memref<1x1x128xi32, #tpu.memory_space<vmem>> -> memref<128xi32, #tpu.memory_space<vmem>>
      %dma_wait3A_111 = tpu.memref_slice %arg4[%add3A_21] : memref<163840xi32, #tpu.memory_space<hbm>> -> memref<128xi32, #tpu.memory_space<hbm>>
      %dma_wait3A_112 = arith.constant 0 : i32
      %dma_wait3A_113 = tpu.memref_slice %arg8[%dma_wait3A_106, %dma_wait3A_107, %dma_wait3A_112] : memref<2x1x128xi32, #tpu.memory_space<vmem>> -> memref<1x1x128xi32, #tpu.memory_space<vmem>>
      %dma_wait3A_114 = tpu.memref_squeeze %dma_wait3A_113 : memref<1x1x128xi32, #tpu.memory_space<vmem>> -> memref<128xi32, #tpu.memory_space<vmem>>
      %dma_wait3A_115 = tpu.memref_slice %arg4[%add3A_21] : memref<163840xi32, #tpu.memory_space<hbm>> -> memref<128xi32, #tpu.memory_space<hbm>>
      tpu.wait_dma2 semaphore(%arg13 : memref<!tpu.dma_semaphore, #tpu.memory_space<semaphore_mem>>) src(%dma_wait3A_115 : memref<128xi32, #tpu.memory_space<hbm>>) dst(%dma_wait3A_114 : memref<128xi32, #tpu.memory_space<vmem>>)
      %dma_wait3A_116 = arith.constant 1 : i32
      %dma_wait3A_117 = arith.constant 0 : i32
      %dma_wait3A_118 = arith.constant 0 : i32
      %dma_wait3A_119 = tpu.memref_slice %arg9[%dma_wait3A_116, %dma_wait3A_117, %dma_wait3A_118] : memref<2x1x128xi32, #tpu.memory_space<vmem>> -> memref<1x1x128xi32, #tpu.memory_space<vmem>>
      %dma_wait3A_120 = tpu.memref_squeeze %dma_wait3A_119 : memref<1x1x128xi32, #tpu.memory_space<vmem>> -> memref<128xi32, #tpu.memory_space<vmem>>
      %dma_wait3A_121 = tpu.memref_slice %arg5[%add3A_21] : memref<163840xi32, #tpu.memory_space<hbm>> -> memref<128xi32, #tpu.memory_space<hbm>>
      %dma_wait3A_122 = arith.constant 0 : i32
      %dma_wait3A_123 = tpu.memref_slice %arg9[%dma_wait3A_116, %dma_wait3A_117, %dma_wait3A_122] : memref<2x1x128xi32, #tpu.memory_space<vmem>> -> memref<1x1x128xi32, #tpu.memory_space<vmem>>
      %dma_wait3A_124 = tpu.memref_squeeze %dma_wait3A_123 : memref<1x1x128xi32, #tpu.memory_space<vmem>> -> memref<128xi32, #tpu.memory_space<vmem>>
      %dma_wait3A_125 = tpu.memref_slice %arg5[%add3A_21] : memref<163840xi32, #tpu.memory_space<hbm>> -> memref<128xi32, #tpu.memory_space<hbm>>
      tpu.wait_dma2 semaphore(%arg13 : memref<!tpu.dma_semaphore, #tpu.memory_space<semaphore_mem>>) src(%dma_wait3A_125 : memref<128xi32, #tpu.memory_space<hbm>>) dst(%dma_wait3A_124 : memref<128xi32, #tpu.memory_space<vmem>>)
      %dma_start3A_126 = arith.constant 1 : i32
      %dma_start3A_127 = arith.constant 0 : i32
      %dma_start3A_128 = arith.constant 1 : i32
      %dma_start3A_129 = arith.constant 0 : i32
      %dma_start3A_130 = arith.constant 0 : i32
      %dma_start3A_131 = tpu.memref_slice %arg10[%dma_start3A_128, %dma_start3A_129, %dma_start3A_130] : memref<2x128x128xf32, #tpu.memory_space<vmem>> -> memref<1x128x128xf32, #tpu.memory_space<vmem>>
      %dma_start3A_132 = tpu.memref_squeeze %dma_start3A_131 : memref<1x128x128xf32, #tpu.memory_space<vmem>> -> memref<128x128xf32, #tpu.memory_space<vmem>>
      %dma_start3A_133 = arith.constant 0 : i32
      %dma_start3A_134 = tpu.memref_slice %arg8[%dma_start3A_126, %dma_start3A_127, %dma_start3A_133] : memref<2x1x128xi32, #tpu.memory_space<vmem>> -> memref<1x1x128xi32, #tpu.memory_space<vmem>>
      %dma_start3A_135 = tpu.memref_squeeze %dma_start3A_134 : memref<1x1x128xi32, #tpu.memory_space<vmem>> -> memref<128xi32, #tpu.memory_space<vmem>>
      %dma_start3A_136 = arith.constant 0 : i32
      %dma_start3A_137 = arith.constant 0 : i32
      %dma_start3A_138 = tpu.memref_slice %arg2[%dma_start3A_136, %dma_start3A_137] : memref<10000x128xf32, #tpu.memory_space<hbm>> -> memref<10000x128xf32, #tpu.memory_space<hbm>>
      tpu.enqueue_indirect_dma source(%dma_start3A_138 : memref<10000x128xf32, #tpu.memory_space<hbm>>) target(%dma_start3A_132 : memref<128x128xf32, #tpu.memory_space<vmem>>) offsets(%dma_start3A_135 : memref<128xi32, #tpu.memory_space<vmem>>) semaphore(%arg15 : memref<!tpu.dma_semaphore, #tpu.memory_space<semaphore_mem>>)
      %dma_start3A_139 = arith.constant 1 : i32
      %dma_start3A_140 = arith.constant 0 : i32
      %dma_start3A_141 = arith.constant 1 : i32
      %dma_start3A_142 = arith.constant 0 : i32
      %dma_start3A_143 = arith.constant 0 : i32
      %dma_start3A_144 = tpu.memref_slice %arg11[%dma_start3A_141, %dma_start3A_142, %dma_start3A_143] : memref<2x128x256xf32, #tpu.memory_space<vmem>> -> memref<1x128x256xf32, #tpu.memory_space<vmem>>
      %dma_start3A_145 = tpu.memref_squeeze %dma_start3A_144 : memref<1x128x256xf32, #tpu.memory_space<vmem>> -> memref<128x256xf32, #tpu.memory_space<vmem>>
      %dma_start3A_146 = arith.constant 0 : i32
      %dma_start3A_147 = tpu.memref_slice %arg9[%dma_start3A_139, %dma_start3A_140, %dma_start3A_146] : memref<2x1x128xi32, #tpu.memory_space<vmem>> -> memref<1x1x128xi32, #tpu.memory_space<vmem>>
      %dma_start3A_148 = tpu.memref_squeeze %dma_start3A_147 : memref<1x1x128xi32, #tpu.memory_space<vmem>> -> memref<128xi32, #tpu.memory_space<vmem>>
      %dma_start3A_149 = arith.constant 0 : i32
      %dma_start3A_150 = arith.constant 0 : i32
      %dma_start3A_151 = tpu.memref_slice %arg3[%dma_start3A_149, %dma_start3A_150] : memref<10000x256xf32, #tpu.memory_space<hbm>> -> memref<10000x256xf32, #tpu.memory_space<hbm>>
      tpu.enqueue_indirect_dma source(%dma_start3A_151 : memref<10000x256xf32, #tpu.memory_space<hbm>>) target(%dma_start3A_145 : memref<128x256xf32, #tpu.memory_space<vmem>>) offsets(%dma_start3A_148 : memref<128xi32, #tpu.memory_space<vmem>>) semaphore(%arg17 : memref<!tpu.dma_semaphore, #tpu.memory_space<semaphore_mem>>)
      %dma_wait3A_152 = arith.constant 0 : i32
      %dma_wait3A_153 = arith.constant 0 : i32
      %dma_wait3A_154 = arith.constant 0 : i32
      %dma_wait3A_155 = arith.constant 0 : i32
      %dma_wait3A_156 = arith.constant 0 : i32
      %dma_wait3A_157 = tpu.memref_slice %arg10[%dma_wait3A_154, %dma_wait3A_155, %dma_wait3A_156] : memref<2x128x128xf32, #tpu.memory_space<vmem>> -> memref<1x128x128xf32, #tpu.memory_space<vmem>>
      %dma_wait3A_158 = tpu.memref_squeeze %dma_wait3A_157 : memref<1x128x128xf32, #tpu.memory_space<vmem>> -> memref<128x128xf32, #tpu.memory_space<vmem>>
      %dma_wait3A_159 = arith.constant 0 : i32
      %dma_wait3A_160 = tpu.memref_slice %arg8[%dma_wait3A_152, %dma_wait3A_153, %dma_wait3A_159] : memref<2x1x128xi32, #tpu.memory_space<vmem>> -> memref<1x1x128xi32, #tpu.memory_space<vmem>>
      %dma_wait3A_161 = tpu.memref_squeeze %dma_wait3A_160 : memref<1x1x128xi32, #tpu.memory_space<vmem>> -> memref<128xi32, #tpu.memory_space<vmem>>
      %dma_wait3A_162 = arith.constant 0 : i32
      %dma_wait3A_163 = arith.constant 0 : i32
      %dma_wait3A_164 = tpu.memref_slice %arg2[%dma_wait3A_162, %dma_wait3A_163] : memref<10000x128xf32, #tpu.memory_space<hbm>> -> memref<10000x128xf32, #tpu.memory_space<hbm>>
      tpu.wait_indirect_dma semaphore(%arg14 : memref<!tpu.dma_semaphore, #tpu.memory_space<semaphore_mem>>) src(%dma_wait3A_164 : memref<10000x128xf32, #tpu.memory_space<hbm>>) dst(%dma_wait3A_158 : memref<128x128xf32, #tpu.memory_space<vmem>>)
      %dma_start3A_165 = arith.constant 0 : i32
      %dma_start3A_166 = arith.constant 0 : i32
      %dma_start3A_167 = arith.constant 0 : i32
      %dma_start3A_168 = tpu.memref_slice %arg10[%dma_start3A_165, %dma_start3A_166, %dma_start3A_167] : memref<2x128x128xf32, #tpu.memory_space<vmem>> -> memref<1x128x128xf32, #tpu.memory_space<vmem>>
      %dma_start3A_169 = tpu.memref_squeeze %dma_start3A_168 : memref<1x128x128xf32, #tpu.memory_space<vmem>> -> memref<128x128xf32, #tpu.memory_space<vmem>>
      %dma_start3A_170 = arith.constant 0 : i32
      %dma_start3A_171 = tpu.memref_slice %arg6[%add3A_16, %dma_start3A_170] : memref<163840x128xf32, #tpu.memory_space<hbm>> -> memref<128x128xf32, #tpu.memory_space<hbm>>
      %dma_start3A_172 = arith.constant 0 : i32
      %dma_start3A_173 = tpu.memref_slice %arg6[%add3A_16, %dma_start3A_172] : memref<163840x128xf32, #tpu.memory_space<hbm>> -> memref<128x128xf32, #tpu.memory_space<hbm>>
      %dma_start3A_174 = arith.constant 0 : i32
      %dma_start3A_175 = arith.constant 0 : i32
      %dma_start3A_176 = tpu.memref_slice %arg10[%dma_start3A_165, %dma_start3A_174, %dma_start3A_175] : memref<2x128x128xf32, #tpu.memory_space<vmem>> -> memref<1x128x128xf32, #tpu.memory_space<vmem>>
      %dma_start3A_177 = tpu.memref_squeeze %dma_start3A_176 : memref<1x128x128xf32, #tpu.memory_space<vmem>> -> memref<128x128xf32, #tpu.memory_space<vmem>>
      tpu.enqueue_dma source(%dma_start3A_177 : memref<128x128xf32, #tpu.memory_space<vmem>>) target(%dma_start3A_173 : memref<128x128xf32, #tpu.memory_space<hbm>>) target_semaphore(%arg14 : memref<!tpu.dma_semaphore, #tpu.memory_space<semaphore_mem>>)
      %dma_wait3A_178 = arith.constant 0 : i32
      %dma_wait3A_179 = arith.constant 0 : i32
      %dma_wait3A_180 = arith.constant 0 : i32
      %dma_wait3A_181 = arith.constant 0 : i32
      %dma_wait3A_182 = arith.constant 0 : i32
      %dma_wait3A_183 = tpu.memref_slice %arg11[%dma_wait3A_180, %dma_wait3A_181, %dma_wait3A_182] : memref<2x128x256xf32, #tpu.memory_space<vmem>> -> memref<1x128x256xf32, #tpu.memory_space<vmem>>
      %dma_wait3A_184 = tpu.memref_squeeze %dma_wait3A_183 : memref<1x128x256xf32, #tpu.memory_space<vmem>> -> memref<128x256xf32, #tpu.memory_space<vmem>>
      %dma_wait3A_185 = arith.constant 0 : i32
      %dma_wait3A_186 = tpu.memref_slice %arg9[%dma_wait3A_178, %dma_wait3A_179, %dma_wait3A_185] : memref<2x1x128xi32, #tpu.memory_space<vmem>> -> memref<1x1x128xi32, #tpu.memory_space<vmem>>
      %dma_wait3A_187 = tpu.memref_squeeze %dma_wait3A_186 : memref<1x1x128xi32, #tpu.memory_space<vmem>> -> memref<128xi32, #tpu.memory_space<vmem>>
      %dma_wait3A_188 = arith.constant 0 : i32
      %dma_wait3A_189 = arith.constant 0 : i32
      %dma_wait3A_190 = tpu.memref_slice %arg3[%dma_wait3A_188, %dma_wait3A_189] : memref<10000x256xf32, #tpu.memory_space<hbm>> -> memref<10000x256xf32, #tpu.memory_space<hbm>>
      tpu.wait_indirect_dma semaphore(%arg16 : memref<!tpu.dma_semaphore, #tpu.memory_space<semaphore_mem>>) src(%dma_wait3A_190 : memref<10000x256xf32, #tpu.memory_space<hbm>>) dst(%dma_wait3A_184 : memref<128x256xf32, #tpu.memory_space<vmem>>)
      %dma_start3A_191 = arith.constant 0 : i32
      %dma_start3A_192 = arith.constant 0 : i32
      %dma_start3A_193 = arith.constant 0 : i32
      %dma_start3A_194 = tpu.memref_slice %arg11[%dma_start3A_191, %dma_start3A_192, %dma_start3A_193] : memref<2x128x256xf32, #tpu.memory_space<vmem>> -> memref<1x128x256xf32, #tpu.memory_space<vmem>>
      %dma_start3A_195 = tpu.memref_squeeze %dma_start3A_194 : memref<1x128x256xf32, #tpu.memory_space<vmem>> -> memref<128x256xf32, #tpu.memory_space<vmem>>
      %dma_start3A_196 = arith.constant 0 : i32
      %dma_start3A_197 = tpu.memref_slice %arg7[%add3A_16, %dma_start3A_196] : memref<163840x256xf32, #tpu.memory_space<hbm>> -> memref<128x256xf32, #tpu.memory_space<hbm>>
      %dma_start3A_198 = arith.constant 0 : i32
      %dma_start3A_199 = tpu.memref_slice %arg7[%add3A_16, %dma_start3A_198] : memref<163840x256xf32, #tpu.memory_space<hbm>> -> memref<128x256xf32, #tpu.memory_space<hbm>>
      %dma_start3A_200 = arith.constant 0 : i32
      %dma_start3A_201 = arith.constant 0 : i32
      %dma_start3A_202 = tpu.memref_slice %arg11[%dma_start3A_191, %dma_start3A_200, %dma_start3A_201] : memref<2x128x256xf32, #tpu.memory_space<vmem>> -> memref<1x128x256xf32, #tpu.memory_space<vmem>>
      %dma_start3A_203 = tpu.memref_squeeze %dma_start3A_202 : memref<1x128x256xf32, #tpu.memory_space<vmem>> -> memref<128x256xf32, #tpu.memory_space<vmem>>
      tpu.enqueue_dma source(%dma_start3A_203 : memref<128x256xf32, #tpu.memory_space<vmem>>) target(%dma_start3A_199 : memref<128x256xf32, #tpu.memory_space<hbm>>) target_semaphore(%arg16 : memref<!tpu.dma_semaphore, #tpu.memory_space<semaphore_mem>>)
      %dma_wait3A_204 = arith.constant 1 : i32
      %dma_wait3A_205 = arith.constant 0 : i32
      %dma_wait3A_206 = arith.constant 1 : i32
      %dma_wait3A_207 = arith.constant 0 : i32
      %dma_wait3A_208 = arith.constant 0 : i32
      %dma_wait3A_209 = tpu.memref_slice %arg10[%dma_wait3A_206, %dma_wait3A_207, %dma_wait3A_208] : memref<2x128x128xf32, #tpu.memory_space<vmem>> -> memref<1x128x128xf32, #tpu.memory_space<vmem>>
      %dma_wait3A_210 = tpu.memref_squeeze %dma_wait3A_209 : memref<1x128x128xf32, #tpu.memory_space<vmem>> -> memref<128x128xf32, #tpu.memory_space<vmem>>
      %dma_wait3A_211 = arith.constant 0 : i32
      %dma_wait3A_212 = tpu.memref_slice %arg8[%dma_wait3A_204, %dma_wait3A_205, %dma_wait3A_211] : memref<2x1x128xi32, #tpu.memory_space<vmem>> -> memref<1x1x128xi32, #tpu.memory_space<vmem>>
      %dma_wait3A_213 = tpu.memref_squeeze %dma_wait3A_212 : memref<1x1x128xi32, #tpu.memory_space<vmem>> -> memref<128xi32, #tpu.memory_space<vmem>>
      %dma_wait3A_214 = arith.constant 0 : i32
      %dma_wait3A_215 = arith.constant 0 : i32
      %dma_wait3A_216 = tpu.memref_slice %arg2[%dma_wait3A_214, %dma_wait3A_215] : memref<10000x128xf32, #tpu.memory_space<hbm>> -> memref<10000x128xf32, #tpu.memory_space<hbm>>
      tpu.wait_indirect_dma semaphore(%arg15 : memref<!tpu.dma_semaphore, #tpu.memory_space<semaphore_mem>>) src(%dma_wait3A_216 : memref<10000x128xf32, #tpu.memory_space<hbm>>) dst(%dma_wait3A_210 : memref<128x128xf32, #tpu.memory_space<vmem>>)
      %dma_start3A_217 = arith.constant 1 : i32
      %dma_start3A_218 = arith.constant 0 : i32
      %dma_start3A_219 = arith.constant 0 : i32
      %dma_start3A_220 = tpu.memref_slice %arg10[%dma_start3A_217, %dma_start3A_218, %dma_start3A_219] : memref<2x128x128xf32, #tpu.memory_space<vmem>> -> memref<1x128x128xf32, #tpu.memory_space<vmem>>
      %dma_start3A_221 = tpu.memref_squeeze %dma_start3A_220 : memref<1x128x128xf32, #tpu.memory_space<vmem>> -> memref<128x128xf32, #tpu.memory_space<vmem>>
      %dma_start3A_222 = arith.constant 0 : i32
      %dma_start3A_223 = tpu.memref_slice %arg6[%add3A_21, %dma_start3A_222] : memref<163840x128xf32, #tpu.memory_space<hbm>> -> memref<128x128xf32, #tpu.memory_space<hbm>>
      %dma_start3A_224 = arith.constant 0 : i32
      %dma_start3A_225 = tpu.memref_slice %arg6[%add3A_21, %dma_start3A_224] : memref<163840x128xf32, #tpu.memory_space<hbm>> -> memref<128x128xf32, #tpu.memory_space<hbm>>
      %dma_start3A_226 = arith.constant 0 : i32
      %dma_start3A_227 = arith.constant 0 : i32
      %dma_start3A_228 = tpu.memref_slice %arg10[%dma_start3A_217, %dma_start3A_226, %dma_start3A_227] : memref<2x128x128xf32, #tpu.memory_space<vmem>> -> memref<1x128x128xf32, #tpu.memory_space<vmem>>
      %dma_start3A_229 = tpu.memref_squeeze %dma_start3A_228 : memref<1x128x128xf32, #tpu.memory_space<vmem>> -> memref<128x128xf32, #tpu.memory_space<vmem>>
      tpu.enqueue_dma source(%dma_start3A_229 : memref<128x128xf32, #tpu.memory_space<vmem>>) target(%dma_start3A_225 : memref<128x128xf32, #tpu.memory_space<hbm>>) target_semaphore(%arg15 : memref<!tpu.dma_semaphore, #tpu.memory_space<semaphore_mem>>)
      %dma_wait3A_230 = arith.constant 1 : i32
      %dma_wait3A_231 = arith.constant 0 : i32
      %dma_wait3A_232 = arith.constant 1 : i32
      %dma_wait3A_233 = arith.constant 0 : i32
      %dma_wait3A_234 = arith.constant 0 : i32
      %dma_wait3A_235 = tpu.memref_slice %arg11[%dma_wait3A_232, %dma_wait3A_233, %dma_wait3A_234] : memref<2x128x256xf32, #tpu.memory_space<vmem>> -> memref<1x128x256xf32, #tpu.memory_space<vmem>>
      %dma_wait3A_236 = tpu.memref_squeeze %dma_wait3A_235 : memref<1x128x256xf32, #tpu.memory_space<vmem>> -> memref<128x256xf32, #tpu.memory_space<vmem>>
      %dma_wait3A_237 = arith.constant 0 : i32
      %dma_wait3A_238 = tpu.memref_slice %arg9[%dma_wait3A_230, %dma_wait3A_231, %dma_wait3A_237] : memref<2x1x128xi32, #tpu.memory_space<vmem>> -> memref<1x1x128xi32, #tpu.memory_space<vmem>>
      %dma_wait3A_239 = tpu.memref_squeeze %dma_wait3A_238 : memref<1x1x128xi32, #tpu.memory_space<vmem>> -> memref<128xi32, #tpu.memory_space<vmem>>
      %dma_wait3A_240 = arith.constant 0 : i32
      %dma_wait3A_241 = arith.constant 0 : i32
      %dma_wait3A_242 = tpu.memref_slice %arg3[%dma_wait3A_240, %dma_wait3A_241] : memref<10000x256xf32, #tpu.memory_space<hbm>> -> memref<10000x256xf32, #tpu.memory_space<hbm>>
      tpu.wait_indirect_dma semaphore(%arg17 : memref<!tpu.dma_semaphore, #tpu.memory_space<semaphore_mem>>) src(%dma_wait3A_242 : memref<10000x256xf32, #tpu.memory_space<hbm>>) dst(%dma_wait3A_236 : memref<128x256xf32, #tpu.memory_space<vmem>>)
      %dma_start3A_243 = arith.constant 1 : i32
      %dma_start3A_244 = arith.constant 0 : i32
      %dma_start3A_245 = arith.constant 0 : i32
      %dma_start3A_246 = tpu.memref_slice %arg11[%dma_start3A_243, %dma_start3A_244, %dma_start3A_245] : memref<2x128x256xf32, #tpu.memory_space<vmem>> -> memref<1x128x256xf32, #tpu.memory_space<vmem>>
      %dma_start3A_247 = tpu.memref_squeeze %dma_start3A_246 : memref<1x128x256xf32, #tpu.memory_space<vmem>> -> memref<128x256xf32, #tpu.memory_space<vmem>>
      %dma_start3A_248 = arith.constant 0 : i32
      %dma_start3A_249 = tpu.memref_slice %arg7[%add3A_21, %dma_start3A_248] : memref<163840x256xf32, #tpu.memory_space<hbm>> -> memref<128x256xf32, #tpu.memory_space<hbm>>
      %dma_start3A_250 = arith.constant 0 : i32
      %dma_start3A_251 = tpu.memref_slice %arg7[%add3A_21, %dma_start3A_250] : memref<163840x256xf32, #tpu.memory_space<hbm>> -> memref<128x256xf32, #tpu.memory_space<hbm>>
      %dma_start3A_252 = arith.constant 0 : i32
      %dma_start3A_253 = arith.constant 0 : i32
      %dma_start3A_254 = tpu.memref_slice %arg11[%dma_start3A_243, %dma_start3A_252, %dma_start3A_253] : memref<2x128x256xf32, #tpu.memory_space<vmem>> -> memref<1x128x256xf32, #tpu.memory_space<vmem>>
      %dma_start3A_255 = tpu.memref_squeeze %dma_start3A_254 : memref<1x128x256xf32, #tpu.memory_space<vmem>> -> memref<128x256xf32, #tpu.memory_space<vmem>>
      tpu.enqueue_dma source(%dma_start3A_255 : memref<128x256xf32, #tpu.memory_space<vmem>>) target(%dma_start3A_251 : memref<128x256xf32, #tpu.memory_space<hbm>>) target_semaphore(%arg17 : memref<!tpu.dma_semaphore, #tpu.memory_space<semaphore_mem>>)
      %dma_wait3A_256 = arith.constant 0 : i32
      %dma_wait3A_257 = arith.constant 0 : i32
      %dma_wait3A_258 = arith.constant 0 : i32
      %dma_wait3A_259 = tpu.memref_slice %arg10[%dma_wait3A_256, %dma_wait3A_257, %dma_wait3A_258] : memref<2x128x128xf32, #tpu.memory_space<vmem>> -> memref<1x128x128xf32, #tpu.memory_space<vmem>>
      %dma_wait3A_260 = tpu.memref_squeeze %dma_wait3A_259 : memref<1x128x128xf32, #tpu.memory_space<vmem>> -> memref<128x128xf32, #tpu.memory_space<vmem>>
      %dma_wait3A_261 = arith.constant 0 : i32
      %dma_wait3A_262 = tpu.memref_slice %arg6[%add3A_16, %dma_wait3A_261] : memref<163840x128xf32, #tpu.memory_space<hbm>> -> memref<128x128xf32, #tpu.memory_space<hbm>>
      %dma_wait3A_263 = arith.constant 0 : i32
      %dma_wait3A_264 = tpu.memref_slice %arg6[%add3A_16, %dma_wait3A_263] : memref<163840x128xf32, #tpu.memory_space<hbm>> -> memref<128x128xf32, #tpu.memory_space<hbm>>
      %dma_wait3A_265 = arith.constant 0 : i32
      %dma_wait3A_266 = arith.constant 0 : i32
      %dma_wait3A_267 = tpu.memref_slice %arg10[%dma_wait3A_256, %dma_wait3A_265, %dma_wait3A_266] : memref<2x128x128xf32, #tpu.memory_space<vmem>> -> memref<1x128x128xf32, #tpu.memory_space<vmem>>
      %dma_wait3A_268 = tpu.memref_squeeze %dma_wait3A_267 : memref<1x128x128xf32, #tpu.memory_space<vmem>> -> memref<128x128xf32, #tpu.memory_space<vmem>>
      tpu.wait_dma2 semaphore(%arg14 : memref<!tpu.dma_semaphore, #tpu.memory_space<semaphore_mem>>) src(%dma_wait3A_268 : memref<128x128xf32, #tpu.memory_space<vmem>>) dst(%dma_wait3A_264 : memref<128x128xf32, #tpu.memory_space<hbm>>)
      %dma_wait3A_269 = arith.constant 0 : i32
      %dma_wait3A_270 = arith.constant 0 : i32
      %dma_wait3A_271 = arith.constant 0 : i32
      %dma_wait3A_272 = tpu.memref_slice %arg11[%dma_wait3A_269, %dma_wait3A_270, %dma_wait3A_271] : memref<2x128x256xf32, #tpu.memory_space<vmem>> -> memref<1x128x256xf32, #tpu.memory_space<vmem>>
      %dma_wait3A_273 = tpu.memref_squeeze %dma_wait3A_272 : memref<1x128x256xf32, #tpu.memory_space<vmem>> -> memref<128x256xf32, #tpu.memory_space<vmem>>
      %dma_wait3A_274 = arith.constant 0 : i32
      %dma_wait3A_275 = tpu.memref_slice %arg7[%add3A_16, %dma_wait3A_274] : memref<163840x256xf32, #tpu.memory_space<hbm>> -> memref<128x256xf32, #tpu.memory_space<hbm>>
      %dma_wait3A_276 = arith.constant 0 : i32
      %dma_wait3A_277 = tpu.memref_slice %arg7[%add3A_16, %dma_wait3A_276] : memref<163840x256xf32, #tpu.memory_space<hbm>> -> memref<128x256xf32, #tpu.memory_space<hbm>>
      %dma_wait3A_278 = arith.constant 0 : i32
      %dma_wait3A_279 = arith.constant 0 : i32
      %dma_wait3A_280 = tpu.memref_slice %arg11[%dma_wait3A_269, %dma_wait3A_278, %dma_wait3A_279] : memref<2x128x256xf32, #tpu.memory_space<vmem>> -> memref<1x128x256xf32, #tpu.memory_space<vmem>>
      %dma_wait3A_281 = tpu.memref_squeeze %dma_wait3A_280 : memref<1x128x256xf32, #tpu.memory_space<vmem>> -> memref<128x256xf32, #tpu.memory_space<vmem>>
      tpu.wait_dma2 semaphore(%arg16 : memref<!tpu.dma_semaphore, #tpu.memory_space<semaphore_mem>>) src(%dma_wait3A_281 : memref<128x256xf32, #tpu.memory_space<vmem>>) dst(%dma_wait3A_277 : memref<128x256xf32, #tpu.memory_space<hbm>>)
      %dma_wait3A_282 = arith.constant 1 : i32
      %dma_wait3A_283 = arith.constant 0 : i32
      %dma_wait3A_284 = arith.constant 0 : i32
      %dma_wait3A_285 = tpu.memref_slice %arg10[%dma_wait3A_282, %dma_wait3A_283, %dma_wait3A_284] : memref<2x128x128xf32, #tpu.memory_space<vmem>> -> memref<1x128x128xf32, #tpu.memory_space<vmem>>
      %dma_wait3A_286 = tpu.memref_squeeze %dma_wait3A_285 : memref<1x128x128xf32, #tpu.memory_space<vmem>> -> memref<128x128xf32, #tpu.memory_space<vmem>>
      %dma_wait3A_287 = arith.constant 0 : i32
      %dma_wait3A_288 = tpu.memref_slice %arg6[%add3A_21, %dma_wait3A_287] : memref<163840x128xf32, #tpu.memory_space<hbm>> -> memref<128x128xf32, #tpu.memory_space<hbm>>
      %dma_wait3A_289 = arith.constant 0 : i32
      %dma_wait3A_290 = tpu.memref_slice %arg6[%add3A_21, %dma_wait3A_289] : memref<163840x128xf32, #tpu.memory_space<hbm>> -> memref<128x128xf32, #tpu.memory_space<hbm>>
      %dma_wait3A_291 = arith.constant 0 : i32
      %dma_wait3A_292 = arith.constant 0 : i32
      %dma_wait3A_293 = tpu.memref_slice %arg10[%dma_wait3A_282, %dma_wait3A_291, %dma_wait3A_292] : memref<2x128x128xf32, #tpu.memory_space<vmem>> -> memref<1x128x128xf32, #tpu.memory_space<vmem>>
      %dma_wait3A_294 = tpu.memref_squeeze %dma_wait3A_293 : memref<1x128x128xf32, #tpu.memory_space<vmem>> -> memref<128x128xf32, #tpu.memory_space<vmem>>
      tpu.wait_dma2 semaphore(%arg15 : memref<!tpu.dma_semaphore, #tpu.memory_space<semaphore_mem>>) src(%dma_wait3A_294 : memref<128x128xf32, #tpu.memory_space<vmem>>) dst(%dma_wait3A_290 : memref<128x128xf32, #tpu.memory_space<hbm>>)
      %dma_wait3A_295 = arith.constant 1 : i32
      %dma_wait3A_296 = arith.constant 0 : i32
      %dma_wait3A_297 = arith.constant 0 : i32
      %dma_wait3A_298 = tpu.memref_slice %arg11[%dma_wait3A_295, %dma_wait3A_296, %dma_wait3A_297] : memref<2x128x256xf32, #tpu.memory_space<vmem>> -> memref<1x128x256xf32, #tpu.memory_space<vmem>>
      %dma_wait3A_299 = tpu.memref_squeeze %dma_wait3A_298 : memref<1x128x256xf32, #tpu.memory_space<vmem>> -> memref<128x256xf32, #tpu.memory_space<vmem>>
      %dma_wait3A_300 = arith.constant 0 : i32
      %dma_wait3A_301 = tpu.memref_slice %arg7[%add3A_21, %dma_wait3A_300] : memref<163840x256xf32, #tpu.memory_space<hbm>> -> memref<128x256xf32, #tpu.memory_space<hbm>>
      %dma_wait3A_302 = arith.constant 0 : i32
      %dma_wait3A_303 = tpu.memref_slice %arg7[%add3A_21, %dma_wait3A_302] : memref<163840x256xf32, #tpu.memory_space<hbm>> -> memref<128x256xf32, #tpu.memory_space<hbm>>
      %dma_wait3A_304 = arith.constant 0 : i32
      %dma_wait3A_305 = arith.constant 0 : i32
      %dma_wait3A_306 = tpu.memref_slice %arg11[%dma_wait3A_295, %dma_wait3A_304, %dma_wait3A_305] : memref<2x128x256xf32, #tpu.memory_space<vmem>> -> memref<1x128x256xf32, #tpu.memory_space<vmem>>
      %dma_wait3A_307 = tpu.memref_squeeze %dma_wait3A_306 : memref<1x128x256xf32, #tpu.memory_space<vmem>> -> memref<128x256xf32, #tpu.memory_space<vmem>>
      tpu.wait_dma2 semaphore(%arg17 : memref<!tpu.dma_semaphore, #tpu.memory_space<semaphore_mem>>) src(%dma_wait3A_307 : memref<128x256xf32, #tpu.memory_space<vmem>>) dst(%dma_wait3A_303 : memref<128x256xf32, #tpu.memory_space<hbm>>)
    }
    %scan3A_6 = arith.constant 20 : i32
    return
  }
}

#map = affine_map<(d0, d1) -> (0)>
#map1 = affine_map<(d0, d1) -> (0, 0)>
#map2 = affine_map<(d0, d1) -> (0, 0, 0)>
module attributes {stable_mosaic.version = 14 : i64} {
  func.func @sc_scatter(%arg0: i32, %arg1: i32, %arg2: memref<163840xi32, #tpu.memory_space<hbm>>, %arg3: memref<163840x128xf32, #tpu.memory_space<hbm>>, %arg4: memref<163840x128xf32, #tpu.memory_space<hbm>>, %arg5: memref<10000x128xf32, #tpu.memory_space<hbm>>, %arg6: memref<2x10000x128xf32, #tpu.memory_space<hbm>>, %arg7: memref<2x10000x128xf32, #tpu.memory_space<hbm>>, %arg8: memref<10000x128xf32, #tpu.memory_space<vmem_shared>>, %arg9: memref<2x1x128xi32, #tpu.memory_space<vmem>>, %arg10: memref<2x128x128xf32, #tpu.memory_space<vmem>>, %arg11: memref<!tpu.dma_semaphore, #tpu.memory_space<semaphore_mem>>, %arg12: memref<!tpu.dma_semaphore, #tpu.memory_space<semaphore_mem>>, %arg13: memref<!tpu.dma_semaphore, #tpu.memory_space<semaphore_mem>>, %arg14: memref<!tpu.dma_semaphore, #tpu.memory_space<semaphore_mem>>) attributes {dimension_semantics = [#tpu.dimension_semantics<core_parallel>, #tpu.dimension_semantics<subcore_parallel>], iteration_bounds = array<i64: 2, 16>, scalar_prefetch = 0 : i64, scratch_operands = 7 : i64, tpu.core_type = #tpu.core_type<sc_vector_subcore>, window_params = [{transform_indices = #map}, {transform_indices = #map1}, {transform_indices = #map1}, {transform_indices = #map1}, {transform_indices = #map2}, {transform_indices = #map2}]} {
    %mul3A = arith.constant 2 : i32
    %mul3A_0 = arith.muli %arg1, %mul3A : i32
    %add3A = arith.addi %mul3A_0, %arg0 : i32
    %mul3A_1 = arith.constant 1000 : i32
    %mul3A_2 = arith.muli %arg1, %mul3A_1 : i32
    %mul3A_3 = arith.constant 5120 : i32
    %mul3A_4 = arith.muli %add3A, %mul3A_3 : i32
    %lt3A = arith.constant 10 : i32
    %lt3A_5 = arith.cmpi slt, %arg1, %lt3A : i32
    %convert_element_type3A = arith.extui %lt3A_5 : i1 to i32
    %cond3A = arith.constant 0 : i32
    %cond3A_6 = arith.cmpi ne, %convert_element_type3A, %cond3A : i32
    scf.if %cond3A_6 {
      "tpu.region"() ({
        %run_scoped3A = tpu.sem_alloc : memref<!tpu.dma_semaphore, #tpu.memory_space<semaphore_mem>>
        %dma_start3A = arith.constant 0 : i32
        %dma_start3A_34 = tpu.memref_slice %arg8[%mul3A_2, %dma_start3A] : memref<10000x128xf32, #tpu.memory_space<vmem_shared>> -> memref<1000x128xf32, #tpu.memory_space<vmem_shared>>
        %dma_start3A_35 = arith.constant 0 : i32
        %dma_start3A_36 = tpu.memref_slice %arg5[%mul3A_2, %dma_start3A_35] : memref<10000x128xf32, #tpu.memory_space<hbm>> -> memref<1000x128xf32, #tpu.memory_space<hbm>>
        tpu.enqueue_dma source(%dma_start3A_36 : memref<1000x128xf32, #tpu.memory_space<hbm>>) target(%dma_start3A_34 : memref<1000x128xf32, #tpu.memory_space<vmem_shared>>) target_semaphore(%run_scoped3A : memref<!tpu.dma_semaphore, #tpu.memory_space<semaphore_mem>>)
        %dma_wait3A = arith.constant 0 : i32
        %dma_wait3A_37 = tpu.memref_slice %arg8[%mul3A_2, %dma_wait3A] : memref<10000x128xf32, #tpu.memory_space<vmem_shared>> -> memref<1000x128xf32, #tpu.memory_space<vmem_shared>>
        %dma_wait3A_38 = arith.constant 0 : i32
        %dma_wait3A_39 = tpu.memref_slice %arg5[%mul3A_2, %dma_wait3A_38] : memref<10000x128xf32, #tpu.memory_space<hbm>> -> memref<1000x128xf32, #tpu.memory_space<hbm>>
        tpu.wait_dma2 semaphore(%run_scoped3A : memref<!tpu.dma_semaphore, #tpu.memory_space<semaphore_mem>>) src(%dma_wait3A_39 : memref<1000x128xf32, #tpu.memory_space<hbm>>) dst(%dma_wait3A_37 : memref<1000x128xf32, #tpu.memory_space<vmem_shared>>)
        tpu.yield
      }) : () -> ()
    } else {
    }
    %barrier3A = arith.constant 0 : index
    tpu.barrier barrier_id(%barrier3A)
    %scan3A = arith.constant 0 : i32
    %scan3A_7 = arith.constant 20 : i32
    %scan3A_8 = arith.addi %scan3A, %scan3A_7 : i32
    %scan3A_9 = arith.constant 1 : i32
    scf.for %scan3A_34 = %scan3A to %scan3A_8 step %scan3A_9  : i32 {
      %mul3A_35 = arith.constant 1 : i32
      %mul3A_36 = arith.muli %scan3A_34, %mul3A_35 : i32
      %add3A_37 = arith.constant 0 : i32
      %add3A_38 = arith.addi %add3A_37, %mul3A_36 : i32
      %mul3A_39 = arith.constant 2 : i32
      %mul3A_40 = arith.muli %add3A_38, %mul3A_39 : i32
      %mul3A_41 = arith.constant 128 : i32
      %mul3A_42 = arith.muli %mul3A_40, %mul3A_41 : i32
      %add3A_43 = arith.addi %mul3A_4, %mul3A_42 : i32
      %mul3A_44 = arith.constant 128 : i32
      %mul3A_45 = arith.muli %mul3A_40, %mul3A_44 : i32
      %add3A_46 = arith.addi %mul3A_4, %mul3A_45 : i32
      %add3A_47 = arith.constant 128 : i32
      %add3A_48 = arith.addi %add3A_46, %add3A_47 : i32
      %dma_start3A = arith.constant 0 : i32
      %dma_start3A_49 = arith.constant 0 : i32
      %dma_start3A_50 = arith.constant 0 : i32
      %dma_start3A_51 = tpu.memref_slice %arg9[%dma_start3A, %dma_start3A_49, %dma_start3A_50] : memref<2x1x128xi32, #tpu.memory_space<vmem>> -> memref<1x1x128xi32, #tpu.memory_space<vmem>>
      %dma_start3A_52 = tpu.memref_squeeze %dma_start3A_51 : memref<1x1x128xi32, #tpu.memory_space<vmem>> -> memref<128xi32, #tpu.memory_space<vmem>>
      %dma_start3A_53 = tpu.memref_slice %arg2[%add3A_43] : memref<163840xi32, #tpu.memory_space<hbm>> -> memref<128xi32, #tpu.memory_space<hbm>>
      %dma_start3A_54 = arith.constant 0 : i32
      %dma_start3A_55 = tpu.memref_slice %arg9[%dma_start3A, %dma_start3A_49, %dma_start3A_54] : memref<2x1x128xi32, #tpu.memory_space<vmem>> -> memref<1x1x128xi32, #tpu.memory_space<vmem>>
      %dma_start3A_56 = tpu.memref_squeeze %dma_start3A_55 : memref<1x1x128xi32, #tpu.memory_space<vmem>> -> memref<128xi32, #tpu.memory_space<vmem>>
      %dma_start3A_57 = tpu.memref_slice %arg2[%add3A_43] : memref<163840xi32, #tpu.memory_space<hbm>> -> memref<128xi32, #tpu.memory_space<hbm>>
      tpu.enqueue_dma source(%dma_start3A_57 : memref<128xi32, #tpu.memory_space<hbm>>) target(%dma_start3A_56 : memref<128xi32, #tpu.memory_space<vmem>>) target_semaphore(%arg11 : memref<!tpu.dma_semaphore, #tpu.memory_space<semaphore_mem>>)
      %dma_start3A_58 = arith.constant 0 : i32
      %dma_start3A_59 = arith.constant 0 : i32
      %dma_start3A_60 = arith.constant 0 : i32
      %dma_start3A_61 = tpu.memref_slice %arg10[%dma_start3A_58, %dma_start3A_59, %dma_start3A_60] : memref<2x128x128xf32, #tpu.memory_space<vmem>> -> memref<1x128x128xf32, #tpu.memory_space<vmem>>
      %dma_start3A_62 = tpu.memref_squeeze %dma_start3A_61 : memref<1x128x128xf32, #tpu.memory_space<vmem>> -> memref<128x128xf32, #tpu.memory_space<vmem>>
      %dma_start3A_63 = arith.constant 0 : i32
      %dma_start3A_64 = tpu.memref_slice %arg3[%add3A_43, %dma_start3A_63] : memref<163840x128xf32, #tpu.memory_space<hbm>> -> memref<128x128xf32, #tpu.memory_space<hbm>>
      %dma_start3A_65 = arith.constant 0 : i32
      %dma_start3A_66 = arith.constant 0 : i32
      %dma_start3A_67 = tpu.memref_slice %arg10[%dma_start3A_58, %dma_start3A_65, %dma_start3A_66] : memref<2x128x128xf32, #tpu.memory_space<vmem>> -> memref<1x128x128xf32, #tpu.memory_space<vmem>>
      %dma_start3A_68 = tpu.memref_squeeze %dma_start3A_67 : memref<1x128x128xf32, #tpu.memory_space<vmem>> -> memref<128x128xf32, #tpu.memory_space<vmem>>
      %dma_start3A_69 = arith.constant 0 : i32
      %dma_start3A_70 = tpu.memref_slice %arg3[%add3A_43, %dma_start3A_69] : memref<163840x128xf32, #tpu.memory_space<hbm>> -> memref<128x128xf32, #tpu.memory_space<hbm>>
      tpu.enqueue_dma source(%dma_start3A_70 : memref<128x128xf32, #tpu.memory_space<hbm>>) target(%dma_start3A_68 : memref<128x128xf32, #tpu.memory_space<vmem>>) target_semaphore(%arg13 : memref<!tpu.dma_semaphore, #tpu.memory_space<semaphore_mem>>)
      %dma_start3A_71 = arith.constant 1 : i32
      %dma_start3A_72 = arith.constant 0 : i32
      %dma_start3A_73 = arith.constant 0 : i32
      %dma_start3A_74 = tpu.memref_slice %arg9[%dma_start3A_71, %dma_start3A_72, %dma_start3A_73] : memref<2x1x128xi32, #tpu.memory_space<vmem>> -> memref<1x1x128xi32, #tpu.memory_space<vmem>>
      %dma_start3A_75 = tpu.memref_squeeze %dma_start3A_74 : memref<1x1x128xi32, #tpu.memory_space<vmem>> -> memref<128xi32, #tpu.memory_space<vmem>>
      %dma_start3A_76 = tpu.memref_slice %arg2[%add3A_48] : memref<163840xi32, #tpu.memory_space<hbm>> -> memref<128xi32, #tpu.memory_space<hbm>>
      %dma_start3A_77 = arith.constant 0 : i32
      %dma_start3A_78 = tpu.memref_slice %arg9[%dma_start3A_71, %dma_start3A_72, %dma_start3A_77] : memref<2x1x128xi32, #tpu.memory_space<vmem>> -> memref<1x1x128xi32, #tpu.memory_space<vmem>>
      %dma_start3A_79 = tpu.memref_squeeze %dma_start3A_78 : memref<1x1x128xi32, #tpu.memory_space<vmem>> -> memref<128xi32, #tpu.memory_space<vmem>>
      %dma_start3A_80 = tpu.memref_slice %arg2[%add3A_48] : memref<163840xi32, #tpu.memory_space<hbm>> -> memref<128xi32, #tpu.memory_space<hbm>>
      tpu.enqueue_dma source(%dma_start3A_80 : memref<128xi32, #tpu.memory_space<hbm>>) target(%dma_start3A_79 : memref<128xi32, #tpu.memory_space<vmem>>) target_semaphore(%arg12 : memref<!tpu.dma_semaphore, #tpu.memory_space<semaphore_mem>>)
      %dma_start3A_81 = arith.constant 1 : i32
      %dma_start3A_82 = arith.constant 0 : i32
      %dma_start3A_83 = arith.constant 0 : i32
      %dma_start3A_84 = tpu.memref_slice %arg10[%dma_start3A_81, %dma_start3A_82, %dma_start3A_83] : memref<2x128x128xf32, #tpu.memory_space<vmem>> -> memref<1x128x128xf32, #tpu.memory_space<vmem>>
      %dma_start3A_85 = tpu.memref_squeeze %dma_start3A_84 : memref<1x128x128xf32, #tpu.memory_space<vmem>> -> memref<128x128xf32, #tpu.memory_space<vmem>>
      %dma_start3A_86 = arith.constant 0 : i32
      %dma_start3A_87 = tpu.memref_slice %arg3[%add3A_48, %dma_start3A_86] : memref<163840x128xf32, #tpu.memory_space<hbm>> -> memref<128x128xf32, #tpu.memory_space<hbm>>
      %dma_start3A_88 = arith.constant 0 : i32
      %dma_start3A_89 = arith.constant 0 : i32
      %dma_start3A_90 = tpu.memref_slice %arg10[%dma_start3A_81, %dma_start3A_88, %dma_start3A_89] : memref<2x128x128xf32, #tpu.memory_space<vmem>> -> memref<1x128x128xf32, #tpu.memory_space<vmem>>
      %dma_start3A_91 = tpu.memref_squeeze %dma_start3A_90 : memref<1x128x128xf32, #tpu.memory_space<vmem>> -> memref<128x128xf32, #tpu.memory_space<vmem>>
      %dma_start3A_92 = arith.constant 0 : i32
      %dma_start3A_93 = tpu.memref_slice %arg3[%add3A_48, %dma_start3A_92] : memref<163840x128xf32, #tpu.memory_space<hbm>> -> memref<128x128xf32, #tpu.memory_space<hbm>>
      tpu.enqueue_dma source(%dma_start3A_93 : memref<128x128xf32, #tpu.memory_space<hbm>>) target(%dma_start3A_91 : memref<128x128xf32, #tpu.memory_space<vmem>>) target_semaphore(%arg14 : memref<!tpu.dma_semaphore, #tpu.memory_space<semaphore_mem>>)
      %dma_wait3A = arith.constant 0 : i32
      %dma_wait3A_94 = arith.constant 0 : i32
      %dma_wait3A_95 = arith.constant 0 : i32
      %dma_wait3A_96 = tpu.memref_slice %arg9[%dma_wait3A, %dma_wait3A_94, %dma_wait3A_95] : memref<2x1x128xi32, #tpu.memory_space<vmem>> -> memref<1x1x128xi32, #tpu.memory_space<vmem>>
      %dma_wait3A_97 = tpu.memref_squeeze %dma_wait3A_96 : memref<1x1x128xi32, #tpu.memory_space<vmem>> -> memref<128xi32, #tpu.memory_space<vmem>>
      %dma_wait3A_98 = tpu.memref_slice %arg2[%add3A_43] : memref<163840xi32, #tpu.memory_space<hbm>> -> memref<128xi32, #tpu.memory_space<hbm>>
      %dma_wait3A_99 = arith.constant 0 : i32
      %dma_wait3A_100 = tpu.memref_slice %arg9[%dma_wait3A, %dma_wait3A_94, %dma_wait3A_99] : memref<2x1x128xi32, #tpu.memory_space<vmem>> -> memref<1x1x128xi32, #tpu.memory_space<vmem>>
      %dma_wait3A_101 = tpu.memref_squeeze %dma_wait3A_100 : memref<1x1x128xi32, #tpu.memory_space<vmem>> -> memref<128xi32, #tpu.memory_space<vmem>>
      %dma_wait3A_102 = tpu.memref_slice %arg2[%add3A_43] : memref<163840xi32, #tpu.memory_space<hbm>> -> memref<128xi32, #tpu.memory_space<hbm>>
      tpu.wait_dma2 semaphore(%arg11 : memref<!tpu.dma_semaphore, #tpu.memory_space<semaphore_mem>>) src(%dma_wait3A_102 : memref<128xi32, #tpu.memory_space<hbm>>) dst(%dma_wait3A_101 : memref<128xi32, #tpu.memory_space<vmem>>)
      %dma_wait3A_103 = arith.constant 0 : i32
      %dma_wait3A_104 = arith.constant 0 : i32
      %dma_wait3A_105 = arith.constant 0 : i32
      %dma_wait3A_106 = tpu.memref_slice %arg10[%dma_wait3A_103, %dma_wait3A_104, %dma_wait3A_105] : memref<2x128x128xf32, #tpu.memory_space<vmem>> -> memref<1x128x128xf32, #tpu.memory_space<vmem>>
      %dma_wait3A_107 = tpu.memref_squeeze %dma_wait3A_106 : memref<1x128x128xf32, #tpu.memory_space<vmem>> -> memref<128x128xf32, #tpu.memory_space<vmem>>
      %dma_wait3A_108 = arith.constant 0 : i32
      %dma_wait3A_109 = tpu.memref_slice %arg3[%add3A_43, %dma_wait3A_108] : memref<163840x128xf32, #tpu.memory_space<hbm>> -> memref<128x128xf32, #tpu.memory_space<hbm>>
      %dma_wait3A_110 = arith.constant 0 : i32
      %dma_wait3A_111 = arith.constant 0 : i32
      %dma_wait3A_112 = tpu.memref_slice %arg10[%dma_wait3A_103, %dma_wait3A_110, %dma_wait3A_111] : memref<2x128x128xf32, #tpu.memory_space<vmem>> -> memref<1x128x128xf32, #tpu.memory_space<vmem>>
      %dma_wait3A_113 = tpu.memref_squeeze %dma_wait3A_112 : memref<1x128x128xf32, #tpu.memory_space<vmem>> -> memref<128x128xf32, #tpu.memory_space<vmem>>
      %dma_wait3A_114 = arith.constant 0 : i32
      %dma_wait3A_115 = tpu.memref_slice %arg3[%add3A_43, %dma_wait3A_114] : memref<163840x128xf32, #tpu.memory_space<hbm>> -> memref<128x128xf32, #tpu.memory_space<hbm>>
      tpu.wait_dma2 semaphore(%arg13 : memref<!tpu.dma_semaphore, #tpu.memory_space<semaphore_mem>>) src(%dma_wait3A_115 : memref<128x128xf32, #tpu.memory_space<hbm>>) dst(%dma_wait3A_113 : memref<128x128xf32, #tpu.memory_space<vmem>>)
      %dma_start3A_116 = arith.constant 0 : i32
      %dma_start3A_117 = arith.constant 0 : i32
      %dma_start3A_118 = arith.constant 0 : i32
      %dma_start3A_119 = arith.constant 0 : i32
      %dma_start3A_120 = arith.constant 0 : i32
      %dma_start3A_121 = tpu.memref_slice %arg10[%dma_start3A_116, %dma_start3A_119, %dma_start3A_120] : memref<2x128x128xf32, #tpu.memory_space<vmem>> -> memref<1x128x128xf32, #tpu.memory_space<vmem>>
      %dma_start3A_122 = tpu.memref_squeeze %dma_start3A_121 : memref<1x128x128xf32, #tpu.memory_space<vmem>> -> memref<128x128xf32, #tpu.memory_space<vmem>>
      %dma_start3A_123 = arith.constant 0 : i32
      %dma_start3A_124 = tpu.memref_slice %arg9[%dma_start3A_117, %dma_start3A_118, %dma_start3A_123] : memref<2x1x128xi32, #tpu.memory_space<vmem>> -> memref<1x1x128xi32, #tpu.memory_space<vmem>>
      %dma_start3A_125 = tpu.memref_squeeze %dma_start3A_124 : memref<1x1x128xi32, #tpu.memory_space<vmem>> -> memref<128xi32, #tpu.memory_space<vmem>>
      %dma_start3A_126 = arith.constant 0 : i32
      %dma_start3A_127 = arith.constant 0 : i32
      %dma_start3A_128 = tpu.memref_slice %arg8[%dma_start3A_126, %dma_start3A_127] : memref<10000x128xf32, #tpu.memory_space<vmem_shared>> -> memref<10000x128xf32, #tpu.memory_space<vmem_shared>>
      tpu.enqueue_indirect_dma source(%dma_start3A_122 : memref<128x128xf32, #tpu.memory_space<vmem>>) target(%dma_start3A_128 : memref<10000x128xf32, #tpu.memory_space<vmem_shared>>) offsets(%dma_start3A_125 : memref<128xi32, #tpu.memory_space<vmem>>) semaphore(%arg13 : memref<!tpu.dma_semaphore, #tpu.memory_space<semaphore_mem>>) {add = true}
      %dma_wait3A_129 = arith.constant 1 : i32
      %dma_wait3A_130 = arith.constant 0 : i32
      %dma_wait3A_131 = arith.constant 0 : i32
      %dma_wait3A_132 = tpu.memref_slice %arg9[%dma_wait3A_129, %dma_wait3A_130, %dma_wait3A_131] : memref<2x1x128xi32, #tpu.memory_space<vmem>> -> memref<1x1x128xi32, #tpu.memory_space<vmem>>
      %dma_wait3A_133 = tpu.memref_squeeze %dma_wait3A_132 : memref<1x1x128xi32, #tpu.memory_space<vmem>> -> memref<128xi32, #tpu.memory_space<vmem>>
      %dma_wait3A_134 = tpu.memref_slice %arg2[%add3A_48] : memref<163840xi32, #tpu.memory_space<hbm>> -> memref<128xi32, #tpu.memory_space<hbm>>
      %dma_wait3A_135 = arith.constant 0 : i32
      %dma_wait3A_136 = tpu.memref_slice %arg9[%dma_wait3A_129, %dma_wait3A_130, %dma_wait3A_135] : memref<2x1x128xi32, #tpu.memory_space<vmem>> -> memref<1x1x128xi32, #tpu.memory_space<vmem>>
      %dma_wait3A_137 = tpu.memref_squeeze %dma_wait3A_136 : memref<1x1x128xi32, #tpu.memory_space<vmem>> -> memref<128xi32, #tpu.memory_space<vmem>>
      %dma_wait3A_138 = tpu.memref_slice %arg2[%add3A_48] : memref<163840xi32, #tpu.memory_space<hbm>> -> memref<128xi32, #tpu.memory_space<hbm>>
      tpu.wait_dma2 semaphore(%arg12 : memref<!tpu.dma_semaphore, #tpu.memory_space<semaphore_mem>>) src(%dma_wait3A_138 : memref<128xi32, #tpu.memory_space<hbm>>) dst(%dma_wait3A_137 : memref<128xi32, #tpu.memory_space<vmem>>)
      %dma_wait3A_139 = arith.constant 1 : i32
      %dma_wait3A_140 = arith.constant 0 : i32
      %dma_wait3A_141 = arith.constant 0 : i32
      %dma_wait3A_142 = tpu.memref_slice %arg10[%dma_wait3A_139, %dma_wait3A_140, %dma_wait3A_141] : memref<2x128x128xf32, #tpu.memory_space<vmem>> -> memref<1x128x128xf32, #tpu.memory_space<vmem>>
      %dma_wait3A_143 = tpu.memref_squeeze %dma_wait3A_142 : memref<1x128x128xf32, #tpu.memory_space<vmem>> -> memref<128x128xf32, #tpu.memory_space<vmem>>
      %dma_wait3A_144 = arith.constant 0 : i32
      %dma_wait3A_145 = tpu.memref_slice %arg3[%add3A_48, %dma_wait3A_144] : memref<163840x128xf32, #tpu.memory_space<hbm>> -> memref<128x128xf32, #tpu.memory_space<hbm>>
      %dma_wait3A_146 = arith.constant 0 : i32
      %dma_wait3A_147 = arith.constant 0 : i32
      %dma_wait3A_148 = tpu.memref_slice %arg10[%dma_wait3A_139, %dma_wait3A_146, %dma_wait3A_147] : memref<2x128x128xf32, #tpu.memory_space<vmem>> -> memref<1x128x128xf32, #tpu.memory_space<vmem>>
      %dma_wait3A_149 = tpu.memref_squeeze %dma_wait3A_148 : memref<1x128x128xf32, #tpu.memory_space<vmem>> -> memref<128x128xf32, #tpu.memory_space<vmem>>
      %dma_wait3A_150 = arith.constant 0 : i32
      %dma_wait3A_151 = tpu.memref_slice %arg3[%add3A_48, %dma_wait3A_150] : memref<163840x128xf32, #tpu.memory_space<hbm>> -> memref<128x128xf32, #tpu.memory_space<hbm>>
      tpu.wait_dma2 semaphore(%arg14 : memref<!tpu.dma_semaphore, #tpu.memory_space<semaphore_mem>>) src(%dma_wait3A_151 : memref<128x128xf32, #tpu.memory_space<hbm>>) dst(%dma_wait3A_149 : memref<128x128xf32, #tpu.memory_space<vmem>>)
      %dma_start3A_152 = arith.constant 1 : i32
      %dma_start3A_153 = arith.constant 1 : i32
      %dma_start3A_154 = arith.constant 0 : i32
      %dma_start3A_155 = arith.constant 0 : i32
      %dma_start3A_156 = arith.constant 0 : i32
      %dma_start3A_157 = tpu.memref_slice %arg10[%dma_start3A_152, %dma_start3A_155, %dma_start3A_156] : memref<2x128x128xf32, #tpu.memory_space<vmem>> -> memref<1x128x128xf32, #tpu.memory_space<vmem>>
      %dma_start3A_158 = tpu.memref_squeeze %dma_start3A_157 : memref<1x128x128xf32, #tpu.memory_space<vmem>> -> memref<128x128xf32, #tpu.memory_space<vmem>>
      %dma_start3A_159 = arith.constant 0 : i32
      %dma_start3A_160 = tpu.memref_slice %arg9[%dma_start3A_153, %dma_start3A_154, %dma_start3A_159] : memref<2x1x128xi32, #tpu.memory_space<vmem>> -> memref<1x1x128xi32, #tpu.memory_space<vmem>>
      %dma_start3A_161 = tpu.memref_squeeze %dma_start3A_160 : memref<1x1x128xi32, #tpu.memory_space<vmem>> -> memref<128xi32, #tpu.memory_space<vmem>>
      %dma_start3A_162 = arith.constant 0 : i32
      %dma_start3A_163 = arith.constant 0 : i32
      %dma_start3A_164 = tpu.memref_slice %arg8[%dma_start3A_162, %dma_start3A_163] : memref<10000x128xf32, #tpu.memory_space<vmem_shared>> -> memref<10000x128xf32, #tpu.memory_space<vmem_shared>>
      tpu.enqueue_indirect_dma source(%dma_start3A_158 : memref<128x128xf32, #tpu.memory_space<vmem>>) target(%dma_start3A_164 : memref<10000x128xf32, #tpu.memory_space<vmem_shared>>) offsets(%dma_start3A_161 : memref<128xi32, #tpu.memory_space<vmem>>) semaphore(%arg14 : memref<!tpu.dma_semaphore, #tpu.memory_space<semaphore_mem>>) {add = true}
      %dma_wait3A_165 = arith.constant 0 : i32
      %dma_wait3A_166 = arith.constant 0 : i32
      %dma_wait3A_167 = arith.constant 0 : i32
      %dma_wait3A_168 = arith.constant 0 : i32
      %dma_wait3A_169 = arith.constant 0 : i32
      %dma_wait3A_170 = tpu.memref_slice %arg10[%dma_wait3A_165, %dma_wait3A_168, %dma_wait3A_169] : memref<2x128x128xf32, #tpu.memory_space<vmem>> -> memref<1x128x128xf32, #tpu.memory_space<vmem>>
      %dma_wait3A_171 = tpu.memref_squeeze %dma_wait3A_170 : memref<1x128x128xf32, #tpu.memory_space<vmem>> -> memref<128x128xf32, #tpu.memory_space<vmem>>
      %dma_wait3A_172 = arith.constant 0 : i32
      %dma_wait3A_173 = tpu.memref_slice %arg9[%dma_wait3A_166, %dma_wait3A_167, %dma_wait3A_172] : memref<2x1x128xi32, #tpu.memory_space<vmem>> -> memref<1x1x128xi32, #tpu.memory_space<vmem>>
      %dma_wait3A_174 = tpu.memref_squeeze %dma_wait3A_173 : memref<1x1x128xi32, #tpu.memory_space<vmem>> -> memref<128xi32, #tpu.memory_space<vmem>>
      %dma_wait3A_175 = arith.constant 0 : i32
      %dma_wait3A_176 = arith.constant 0 : i32
      %dma_wait3A_177 = tpu.memref_slice %arg8[%dma_wait3A_175, %dma_wait3A_176] : memref<10000x128xf32, #tpu.memory_space<vmem_shared>> -> memref<10000x128xf32, #tpu.memory_space<vmem_shared>>
      tpu.wait_indirect_dma semaphore(%arg13 : memref<!tpu.dma_semaphore, #tpu.memory_space<semaphore_mem>>) src(%dma_wait3A_171 : memref<128x128xf32, #tpu.memory_space<vmem>>) dst(%dma_wait3A_177 : memref<10000x128xf32, #tpu.memory_space<vmem_shared>>)
      %dma_wait3A_178 = arith.constant 1 : i32
      %dma_wait3A_179 = arith.constant 1 : i32
      %dma_wait3A_180 = arith.constant 0 : i32
      %dma_wait3A_181 = arith.constant 0 : i32
      %dma_wait3A_182 = arith.constant 0 : i32
      %dma_wait3A_183 = tpu.memref_slice %arg10[%dma_wait3A_178, %dma_wait3A_181, %dma_wait3A_182] : memref<2x128x128xf32, #tpu.memory_space<vmem>> -> memref<1x128x128xf32, #tpu.memory_space<vmem>>
      %dma_wait3A_184 = tpu.memref_squeeze %dma_wait3A_183 : memref<1x128x128xf32, #tpu.memory_space<vmem>> -> memref<128x128xf32, #tpu.memory_space<vmem>>
      %dma_wait3A_185 = arith.constant 0 : i32
      %dma_wait3A_186 = tpu.memref_slice %arg9[%dma_wait3A_179, %dma_wait3A_180, %dma_wait3A_185] : memref<2x1x128xi32, #tpu.memory_space<vmem>> -> memref<1x1x128xi32, #tpu.memory_space<vmem>>
      %dma_wait3A_187 = tpu.memref_squeeze %dma_wait3A_186 : memref<1x1x128xi32, #tpu.memory_space<vmem>> -> memref<128xi32, #tpu.memory_space<vmem>>
      %dma_wait3A_188 = arith.constant 0 : i32
      %dma_wait3A_189 = arith.constant 0 : i32
      %dma_wait3A_190 = tpu.memref_slice %arg8[%dma_wait3A_188, %dma_wait3A_189] : memref<10000x128xf32, #tpu.memory_space<vmem_shared>> -> memref<10000x128xf32, #tpu.memory_space<vmem_shared>>
      tpu.wait_indirect_dma semaphore(%arg14 : memref<!tpu.dma_semaphore, #tpu.memory_space<semaphore_mem>>) src(%dma_wait3A_184 : memref<128x128xf32, #tpu.memory_space<vmem>>) dst(%dma_wait3A_190 : memref<10000x128xf32, #tpu.memory_space<vmem_shared>>)
    }
    %scan3A_10 = arith.constant 20 : i32
    %barrier3A_11 = arith.constant 0 : index
    tpu.barrier barrier_id(%barrier3A_11)
    %lt3A_12 = arith.constant 10 : i32
    %lt3A_13 = arith.cmpi slt, %arg1, %lt3A_12 : i32
    %convert_element_type3A_14 = arith.extui %lt3A_13 : i1 to i32
    %cond3A_15 = arith.constant 0 : i32
    %cond3A_16 = arith.cmpi ne, %convert_element_type3A_14, %cond3A_15 : i32
    scf.if %cond3A_16 {
      "tpu.region"() ({
        %run_scoped3A = tpu.sem_alloc : memref<!tpu.dma_semaphore, #tpu.memory_space<semaphore_mem>>
        %dma_start3A = arith.constant 0 : i32
        %dma_start3A_34 = tpu.memref_slice %arg6[%arg0, %mul3A_2, %dma_start3A] : memref<2x10000x128xf32, #tpu.memory_space<hbm>> -> memref<1x1000x128xf32, #tpu.memory_space<hbm>>
        %dma_start3A_35 = tpu.memref_squeeze %dma_start3A_34 : memref<1x1000x128xf32, #tpu.memory_space<hbm>> -> memref<1000x128xf32, #tpu.memory_space<hbm>>
        %dma_start3A_36 = arith.constant 0 : i32
        %dma_start3A_37 = tpu.memref_slice %arg8[%mul3A_2, %dma_start3A_36] : memref<10000x128xf32, #tpu.memory_space<vmem_shared>> -> memref<1000x128xf32, #tpu.memory_space<vmem_shared>>
        tpu.enqueue_dma source(%dma_start3A_37 : memref<1000x128xf32, #tpu.memory_space<vmem_shared>>) target(%dma_start3A_35 : memref<1000x128xf32, #tpu.memory_space<hbm>>) target_semaphore(%run_scoped3A : memref<!tpu.dma_semaphore, #tpu.memory_space<semaphore_mem>>)
        %dma_wait3A = arith.constant 0 : i32
        %dma_wait3A_38 = tpu.memref_slice %arg6[%arg0, %mul3A_2, %dma_wait3A] : memref<2x10000x128xf32, #tpu.memory_space<hbm>> -> memref<1x1000x128xf32, #tpu.memory_space<hbm>>
        %dma_wait3A_39 = tpu.memref_squeeze %dma_wait3A_38 : memref<1x1000x128xf32, #tpu.memory_space<hbm>> -> memref<1000x128xf32, #tpu.memory_space<hbm>>
        %dma_wait3A_40 = arith.constant 0 : i32
        %dma_wait3A_41 = tpu.memref_slice %arg8[%mul3A_2, %dma_wait3A_40] : memref<10000x128xf32, #tpu.memory_space<vmem_shared>> -> memref<1000x128xf32, #tpu.memory_space<vmem_shared>>
        tpu.wait_dma2 semaphore(%run_scoped3A : memref<!tpu.dma_semaphore, #tpu.memory_space<semaphore_mem>>) src(%dma_wait3A_41 : memref<1000x128xf32, #tpu.memory_space<vmem_shared>>) dst(%dma_wait3A_39 : memref<1000x128xf32, #tpu.memory_space<hbm>>)
        tpu.yield
      }) : () -> ()
    } else {
    }
    %lt3A_17 = arith.constant 10 : i32
    %lt3A_18 = arith.cmpi slt, %arg1, %lt3A_17 : i32
    %convert_element_type3A_19 = arith.extui %lt3A_18 : i1 to i32
    %cond3A_20 = arith.constant 0 : i32
    %cond3A_21 = arith.cmpi ne, %convert_element_type3A_19, %cond3A_20 : i32
    scf.if %cond3A_21 {
      "tpu.region"() ({
        %run_scoped3A = tpu.sem_alloc : memref<!tpu.dma_semaphore, #tpu.memory_space<semaphore_mem>>
        %dma_start3A = arith.constant 0 : i32
        %dma_start3A_34 = tpu.memref_slice %arg8[%mul3A_2, %dma_start3A] : memref<10000x128xf32, #tpu.memory_space<vmem_shared>> -> memref<1000x128xf32, #tpu.memory_space<vmem_shared>>
        %dma_start3A_35 = arith.constant 0 : i32
        %dma_start3A_36 = tpu.memref_slice %arg5[%mul3A_2, %dma_start3A_35] : memref<10000x128xf32, #tpu.memory_space<hbm>> -> memref<1000x128xf32, #tpu.memory_space<hbm>>
        tpu.enqueue_dma source(%dma_start3A_36 : memref<1000x128xf32, #tpu.memory_space<hbm>>) target(%dma_start3A_34 : memref<1000x128xf32, #tpu.memory_space<vmem_shared>>) target_semaphore(%run_scoped3A : memref<!tpu.dma_semaphore, #tpu.memory_space<semaphore_mem>>)
        %dma_wait3A = arith.constant 0 : i32
        %dma_wait3A_37 = tpu.memref_slice %arg8[%mul3A_2, %dma_wait3A] : memref<10000x128xf32, #tpu.memory_space<vmem_shared>> -> memref<1000x128xf32, #tpu.memory_space<vmem_shared>>
        %dma_wait3A_38 = arith.constant 0 : i32
        %dma_wait3A_39 = tpu.memref_slice %arg5[%mul3A_2, %dma_wait3A_38] : memref<10000x128xf32, #tpu.memory_space<hbm>> -> memref<1000x128xf32, #tpu.memory_space<hbm>>
        tpu.wait_dma2 semaphore(%run_scoped3A : memref<!tpu.dma_semaphore, #tpu.memory_space<semaphore_mem>>) src(%dma_wait3A_39 : memref<1000x128xf32, #tpu.memory_space<hbm>>) dst(%dma_wait3A_37 : memref<1000x128xf32, #tpu.memory_space<vmem_shared>>)
        tpu.yield
      }) : () -> ()
    } else {
    }
    %barrier3A_22 = arith.constant 0 : index
    tpu.barrier barrier_id(%barrier3A_22)
    %scan3A_23 = arith.constant 0 : i32
    %scan3A_24 = arith.constant 20 : i32
    %scan3A_25 = arith.addi %scan3A_23, %scan3A_24 : i32
    %scan3A_26 = arith.constant 1 : i32
    scf.for %scan3A_34 = %scan3A_23 to %scan3A_25 step %scan3A_26  : i32 {
      %mul3A_35 = arith.constant 1 : i32
      %mul3A_36 = arith.muli %scan3A_34, %mul3A_35 : i32
      %add3A_37 = arith.constant 0 : i32
      %add3A_38 = arith.addi %add3A_37, %mul3A_36 : i32
      %mul3A_39 = arith.constant 2 : i32
      %mul3A_40 = arith.muli %add3A_38, %mul3A_39 : i32
      %mul3A_41 = arith.constant 128 : i32
      %mul3A_42 = arith.muli %mul3A_40, %mul3A_41 : i32
      %add3A_43 = arith.addi %mul3A_4, %mul3A_42 : i32
      %mul3A_44 = arith.constant 128 : i32
      %mul3A_45 = arith.muli %mul3A_40, %mul3A_44 : i32
      %add3A_46 = arith.addi %mul3A_4, %mul3A_45 : i32
      %add3A_47 = arith.constant 128 : i32
      %add3A_48 = arith.addi %add3A_46, %add3A_47 : i32
      %dma_start3A = arith.constant 0 : i32
      %dma_start3A_49 = arith.constant 0 : i32
      %dma_start3A_50 = arith.constant 0 : i32
      %dma_start3A_51 = tpu.memref_slice %arg9[%dma_start3A, %dma_start3A_49, %dma_start3A_50] : memref<2x1x128xi32, #tpu.memory_space<vmem>> -> memref<1x1x128xi32, #tpu.memory_space<vmem>>
      %dma_start3A_52 = tpu.memref_squeeze %dma_start3A_51 : memref<1x1x128xi32, #tpu.memory_space<vmem>> -> memref<128xi32, #tpu.memory_space<vmem>>
      %dma_start3A_53 = tpu.memref_slice %arg2[%add3A_43] : memref<163840xi32, #tpu.memory_space<hbm>> -> memref<128xi32, #tpu.memory_space<hbm>>
      %dma_start3A_54 = arith.constant 0 : i32
      %dma_start3A_55 = tpu.memref_slice %arg9[%dma_start3A, %dma_start3A_49, %dma_start3A_54] : memref<2x1x128xi32, #tpu.memory_space<vmem>> -> memref<1x1x128xi32, #tpu.memory_space<vmem>>
      %dma_start3A_56 = tpu.memref_squeeze %dma_start3A_55 : memref<1x1x128xi32, #tpu.memory_space<vmem>> -> memref<128xi32, #tpu.memory_space<vmem>>
      %dma_start3A_57 = tpu.memref_slice %arg2[%add3A_43] : memref<163840xi32, #tpu.memory_space<hbm>> -> memref<128xi32, #tpu.memory_space<hbm>>
      tpu.enqueue_dma source(%dma_start3A_57 : memref<128xi32, #tpu.memory_space<hbm>>) target(%dma_start3A_56 : memref<128xi32, #tpu.memory_space<vmem>>) target_semaphore(%arg11 : memref<!tpu.dma_semaphore, #tpu.memory_space<semaphore_mem>>)
      %dma_start3A_58 = arith.constant 0 : i32
      %dma_start3A_59 = arith.constant 0 : i32
      %dma_start3A_60 = arith.constant 0 : i32
      %dma_start3A_61 = tpu.memref_slice %arg10[%dma_start3A_58, %dma_start3A_59, %dma_start3A_60] : memref<2x128x128xf32, #tpu.memory_space<vmem>> -> memref<1x128x128xf32, #tpu.memory_space<vmem>>
      %dma_start3A_62 = tpu.memref_squeeze %dma_start3A_61 : memref<1x128x128xf32, #tpu.memory_space<vmem>> -> memref<128x128xf32, #tpu.memory_space<vmem>>
      %dma_start3A_63 = arith.constant 0 : i32
      %dma_start3A_64 = tpu.memref_slice %arg4[%add3A_43, %dma_start3A_63] : memref<163840x128xf32, #tpu.memory_space<hbm>> -> memref<128x128xf32, #tpu.memory_space<hbm>>
      %dma_start3A_65 = arith.constant 0 : i32
      %dma_start3A_66 = arith.constant 0 : i32
      %dma_start3A_67 = tpu.memref_slice %arg10[%dma_start3A_58, %dma_start3A_65, %dma_start3A_66] : memref<2x128x128xf32, #tpu.memory_space<vmem>> -> memref<1x128x128xf32, #tpu.memory_space<vmem>>
      %dma_start3A_68 = tpu.memref_squeeze %dma_start3A_67 : memref<1x128x128xf32, #tpu.memory_space<vmem>> -> memref<128x128xf32, #tpu.memory_space<vmem>>
      %dma_start3A_69 = arith.constant 0 : i32
      %dma_start3A_70 = tpu.memref_slice %arg4[%add3A_43, %dma_start3A_69] : memref<163840x128xf32, #tpu.memory_space<hbm>> -> memref<128x128xf32, #tpu.memory_space<hbm>>
      tpu.enqueue_dma source(%dma_start3A_70 : memref<128x128xf32, #tpu.memory_space<hbm>>) target(%dma_start3A_68 : memref<128x128xf32, #tpu.memory_space<vmem>>) target_semaphore(%arg13 : memref<!tpu.dma_semaphore, #tpu.memory_space<semaphore_mem>>)
      %dma_start3A_71 = arith.constant 1 : i32
      %dma_start3A_72 = arith.constant 0 : i32
      %dma_start3A_73 = arith.constant 0 : i32
      %dma_start3A_74 = tpu.memref_slice %arg9[%dma_start3A_71, %dma_start3A_72, %dma_start3A_73] : memref<2x1x128xi32, #tpu.memory_space<vmem>> -> memref<1x1x128xi32, #tpu.memory_space<vmem>>
      %dma_start3A_75 = tpu.memref_squeeze %dma_start3A_74 : memref<1x1x128xi32, #tpu.memory_space<vmem>> -> memref<128xi32, #tpu.memory_space<vmem>>
      %dma_start3A_76 = tpu.memref_slice %arg2[%add3A_48] : memref<163840xi32, #tpu.memory_space<hbm>> -> memref<128xi32, #tpu.memory_space<hbm>>
      %dma_start3A_77 = arith.constant 0 : i32
      %dma_start3A_78 = tpu.memref_slice %arg9[%dma_start3A_71, %dma_start3A_72, %dma_start3A_77] : memref<2x1x128xi32, #tpu.memory_space<vmem>> -> memref<1x1x128xi32, #tpu.memory_space<vmem>>
      %dma_start3A_79 = tpu.memref_squeeze %dma_start3A_78 : memref<1x1x128xi32, #tpu.memory_space<vmem>> -> memref<128xi32, #tpu.memory_space<vmem>>
      %dma_start3A_80 = tpu.memref_slice %arg2[%add3A_48] : memref<163840xi32, #tpu.memory_space<hbm>> -> memref<128xi32, #tpu.memory_space<hbm>>
      tpu.enqueue_dma source(%dma_start3A_80 : memref<128xi32, #tpu.memory_space<hbm>>) target(%dma_start3A_79 : memref<128xi32, #tpu.memory_space<vmem>>) target_semaphore(%arg12 : memref<!tpu.dma_semaphore, #tpu.memory_space<semaphore_mem>>)
      %dma_start3A_81 = arith.constant 1 : i32
      %dma_start3A_82 = arith.constant 0 : i32
      %dma_start3A_83 = arith.constant 0 : i32
      %dma_start3A_84 = tpu.memref_slice %arg10[%dma_start3A_81, %dma_start3A_82, %dma_start3A_83] : memref<2x128x128xf32, #tpu.memory_space<vmem>> -> memref<1x128x128xf32, #tpu.memory_space<vmem>>
      %dma_start3A_85 = tpu.memref_squeeze %dma_start3A_84 : memref<1x128x128xf32, #tpu.memory_space<vmem>> -> memref<128x128xf32, #tpu.memory_space<vmem>>
      %dma_start3A_86 = arith.constant 0 : i32
      %dma_start3A_87 = tpu.memref_slice %arg4[%add3A_48, %dma_start3A_86] : memref<163840x128xf32, #tpu.memory_space<hbm>> -> memref<128x128xf32, #tpu.memory_space<hbm>>
      %dma_start3A_88 = arith.constant 0 : i32
      %dma_start3A_89 = arith.constant 0 : i32
      %dma_start3A_90 = tpu.memref_slice %arg10[%dma_start3A_81, %dma_start3A_88, %dma_start3A_89] : memref<2x128x128xf32, #tpu.memory_space<vmem>> -> memref<1x128x128xf32, #tpu.memory_space<vmem>>
      %dma_start3A_91 = tpu.memref_squeeze %dma_start3A_90 : memref<1x128x128xf32, #tpu.memory_space<vmem>> -> memref<128x128xf32, #tpu.memory_space<vmem>>
      %dma_start3A_92 = arith.constant 0 : i32
      %dma_start3A_93 = tpu.memref_slice %arg4[%add3A_48, %dma_start3A_92] : memref<163840x128xf32, #tpu.memory_space<hbm>> -> memref<128x128xf32, #tpu.memory_space<hbm>>
      tpu.enqueue_dma source(%dma_start3A_93 : memref<128x128xf32, #tpu.memory_space<hbm>>) target(%dma_start3A_91 : memref<128x128xf32, #tpu.memory_space<vmem>>) target_semaphore(%arg14 : memref<!tpu.dma_semaphore, #tpu.memory_space<semaphore_mem>>)
      %dma_wait3A = arith.constant 0 : i32
      %dma_wait3A_94 = arith.constant 0 : i32
      %dma_wait3A_95 = arith.constant 0 : i32
      %dma_wait3A_96 = tpu.memref_slice %arg9[%dma_wait3A, %dma_wait3A_94, %dma_wait3A_95] : memref<2x1x128xi32, #tpu.memory_space<vmem>> -> memref<1x1x128xi32, #tpu.memory_space<vmem>>
      %dma_wait3A_97 = tpu.memref_squeeze %dma_wait3A_96 : memref<1x1x128xi32, #tpu.memory_space<vmem>> -> memref<128xi32, #tpu.memory_space<vmem>>
      %dma_wait3A_98 = tpu.memref_slice %arg2[%add3A_43] : memref<163840xi32, #tpu.memory_space<hbm>> -> memref<128xi32, #tpu.memory_space<hbm>>
      %dma_wait3A_99 = arith.constant 0 : i32
      %dma_wait3A_100 = tpu.memref_slice %arg9[%dma_wait3A, %dma_wait3A_94, %dma_wait3A_99] : memref<2x1x128xi32, #tpu.memory_space<vmem>> -> memref<1x1x128xi32, #tpu.memory_space<vmem>>
      %dma_wait3A_101 = tpu.memref_squeeze %dma_wait3A_100 : memref<1x1x128xi32, #tpu.memory_space<vmem>> -> memref<128xi32, #tpu.memory_space<vmem>>
      %dma_wait3A_102 = tpu.memref_slice %arg2[%add3A_43] : memref<163840xi32, #tpu.memory_space<hbm>> -> memref<128xi32, #tpu.memory_space<hbm>>
      tpu.wait_dma2 semaphore(%arg11 : memref<!tpu.dma_semaphore, #tpu.memory_space<semaphore_mem>>) src(%dma_wait3A_102 : memref<128xi32, #tpu.memory_space<hbm>>) dst(%dma_wait3A_101 : memref<128xi32, #tpu.memory_space<vmem>>)
      %dma_wait3A_103 = arith.constant 0 : i32
      %dma_wait3A_104 = arith.constant 0 : i32
      %dma_wait3A_105 = arith.constant 0 : i32
      %dma_wait3A_106 = tpu.memref_slice %arg10[%dma_wait3A_103, %dma_wait3A_104, %dma_wait3A_105] : memref<2x128x128xf32, #tpu.memory_space<vmem>> -> memref<1x128x128xf32, #tpu.memory_space<vmem>>
      %dma_wait3A_107 = tpu.memref_squeeze %dma_wait3A_106 : memref<1x128x128xf32, #tpu.memory_space<vmem>> -> memref<128x128xf32, #tpu.memory_space<vmem>>
      %dma_wait3A_108 = arith.constant 0 : i32
      %dma_wait3A_109 = tpu.memref_slice %arg4[%add3A_43, %dma_wait3A_108] : memref<163840x128xf32, #tpu.memory_space<hbm>> -> memref<128x128xf32, #tpu.memory_space<hbm>>
      %dma_wait3A_110 = arith.constant 0 : i32
      %dma_wait3A_111 = arith.constant 0 : i32
      %dma_wait3A_112 = tpu.memref_slice %arg10[%dma_wait3A_103, %dma_wait3A_110, %dma_wait3A_111] : memref<2x128x128xf32, #tpu.memory_space<vmem>> -> memref<1x128x128xf32, #tpu.memory_space<vmem>>
      %dma_wait3A_113 = tpu.memref_squeeze %dma_wait3A_112 : memref<1x128x128xf32, #tpu.memory_space<vmem>> -> memref<128x128xf32, #tpu.memory_space<vmem>>
      %dma_wait3A_114 = arith.constant 0 : i32
      %dma_wait3A_115 = tpu.memref_slice %arg4[%add3A_43, %dma_wait3A_114] : memref<163840x128xf32, #tpu.memory_space<hbm>> -> memref<128x128xf32, #tpu.memory_space<hbm>>
      tpu.wait_dma2 semaphore(%arg13 : memref<!tpu.dma_semaphore, #tpu.memory_space<semaphore_mem>>) src(%dma_wait3A_115 : memref<128x128xf32, #tpu.memory_space<hbm>>) dst(%dma_wait3A_113 : memref<128x128xf32, #tpu.memory_space<vmem>>)
      %dma_start3A_116 = arith.constant 0 : i32
      %dma_start3A_117 = arith.constant 0 : i32
      %dma_start3A_118 = arith.constant 0 : i32
      %dma_start3A_119 = arith.constant 0 : i32
      %dma_start3A_120 = arith.constant 0 : i32
      %dma_start3A_121 = tpu.memref_slice %arg10[%dma_start3A_116, %dma_start3A_119, %dma_start3A_120] : memref<2x128x128xf32, #tpu.memory_space<vmem>> -> memref<1x128x128xf32, #tpu.memory_space<vmem>>
      %dma_start3A_122 = tpu.memref_squeeze %dma_start3A_121 : memref<1x128x128xf32, #tpu.memory_space<vmem>> -> memref<128x128xf32, #tpu.memory_space<vmem>>
      %dma_start3A_123 = arith.constant 0 : i32
      %dma_start3A_124 = tpu.memref_slice %arg9[%dma_start3A_117, %dma_start3A_118, %dma_start3A_123] : memref<2x1x128xi32, #tpu.memory_space<vmem>> -> memref<1x1x128xi32, #tpu.memory_space<vmem>>
      %dma_start3A_125 = tpu.memref_squeeze %dma_start3A_124 : memref<1x1x128xi32, #tpu.memory_space<vmem>> -> memref<128xi32, #tpu.memory_space<vmem>>
      %dma_start3A_126 = arith.constant 0 : i32
      %dma_start3A_127 = arith.constant 0 : i32
      %dma_start3A_128 = tpu.memref_slice %arg8[%dma_start3A_126, %dma_start3A_127] : memref<10000x128xf32, #tpu.memory_space<vmem_shared>> -> memref<10000x128xf32, #tpu.memory_space<vmem_shared>>
      tpu.enqueue_indirect_dma source(%dma_start3A_122 : memref<128x128xf32, #tpu.memory_space<vmem>>) target(%dma_start3A_128 : memref<10000x128xf32, #tpu.memory_space<vmem_shared>>) offsets(%dma_start3A_125 : memref<128xi32, #tpu.memory_space<vmem>>) semaphore(%arg13 : memref<!tpu.dma_semaphore, #tpu.memory_space<semaphore_mem>>) {add = true}
      %dma_wait3A_129 = arith.constant 1 : i32
      %dma_wait3A_130 = arith.constant 0 : i32
      %dma_wait3A_131 = arith.constant 0 : i32
      %dma_wait3A_132 = tpu.memref_slice %arg9[%dma_wait3A_129, %dma_wait3A_130, %dma_wait3A_131] : memref<2x1x128xi32, #tpu.memory_space<vmem>> -> memref<1x1x128xi32, #tpu.memory_space<vmem>>
      %dma_wait3A_133 = tpu.memref_squeeze %dma_wait3A_132 : memref<1x1x128xi32, #tpu.memory_space<vmem>> -> memref<128xi32, #tpu.memory_space<vmem>>
      %dma_wait3A_134 = tpu.memref_slice %arg2[%add3A_48] : memref<163840xi32, #tpu.memory_space<hbm>> -> memref<128xi32, #tpu.memory_space<hbm>>
      %dma_wait3A_135 = arith.constant 0 : i32
      %dma_wait3A_136 = tpu.memref_slice %arg9[%dma_wait3A_129, %dma_wait3A_130, %dma_wait3A_135] : memref<2x1x128xi32, #tpu.memory_space<vmem>> -> memref<1x1x128xi32, #tpu.memory_space<vmem>>
      %dma_wait3A_137 = tpu.memref_squeeze %dma_wait3A_136 : memref<1x1x128xi32, #tpu.memory_space<vmem>> -> memref<128xi32, #tpu.memory_space<vmem>>
      %dma_wait3A_138 = tpu.memref_slice %arg2[%add3A_48] : memref<163840xi32, #tpu.memory_space<hbm>> -> memref<128xi32, #tpu.memory_space<hbm>>
      tpu.wait_dma2 semaphore(%arg12 : memref<!tpu.dma_semaphore, #tpu.memory_space<semaphore_mem>>) src(%dma_wait3A_138 : memref<128xi32, #tpu.memory_space<hbm>>) dst(%dma_wait3A_137 : memref<128xi32, #tpu.memory_space<vmem>>)
      %dma_wait3A_139 = arith.constant 1 : i32
      %dma_wait3A_140 = arith.constant 0 : i32
      %dma_wait3A_141 = arith.constant 0 : i32
      %dma_wait3A_142 = tpu.memref_slice %arg10[%dma_wait3A_139, %dma_wait3A_140, %dma_wait3A_141] : memref<2x128x128xf32, #tpu.memory_space<vmem>> -> memref<1x128x128xf32, #tpu.memory_space<vmem>>
      %dma_wait3A_143 = tpu.memref_squeeze %dma_wait3A_142 : memref<1x128x128xf32, #tpu.memory_space<vmem>> -> memref<128x128xf32, #tpu.memory_space<vmem>>
      %dma_wait3A_144 = arith.constant 0 : i32
      %dma_wait3A_145 = tpu.memref_slice %arg4[%add3A_48, %dma_wait3A_144] : memref<163840x128xf32, #tpu.memory_space<hbm>> -> memref<128x128xf32, #tpu.memory_space<hbm>>
      %dma_wait3A_146 = arith.constant 0 : i32
      %dma_wait3A_147 = arith.constant 0 : i32
      %dma_wait3A_148 = tpu.memref_slice %arg10[%dma_wait3A_139, %dma_wait3A_146, %dma_wait3A_147] : memref<2x128x128xf32, #tpu.memory_space<vmem>> -> memref<1x128x128xf32, #tpu.memory_space<vmem>>
      %dma_wait3A_149 = tpu.memref_squeeze %dma_wait3A_148 : memref<1x128x128xf32, #tpu.memory_space<vmem>> -> memref<128x128xf32, #tpu.memory_space<vmem>>
      %dma_wait3A_150 = arith.constant 0 : i32
      %dma_wait3A_151 = tpu.memref_slice %arg4[%add3A_48, %dma_wait3A_150] : memref<163840x128xf32, #tpu.memory_space<hbm>> -> memref<128x128xf32, #tpu.memory_space<hbm>>
      tpu.wait_dma2 semaphore(%arg14 : memref<!tpu.dma_semaphore, #tpu.memory_space<semaphore_mem>>) src(%dma_wait3A_151 : memref<128x128xf32, #tpu.memory_space<hbm>>) dst(%dma_wait3A_149 : memref<128x128xf32, #tpu.memory_space<vmem>>)
      %dma_start3A_152 = arith.constant 1 : i32
      %dma_start3A_153 = arith.constant 1 : i32
      %dma_start3A_154 = arith.constant 0 : i32
      %dma_start3A_155 = arith.constant 0 : i32
      %dma_start3A_156 = arith.constant 0 : i32
      %dma_start3A_157 = tpu.memref_slice %arg10[%dma_start3A_152, %dma_start3A_155, %dma_start3A_156] : memref<2x128x128xf32, #tpu.memory_space<vmem>> -> memref<1x128x128xf32, #tpu.memory_space<vmem>>
      %dma_start3A_158 = tpu.memref_squeeze %dma_start3A_157 : memref<1x128x128xf32, #tpu.memory_space<vmem>> -> memref<128x128xf32, #tpu.memory_space<vmem>>
      %dma_start3A_159 = arith.constant 0 : i32
      %dma_start3A_160 = tpu.memref_slice %arg9[%dma_start3A_153, %dma_start3A_154, %dma_start3A_159] : memref<2x1x128xi32, #tpu.memory_space<vmem>> -> memref<1x1x128xi32, #tpu.memory_space<vmem>>
      %dma_start3A_161 = tpu.memref_squeeze %dma_start3A_160 : memref<1x1x128xi32, #tpu.memory_space<vmem>> -> memref<128xi32, #tpu.memory_space<vmem>>
      %dma_start3A_162 = arith.constant 0 : i32
      %dma_start3A_163 = arith.constant 0 : i32
      %dma_start3A_164 = tpu.memref_slice %arg8[%dma_start3A_162, %dma_start3A_163] : memref<10000x128xf32, #tpu.memory_space<vmem_shared>> -> memref<10000x128xf32, #tpu.memory_space<vmem_shared>>
      tpu.enqueue_indirect_dma source(%dma_start3A_158 : memref<128x128xf32, #tpu.memory_space<vmem>>) target(%dma_start3A_164 : memref<10000x128xf32, #tpu.memory_space<vmem_shared>>) offsets(%dma_start3A_161 : memref<128xi32, #tpu.memory_space<vmem>>) semaphore(%arg14 : memref<!tpu.dma_semaphore, #tpu.memory_space<semaphore_mem>>) {add = true}
      %dma_wait3A_165 = arith.constant 0 : i32
      %dma_wait3A_166 = arith.constant 0 : i32
      %dma_wait3A_167 = arith.constant 0 : i32
      %dma_wait3A_168 = arith.constant 0 : i32
      %dma_wait3A_169 = arith.constant 0 : i32
      %dma_wait3A_170 = tpu.memref_slice %arg10[%dma_wait3A_165, %dma_wait3A_168, %dma_wait3A_169] : memref<2x128x128xf32, #tpu.memory_space<vmem>> -> memref<1x128x128xf32, #tpu.memory_space<vmem>>
      %dma_wait3A_171 = tpu.memref_squeeze %dma_wait3A_170 : memref<1x128x128xf32, #tpu.memory_space<vmem>> -> memref<128x128xf32, #tpu.memory_space<vmem>>
      %dma_wait3A_172 = arith.constant 0 : i32
      %dma_wait3A_173 = tpu.memref_slice %arg9[%dma_wait3A_166, %dma_wait3A_167, %dma_wait3A_172] : memref<2x1x128xi32, #tpu.memory_space<vmem>> -> memref<1x1x128xi32, #tpu.memory_space<vmem>>
      %dma_wait3A_174 = tpu.memref_squeeze %dma_wait3A_173 : memref<1x1x128xi32, #tpu.memory_space<vmem>> -> memref<128xi32, #tpu.memory_space<vmem>>
      %dma_wait3A_175 = arith.constant 0 : i32
      %dma_wait3A_176 = arith.constant 0 : i32
      %dma_wait3A_177 = tpu.memref_slice %arg8[%dma_wait3A_175, %dma_wait3A_176] : memref<10000x128xf32, #tpu.memory_space<vmem_shared>> -> memref<10000x128xf32, #tpu.memory_space<vmem_shared>>
      tpu.wait_indirect_dma semaphore(%arg13 : memref<!tpu.dma_semaphore, #tpu.memory_space<semaphore_mem>>) src(%dma_wait3A_171 : memref<128x128xf32, #tpu.memory_space<vmem>>) dst(%dma_wait3A_177 : memref<10000x128xf32, #tpu.memory_space<vmem_shared>>)
      %dma_wait3A_178 = arith.constant 1 : i32
      %dma_wait3A_179 = arith.constant 1 : i32
      %dma_wait3A_180 = arith.constant 0 : i32
      %dma_wait3A_181 = arith.constant 0 : i32
      %dma_wait3A_182 = arith.constant 0 : i32
      %dma_wait3A_183 = tpu.memref_slice %arg10[%dma_wait3A_178, %dma_wait3A_181, %dma_wait3A_182] : memref<2x128x128xf32, #tpu.memory_space<vmem>> -> memref<1x128x128xf32, #tpu.memory_space<vmem>>
      %dma_wait3A_184 = tpu.memref_squeeze %dma_wait3A_183 : memref<1x128x128xf32, #tpu.memory_space<vmem>> -> memref<128x128xf32, #tpu.memory_space<vmem>>
      %dma_wait3A_185 = arith.constant 0 : i32
      %dma_wait3A_186 = tpu.memref_slice %arg9[%dma_wait3A_179, %dma_wait3A_180, %dma_wait3A_185] : memref<2x1x128xi32, #tpu.memory_space<vmem>> -> memref<1x1x128xi32, #tpu.memory_space<vmem>>
      %dma_wait3A_187 = tpu.memref_squeeze %dma_wait3A_186 : memref<1x1x128xi32, #tpu.memory_space<vmem>> -> memref<128xi32, #tpu.memory_space<vmem>>
      %dma_wait3A_188 = arith.constant 0 : i32
      %dma_wait3A_189 = arith.constant 0 : i32
      %dma_wait3A_190 = tpu.memref_slice %arg8[%dma_wait3A_188, %dma_wait3A_189] : memref<10000x128xf32, #tpu.memory_space<vmem_shared>> -> memref<10000x128xf32, #tpu.memory_space<vmem_shared>>
      tpu.wait_indirect_dma semaphore(%arg14 : memref<!tpu.dma_semaphore, #tpu.memory_space<semaphore_mem>>) src(%dma_wait3A_184 : memref<128x128xf32, #tpu.memory_space<vmem>>) dst(%dma_wait3A_190 : memref<10000x128xf32, #tpu.memory_space<vmem_shared>>)
    }
    %scan3A_27 = arith.constant 20 : i32
    %barrier3A_28 = arith.constant 0 : index
    tpu.barrier barrier_id(%barrier3A_28)
    %lt3A_29 = arith.constant 10 : i32
    %lt3A_30 = arith.cmpi slt, %arg1, %lt3A_29 : i32
    %convert_element_type3A_31 = arith.extui %lt3A_30 : i1 to i32
    %cond3A_32 = arith.constant 0 : i32
    %cond3A_33 = arith.cmpi ne, %convert_element_type3A_31, %cond3A_32 : i32
    scf.if %cond3A_33 {
      "tpu.region"() ({
        %run_scoped3A = tpu.sem_alloc : memref<!tpu.dma_semaphore, #tpu.memory_space<semaphore_mem>>
        %dma_start3A = arith.constant 0 : i32
        %dma_start3A_34 = tpu.memref_slice %arg7[%arg0, %mul3A_2, %dma_start3A] : memref<2x10000x128xf32, #tpu.memory_space<hbm>> -> memref<1x1000x128xf32, #tpu.memory_space<hbm>>
        %dma_start3A_35 = tpu.memref_squeeze %dma_start3A_34 : memref<1x1000x128xf32, #tpu.memory_space<hbm>> -> memref<1000x128xf32, #tpu.memory_space<hbm>>
        %dma_start3A_36 = arith.constant 0 : i32
        %dma_start3A_37 = tpu.memref_slice %arg8[%mul3A_2, %dma_start3A_36] : memref<10000x128xf32, #tpu.memory_space<vmem_shared>> -> memref<1000x128xf32, #tpu.memory_space<vmem_shared>>
        tpu.enqueue_dma source(%dma_start3A_37 : memref<1000x128xf32, #tpu.memory_space<vmem_shared>>) target(%dma_start3A_35 : memref<1000x128xf32, #tpu.memory_space<hbm>>) target_semaphore(%run_scoped3A : memref<!tpu.dma_semaphore, #tpu.memory_space<semaphore_mem>>)
        %dma_wait3A = arith.constant 0 : i32
        %dma_wait3A_38 = tpu.memref_slice %arg7[%arg0, %mul3A_2, %dma_wait3A] : memref<2x10000x128xf32, #tpu.memory_space<hbm>> -> memref<1x1000x128xf32, #tpu.memory_space<hbm>>
        %dma_wait3A_39 = tpu.memref_squeeze %dma_wait3A_38 : memref<1x1000x128xf32, #tpu.memory_space<hbm>> -> memref<1000x128xf32, #tpu.memory_space<hbm>>
        %dma_wait3A_40 = arith.constant 0 : i32
        %dma_wait3A_41 = tpu.memref_slice %arg8[%mul3A_2, %dma_wait3A_40] : memref<10000x128xf32, #tpu.memory_space<vmem_shared>> -> memref<1000x128xf32, #tpu.memory_space<vmem_shared>>
        tpu.wait_dma2 semaphore(%run_scoped3A : memref<!tpu.dma_semaphore, #tpu.memory_space<semaphore_mem>>) src(%dma_wait3A_41 : memref<1000x128xf32, #tpu.memory_space<vmem_shared>>) dst(%dma_wait3A_39 : memref<1000x128xf32, #tpu.memory_space<hbm>>)
        tpu.yield
      }) : () -> ()
    } else {
    }
    return
  }
}

#map = affine_map<(d0, d1) -> (0, 0)>
#map1 = affine_map<(d0, d1) -> (0)>
module attributes {stable_mosaic.version = 14 : i64} {
  func.func @sc_gather(%arg0: i32, %arg1: i32, %arg2: memref<10000x128xf32, #tpu.memory_space<hbm>>, %arg3: memref<10000x256xf32, #tpu.memory_space<hbm>>, %arg4: memref<163840xi32, #tpu.memory_space<hbm>>, %arg5: memref<163840xi32, #tpu.memory_space<hbm>>, %arg6: memref<163840x128xf32, #tpu.memory_space<hbm>>, %arg7: memref<163840x256xf32, #tpu.memory_space<hbm>>, %arg8: memref<2x1x128xi32, #tpu.memory_space<vmem>>, %arg9: memref<2x1x128xi32, #tpu.memory_space<vmem>>, %arg10: memref<2x128x128xf32, #tpu.memory_space<vmem>>, %arg11: memref<2x128x256xf32, #tpu.memory_space<vmem>>, %arg12: memref<!tpu.dma_semaphore, #tpu.memory_space<semaphore_mem>>, %arg13: memref<!tpu.dma_semaphore, #tpu.memory_space<semaphore_mem>>, %arg14: memref<!tpu.dma_semaphore, #tpu.memory_space<semaphore_mem>>, %arg15: memref<!tpu.dma_semaphore, #tpu.memory_space<semaphore_mem>>, %arg16: memref<!tpu.dma_semaphore, #tpu.memory_space<semaphore_mem>>, %arg17: memref<!tpu.dma_semaphore, #tpu.memory_space<semaphore_mem>>) attributes {dimension_semantics = [#tpu.dimension_semantics<core_parallel>, #tpu.dimension_semantics<subcore_parallel>], iteration_bounds = array<i64: 2, 16>, scalar_prefetch = 0 : i64, scratch_operands = 10 : i64, tpu.core_type = #tpu.core_type<sc_vector_subcore>, window_params = [{transform_indices = #map}, {transform_indices = #map}, {transform_indices = #map1}, {transform_indices = #map1}, {transform_indices = #map}, {transform_indices = #map}]} {
    %mul3A = arith.constant 2 : i32
    %mul3A_0 = arith.muli %arg1, %mul3A : i32
    %add3A = arith.addi %mul3A_0, %arg0 : i32
    %mul3A_1 = arith.constant 5120 : i32
    %mul3A_2 = arith.muli %add3A, %mul3A_1 : i32
    %scan3A = arith.constant 0 : i32
    %scan3A_3 = arith.constant 20 : i32
    %scan3A_4 = arith.addi %scan3A, %scan3A_3 : i32
    %scan3A_5 = arith.constant 1 : i32
    scf.for %scan3A_7 = %scan3A to %scan3A_4 step %scan3A_5  : i32 {
      %mul3A_8 = arith.constant 1 : i32
      %mul3A_9 = arith.muli %scan3A_7, %mul3A_8 : i32
      %add3A_10 = arith.constant 0 : i32
      %add3A_11 = arith.addi %add3A_10, %mul3A_9 : i32
      %mul3A_12 = arith.constant 2 : i32
      %mul3A_13 = arith.muli %add3A_11, %mul3A_12 : i32
      %mul3A_14 = arith.constant 128 : i32
      %mul3A_15 = arith.muli %mul3A_13, %mul3A_14 : i32
      %add3A_16 = arith.addi %mul3A_2, %mul3A_15 : i32
      %mul3A_17 = arith.constant 128 : i32
      %mul3A_18 = arith.muli %mul3A_13, %mul3A_17 : i32
      %add3A_19 = arith.addi %mul3A_2, %mul3A_18 : i32
      %add3A_20 = arith.constant 128 : i32
      %add3A_21 = arith.addi %add3A_19, %add3A_20 : i32
      %dma_start3A = arith.constant 0 : i32
      %dma_start3A_22 = arith.constant 0 : i32
      %dma_start3A_23 = arith.constant 0 : i32
      %dma_start3A_24 = tpu.memref_slice %arg8[%dma_start3A, %dma_start3A_22, %dma_start3A_23] : memref<2x1x128xi32, #tpu.memory_space<vmem>> -> memref<1x1x128xi32, #tpu.memory_space<vmem>>
      %dma_start3A_25 = tpu.memref_squeeze %dma_start3A_24 : memref<1x1x128xi32, #tpu.memory_space<vmem>> -> memref<128xi32, #tpu.memory_space<vmem>>
      %dma_start3A_26 = tpu.memref_slice %arg4[%add3A_16] : memref<163840xi32, #tpu.memory_space<hbm>> -> memref<128xi32, #tpu.memory_space<hbm>>
      %dma_start3A_27 = arith.constant 0 : i32
      %dma_start3A_28 = tpu.memref_slice %arg8[%dma_start3A, %dma_start3A_22, %dma_start3A_27] : memref<2x1x128xi32, #tpu.memory_space<vmem>> -> memref<1x1x128xi32, #tpu.memory_space<vmem>>
      %dma_start3A_29 = tpu.memref_squeeze %dma_start3A_28 : memref<1x1x128xi32, #tpu.memory_space<vmem>> -> memref<128xi32, #tpu.memory_space<vmem>>
      %dma_start3A_30 = tpu.memref_slice %arg4[%add3A_16] : memref<163840xi32, #tpu.memory_space<hbm>> -> memref<128xi32, #tpu.memory_space<hbm>>
      tpu.enqueue_dma source(%dma_start3A_30 : memref<128xi32, #tpu.memory_space<hbm>>) target(%dma_start3A_29 : memref<128xi32, #tpu.memory_space<vmem>>) target_semaphore(%arg12 : memref<!tpu.dma_semaphore, #tpu.memory_space<semaphore_mem>>)
      %dma_start3A_31 = arith.constant 0 : i32
      %dma_start3A_32 = arith.constant 0 : i32
      %dma_start3A_33 = arith.constant 0 : i32
      %dma_start3A_34 = tpu.memref_slice %arg9[%dma_start3A_31, %dma_start3A_32, %dma_start3A_33] : memref<2x1x128xi32, #tpu.memory_space<vmem>> -> memref<1x1x128xi32, #tpu.memory_space<vmem>>
      %dma_start3A_35 = tpu.memref_squeeze %dma_start3A_34 : memref<1x1x128xi32, #tpu.memory_space<vmem>> -> memref<128xi32, #tpu.memory_space<vmem>>
      %dma_start3A_36 = tpu.memref_slice %arg5[%add3A_16] : memref<163840xi32, #tpu.memory_space<hbm>> -> memref<128xi32, #tpu.memory_space<hbm>>
      %dma_start3A_37 = arith.constant 0 : i32
      %dma_start3A_38 = tpu.memref_slice %arg9[%dma_start3A_31, %dma_start3A_32, %dma_start3A_37] : memref<2x1x128xi32, #tpu.memory_space<vmem>> -> memref<1x1x128xi32, #tpu.memory_space<vmem>>
      %dma_start3A_39 = tpu.memref_squeeze %dma_start3A_38 : memref<1x1x128xi32, #tpu.memory_space<vmem>> -> memref<128xi32, #tpu.memory_space<vmem>>
      %dma_start3A_40 = tpu.memref_slice %arg5[%add3A_16] : memref<163840xi32, #tpu.memory_space<hbm>> -> memref<128xi32, #tpu.memory_space<hbm>>
      tpu.enqueue_dma source(%dma_start3A_40 : memref<128xi32, #tpu.memory_space<hbm>>) target(%dma_start3A_39 : memref<128xi32, #tpu.memory_space<vmem>>) target_semaphore(%arg12 : memref<!tpu.dma_semaphore, #tpu.memory_space<semaphore_mem>>)
      %dma_start3A_41 = arith.constant 1 : i32
      %dma_start3A_42 = arith.constant 0 : i32
      %dma_start3A_43 = arith.constant 0 : i32
      %dma_start3A_44 = tpu.memref_slice %arg8[%dma_start3A_41, %dma_start3A_42, %dma_start3A_43] : memref<2x1x128xi32, #tpu.memory_space<vmem>> -> memref<1x1x128xi32, #tpu.memory_space<vmem>>
      %dma_start3A_45 = tpu.memref_squeeze %dma_start3A_44 : memref<1x1x128xi32, #tpu.memory_space<vmem>> -> memref<128xi32, #tpu.memory_space<vmem>>
      %dma_start3A_46 = tpu.memref_slice %arg4[%add3A_21] : memref<163840xi32, #tpu.memory_space<hbm>> -> memref<128xi32, #tpu.memory_space<hbm>>
      %dma_start3A_47 = arith.constant 0 : i32
      %dma_start3A_48 = tpu.memref_slice %arg8[%dma_start3A_41, %dma_start3A_42, %dma_start3A_47] : memref<2x1x128xi32, #tpu.memory_space<vmem>> -> memref<1x1x128xi32, #tpu.memory_space<vmem>>
      %dma_start3A_49 = tpu.memref_squeeze %dma_start3A_48 : memref<1x1x128xi32, #tpu.memory_space<vmem>> -> memref<128xi32, #tpu.memory_space<vmem>>
      %dma_start3A_50 = tpu.memref_slice %arg4[%add3A_21] : memref<163840xi32, #tpu.memory_space<hbm>> -> memref<128xi32, #tpu.memory_space<hbm>>
      tpu.enqueue_dma source(%dma_start3A_50 : memref<128xi32, #tpu.memory_space<hbm>>) target(%dma_start3A_49 : memref<128xi32, #tpu.memory_space<vmem>>) target_semaphore(%arg13 : memref<!tpu.dma_semaphore, #tpu.memory_space<semaphore_mem>>)
      %dma_start3A_51 = arith.constant 1 : i32
      %dma_start3A_52 = arith.constant 0 : i32
      %dma_start3A_53 = arith.constant 0 : i32
      %dma_start3A_54 = tpu.memref_slice %arg9[%dma_start3A_51, %dma_start3A_52, %dma_start3A_53] : memref<2x1x128xi32, #tpu.memory_space<vmem>> -> memref<1x1x128xi32, #tpu.memory_space<vmem>>
      %dma_start3A_55 = tpu.memref_squeeze %dma_start3A_54 : memref<1x1x128xi32, #tpu.memory_space<vmem>> -> memref<128xi32, #tpu.memory_space<vmem>>
      %dma_start3A_56 = tpu.memref_slice %arg5[%add3A_21] : memref<163840xi32, #tpu.memory_space<hbm>> -> memref<128xi32, #tpu.memory_space<hbm>>
      %dma_start3A_57 = arith.constant 0 : i32
      %dma_start3A_58 = tpu.memref_slice %arg9[%dma_start3A_51, %dma_start3A_52, %dma_start3A_57] : memref<2x1x128xi32, #tpu.memory_space<vmem>> -> memref<1x1x128xi32, #tpu.memory_space<vmem>>
      %dma_start3A_59 = tpu.memref_squeeze %dma_start3A_58 : memref<1x1x128xi32, #tpu.memory_space<vmem>> -> memref<128xi32, #tpu.memory_space<vmem>>
      %dma_start3A_60 = tpu.memref_slice %arg5[%add3A_21] : memref<163840xi32, #tpu.memory_space<hbm>> -> memref<128xi32, #tpu.memory_space<hbm>>
      tpu.enqueue_dma source(%dma_start3A_60 : memref<128xi32, #tpu.memory_space<hbm>>) target(%dma_start3A_59 : memref<128xi32, #tpu.memory_space<vmem>>) target_semaphore(%arg13 : memref<!tpu.dma_semaphore, #tpu.memory_space<semaphore_mem>>)
      %dma_wait3A = arith.constant 0 : i32
      %dma_wait3A_61 = arith.constant 0 : i32
      %dma_wait3A_62 = arith.constant 0 : i32
      %dma_wait3A_63 = tpu.memref_slice %arg8[%dma_wait3A, %dma_wait3A_61, %dma_wait3A_62] : memref<2x1x128xi32, #tpu.memory_space<vmem>> -> memref<1x1x128xi32, #tpu.memory_space<vmem>>
      %dma_wait3A_64 = tpu.memref_squeeze %dma_wait3A_63 : memref<1x1x128xi32, #tpu.memory_space<vmem>> -> memref<128xi32, #tpu.memory_space<vmem>>
      %dma_wait3A_65 = tpu.memref_slice %arg4[%add3A_16] : memref<163840xi32, #tpu.memory_space<hbm>> -> memref<128xi32, #tpu.memory_space<hbm>>
      %dma_wait3A_66 = arith.constant 0 : i32
      %dma_wait3A_67 = tpu.memref_slice %arg8[%dma_wait3A, %dma_wait3A_61, %dma_wait3A_66] : memref<2x1x128xi32, #tpu.memory_space<vmem>> -> memref<1x1x128xi32, #tpu.memory_space<vmem>>
      %dma_wait3A_68 = tpu.memref_squeeze %dma_wait3A_67 : memref<1x1x128xi32, #tpu.memory_space<vmem>> -> memref<128xi32, #tpu.memory_space<vmem>>
      %dma_wait3A_69 = tpu.memref_slice %arg4[%add3A_16] : memref<163840xi32, #tpu.memory_space<hbm>> -> memref<128xi32, #tpu.memory_space<hbm>>
      tpu.wait_dma2 semaphore(%arg12 : memref<!tpu.dma_semaphore, #tpu.memory_space<semaphore_mem>>) src(%dma_wait3A_69 : memref<128xi32, #tpu.memory_space<hbm>>) dst(%dma_wait3A_68 : memref<128xi32, #tpu.memory_space<vmem>>)
      %dma_wait3A_70 = arith.constant 0 : i32
      %dma_wait3A_71 = arith.constant 0 : i32
      %dma_wait3A_72 = arith.constant 0 : i32
      %dma_wait3A_73 = tpu.memref_slice %arg9[%dma_wait3A_70, %dma_wait3A_71, %dma_wait3A_72] : memref<2x1x128xi32, #tpu.memory_space<vmem>> -> memref<1x1x128xi32, #tpu.memory_space<vmem>>
      %dma_wait3A_74 = tpu.memref_squeeze %dma_wait3A_73 : memref<1x1x128xi32, #tpu.memory_space<vmem>> -> memref<128xi32, #tpu.memory_space<vmem>>
      %dma_wait3A_75 = tpu.memref_slice %arg5[%add3A_16] : memref<163840xi32, #tpu.memory_space<hbm>> -> memref<128xi32, #tpu.memory_space<hbm>>
      %dma_wait3A_76 = arith.constant 0 : i32
      %dma_wait3A_77 = tpu.memref_slice %arg9[%dma_wait3A_70, %dma_wait3A_71, %dma_wait3A_76] : memref<2x1x128xi32, #tpu.memory_space<vmem>> -> memref<1x1x128xi32, #tpu.memory_space<vmem>>
      %dma_wait3A_78 = tpu.memref_squeeze %dma_wait3A_77 : memref<1x1x128xi32, #tpu.memory_space<vmem>> -> memref<128xi32, #tpu.memory_space<vmem>>
      %dma_wait3A_79 = tpu.memref_slice %arg5[%add3A_16] : memref<163840xi32, #tpu.memory_space<hbm>> -> memref<128xi32, #tpu.memory_space<hbm>>
      tpu.wait_dma2 semaphore(%arg12 : memref<!tpu.dma_semaphore, #tpu.memory_space<semaphore_mem>>) src(%dma_wait3A_79 : memref<128xi32, #tpu.memory_space<hbm>>) dst(%dma_wait3A_78 : memref<128xi32, #tpu.memory_space<vmem>>)
      %dma_start3A_80 = arith.constant 0 : i32
      %dma_start3A_81 = arith.constant 0 : i32
      %dma_start3A_82 = arith.constant 0 : i32
      %dma_start3A_83 = arith.constant 0 : i32
      %dma_start3A_84 = arith.constant 0 : i32
      %dma_start3A_85 = tpu.memref_slice %arg10[%dma_start3A_82, %dma_start3A_83, %dma_start3A_84] : memref<2x128x128xf32, #tpu.memory_space<vmem>> -> memref<1x128x128xf32, #tpu.memory_space<vmem>>
      %dma_start3A_86 = tpu.memref_squeeze %dma_start3A_85 : memref<1x128x128xf32, #tpu.memory_space<vmem>> -> memref<128x128xf32, #tpu.memory_space<vmem>>
      %dma_start3A_87 = arith.constant 0 : i32
      %dma_start3A_88 = tpu.memref_slice %arg8[%dma_start3A_80, %dma_start3A_81, %dma_start3A_87] : memref<2x1x128xi32, #tpu.memory_space<vmem>> -> memref<1x1x128xi32, #tpu.memory_space<vmem>>
      %dma_start3A_89 = tpu.memref_squeeze %dma_start3A_88 : memref<1x1x128xi32, #tpu.memory_space<vmem>> -> memref<128xi32, #tpu.memory_space<vmem>>
      %dma_start3A_90 = arith.constant 0 : i32
      %dma_start3A_91 = arith.constant 0 : i32
      %dma_start3A_92 = tpu.memref_slice %arg2[%dma_start3A_90, %dma_start3A_91] : memref<10000x128xf32, #tpu.memory_space<hbm>> -> memref<10000x128xf32, #tpu.memory_space<hbm>>
      tpu.enqueue_indirect_dma source(%dma_start3A_92 : memref<10000x128xf32, #tpu.memory_space<hbm>>) target(%dma_start3A_86 : memref<128x128xf32, #tpu.memory_space<vmem>>) offsets(%dma_start3A_89 : memref<128xi32, #tpu.memory_space<vmem>>) semaphore(%arg14 : memref<!tpu.dma_semaphore, #tpu.memory_space<semaphore_mem>>)
      %dma_start3A_93 = arith.constant 0 : i32
      %dma_start3A_94 = arith.constant 0 : i32
      %dma_start3A_95 = arith.constant 0 : i32
      %dma_start3A_96 = arith.constant 0 : i32
      %dma_start3A_97 = arith.constant 0 : i32
      %dma_start3A_98 = tpu.memref_slice %arg11[%dma_start3A_95, %dma_start3A_96, %dma_start3A_97] : memref<2x128x256xf32, #tpu.memory_space<vmem>> -> memref<1x128x256xf32, #tpu.memory_space<vmem>>
      %dma_start3A_99 = tpu.memref_squeeze %dma_start3A_98 : memref<1x128x256xf32, #tpu.memory_space<vmem>> -> memref<128x256xf32, #tpu.memory_space<vmem>>
      %dma_start3A_100 = arith.constant 0 : i32
      %dma_start3A_101 = tpu.memref_slice %arg9[%dma_start3A_93, %dma_start3A_94, %dma_start3A_100] : memref<2x1x128xi32, #tpu.memory_space<vmem>> -> memref<1x1x128xi32, #tpu.memory_space<vmem>>
      %dma_start3A_102 = tpu.memref_squeeze %dma_start3A_101 : memref<1x1x128xi32, #tpu.memory_space<vmem>> -> memref<128xi32, #tpu.memory_space<vmem>>
      %dma_start3A_103 = arith.constant 0 : i32
      %dma_start3A_104 = arith.constant 0 : i32
      %dma_start3A_105 = tpu.memref_slice %arg3[%dma_start3A_103, %dma_start3A_104] : memref<10000x256xf32, #tpu.memory_space<hbm>> -> memref<10000x256xf32, #tpu.memory_space<hbm>>
      tpu.enqueue_indirect_dma source(%dma_start3A_105 : memref<10000x256xf32, #tpu.memory_space<hbm>>) target(%dma_start3A_99 : memref<128x256xf32, #tpu.memory_space<vmem>>) offsets(%dma_start3A_102 : memref<128xi32, #tpu.memory_space<vmem>>) semaphore(%arg16 : memref<!tpu.dma_semaphore, #tpu.memory_space<semaphore_mem>>)
      %dma_wait3A_106 = arith.constant 1 : i32
      %dma_wait3A_107 = arith.constant 0 : i32
      %dma_wait3A_108 = arith.constant 0 : i32
      %dma_wait3A_109 = tpu.memref_slice %arg8[%dma_wait3A_106, %dma_wait3A_107, %dma_wait3A_108] : memref<2x1x128xi32, #tpu.memory_space<vmem>> -> memref<1x1x128xi32, #tpu.memory_space<vmem>>
      %dma_wait3A_110 = tpu.memref_squeeze %dma_wait3A_109 : memref<1x1x128xi32, #tpu.memory_space<vmem>> -> memref<128xi32, #tpu.memory_space<vmem>>
      %dma_wait3A_111 = tpu.memref_slice %arg4[%add3A_21] : memref<163840xi32, #tpu.memory_space<hbm>> -> memref<128xi32, #tpu.memory_space<hbm>>
      %dma_wait3A_112 = arith.constant 0 : i32
      %dma_wait3A_113 = tpu.memref_slice %arg8[%dma_wait3A_106, %dma_wait3A_107, %dma_wait3A_112] : memref<2x1x128xi32, #tpu.memory_space<vmem>> -> memref<1x1x128xi32, #tpu.memory_space<vmem>>
      %dma_wait3A_114 = tpu.memref_squeeze %dma_wait3A_113 : memref<1x1x128xi32, #tpu.memory_space<vmem>> -> memref<128xi32, #tpu.memory_space<vmem>>
      %dma_wait3A_115 = tpu.memref_slice %arg4[%add3A_21] : memref<163840xi32, #tpu.memory_space<hbm>> -> memref<128xi32, #tpu.memory_space<hbm>>
      tpu.wait_dma2 semaphore(%arg13 : memref<!tpu.dma_semaphore, #tpu.memory_space<semaphore_mem>>) src(%dma_wait3A_115 : memref<128xi32, #tpu.memory_space<hbm>>) dst(%dma_wait3A_114 : memref<128xi32, #tpu.memory_space<vmem>>)
      %dma_wait3A_116 = arith.constant 1 : i32
      %dma_wait3A_117 = arith.constant 0 : i32
      %dma_wait3A_118 = arith.constant 0 : i32
      %dma_wait3A_119 = tpu.memref_slice %arg9[%dma_wait3A_116, %dma_wait3A_117, %dma_wait3A_118] : memref<2x1x128xi32, #tpu.memory_space<vmem>> -> memref<1x1x128xi32, #tpu.memory_space<vmem>>
      %dma_wait3A_120 = tpu.memref_squeeze %dma_wait3A_119 : memref<1x1x128xi32, #tpu.memory_space<vmem>> -> memref<128xi32, #tpu.memory_space<vmem>>
      %dma_wait3A_121 = tpu.memref_slice %arg5[%add3A_21] : memref<163840xi32, #tpu.memory_space<hbm>> -> memref<128xi32, #tpu.memory_space<hbm>>
      %dma_wait3A_122 = arith.constant 0 : i32
      %dma_wait3A_123 = tpu.memref_slice %arg9[%dma_wait3A_116, %dma_wait3A_117, %dma_wait3A_122] : memref<2x1x128xi32, #tpu.memory_space<vmem>> -> memref<1x1x128xi32, #tpu.memory_space<vmem>>
      %dma_wait3A_124 = tpu.memref_squeeze %dma_wait3A_123 : memref<1x1x128xi32, #tpu.memory_space<vmem>> -> memref<128xi32, #tpu.memory_space<vmem>>
      %dma_wait3A_125 = tpu.memref_slice %arg5[%add3A_21] : memref<163840xi32, #tpu.memory_space<hbm>> -> memref<128xi32, #tpu.memory_space<hbm>>
      tpu.wait_dma2 semaphore(%arg13 : memref<!tpu.dma_semaphore, #tpu.memory_space<semaphore_mem>>) src(%dma_wait3A_125 : memref<128xi32, #tpu.memory_space<hbm>>) dst(%dma_wait3A_124 : memref<128xi32, #tpu.memory_space<vmem>>)
      %dma_start3A_126 = arith.constant 1 : i32
      %dma_start3A_127 = arith.constant 0 : i32
      %dma_start3A_128 = arith.constant 1 : i32
      %dma_start3A_129 = arith.constant 0 : i32
      %dma_start3A_130 = arith.constant 0 : i32
      %dma_start3A_131 = tpu.memref_slice %arg10[%dma_start3A_128, %dma_start3A_129, %dma_start3A_130] : memref<2x128x128xf32, #tpu.memory_space<vmem>> -> memref<1x128x128xf32, #tpu.memory_space<vmem>>
      %dma_start3A_132 = tpu.memref_squeeze %dma_start3A_131 : memref<1x128x128xf32, #tpu.memory_space<vmem>> -> memref<128x128xf32, #tpu.memory_space<vmem>>
      %dma_start3A_133 = arith.constant 0 : i32
      %dma_start3A_134 = tpu.memref_slice %arg8[%dma_start3A_126, %dma_start3A_127, %dma_start3A_133] : memref<2x1x128xi32, #tpu.memory_space<vmem>> -> memref<1x1x128xi32, #tpu.memory_space<vmem>>
      %dma_start3A_135 = tpu.memref_squeeze %dma_start3A_134 : memref<1x1x128xi32, #tpu.memory_space<vmem>> -> memref<128xi32, #tpu.memory_space<vmem>>
      %dma_start3A_136 = arith.constant 0 : i32
      %dma_start3A_137 = arith.constant 0 : i32
      %dma_start3A_138 = tpu.memref_slice %arg2[%dma_start3A_136, %dma_start3A_137] : memref<10000x128xf32, #tpu.memory_space<hbm>> -> memref<10000x128xf32, #tpu.memory_space<hbm>>
      tpu.enqueue_indirect_dma source(%dma_start3A_138 : memref<10000x128xf32, #tpu.memory_space<hbm>>) target(%dma_start3A_132 : memref<128x128xf32, #tpu.memory_space<vmem>>) offsets(%dma_start3A_135 : memref<128xi32, #tpu.memory_space<vmem>>) semaphore(%arg15 : memref<!tpu.dma_semaphore, #tpu.memory_space<semaphore_mem>>)
      %dma_start3A_139 = arith.constant 1 : i32
      %dma_start3A_140 = arith.constant 0 : i32
      %dma_start3A_141 = arith.constant 1 : i32
      %dma_start3A_142 = arith.constant 0 : i32
      %dma_start3A_143 = arith.constant 0 : i32
      %dma_start3A_144 = tpu.memref_slice %arg11[%dma_start3A_141, %dma_start3A_142, %dma_start3A_143] : memref<2x128x256xf32, #tpu.memory_space<vmem>> -> memref<1x128x256xf32, #tpu.memory_space<vmem>>
      %dma_start3A_145 = tpu.memref_squeeze %dma_start3A_144 : memref<1x128x256xf32, #tpu.memory_space<vmem>> -> memref<128x256xf32, #tpu.memory_space<vmem>>
      %dma_start3A_146 = arith.constant 0 : i32
      %dma_start3A_147 = tpu.memref_slice %arg9[%dma_start3A_139, %dma_start3A_140, %dma_start3A_146] : memref<2x1x128xi32, #tpu.memory_space<vmem>> -> memref<1x1x128xi32, #tpu.memory_space<vmem>>
      %dma_start3A_148 = tpu.memref_squeeze %dma_start3A_147 : memref<1x1x128xi32, #tpu.memory_space<vmem>> -> memref<128xi32, #tpu.memory_space<vmem>>
      %dma_start3A_149 = arith.constant 0 : i32
      %dma_start3A_150 = arith.constant 0 : i32
      %dma_start3A_151 = tpu.memref_slice %arg3[%dma_start3A_149, %dma_start3A_150] : memref<10000x256xf32, #tpu.memory_space<hbm>> -> memref<10000x256xf32, #tpu.memory_space<hbm>>
      tpu.enqueue_indirect_dma source(%dma_start3A_151 : memref<10000x256xf32, #tpu.memory_space<hbm>>) target(%dma_start3A_145 : memref<128x256xf32, #tpu.memory_space<vmem>>) offsets(%dma_start3A_148 : memref<128xi32, #tpu.memory_space<vmem>>) semaphore(%arg17 : memref<!tpu.dma_semaphore, #tpu.memory_space<semaphore_mem>>)
      %dma_wait3A_152 = arith.constant 0 : i32
      %dma_wait3A_153 = arith.constant 0 : i32
      %dma_wait3A_154 = arith.constant 0 : i32
      %dma_wait3A_155 = arith.constant 0 : i32
      %dma_wait3A_156 = arith.constant 0 : i32
      %dma_wait3A_157 = tpu.memref_slice %arg10[%dma_wait3A_154, %dma_wait3A_155, %dma_wait3A_156] : memref<2x128x128xf32, #tpu.memory_space<vmem>> -> memref<1x128x128xf32, #tpu.memory_space<vmem>>
      %dma_wait3A_158 = tpu.memref_squeeze %dma_wait3A_157 : memref<1x128x128xf32, #tpu.memory_space<vmem>> -> memref<128x128xf32, #tpu.memory_space<vmem>>
      %dma_wait3A_159 = arith.constant 0 : i32
      %dma_wait3A_160 = tpu.memref_slice %arg8[%dma_wait3A_152, %dma_wait3A_153, %dma_wait3A_159] : memref<2x1x128xi32, #tpu.memory_space<vmem>> -> memref<1x1x128xi32, #tpu.memory_space<vmem>>
      %dma_wait3A_161 = tpu.memref_squeeze %dma_wait3A_160 : memref<1x1x128xi32, #tpu.memory_space<vmem>> -> memref<128xi32, #tpu.memory_space<vmem>>
      %dma_wait3A_162 = arith.constant 0 : i32
      %dma_wait3A_163 = arith.constant 0 : i32
      %dma_wait3A_164 = tpu.memref_slice %arg2[%dma_wait3A_162, %dma_wait3A_163] : memref<10000x128xf32, #tpu.memory_space<hbm>> -> memref<10000x128xf32, #tpu.memory_space<hbm>>
      tpu.wait_indirect_dma semaphore(%arg14 : memref<!tpu.dma_semaphore, #tpu.memory_space<semaphore_mem>>) src(%dma_wait3A_164 : memref<10000x128xf32, #tpu.memory_space<hbm>>) dst(%dma_wait3A_158 : memref<128x128xf32, #tpu.memory_space<vmem>>)
      %dma_start3A_165 = arith.constant 0 : i32
      %dma_start3A_166 = arith.constant 0 : i32
      %dma_start3A_167 = arith.constant 0 : i32
      %dma_start3A_168 = tpu.memref_slice %arg10[%dma_start3A_165, %dma_start3A_166, %dma_start3A_167] : memref<2x128x128xf32, #tpu.memory_space<vmem>> -> memref<1x128x128xf32, #tpu.memory_space<vmem>>
      %dma_start3A_169 = tpu.memref_squeeze %dma_start3A_168 : memref<1x128x128xf32, #tpu.memory_space<vmem>> -> memref<128x128xf32, #tpu.memory_space<vmem>>
      %dma_start3A_170 = arith.constant 0 : i32
      %dma_start3A_171 = tpu.memref_slice %arg6[%add3A_16, %dma_start3A_170] : memref<163840x128xf32, #tpu.memory_space<hbm>> -> memref<128x128xf32, #tpu.memory_space<hbm>>
      %dma_start3A_172 = arith.constant 0 : i32
      %dma_start3A_173 = tpu.memref_slice %arg6[%add3A_16, %dma_start3A_172] : memref<163840x128xf32, #tpu.memory_space<hbm>> -> memref<128x128xf32, #tpu.memory_space<hbm>>
      %dma_start3A_174 = arith.constant 0 : i32
      %dma_start3A_175 = arith.constant 0 : i32
      %dma_start3A_176 = tpu.memref_slice %arg10[%dma_start3A_165, %dma_start3A_174, %dma_start3A_175] : memref<2x128x128xf32, #tpu.memory_space<vmem>> -> memref<1x128x128xf32, #tpu.memory_space<vmem>>
      %dma_start3A_177 = tpu.memref_squeeze %dma_start3A_176 : memref<1x128x128xf32, #tpu.memory_space<vmem>> -> memref<128x128xf32, #tpu.memory_space<vmem>>
      tpu.enqueue_dma source(%dma_start3A_177 : memref<128x128xf32, #tpu.memory_space<vmem>>) target(%dma_start3A_173 : memref<128x128xf32, #tpu.memory_space<hbm>>) target_semaphore(%arg14 : memref<!tpu.dma_semaphore, #tpu.memory_space<semaphore_mem>>)
      %dma_wait3A_178 = arith.constant 0 : i32
      %dma_wait3A_179 = arith.constant 0 : i32
      %dma_wait3A_180 = arith.constant 0 : i32
      %dma_wait3A_181 = arith.constant 0 : i32
      %dma_wait3A_182 = arith.constant 0 : i32
      %dma_wait3A_183 = tpu.memref_slice %arg11[%dma_wait3A_180, %dma_wait3A_181, %dma_wait3A_182] : memref<2x128x256xf32, #tpu.memory_space<vmem>> -> memref<1x128x256xf32, #tpu.memory_space<vmem>>
      %dma_wait3A_184 = tpu.memref_squeeze %dma_wait3A_183 : memref<1x128x256xf32, #tpu.memory_space<vmem>> -> memref<128x256xf32, #tpu.memory_space<vmem>>
      %dma_wait3A_185 = arith.constant 0 : i32
      %dma_wait3A_186 = tpu.memref_slice %arg9[%dma_wait3A_178, %dma_wait3A_179, %dma_wait3A_185] : memref<2x1x128xi32, #tpu.memory_space<vmem>> -> memref<1x1x128xi32, #tpu.memory_space<vmem>>
      %dma_wait3A_187 = tpu.memref_squeeze %dma_wait3A_186 : memref<1x1x128xi32, #tpu.memory_space<vmem>> -> memref<128xi32, #tpu.memory_space<vmem>>
      %dma_wait3A_188 = arith.constant 0 : i32
      %dma_wait3A_189 = arith.constant 0 : i32
      %dma_wait3A_190 = tpu.memref_slice %arg3[%dma_wait3A_188, %dma_wait3A_189] : memref<10000x256xf32, #tpu.memory_space<hbm>> -> memref<10000x256xf32, #tpu.memory_space<hbm>>
      tpu.wait_indirect_dma semaphore(%arg16 : memref<!tpu.dma_semaphore, #tpu.memory_space<semaphore_mem>>) src(%dma_wait3A_190 : memref<10000x256xf32, #tpu.memory_space<hbm>>) dst(%dma_wait3A_184 : memref<128x256xf32, #tpu.memory_space<vmem>>)
      %dma_start3A_191 = arith.constant 0 : i32
      %dma_start3A_192 = arith.constant 0 : i32
      %dma_start3A_193 = arith.constant 0 : i32
      %dma_start3A_194 = tpu.memref_slice %arg11[%dma_start3A_191, %dma_start3A_192, %dma_start3A_193] : memref<2x128x256xf32, #tpu.memory_space<vmem>> -> memref<1x128x256xf32, #tpu.memory_space<vmem>>
      %dma_start3A_195 = tpu.memref_squeeze %dma_start3A_194 : memref<1x128x256xf32, #tpu.memory_space<vmem>> -> memref<128x256xf32, #tpu.memory_space<vmem>>
      %dma_start3A_196 = arith.constant 0 : i32
      %dma_start3A_197 = tpu.memref_slice %arg7[%add3A_16, %dma_start3A_196] : memref<163840x256xf32, #tpu.memory_space<hbm>> -> memref<128x256xf32, #tpu.memory_space<hbm>>
      %dma_start3A_198 = arith.constant 0 : i32
      %dma_start3A_199 = tpu.memref_slice %arg7[%add3A_16, %dma_start3A_198] : memref<163840x256xf32, #tpu.memory_space<hbm>> -> memref<128x256xf32, #tpu.memory_space<hbm>>
      %dma_start3A_200 = arith.constant 0 : i32
      %dma_start3A_201 = arith.constant 0 : i32
      %dma_start3A_202 = tpu.memref_slice %arg11[%dma_start3A_191, %dma_start3A_200, %dma_start3A_201] : memref<2x128x256xf32, #tpu.memory_space<vmem>> -> memref<1x128x256xf32, #tpu.memory_space<vmem>>
      %dma_start3A_203 = tpu.memref_squeeze %dma_start3A_202 : memref<1x128x256xf32, #tpu.memory_space<vmem>> -> memref<128x256xf32, #tpu.memory_space<vmem>>
      tpu.enqueue_dma source(%dma_start3A_203 : memref<128x256xf32, #tpu.memory_space<vmem>>) target(%dma_start3A_199 : memref<128x256xf32, #tpu.memory_space<hbm>>) target_semaphore(%arg16 : memref<!tpu.dma_semaphore, #tpu.memory_space<semaphore_mem>>)
      %dma_wait3A_204 = arith.constant 1 : i32
      %dma_wait3A_205 = arith.constant 0 : i32
      %dma_wait3A_206 = arith.constant 1 : i32
      %dma_wait3A_207 = arith.constant 0 : i32
      %dma_wait3A_208 = arith.constant 0 : i32
      %dma_wait3A_209 = tpu.memref_slice %arg10[%dma_wait3A_206, %dma_wait3A_207, %dma_wait3A_208] : memref<2x128x128xf32, #tpu.memory_space<vmem>> -> memref<1x128x128xf32, #tpu.memory_space<vmem>>
      %dma_wait3A_210 = tpu.memref_squeeze %dma_wait3A_209 : memref<1x128x128xf32, #tpu.memory_space<vmem>> -> memref<128x128xf32, #tpu.memory_space<vmem>>
      %dma_wait3A_211 = arith.constant 0 : i32
      %dma_wait3A_212 = tpu.memref_slice %arg8[%dma_wait3A_204, %dma_wait3A_205, %dma_wait3A_211] : memref<2x1x128xi32, #tpu.memory_space<vmem>> -> memref<1x1x128xi32, #tpu.memory_space<vmem>>
      %dma_wait3A_213 = tpu.memref_squeeze %dma_wait3A_212 : memref<1x1x128xi32, #tpu.memory_space<vmem>> -> memref<128xi32, #tpu.memory_space<vmem>>
      %dma_wait3A_214 = arith.constant 0 : i32
      %dma_wait3A_215 = arith.constant 0 : i32
      %dma_wait3A_216 = tpu.memref_slice %arg2[%dma_wait3A_214, %dma_wait3A_215] : memref<10000x128xf32, #tpu.memory_space<hbm>> -> memref<10000x128xf32, #tpu.memory_space<hbm>>
      tpu.wait_indirect_dma semaphore(%arg15 : memref<!tpu.dma_semaphore, #tpu.memory_space<semaphore_mem>>) src(%dma_wait3A_216 : memref<10000x128xf32, #tpu.memory_space<hbm>>) dst(%dma_wait3A_210 : memref<128x128xf32, #tpu.memory_space<vmem>>)
      %dma_start3A_217 = arith.constant 1 : i32
      %dma_start3A_218 = arith.constant 0 : i32
      %dma_start3A_219 = arith.constant 0 : i32
      %dma_start3A_220 = tpu.memref_slice %arg10[%dma_start3A_217, %dma_start3A_218, %dma_start3A_219] : memref<2x128x128xf32, #tpu.memory_space<vmem>> -> memref<1x128x128xf32, #tpu.memory_space<vmem>>
      %dma_start3A_221 = tpu.memref_squeeze %dma_start3A_220 : memref<1x128x128xf32, #tpu.memory_space<vmem>> -> memref<128x128xf32, #tpu.memory_space<vmem>>
      %dma_start3A_222 = arith.constant 0 : i32
      %dma_start3A_223 = tpu.memref_slice %arg6[%add3A_21, %dma_start3A_222] : memref<163840x128xf32, #tpu.memory_space<hbm>> -> memref<128x128xf32, #tpu.memory_space<hbm>>
      %dma_start3A_224 = arith.constant 0 : i32
      %dma_start3A_225 = tpu.memref_slice %arg6[%add3A_21, %dma_start3A_224] : memref<163840x128xf32, #tpu.memory_space<hbm>> -> memref<128x128xf32, #tpu.memory_space<hbm>>
      %dma_start3A_226 = arith.constant 0 : i32
      %dma_start3A_227 = arith.constant 0 : i32
      %dma_start3A_228 = tpu.memref_slice %arg10[%dma_start3A_217, %dma_start3A_226, %dma_start3A_227] : memref<2x128x128xf32, #tpu.memory_space<vmem>> -> memref<1x128x128xf32, #tpu.memory_space<vmem>>
      %dma_start3A_229 = tpu.memref_squeeze %dma_start3A_228 : memref<1x128x128xf32, #tpu.memory_space<vmem>> -> memref<128x128xf32, #tpu.memory_space<vmem>>
      tpu.enqueue_dma source(%dma_start3A_229 : memref<128x128xf32, #tpu.memory_space<vmem>>) target(%dma_start3A_225 : memref<128x128xf32, #tpu.memory_space<hbm>>) target_semaphore(%arg15 : memref<!tpu.dma_semaphore, #tpu.memory_space<semaphore_mem>>)
      %dma_wait3A_230 = arith.constant 1 : i32
      %dma_wait3A_231 = arith.constant 0 : i32
      %dma_wait3A_232 = arith.constant 1 : i32
      %dma_wait3A_233 = arith.constant 0 : i32
      %dma_wait3A_234 = arith.constant 0 : i32
      %dma_wait3A_235 = tpu.memref_slice %arg11[%dma_wait3A_232, %dma_wait3A_233, %dma_wait3A_234] : memref<2x128x256xf32, #tpu.memory_space<vmem>> -> memref<1x128x256xf32, #tpu.memory_space<vmem>>
      %dma_wait3A_236 = tpu.memref_squeeze %dma_wait3A_235 : memref<1x128x256xf32, #tpu.memory_space<vmem>> -> memref<128x256xf32, #tpu.memory_space<vmem>>
      %dma_wait3A_237 = arith.constant 0 : i32
      %dma_wait3A_238 = tpu.memref_slice %arg9[%dma_wait3A_230, %dma_wait3A_231, %dma_wait3A_237] : memref<2x1x128xi32, #tpu.memory_space<vmem>> -> memref<1x1x128xi32, #tpu.memory_space<vmem>>
      %dma_wait3A_239 = tpu.memref_squeeze %dma_wait3A_238 : memref<1x1x128xi32, #tpu.memory_space<vmem>> -> memref<128xi32, #tpu.memory_space<vmem>>
      %dma_wait3A_240 = arith.constant 0 : i32
      %dma_wait3A_241 = arith.constant 0 : i32
      %dma_wait3A_242 = tpu.memref_slice %arg3[%dma_wait3A_240, %dma_wait3A_241] : memref<10000x256xf32, #tpu.memory_space<hbm>> -> memref<10000x256xf32, #tpu.memory_space<hbm>>
      tpu.wait_indirect_dma semaphore(%arg17 : memref<!tpu.dma_semaphore, #tpu.memory_space<semaphore_mem>>) src(%dma_wait3A_242 : memref<10000x256xf32, #tpu.memory_space<hbm>>) dst(%dma_wait3A_236 : memref<128x256xf32, #tpu.memory_space<vmem>>)
      %dma_start3A_243 = arith.constant 1 : i32
      %dma_start3A_244 = arith.constant 0 : i32
      %dma_start3A_245 = arith.constant 0 : i32
      %dma_start3A_246 = tpu.memref_slice %arg11[%dma_start3A_243, %dma_start3A_244, %dma_start3A_245] : memref<2x128x256xf32, #tpu.memory_space<vmem>> -> memref<1x128x256xf32, #tpu.memory_space<vmem>>
      %dma_start3A_247 = tpu.memref_squeeze %dma_start3A_246 : memref<1x128x256xf32, #tpu.memory_space<vmem>> -> memref<128x256xf32, #tpu.memory_space<vmem>>
      %dma_start3A_248 = arith.constant 0 : i32
      %dma_start3A_249 = tpu.memref_slice %arg7[%add3A_21, %dma_start3A_248] : memref<163840x256xf32, #tpu.memory_space<hbm>> -> memref<128x256xf32, #tpu.memory_space<hbm>>
      %dma_start3A_250 = arith.constant 0 : i32
      %dma_start3A_251 = tpu.memref_slice %arg7[%add3A_21, %dma_start3A_250] : memref<163840x256xf32, #tpu.memory_space<hbm>> -> memref<128x256xf32, #tpu.memory_space<hbm>>
      %dma_start3A_252 = arith.constant 0 : i32
      %dma_start3A_253 = arith.constant 0 : i32
      %dma_start3A_254 = tpu.memref_slice %arg11[%dma_start3A_243, %dma_start3A_252, %dma_start3A_253] : memref<2x128x256xf32, #tpu.memory_space<vmem>> -> memref<1x128x256xf32, #tpu.memory_space<vmem>>
      %dma_start3A_255 = tpu.memref_squeeze %dma_start3A_254 : memref<1x128x256xf32, #tpu.memory_space<vmem>> -> memref<128x256xf32, #tpu.memory_space<vmem>>
      tpu.enqueue_dma source(%dma_start3A_255 : memref<128x256xf32, #tpu.memory_space<vmem>>) target(%dma_start3A_251 : memref<128x256xf32, #tpu.memory_space<hbm>>) target_semaphore(%arg17 : memref<!tpu.dma_semaphore, #tpu.memory_space<semaphore_mem>>)
      %dma_wait3A_256 = arith.constant 0 : i32
      %dma_wait3A_257 = arith.constant 0 : i32
      %dma_wait3A_258 = arith.constant 0 : i32
      %dma_wait3A_259 = tpu.memref_slice %arg10[%dma_wait3A_256, %dma_wait3A_257, %dma_wait3A_258] : memref<2x128x128xf32, #tpu.memory_space<vmem>> -> memref<1x128x128xf32, #tpu.memory_space<vmem>>
      %dma_wait3A_260 = tpu.memref_squeeze %dma_wait3A_259 : memref<1x128x128xf32, #tpu.memory_space<vmem>> -> memref<128x128xf32, #tpu.memory_space<vmem>>
      %dma_wait3A_261 = arith.constant 0 : i32
      %dma_wait3A_262 = tpu.memref_slice %arg6[%add3A_16, %dma_wait3A_261] : memref<163840x128xf32, #tpu.memory_space<hbm>> -> memref<128x128xf32, #tpu.memory_space<hbm>>
      %dma_wait3A_263 = arith.constant 0 : i32
      %dma_wait3A_264 = tpu.memref_slice %arg6[%add3A_16, %dma_wait3A_263] : memref<163840x128xf32, #tpu.memory_space<hbm>> -> memref<128x128xf32, #tpu.memory_space<hbm>>
      %dma_wait3A_265 = arith.constant 0 : i32
      %dma_wait3A_266 = arith.constant 0 : i32
      %dma_wait3A_267 = tpu.memref_slice %arg10[%dma_wait3A_256, %dma_wait3A_265, %dma_wait3A_266] : memref<2x128x128xf32, #tpu.memory_space<vmem>> -> memref<1x128x128xf32, #tpu.memory_space<vmem>>
      %dma_wait3A_268 = tpu.memref_squeeze %dma_wait3A_267 : memref<1x128x128xf32, #tpu.memory_space<vmem>> -> memref<128x128xf32, #tpu.memory_space<vmem>>
      tpu.wait_dma2 semaphore(%arg14 : memref<!tpu.dma_semaphore, #tpu.memory_space<semaphore_mem>>) src(%dma_wait3A_268 : memref<128x128xf32, #tpu.memory_space<vmem>>) dst(%dma_wait3A_264 : memref<128x128xf32, #tpu.memory_space<hbm>>)
      %dma_wait3A_269 = arith.constant 0 : i32
      %dma_wait3A_270 = arith.constant 0 : i32
      %dma_wait3A_271 = arith.constant 0 : i32
      %dma_wait3A_272 = tpu.memref_slice %arg11[%dma_wait3A_269, %dma_wait3A_270, %dma_wait3A_271] : memref<2x128x256xf32, #tpu.memory_space<vmem>> -> memref<1x128x256xf32, #tpu.memory_space<vmem>>
      %dma_wait3A_273 = tpu.memref_squeeze %dma_wait3A_272 : memref<1x128x256xf32, #tpu.memory_space<vmem>> -> memref<128x256xf32, #tpu.memory_space<vmem>>
      %dma_wait3A_274 = arith.constant 0 : i32
      %dma_wait3A_275 = tpu.memref_slice %arg7[%add3A_16, %dma_wait3A_274] : memref<163840x256xf32, #tpu.memory_space<hbm>> -> memref<128x256xf32, #tpu.memory_space<hbm>>
      %dma_wait3A_276 = arith.constant 0 : i32
      %dma_wait3A_277 = tpu.memref_slice %arg7[%add3A_16, %dma_wait3A_276] : memref<163840x256xf32, #tpu.memory_space<hbm>> -> memref<128x256xf32, #tpu.memory_space<hbm>>
      %dma_wait3A_278 = arith.constant 0 : i32
      %dma_wait3A_279 = arith.constant 0 : i32
      %dma_wait3A_280 = tpu.memref_slice %arg11[%dma_wait3A_269, %dma_wait3A_278, %dma_wait3A_279] : memref<2x128x256xf32, #tpu.memory_space<vmem>> -> memref<1x128x256xf32, #tpu.memory_space<vmem>>
      %dma_wait3A_281 = tpu.memref_squeeze %dma_wait3A_280 : memref<1x128x256xf32, #tpu.memory_space<vmem>> -> memref<128x256xf32, #tpu.memory_space<vmem>>
      tpu.wait_dma2 semaphore(%arg16 : memref<!tpu.dma_semaphore, #tpu.memory_space<semaphore_mem>>) src(%dma_wait3A_281 : memref<128x256xf32, #tpu.memory_space<vmem>>) dst(%dma_wait3A_277 : memref<128x256xf32, #tpu.memory_space<hbm>>)
      %dma_wait3A_282 = arith.constant 1 : i32
      %dma_wait3A_283 = arith.constant 0 : i32
      %dma_wait3A_284 = arith.constant 0 : i32
      %dma_wait3A_285 = tpu.memref_slice %arg10[%dma_wait3A_282, %dma_wait3A_283, %dma_wait3A_284] : memref<2x128x128xf32, #tpu.memory_space<vmem>> -> memref<1x128x128xf32, #tpu.memory_space<vmem>>
      %dma_wait3A_286 = tpu.memref_squeeze %dma_wait3A_285 : memref<1x128x128xf32, #tpu.memory_space<vmem>> -> memref<128x128xf32, #tpu.memory_space<vmem>>
      %dma_wait3A_287 = arith.constant 0 : i32
      %dma_wait3A_288 = tpu.memref_slice %arg6[%add3A_21, %dma_wait3A_287] : memref<163840x128xf32, #tpu.memory_space<hbm>> -> memref<128x128xf32, #tpu.memory_space<hbm>>
      %dma_wait3A_289 = arith.constant 0 : i32
      %dma_wait3A_290 = tpu.memref_slice %arg6[%add3A_21, %dma_wait3A_289] : memref<163840x128xf32, #tpu.memory_space<hbm>> -> memref<128x128xf32, #tpu.memory_space<hbm>>
      %dma_wait3A_291 = arith.constant 0 : i32
      %dma_wait3A_292 = arith.constant 0 : i32
      %dma_wait3A_293 = tpu.memref_slice %arg10[%dma_wait3A_282, %dma_wait3A_291, %dma_wait3A_292] : memref<2x128x128xf32, #tpu.memory_space<vmem>> -> memref<1x128x128xf32, #tpu.memory_space<vmem>>
      %dma_wait3A_294 = tpu.memref_squeeze %dma_wait3A_293 : memref<1x128x128xf32, #tpu.memory_space<vmem>> -> memref<128x128xf32, #tpu.memory_space<vmem>>
      tpu.wait_dma2 semaphore(%arg15 : memref<!tpu.dma_semaphore, #tpu.memory_space<semaphore_mem>>) src(%dma_wait3A_294 : memref<128x128xf32, #tpu.memory_space<vmem>>) dst(%dma_wait3A_290 : memref<128x128xf32, #tpu.memory_space<hbm>>)
      %dma_wait3A_295 = arith.constant 1 : i32
      %dma_wait3A_296 = arith.constant 0 : i32
      %dma_wait3A_297 = arith.constant 0 : i32
      %dma_wait3A_298 = tpu.memref_slice %arg11[%dma_wait3A_295, %dma_wait3A_296, %dma_wait3A_297] : memref<2x128x256xf32, #tpu.memory_space<vmem>> -> memref<1x128x256xf32, #tpu.memory_space<vmem>>
      %dma_wait3A_299 = tpu.memref_squeeze %dma_wait3A_298 : memref<1x128x256xf32, #tpu.memory_space<vmem>> -> memref<128x256xf32, #tpu.memory_space<vmem>>
      %dma_wait3A_300 = arith.constant 0 : i32
      %dma_wait3A_301 = tpu.memref_slice %arg7[%add3A_21, %dma_wait3A_300] : memref<163840x256xf32, #tpu.memory_space<hbm>> -> memref<128x256xf32, #tpu.memory_space<hbm>>
      %dma_wait3A_302 = arith.constant 0 : i32
      %dma_wait3A_303 = tpu.memref_slice %arg7[%add3A_21, %dma_wait3A_302] : memref<163840x256xf32, #tpu.memory_space<hbm>> -> memref<128x256xf32, #tpu.memory_space<hbm>>
      %dma_wait3A_304 = arith.constant 0 : i32
      %dma_wait3A_305 = arith.constant 0 : i32
      %dma_wait3A_306 = tpu.memref_slice %arg11[%dma_wait3A_295, %dma_wait3A_304, %dma_wait3A_305] : memref<2x128x256xf32, #tpu.memory_space<vmem>> -> memref<1x128x256xf32, #tpu.memory_space<vmem>>
      %dma_wait3A_307 = tpu.memref_squeeze %dma_wait3A_306 : memref<1x128x256xf32, #tpu.memory_space<vmem>> -> memref<128x256xf32, #tpu.memory_space<vmem>>
      tpu.wait_dma2 semaphore(%arg17 : memref<!tpu.dma_semaphore, #tpu.memory_space<semaphore_mem>>) src(%dma_wait3A_307 : memref<128x256xf32, #tpu.memory_space<vmem>>) dst(%dma_wait3A_303 : memref<128x256xf32, #tpu.memory_space<hbm>>)
    }
    %scan3A_6 = arith.constant 20 : i32
    return
  }
}

#map = affine_map<(d0, d1) -> (0)>
#map1 = affine_map<(d0, d1) -> (0, 0)>
#map2 = affine_map<(d0, d1) -> (0, 0, 0)>
module attributes {stable_mosaic.version = 14 : i64} {
  func.func @sc_scatter(%arg0: i32, %arg1: i32, %arg2: memref<163840xi32, #tpu.memory_space<hbm>>, %arg3: memref<163840x128xf32, #tpu.memory_space<hbm>>, %arg4: memref<163840x128xf32, #tpu.memory_space<hbm>>, %arg5: memref<10000x128xf32, #tpu.memory_space<hbm>>, %arg6: memref<2x10000x128xf32, #tpu.memory_space<hbm>>, %arg7: memref<2x10000x128xf32, #tpu.memory_space<hbm>>, %arg8: memref<10000x128xf32, #tpu.memory_space<vmem_shared>>, %arg9: memref<2x1x128xi32, #tpu.memory_space<vmem>>, %arg10: memref<2x128x128xf32, #tpu.memory_space<vmem>>, %arg11: memref<!tpu.dma_semaphore, #tpu.memory_space<semaphore_mem>>, %arg12: memref<!tpu.dma_semaphore, #tpu.memory_space<semaphore_mem>>, %arg13: memref<!tpu.dma_semaphore, #tpu.memory_space<semaphore_mem>>, %arg14: memref<!tpu.dma_semaphore, #tpu.memory_space<semaphore_mem>>) attributes {dimension_semantics = [#tpu.dimension_semantics<core_parallel>, #tpu.dimension_semantics<subcore_parallel>], iteration_bounds = array<i64: 2, 16>, scalar_prefetch = 0 : i64, scratch_operands = 7 : i64, tpu.core_type = #tpu.core_type<sc_vector_subcore>, window_params = [{transform_indices = #map}, {transform_indices = #map1}, {transform_indices = #map1}, {transform_indices = #map1}, {transform_indices = #map2}, {transform_indices = #map2}]} {
    %mul3A = arith.constant 2 : i32
    %mul3A_0 = arith.muli %arg1, %mul3A : i32
    %add3A = arith.addi %mul3A_0, %arg0 : i32
    %mul3A_1 = arith.constant 1000 : i32
    %mul3A_2 = arith.muli %arg1, %mul3A_1 : i32
    %mul3A_3 = arith.constant 5120 : i32
    %mul3A_4 = arith.muli %add3A, %mul3A_3 : i32
    %lt3A = arith.constant 10 : i32
    %lt3A_5 = arith.cmpi slt, %arg1, %lt3A : i32
    %convert_element_type3A = arith.extui %lt3A_5 : i1 to i32
    %cond3A = arith.constant 0 : i32
    %cond3A_6 = arith.cmpi ne, %convert_element_type3A, %cond3A : i32
    scf.if %cond3A_6 {
      "tpu.region"() ({
        %run_scoped3A = tpu.sem_alloc : memref<!tpu.dma_semaphore, #tpu.memory_space<semaphore_mem>>
        %dma_start3A = arith.constant 0 : i32
        %dma_start3A_34 = tpu.memref_slice %arg8[%mul3A_2, %dma_start3A] : memref<10000x128xf32, #tpu.memory_space<vmem_shared>> -> memref<1000x128xf32, #tpu.memory_space<vmem_shared>>
        %dma_start3A_35 = arith.constant 0 : i32
        %dma_start3A_36 = tpu.memref_slice %arg5[%mul3A_2, %dma_start3A_35] : memref<10000x128xf32, #tpu.memory_space<hbm>> -> memref<1000x128xf32, #tpu.memory_space<hbm>>
        tpu.enqueue_dma source(%dma_start3A_36 : memref<1000x128xf32, #tpu.memory_space<hbm>>) target(%dma_start3A_34 : memref<1000x128xf32, #tpu.memory_space<vmem_shared>>) target_semaphore(%run_scoped3A : memref<!tpu.dma_semaphore, #tpu.memory_space<semaphore_mem>>)
        %dma_wait3A = arith.constant 0 : i32
        %dma_wait3A_37 = tpu.memref_slice %arg8[%mul3A_2, %dma_wait3A] : memref<10000x128xf32, #tpu.memory_space<vmem_shared>> -> memref<1000x128xf32, #tpu.memory_space<vmem_shared>>
        %dma_wait3A_38 = arith.constant 0 : i32
        %dma_wait3A_39 = tpu.memref_slice %arg5[%mul3A_2, %dma_wait3A_38] : memref<10000x128xf32, #tpu.memory_space<hbm>> -> memref<1000x128xf32, #tpu.memory_space<hbm>>
        tpu.wait_dma2 semaphore(%run_scoped3A : memref<!tpu.dma_semaphore, #tpu.memory_space<semaphore_mem>>) src(%dma_wait3A_39 : memref<1000x128xf32, #tpu.memory_space<hbm>>) dst(%dma_wait3A_37 : memref<1000x128xf32, #tpu.memory_space<vmem_shared>>)
        tpu.yield
      }) : () -> ()
    } else {
    }
    %barrier3A = arith.constant 0 : index
    tpu.barrier barrier_id(%barrier3A)
    %scan3A = arith.constant 0 : i32
    %scan3A_7 = arith.constant 20 : i32
    %scan3A_8 = arith.addi %scan3A, %scan3A_7 : i32
    %scan3A_9 = arith.constant 1 : i32
    scf.for %scan3A_34 = %scan3A to %scan3A_8 step %scan3A_9  : i32 {
      %mul3A_35 = arith.constant 1 : i32
      %mul3A_36 = arith.muli %scan3A_34, %mul3A_35 : i32
      %add3A_37 = arith.constant 0 : i32
      %add3A_38 = arith.addi %add3A_37, %mul3A_36 : i32
      %mul3A_39 = arith.constant 2 : i32
      %mul3A_40 = arith.muli %add3A_38, %mul3A_39 : i32
      %mul3A_41 = arith.constant 128 : i32
      %mul3A_42 = arith.muli %mul3A_40, %mul3A_41 : i32
      %add3A_43 = arith.addi %mul3A_4, %mul3A_42 : i32
      %mul3A_44 = arith.constant 128 : i32
      %mul3A_45 = arith.muli %mul3A_40, %mul3A_44 : i32
      %add3A_46 = arith.addi %mul3A_4, %mul3A_45 : i32
      %add3A_47 = arith.constant 128 : i32
      %add3A_48 = arith.addi %add3A_46, %add3A_47 : i32
      %dma_start3A = arith.constant 0 : i32
      %dma_start3A_49 = arith.constant 0 : i32
      %dma_start3A_50 = arith.constant 0 : i32
      %dma_start3A_51 = tpu.memref_slice %arg9[%dma_start3A, %dma_start3A_49, %dma_start3A_50] : memref<2x1x128xi32, #tpu.memory_space<vmem>> -> memref<1x1x128xi32, #tpu.memory_space<vmem>>
      %dma_start3A_52 = tpu.memref_squeeze %dma_start3A_51 : memref<1x1x128xi32, #tpu.memory_space<vmem>> -> memref<128xi32, #tpu.memory_space<vmem>>
      %dma_start3A_53 = tpu.memref_slice %arg2[%add3A_43] : memref<163840xi32, #tpu.memory_space<hbm>> -> memref<128xi32, #tpu.memory_space<hbm>>
      %dma_start3A_54 = arith.constant 0 : i32
      %dma_start3A_55 = tpu.memref_slice %arg9[%dma_start3A, %dma_start3A_49, %dma_start3A_54] : memref<2x1x128xi32, #tpu.memory_space<vmem>> -> memref<1x1x128xi32, #tpu.memory_space<vmem>>
      %dma_start3A_56 = tpu.memref_squeeze %dma_start3A_55 : memref<1x1x128xi32, #tpu.memory_space<vmem>> -> memref<128xi32, #tpu.memory_space<vmem>>
      %dma_start3A_57 = tpu.memref_slice %arg2[%add3A_43] : memref<163840xi32, #tpu.memory_space<hbm>> -> memref<128xi32, #tpu.memory_space<hbm>>
      tpu.enqueue_dma source(%dma_start3A_57 : memref<128xi32, #tpu.memory_space<hbm>>) target(%dma_start3A_56 : memref<128xi32, #tpu.memory_space<vmem>>) target_semaphore(%arg11 : memref<!tpu.dma_semaphore, #tpu.memory_space<semaphore_mem>>)
      %dma_start3A_58 = arith.constant 0 : i32
      %dma_start3A_59 = arith.constant 0 : i32
      %dma_start3A_60 = arith.constant 0 : i32
      %dma_start3A_61 = tpu.memref_slice %arg10[%dma_start3A_58, %dma_start3A_59, %dma_start3A_60] : memref<2x128x128xf32, #tpu.memory_space<vmem>> -> memref<1x128x128xf32, #tpu.memory_space<vmem>>
      %dma_start3A_62 = tpu.memref_squeeze %dma_start3A_61 : memref<1x128x128xf32, #tpu.memory_space<vmem>> -> memref<128x128xf32, #tpu.memory_space<vmem>>
      %dma_start3A_63 = arith.constant 0 : i32
      %dma_start3A_64 = tpu.memref_slice %arg3[%add3A_43, %dma_start3A_63] : memref<163840x128xf32, #tpu.memory_space<hbm>> -> memref<128x128xf32, #tpu.memory_space<hbm>>
      %dma_start3A_65 = arith.constant 0 : i32
      %dma_start3A_66 = arith.constant 0 : i32
      %dma_start3A_67 = tpu.memref_slice %arg10[%dma_start3A_58, %dma_start3A_65, %dma_start3A_66] : memref<2x128x128xf32, #tpu.memory_space<vmem>> -> memref<1x128x128xf32, #tpu.memory_space<vmem>>
      %dma_start3A_68 = tpu.memref_squeeze %dma_start3A_67 : memref<1x128x128xf32, #tpu.memory_space<vmem>> -> memref<128x128xf32, #tpu.memory_space<vmem>>
      %dma_start3A_69 = arith.constant 0 : i32
      %dma_start3A_70 = tpu.memref_slice %arg3[%add3A_43, %dma_start3A_69] : memref<163840x128xf32, #tpu.memory_space<hbm>> -> memref<128x128xf32, #tpu.memory_space<hbm>>
      tpu.enqueue_dma source(%dma_start3A_70 : memref<128x128xf32, #tpu.memory_space<hbm>>) target(%dma_start3A_68 : memref<128x128xf32, #tpu.memory_space<vmem>>) target_semaphore(%arg13 : memref<!tpu.dma_semaphore, #tpu.memory_space<semaphore_mem>>)
      %dma_start3A_71 = arith.constant 1 : i32
      %dma_start3A_72 = arith.constant 0 : i32
      %dma_start3A_73 = arith.constant 0 : i32
      %dma_start3A_74 = tpu.memref_slice %arg9[%dma_start3A_71, %dma_start3A_72, %dma_start3A_73] : memref<2x1x128xi32, #tpu.memory_space<vmem>> -> memref<1x1x128xi32, #tpu.memory_space<vmem>>
      %dma_start3A_75 = tpu.memref_squeeze %dma_start3A_74 : memref<1x1x128xi32, #tpu.memory_space<vmem>> -> memref<128xi32, #tpu.memory_space<vmem>>
      %dma_start3A_76 = tpu.memref_slice %arg2[%add3A_48] : memref<163840xi32, #tpu.memory_space<hbm>> -> memref<128xi32, #tpu.memory_space<hbm>>
      %dma_start3A_77 = arith.constant 0 : i32
      %dma_start3A_78 = tpu.memref_slice %arg9[%dma_start3A_71, %dma_start3A_72, %dma_start3A_77] : memref<2x1x128xi32, #tpu.memory_space<vmem>> -> memref<1x1x128xi32, #tpu.memory_space<vmem>>
      %dma_start3A_79 = tpu.memref_squeeze %dma_start3A_78 : memref<1x1x128xi32, #tpu.memory_space<vmem>> -> memref<128xi32, #tpu.memory_space<vmem>>
      %dma_start3A_80 = tpu.memref_slice %arg2[%add3A_48] : memref<163840xi32, #tpu.memory_space<hbm>> -> memref<128xi32, #tpu.memory_space<hbm>>
      tpu.enqueue_dma source(%dma_start3A_80 : memref<128xi32, #tpu.memory_space<hbm>>) target(%dma_start3A_79 : memref<128xi32, #tpu.memory_space<vmem>>) target_semaphore(%arg12 : memref<!tpu.dma_semaphore, #tpu.memory_space<semaphore_mem>>)
      %dma_start3A_81 = arith.constant 1 : i32
      %dma_start3A_82 = arith.constant 0 : i32
      %dma_start3A_83 = arith.constant 0 : i32
      %dma_start3A_84 = tpu.memref_slice %arg10[%dma_start3A_81, %dma_start3A_82, %dma_start3A_83] : memref<2x128x128xf32, #tpu.memory_space<vmem>> -> memref<1x128x128xf32, #tpu.memory_space<vmem>>
      %dma_start3A_85 = tpu.memref_squeeze %dma_start3A_84 : memref<1x128x128xf32, #tpu.memory_space<vmem>> -> memref<128x128xf32, #tpu.memory_space<vmem>>
      %dma_start3A_86 = arith.constant 0 : i32
      %dma_start3A_87 = tpu.memref_slice %arg3[%add3A_48, %dma_start3A_86] : memref<163840x128xf32, #tpu.memory_space<hbm>> -> memref<128x128xf32, #tpu.memory_space<hbm>>
      %dma_start3A_88 = arith.constant 0 : i32
      %dma_start3A_89 = arith.constant 0 : i32
      %dma_start3A_90 = tpu.memref_slice %arg10[%dma_start3A_81, %dma_start3A_88, %dma_start3A_89] : memref<2x128x128xf32, #tpu.memory_space<vmem>> -> memref<1x128x128xf32, #tpu.memory_space<vmem>>
      %dma_start3A_91 = tpu.memref_squeeze %dma_start3A_90 : memref<1x128x128xf32, #tpu.memory_space<vmem>> -> memref<128x128xf32, #tpu.memory_space<vmem>>
      %dma_start3A_92 = arith.constant 0 : i32
      %dma_start3A_93 = tpu.memref_slice %arg3[%add3A_48, %dma_start3A_92] : memref<163840x128xf32, #tpu.memory_space<hbm>> -> memref<128x128xf32, #tpu.memory_space<hbm>>
      tpu.enqueue_dma source(%dma_start3A_93 : memref<128x128xf32, #tpu.memory_space<hbm>>) target(%dma_start3A_91 : memref<128x128xf32, #tpu.memory_space<vmem>>) target_semaphore(%arg14 : memref<!tpu.dma_semaphore, #tpu.memory_space<semaphore_mem>>)
      %dma_wait3A = arith.constant 0 : i32
      %dma_wait3A_94 = arith.constant 0 : i32
      %dma_wait3A_95 = arith.constant 0 : i32
      %dma_wait3A_96 = tpu.memref_slice %arg9[%dma_wait3A, %dma_wait3A_94, %dma_wait3A_95] : memref<2x1x128xi32, #tpu.memory_space<vmem>> -> memref<1x1x128xi32, #tpu.memory_space<vmem>>
      %dma_wait3A_97 = tpu.memref_squeeze %dma_wait3A_96 : memref<1x1x128xi32, #tpu.memory_space<vmem>> -> memref<128xi32, #tpu.memory_space<vmem>>
      %dma_wait3A_98 = tpu.memref_slice %arg2[%add3A_43] : memref<163840xi32, #tpu.memory_space<hbm>> -> memref<128xi32, #tpu.memory_space<hbm>>
      %dma_wait3A_99 = arith.constant 0 : i32
      %dma_wait3A_100 = tpu.memref_slice %arg9[%dma_wait3A, %dma_wait3A_94, %dma_wait3A_99] : memref<2x1x128xi32, #tpu.memory_space<vmem>> -> memref<1x1x128xi32, #tpu.memory_space<vmem>>
      %dma_wait3A_101 = tpu.memref_squeeze %dma_wait3A_100 : memref<1x1x128xi32, #tpu.memory_space<vmem>> -> memref<128xi32, #tpu.memory_space<vmem>>
      %dma_wait3A_102 = tpu.memref_slice %arg2[%add3A_43] : memref<163840xi32, #tpu.memory_space<hbm>> -> memref<128xi32, #tpu.memory_space<hbm>>
      tpu.wait_dma2 semaphore(%arg11 : memref<!tpu.dma_semaphore, #tpu.memory_space<semaphore_mem>>) src(%dma_wait3A_102 : memref<128xi32, #tpu.memory_space<hbm>>) dst(%dma_wait3A_101 : memref<128xi32, #tpu.memory_space<vmem>>)
      %dma_wait3A_103 = arith.constant 0 : i32
      %dma_wait3A_104 = arith.constant 0 : i32
      %dma_wait3A_105 = arith.constant 0 : i32
      %dma_wait3A_106 = tpu.memref_slice %arg10[%dma_wait3A_103, %dma_wait3A_104, %dma_wait3A_105] : memref<2x128x128xf32, #tpu.memory_space<vmem>> -> memref<1x128x128xf32, #tpu.memory_space<vmem>>
      %dma_wait3A_107 = tpu.memref_squeeze %dma_wait3A_106 : memref<1x128x128xf32, #tpu.memory_space<vmem>> -> memref<128x128xf32, #tpu.memory_space<vmem>>
      %dma_wait3A_108 = arith.constant 0 : i32
      %dma_wait3A_109 = tpu.memref_slice %arg3[%add3A_43, %dma_wait3A_108] : memref<163840x128xf32, #tpu.memory_space<hbm>> -> memref<128x128xf32, #tpu.memory_space<hbm>>
      %dma_wait3A_110 = arith.constant 0 : i32
      %dma_wait3A_111 = arith.constant 0 : i32
      %dma_wait3A_112 = tpu.memref_slice %arg10[%dma_wait3A_103, %dma_wait3A_110, %dma_wait3A_111] : memref<2x128x128xf32, #tpu.memory_space<vmem>> -> memref<1x128x128xf32, #tpu.memory_space<vmem>>
      %dma_wait3A_113 = tpu.memref_squeeze %dma_wait3A_112 : memref<1x128x128xf32, #tpu.memory_space<vmem>> -> memref<128x128xf32, #tpu.memory_space<vmem>>
      %dma_wait3A_114 = arith.constant 0 : i32
      %dma_wait3A_115 = tpu.memref_slice %arg3[%add3A_43, %dma_wait3A_114] : memref<163840x128xf32, #tpu.memory_space<hbm>> -> memref<128x128xf32, #tpu.memory_space<hbm>>
      tpu.wait_dma2 semaphore(%arg13 : memref<!tpu.dma_semaphore, #tpu.memory_space<semaphore_mem>>) src(%dma_wait3A_115 : memref<128x128xf32, #tpu.memory_space<hbm>>) dst(%dma_wait3A_113 : memref<128x128xf32, #tpu.memory_space<vmem>>)
      %dma_start3A_116 = arith.constant 0 : i32
      %dma_start3A_117 = arith.constant 0 : i32
      %dma_start3A_118 = arith.constant 0 : i32
      %dma_start3A_119 = arith.constant 0 : i32
      %dma_start3A_120 = arith.constant 0 : i32
      %dma_start3A_121 = tpu.memref_slice %arg10[%dma_start3A_116, %dma_start3A_119, %dma_start3A_120] : memref<2x128x128xf32, #tpu.memory_space<vmem>> -> memref<1x128x128xf32, #tpu.memory_space<vmem>>
      %dma_start3A_122 = tpu.memref_squeeze %dma_start3A_121 : memref<1x128x128xf32, #tpu.memory_space<vmem>> -> memref<128x128xf32, #tpu.memory_space<vmem>>
      %dma_start3A_123 = arith.constant 0 : i32
      %dma_start3A_124 = tpu.memref_slice %arg9[%dma_start3A_117, %dma_start3A_118, %dma_start3A_123] : memref<2x1x128xi32, #tpu.memory_space<vmem>> -> memref<1x1x128xi32, #tpu.memory_space<vmem>>
      %dma_start3A_125 = tpu.memref_squeeze %dma_start3A_124 : memref<1x1x128xi32, #tpu.memory_space<vmem>> -> memref<128xi32, #tpu.memory_space<vmem>>
      %dma_start3A_126 = arith.constant 0 : i32
      %dma_start3A_127 = arith.constant 0 : i32
      %dma_start3A_128 = tpu.memref_slice %arg8[%dma_start3A_126, %dma_start3A_127] : memref<10000x128xf32, #tpu.memory_space<vmem_shared>> -> memref<10000x128xf32, #tpu.memory_space<vmem_shared>>
      tpu.enqueue_indirect_dma source(%dma_start3A_122 : memref<128x128xf32, #tpu.memory_space<vmem>>) target(%dma_start3A_128 : memref<10000x128xf32, #tpu.memory_space<vmem_shared>>) offsets(%dma_start3A_125 : memref<128xi32, #tpu.memory_space<vmem>>) semaphore(%arg13 : memref<!tpu.dma_semaphore, #tpu.memory_space<semaphore_mem>>) {add = true}
      %dma_wait3A_129 = arith.constant 1 : i32
      %dma_wait3A_130 = arith.constant 0 : i32
      %dma_wait3A_131 = arith.constant 0 : i32
      %dma_wait3A_132 = tpu.memref_slice %arg9[%dma_wait3A_129, %dma_wait3A_130, %dma_wait3A_131] : memref<2x1x128xi32, #tpu.memory_space<vmem>> -> memref<1x1x128xi32, #tpu.memory_space<vmem>>
      %dma_wait3A_133 = tpu.memref_squeeze %dma_wait3A_132 : memref<1x1x128xi32, #tpu.memory_space<vmem>> -> memref<128xi32, #tpu.memory_space<vmem>>
      %dma_wait3A_134 = tpu.memref_slice %arg2[%add3A_48] : memref<163840xi32, #tpu.memory_space<hbm>> -> memref<128xi32, #tpu.memory_space<hbm>>
      %dma_wait3A_135 = arith.constant 0 : i32
      %dma_wait3A_136 = tpu.memref_slice %arg9[%dma_wait3A_129, %dma_wait3A_130, %dma_wait3A_135] : memref<2x1x128xi32, #tpu.memory_space<vmem>> -> memref<1x1x128xi32, #tpu.memory_space<vmem>>
      %dma_wait3A_137 = tpu.memref_squeeze %dma_wait3A_136 : memref<1x1x128xi32, #tpu.memory_space<vmem>> -> memref<128xi32, #tpu.memory_space<vmem>>
      %dma_wait3A_138 = tpu.memref_slice %arg2[%add3A_48] : memref<163840xi32, #tpu.memory_space<hbm>> -> memref<128xi32, #tpu.memory_space<hbm>>
      tpu.wait_dma2 semaphore(%arg12 : memref<!tpu.dma_semaphore, #tpu.memory_space<semaphore_mem>>) src(%dma_wait3A_138 : memref<128xi32, #tpu.memory_space<hbm>>) dst(%dma_wait3A_137 : memref<128xi32, #tpu.memory_space<vmem>>)
      %dma_wait3A_139 = arith.constant 1 : i32
      %dma_wait3A_140 = arith.constant 0 : i32
      %dma_wait3A_141 = arith.constant 0 : i32
      %dma_wait3A_142 = tpu.memref_slice %arg10[%dma_wait3A_139, %dma_wait3A_140, %dma_wait3A_141] : memref<2x128x128xf32, #tpu.memory_space<vmem>> -> memref<1x128x128xf32, #tpu.memory_space<vmem>>
      %dma_wait3A_143 = tpu.memref_squeeze %dma_wait3A_142 : memref<1x128x128xf32, #tpu.memory_space<vmem>> -> memref<128x128xf32, #tpu.memory_space<vmem>>
      %dma_wait3A_144 = arith.constant 0 : i32
      %dma_wait3A_145 = tpu.memref_slice %arg3[%add3A_48, %dma_wait3A_144] : memref<163840x128xf32, #tpu.memory_space<hbm>> -> memref<128x128xf32, #tpu.memory_space<hbm>>
      %dma_wait3A_146 = arith.constant 0 : i32
      %dma_wait3A_147 = arith.constant 0 : i32
      %dma_wait3A_148 = tpu.memref_slice %arg10[%dma_wait3A_139, %dma_wait3A_146, %dma_wait3A_147] : memref<2x128x128xf32, #tpu.memory_space<vmem>> -> memref<1x128x128xf32, #tpu.memory_space<vmem>>
      %dma_wait3A_149 = tpu.memref_squeeze %dma_wait3A_148 : memref<1x128x128xf32, #tpu.memory_space<vmem>> -> memref<128x128xf32, #tpu.memory_space<vmem>>
      %dma_wait3A_150 = arith.constant 0 : i32
      %dma_wait3A_151 = tpu.memref_slice %arg3[%add3A_48, %dma_wait3A_150] : memref<163840x128xf32, #tpu.memory_space<hbm>> -> memref<128x128xf32, #tpu.memory_space<hbm>>
      tpu.wait_dma2 semaphore(%arg14 : memref<!tpu.dma_semaphore, #tpu.memory_space<semaphore_mem>>) src(%dma_wait3A_151 : memref<128x128xf32, #tpu.memory_space<hbm>>) dst(%dma_wait3A_149 : memref<128x128xf32, #tpu.memory_space<vmem>>)
      %dma_start3A_152 = arith.constant 1 : i32
      %dma_start3A_153 = arith.constant 1 : i32
      %dma_start3A_154 = arith.constant 0 : i32
      %dma_start3A_155 = arith.constant 0 : i32
      %dma_start3A_156 = arith.constant 0 : i32
      %dma_start3A_157 = tpu.memref_slice %arg10[%dma_start3A_152, %dma_start3A_155, %dma_start3A_156] : memref<2x128x128xf32, #tpu.memory_space<vmem>> -> memref<1x128x128xf32, #tpu.memory_space<vmem>>
      %dma_start3A_158 = tpu.memref_squeeze %dma_start3A_157 : memref<1x128x128xf32, #tpu.memory_space<vmem>> -> memref<128x128xf32, #tpu.memory_space<vmem>>
      %dma_start3A_159 = arith.constant 0 : i32
      %dma_start3A_160 = tpu.memref_slice %arg9[%dma_start3A_153, %dma_start3A_154, %dma_start3A_159] : memref<2x1x128xi32, #tpu.memory_space<vmem>> -> memref<1x1x128xi32, #tpu.memory_space<vmem>>
      %dma_start3A_161 = tpu.memref_squeeze %dma_start3A_160 : memref<1x1x128xi32, #tpu.memory_space<vmem>> -> memref<128xi32, #tpu.memory_space<vmem>>
      %dma_start3A_162 = arith.constant 0 : i32
      %dma_start3A_163 = arith.constant 0 : i32
      %dma_start3A_164 = tpu.memref_slice %arg8[%dma_start3A_162, %dma_start3A_163] : memref<10000x128xf32, #tpu.memory_space<vmem_shared>> -> memref<10000x128xf32, #tpu.memory_space<vmem_shared>>
      tpu.enqueue_indirect_dma source(%dma_start3A_158 : memref<128x128xf32, #tpu.memory_space<vmem>>) target(%dma_start3A_164 : memref<10000x128xf32, #tpu.memory_space<vmem_shared>>) offsets(%dma_start3A_161 : memref<128xi32, #tpu.memory_space<vmem>>) semaphore(%arg14 : memref<!tpu.dma_semaphore, #tpu.memory_space<semaphore_mem>>) {add = true}
      %dma_wait3A_165 = arith.constant 0 : i32
      %dma_wait3A_166 = arith.constant 0 : i32
      %dma_wait3A_167 = arith.constant 0 : i32
      %dma_wait3A_168 = arith.constant 0 : i32
      %dma_wait3A_169 = arith.constant 0 : i32
      %dma_wait3A_170 = tpu.memref_slice %arg10[%dma_wait3A_165, %dma_wait3A_168, %dma_wait3A_169] : memref<2x128x128xf32, #tpu.memory_space<vmem>> -> memref<1x128x128xf32, #tpu.memory_space<vmem>>
      %dma_wait3A_171 = tpu.memref_squeeze %dma_wait3A_170 : memref<1x128x128xf32, #tpu.memory_space<vmem>> -> memref<128x128xf32, #tpu.memory_space<vmem>>
      %dma_wait3A_172 = arith.constant 0 : i32
      %dma_wait3A_173 = tpu.memref_slice %arg9[%dma_wait3A_166, %dma_wait3A_167, %dma_wait3A_172] : memref<2x1x128xi32, #tpu.memory_space<vmem>> -> memref<1x1x128xi32, #tpu.memory_space<vmem>>
      %dma_wait3A_174 = tpu.memref_squeeze %dma_wait3A_173 : memref<1x1x128xi32, #tpu.memory_space<vmem>> -> memref<128xi32, #tpu.memory_space<vmem>>
      %dma_wait3A_175 = arith.constant 0 : i32
      %dma_wait3A_176 = arith.constant 0 : i32
      %dma_wait3A_177 = tpu.memref_slice %arg8[%dma_wait3A_175, %dma_wait3A_176] : memref<10000x128xf32, #tpu.memory_space<vmem_shared>> -> memref<10000x128xf32, #tpu.memory_space<vmem_shared>>
      tpu.wait_indirect_dma semaphore(%arg13 : memref<!tpu.dma_semaphore, #tpu.memory_space<semaphore_mem>>) src(%dma_wait3A_171 : memref<128x128xf32, #tpu.memory_space<vmem>>) dst(%dma_wait3A_177 : memref<10000x128xf32, #tpu.memory_space<vmem_shared>>)
      %dma_wait3A_178 = arith.constant 1 : i32
      %dma_wait3A_179 = arith.constant 1 : i32
      %dma_wait3A_180 = arith.constant 0 : i32
      %dma_wait3A_181 = arith.constant 0 : i32
      %dma_wait3A_182 = arith.constant 0 : i32
      %dma_wait3A_183 = tpu.memref_slice %arg10[%dma_wait3A_178, %dma_wait3A_181, %dma_wait3A_182] : memref<2x128x128xf32, #tpu.memory_space<vmem>> -> memref<1x128x128xf32, #tpu.memory_space<vmem>>
      %dma_wait3A_184 = tpu.memref_squeeze %dma_wait3A_183 : memref<1x128x128xf32, #tpu.memory_space<vmem>> -> memref<128x128xf32, #tpu.memory_space<vmem>>
      %dma_wait3A_185 = arith.constant 0 : i32
      %dma_wait3A_186 = tpu.memref_slice %arg9[%dma_wait3A_179, %dma_wait3A_180, %dma_wait3A_185] : memref<2x1x128xi32, #tpu.memory_space<vmem>> -> memref<1x1x128xi32, #tpu.memory_space<vmem>>
      %dma_wait3A_187 = tpu.memref_squeeze %dma_wait3A_186 : memref<1x1x128xi32, #tpu.memory_space<vmem>> -> memref<128xi32, #tpu.memory_space<vmem>>
      %dma_wait3A_188 = arith.constant 0 : i32
      %dma_wait3A_189 = arith.constant 0 : i32
      %dma_wait3A_190 = tpu.memref_slice %arg8[%dma_wait3A_188, %dma_wait3A_189] : memref<10000x128xf32, #tpu.memory_space<vmem_shared>> -> memref<10000x128xf32, #tpu.memory_space<vmem_shared>>
      tpu.wait_indirect_dma semaphore(%arg14 : memref<!tpu.dma_semaphore, #tpu.memory_space<semaphore_mem>>) src(%dma_wait3A_184 : memref<128x128xf32, #tpu.memory_space<vmem>>) dst(%dma_wait3A_190 : memref<10000x128xf32, #tpu.memory_space<vmem_shared>>)
    }
    %scan3A_10 = arith.constant 20 : i32
    %barrier3A_11 = arith.constant 0 : index
    tpu.barrier barrier_id(%barrier3A_11)
    %lt3A_12 = arith.constant 10 : i32
    %lt3A_13 = arith.cmpi slt, %arg1, %lt3A_12 : i32
    %convert_element_type3A_14 = arith.extui %lt3A_13 : i1 to i32
    %cond3A_15 = arith.constant 0 : i32
    %cond3A_16 = arith.cmpi ne, %convert_element_type3A_14, %cond3A_15 : i32
    scf.if %cond3A_16 {
      "tpu.region"() ({
        %run_scoped3A = tpu.sem_alloc : memref<!tpu.dma_semaphore, #tpu.memory_space<semaphore_mem>>
        %dma_start3A = arith.constant 0 : i32
        %dma_start3A_34 = tpu.memref_slice %arg6[%arg0, %mul3A_2, %dma_start3A] : memref<2x10000x128xf32, #tpu.memory_space<hbm>> -> memref<1x1000x128xf32, #tpu.memory_space<hbm>>
        %dma_start3A_35 = tpu.memref_squeeze %dma_start3A_34 : memref<1x1000x128xf32, #tpu.memory_space<hbm>> -> memref<1000x128xf32, #tpu.memory_space<hbm>>
        %dma_start3A_36 = arith.constant 0 : i32
        %dma_start3A_37 = tpu.memref_slice %arg8[%mul3A_2, %dma_start3A_36] : memref<10000x128xf32, #tpu.memory_space<vmem_shared>> -> memref<1000x128xf32, #tpu.memory_space<vmem_shared>>
        tpu.enqueue_dma source(%dma_start3A_37 : memref<1000x128xf32, #tpu.memory_space<vmem_shared>>) target(%dma_start3A_35 : memref<1000x128xf32, #tpu.memory_space<hbm>>) target_semaphore(%run_scoped3A : memref<!tpu.dma_semaphore, #tpu.memory_space<semaphore_mem>>)
        %dma_wait3A = arith.constant 0 : i32
        %dma_wait3A_38 = tpu.memref_slice %arg6[%arg0, %mul3A_2, %dma_wait3A] : memref<2x10000x128xf32, #tpu.memory_space<hbm>> -> memref<1x1000x128xf32, #tpu.memory_space<hbm>>
        %dma_wait3A_39 = tpu.memref_squeeze %dma_wait3A_38 : memref<1x1000x128xf32, #tpu.memory_space<hbm>> -> memref<1000x128xf32, #tpu.memory_space<hbm>>
        %dma_wait3A_40 = arith.constant 0 : i32
        %dma_wait3A_41 = tpu.memref_slice %arg8[%mul3A_2, %dma_wait3A_40] : memref<10000x128xf32, #tpu.memory_space<vmem_shared>> -> memref<1000x128xf32, #tpu.memory_space<vmem_shared>>
        tpu.wait_dma2 semaphore(%run_scoped3A : memref<!tpu.dma_semaphore, #tpu.memory_space<semaphore_mem>>) src(%dma_wait3A_41 : memref<1000x128xf32, #tpu.memory_space<vmem_shared>>) dst(%dma_wait3A_39 : memref<1000x128xf32, #tpu.memory_space<hbm>>)
        tpu.yield
      }) : () -> ()
    } else {
    }
    %lt3A_17 = arith.constant 10 : i32
    %lt3A_18 = arith.cmpi slt, %arg1, %lt3A_17 : i32
    %convert_element_type3A_19 = arith.extui %lt3A_18 : i1 to i32
    %cond3A_20 = arith.constant 0 : i32
    %cond3A_21 = arith.cmpi ne, %convert_element_type3A_19, %cond3A_20 : i32
    scf.if %cond3A_21 {
      "tpu.region"() ({
        %run_scoped3A = tpu.sem_alloc : memref<!tpu.dma_semaphore, #tpu.memory_space<semaphore_mem>>
        %dma_start3A = arith.constant 0 : i32
        %dma_start3A_34 = tpu.memref_slice %arg8[%mul3A_2, %dma_start3A] : memref<10000x128xf32, #tpu.memory_space<vmem_shared>> -> memref<1000x128xf32, #tpu.memory_space<vmem_shared>>
        %dma_start3A_35 = arith.constant 0 : i32
        %dma_start3A_36 = tpu.memref_slice %arg5[%mul3A_2, %dma_start3A_35] : memref<10000x128xf32, #tpu.memory_space<hbm>> -> memref<1000x128xf32, #tpu.memory_space<hbm>>
        tpu.enqueue_dma source(%dma_start3A_36 : memref<1000x128xf32, #tpu.memory_space<hbm>>) target(%dma_start3A_34 : memref<1000x128xf32, #tpu.memory_space<vmem_shared>>) target_semaphore(%run_scoped3A : memref<!tpu.dma_semaphore, #tpu.memory_space<semaphore_mem>>)
        %dma_wait3A = arith.constant 0 : i32
        %dma_wait3A_37 = tpu.memref_slice %arg8[%mul3A_2, %dma_wait3A] : memref<10000x128xf32, #tpu.memory_space<vmem_shared>> -> memref<1000x128xf32, #tpu.memory_space<vmem_shared>>
        %dma_wait3A_38 = arith.constant 0 : i32
        %dma_wait3A_39 = tpu.memref_slice %arg5[%mul3A_2, %dma_wait3A_38] : memref<10000x128xf32, #tpu.memory_space<hbm>> -> memref<1000x128xf32, #tpu.memory_space<hbm>>
        tpu.wait_dma2 semaphore(%run_scoped3A : memref<!tpu.dma_semaphore, #tpu.memory_space<semaphore_mem>>) src(%dma_wait3A_39 : memref<1000x128xf32, #tpu.memory_space<hbm>>) dst(%dma_wait3A_37 : memref<1000x128xf32, #tpu.memory_space<vmem_shared>>)
        tpu.yield
      }) : () -> ()
    } else {
    }
    %barrier3A_22 = arith.constant 0 : index
    tpu.barrier barrier_id(%barrier3A_22)
    %scan3A_23 = arith.constant 0 : i32
    %scan3A_24 = arith.constant 20 : i32
    %scan3A_25 = arith.addi %scan3A_23, %scan3A_24 : i32
    %scan3A_26 = arith.constant 1 : i32
    scf.for %scan3A_34 = %scan3A_23 to %scan3A_25 step %scan3A_26  : i32 {
      %mul3A_35 = arith.constant 1 : i32
      %mul3A_36 = arith.muli %scan3A_34, %mul3A_35 : i32
      %add3A_37 = arith.constant 0 : i32
      %add3A_38 = arith.addi %add3A_37, %mul3A_36 : i32
      %mul3A_39 = arith.constant 2 : i32
      %mul3A_40 = arith.muli %add3A_38, %mul3A_39 : i32
      %mul3A_41 = arith.constant 128 : i32
      %mul3A_42 = arith.muli %mul3A_40, %mul3A_41 : i32
      %add3A_43 = arith.addi %mul3A_4, %mul3A_42 : i32
      %mul3A_44 = arith.constant 128 : i32
      %mul3A_45 = arith.muli %mul3A_40, %mul3A_44 : i32
      %add3A_46 = arith.addi %mul3A_4, %mul3A_45 : i32
      %add3A_47 = arith.constant 128 : i32
      %add3A_48 = arith.addi %add3A_46, %add3A_47 : i32
      %dma_start3A = arith.constant 0 : i32
      %dma_start3A_49 = arith.constant 0 : i32
      %dma_start3A_50 = arith.constant 0 : i32
      %dma_start3A_51 = tpu.memref_slice %arg9[%dma_start3A, %dma_start3A_49, %dma_start3A_50] : memref<2x1x128xi32, #tpu.memory_space<vmem>> -> memref<1x1x128xi32, #tpu.memory_space<vmem>>
      %dma_start3A_52 = tpu.memref_squeeze %dma_start3A_51 : memref<1x1x128xi32, #tpu.memory_space<vmem>> -> memref<128xi32, #tpu.memory_space<vmem>>
      %dma_start3A_53 = tpu.memref_slice %arg2[%add3A_43] : memref<163840xi32, #tpu.memory_space<hbm>> -> memref<128xi32, #tpu.memory_space<hbm>>
      %dma_start3A_54 = arith.constant 0 : i32
      %dma_start3A_55 = tpu.memref_slice %arg9[%dma_start3A, %dma_start3A_49, %dma_start3A_54] : memref<2x1x128xi32, #tpu.memory_space<vmem>> -> memref<1x1x128xi32, #tpu.memory_space<vmem>>
      %dma_start3A_56 = tpu.memref_squeeze %dma_start3A_55 : memref<1x1x128xi32, #tpu.memory_space<vmem>> -> memref<128xi32, #tpu.memory_space<vmem>>
      %dma_start3A_57 = tpu.memref_slice %arg2[%add3A_43] : memref<163840xi32, #tpu.memory_space<hbm>> -> memref<128xi32, #tpu.memory_space<hbm>>
      tpu.enqueue_dma source(%dma_start3A_57 : memref<128xi32, #tpu.memory_space<hbm>>) target(%dma_start3A_56 : memref<128xi32, #tpu.memory_space<vmem>>) target_semaphore(%arg11 : memref<!tpu.dma_semaphore, #tpu.memory_space<semaphore_mem>>)
      %dma_start3A_58 = arith.constant 0 : i32
      %dma_start3A_59 = arith.constant 0 : i32
      %dma_start3A_60 = arith.constant 0 : i32
      %dma_start3A_61 = tpu.memref_slice %arg10[%dma_start3A_58, %dma_start3A_59, %dma_start3A_60] : memref<2x128x128xf32, #tpu.memory_space<vmem>> -> memref<1x128x128xf32, #tpu.memory_space<vmem>>
      %dma_start3A_62 = tpu.memref_squeeze %dma_start3A_61 : memref<1x128x128xf32, #tpu.memory_space<vmem>> -> memref<128x128xf32, #tpu.memory_space<vmem>>
      %dma_start3A_63 = arith.constant 0 : i32
      %dma_start3A_64 = tpu.memref_slice %arg4[%add3A_43, %dma_start3A_63] : memref<163840x128xf32, #tpu.memory_space<hbm>> -> memref<128x128xf32, #tpu.memory_space<hbm>>
      %dma_start3A_65 = arith.constant 0 : i32
      %dma_start3A_66 = arith.constant 0 : i32
      %dma_start3A_67 = tpu.memref_slice %arg10[%dma_start3A_58, %dma_start3A_65, %dma_start3A_66] : memref<2x128x128xf32, #tpu.memory_space<vmem>> -> memref<1x128x128xf32, #tpu.memory_space<vmem>>
      %dma_start3A_68 = tpu.memref_squeeze %dma_start3A_67 : memref<1x128x128xf32, #tpu.memory_space<vmem>> -> memref<128x128xf32, #tpu.memory_space<vmem>>
      %dma_start3A_69 = arith.constant 0 : i32
      %dma_start3A_70 = tpu.memref_slice %arg4[%add3A_43, %dma_start3A_69] : memref<163840x128xf32, #tpu.memory_space<hbm>> -> memref<128x128xf32, #tpu.memory_space<hbm>>
      tpu.enqueue_dma source(%dma_start3A_70 : memref<128x128xf32, #tpu.memory_space<hbm>>) target(%dma_start3A_68 : memref<128x128xf32, #tpu.memory_space<vmem>>) target_semaphore(%arg13 : memref<!tpu.dma_semaphore, #tpu.memory_space<semaphore_mem>>)
      %dma_start3A_71 = arith.constant 1 : i32
      %dma_start3A_72 = arith.constant 0 : i32
      %dma_start3A_73 = arith.constant 0 : i32
      %dma_start3A_74 = tpu.memref_slice %arg9[%dma_start3A_71, %dma_start3A_72, %dma_start3A_73] : memref<2x1x128xi32, #tpu.memory_space<vmem>> -> memref<1x1x128xi32, #tpu.memory_space<vmem>>
      %dma_start3A_75 = tpu.memref_squeeze %dma_start3A_74 : memref<1x1x128xi32, #tpu.memory_space<vmem>> -> memref<128xi32, #tpu.memory_space<vmem>>
      %dma_start3A_76 = tpu.memref_slice %arg2[%add3A_48] : memref<163840xi32, #tpu.memory_space<hbm>> -> memref<128xi32, #tpu.memory_space<hbm>>
      %dma_start3A_77 = arith.constant 0 : i32
      %dma_start3A_78 = tpu.memref_slice %arg9[%dma_start3A_71, %dma_start3A_72, %dma_start3A_77] : memref<2x1x128xi32, #tpu.memory_space<vmem>> -> memref<1x1x128xi32, #tpu.memory_space<vmem>>
      %dma_start3A_79 = tpu.memref_squeeze %dma_start3A_78 : memref<1x1x128xi32, #tpu.memory_space<vmem>> -> memref<128xi32, #tpu.memory_space<vmem>>
      %dma_start3A_80 = tpu.memref_slice %arg2[%add3A_48] : memref<163840xi32, #tpu.memory_space<hbm>> -> memref<128xi32, #tpu.memory_space<hbm>>
      tpu.enqueue_dma source(%dma_start3A_80 : memref<128xi32, #tpu.memory_space<hbm>>) target(%dma_start3A_79 : memref<128xi32, #tpu.memory_space<vmem>>) target_semaphore(%arg12 : memref<!tpu.dma_semaphore, #tpu.memory_space<semaphore_mem>>)
      %dma_start3A_81 = arith.constant 1 : i32
      %dma_start3A_82 = arith.constant 0 : i32
      %dma_start3A_83 = arith.constant 0 : i32
      %dma_start3A_84 = tpu.memref_slice %arg10[%dma_start3A_81, %dma_start3A_82, %dma_start3A_83] : memref<2x128x128xf32, #tpu.memory_space<vmem>> -> memref<1x128x128xf32, #tpu.memory_space<vmem>>
      %dma_start3A_85 = tpu.memref_squeeze %dma_start3A_84 : memref<1x128x128xf32, #tpu.memory_space<vmem>> -> memref<128x128xf32, #tpu.memory_space<vmem>>
      %dma_start3A_86 = arith.constant 0 : i32
      %dma_start3A_87 = tpu.memref_slice %arg4[%add3A_48, %dma_start3A_86] : memref<163840x128xf32, #tpu.memory_space<hbm>> -> memref<128x128xf32, #tpu.memory_space<hbm>>
      %dma_start3A_88 = arith.constant 0 : i32
      %dma_start3A_89 = arith.constant 0 : i32
      %dma_start3A_90 = tpu.memref_slice %arg10[%dma_start3A_81, %dma_start3A_88, %dma_start3A_89] : memref<2x128x128xf32, #tpu.memory_space<vmem>> -> memref<1x128x128xf32, #tpu.memory_space<vmem>>
      %dma_start3A_91 = tpu.memref_squeeze %dma_start3A_90 : memref<1x128x128xf32, #tpu.memory_space<vmem>> -> memref<128x128xf32, #tpu.memory_space<vmem>>
      %dma_start3A_92 = arith.constant 0 : i32
      %dma_start3A_93 = tpu.memref_slice %arg4[%add3A_48, %dma_start3A_92] : memref<163840x128xf32, #tpu.memory_space<hbm>> -> memref<128x128xf32, #tpu.memory_space<hbm>>
      tpu.enqueue_dma source(%dma_start3A_93 : memref<128x128xf32, #tpu.memory_space<hbm>>) target(%dma_start3A_91 : memref<128x128xf32, #tpu.memory_space<vmem>>) target_semaphore(%arg14 : memref<!tpu.dma_semaphore, #tpu.memory_space<semaphore_mem>>)
      %dma_wait3A = arith.constant 0 : i32
      %dma_wait3A_94 = arith.constant 0 : i32
      %dma_wait3A_95 = arith.constant 0 : i32
      %dma_wait3A_96 = tpu.memref_slice %arg9[%dma_wait3A, %dma_wait3A_94, %dma_wait3A_95] : memref<2x1x128xi32, #tpu.memory_space<vmem>> -> memref<1x1x128xi32, #tpu.memory_space<vmem>>
      %dma_wait3A_97 = tpu.memref_squeeze %dma_wait3A_96 : memref<1x1x128xi32, #tpu.memory_space<vmem>> -> memref<128xi32, #tpu.memory_space<vmem>>
      %dma_wait3A_98 = tpu.memref_slice %arg2[%add3A_43] : memref<163840xi32, #tpu.memory_space<hbm>> -> memref<128xi32, #tpu.memory_space<hbm>>
      %dma_wait3A_99 = arith.constant 0 : i32
      %dma_wait3A_100 = tpu.memref_slice %arg9[%dma_wait3A, %dma_wait3A_94, %dma_wait3A_99] : memref<2x1x128xi32, #tpu.memory_space<vmem>> -> memref<1x1x128xi32, #tpu.memory_space<vmem>>
      %dma_wait3A_101 = tpu.memref_squeeze %dma_wait3A_100 : memref<1x1x128xi32, #tpu.memory_space<vmem>> -> memref<128xi32, #tpu.memory_space<vmem>>
      %dma_wait3A_102 = tpu.memref_slice %arg2[%add3A_43] : memref<163840xi32, #tpu.memory_space<hbm>> -> memref<128xi32, #tpu.memory_space<hbm>>
      tpu.wait_dma2 semaphore(%arg11 : memref<!tpu.dma_semaphore, #tpu.memory_space<semaphore_mem>>) src(%dma_wait3A_102 : memref<128xi32, #tpu.memory_space<hbm>>) dst(%dma_wait3A_101 : memref<128xi32, #tpu.memory_space<vmem>>)
      %dma_wait3A_103 = arith.constant 0 : i32
      %dma_wait3A_104 = arith.constant 0 : i32
      %dma_wait3A_105 = arith.constant 0 : i32
      %dma_wait3A_106 = tpu.memref_slice %arg10[%dma_wait3A_103, %dma_wait3A_104, %dma_wait3A_105] : memref<2x128x128xf32, #tpu.memory_space<vmem>> -> memref<1x128x128xf32, #tpu.memory_space<vmem>>
      %dma_wait3A_107 = tpu.memref_squeeze %dma_wait3A_106 : memref<1x128x128xf32, #tpu.memory_space<vmem>> -> memref<128x128xf32, #tpu.memory_space<vmem>>
      %dma_wait3A_108 = arith.constant 0 : i32
      %dma_wait3A_109 = tpu.memref_slice %arg4[%add3A_43, %dma_wait3A_108] : memref<163840x128xf32, #tpu.memory_space<hbm>> -> memref<128x128xf32, #tpu.memory_space<hbm>>
      %dma_wait3A_110 = arith.constant 0 : i32
      %dma_wait3A_111 = arith.constant 0 : i32
      %dma_wait3A_112 = tpu.memref_slice %arg10[%dma_wait3A_103, %dma_wait3A_110, %dma_wait3A_111] : memref<2x128x128xf32, #tpu.memory_space<vmem>> -> memref<1x128x128xf32, #tpu.memory_space<vmem>>
      %dma_wait3A_113 = tpu.memref_squeeze %dma_wait3A_112 : memref<1x128x128xf32, #tpu.memory_space<vmem>> -> memref<128x128xf32, #tpu.memory_space<vmem>>
      %dma_wait3A_114 = arith.constant 0 : i32
      %dma_wait3A_115 = tpu.memref_slice %arg4[%add3A_43, %dma_wait3A_114] : memref<163840x128xf32, #tpu.memory_space<hbm>> -> memref<128x128xf32, #tpu.memory_space<hbm>>
      tpu.wait_dma2 semaphore(%arg13 : memref<!tpu.dma_semaphore, #tpu.memory_space<semaphore_mem>>) src(%dma_wait3A_115 : memref<128x128xf32, #tpu.memory_space<hbm>>) dst(%dma_wait3A_113 : memref<128x128xf32, #tpu.memory_space<vmem>>)
      %dma_start3A_116 = arith.constant 0 : i32
      %dma_start3A_117 = arith.constant 0 : i32
      %dma_start3A_118 = arith.constant 0 : i32
      %dma_start3A_119 = arith.constant 0 : i32
      %dma_start3A_120 = arith.constant 0 : i32
      %dma_start3A_121 = tpu.memref_slice %arg10[%dma_start3A_116, %dma_start3A_119, %dma_start3A_120] : memref<2x128x128xf32, #tpu.memory_space<vmem>> -> memref<1x128x128xf32, #tpu.memory_space<vmem>>
      %dma_start3A_122 = tpu.memref_squeeze %dma_start3A_121 : memref<1x128x128xf32, #tpu.memory_space<vmem>> -> memref<128x128xf32, #tpu.memory_space<vmem>>
      %dma_start3A_123 = arith.constant 0 : i32
      %dma_start3A_124 = tpu.memref_slice %arg9[%dma_start3A_117, %dma_start3A_118, %dma_start3A_123] : memref<2x1x128xi32, #tpu.memory_space<vmem>> -> memref<1x1x128xi32, #tpu.memory_space<vmem>>
      %dma_start3A_125 = tpu.memref_squeeze %dma_start3A_124 : memref<1x1x128xi32, #tpu.memory_space<vmem>> -> memref<128xi32, #tpu.memory_space<vmem>>
      %dma_start3A_126 = arith.constant 0 : i32
      %dma_start3A_127 = arith.constant 0 : i32
      %dma_start3A_128 = tpu.memref_slice %arg8[%dma_start3A_126, %dma_start3A_127] : memref<10000x128xf32, #tpu.memory_space<vmem_shared>> -> memref<10000x128xf32, #tpu.memory_space<vmem_shared>>
      tpu.enqueue_indirect_dma source(%dma_start3A_122 : memref<128x128xf32, #tpu.memory_space<vmem>>) target(%dma_start3A_128 : memref<10000x128xf32, #tpu.memory_space<vmem_shared>>) offsets(%dma_start3A_125 : memref<128xi32, #tpu.memory_space<vmem>>) semaphore(%arg13 : memref<!tpu.dma_semaphore, #tpu.memory_space<semaphore_mem>>) {add = true}
      %dma_wait3A_129 = arith.constant 1 : i32
      %dma_wait3A_130 = arith.constant 0 : i32
      %dma_wait3A_131 = arith.constant 0 : i32
      %dma_wait3A_132 = tpu.memref_slice %arg9[%dma_wait3A_129, %dma_wait3A_130, %dma_wait3A_131] : memref<2x1x128xi32, #tpu.memory_space<vmem>> -> memref<1x1x128xi32, #tpu.memory_space<vmem>>
      %dma_wait3A_133 = tpu.memref_squeeze %dma_wait3A_132 : memref<1x1x128xi32, #tpu.memory_space<vmem>> -> memref<128xi32, #tpu.memory_space<vmem>>
      %dma_wait3A_134 = tpu.memref_slice %arg2[%add3A_48] : memref<163840xi32, #tpu.memory_space<hbm>> -> memref<128xi32, #tpu.memory_space<hbm>>
      %dma_wait3A_135 = arith.constant 0 : i32
      %dma_wait3A_136 = tpu.memref_slice %arg9[%dma_wait3A_129, %dma_wait3A_130, %dma_wait3A_135] : memref<2x1x128xi32, #tpu.memory_space<vmem>> -> memref<1x1x128xi32, #tpu.memory_space<vmem>>
      %dma_wait3A_137 = tpu.memref_squeeze %dma_wait3A_136 : memref<1x1x128xi32, #tpu.memory_space<vmem>> -> memref<128xi32, #tpu.memory_space<vmem>>
      %dma_wait3A_138 = tpu.memref_slice %arg2[%add3A_48] : memref<163840xi32, #tpu.memory_space<hbm>> -> memref<128xi32, #tpu.memory_space<hbm>>
      tpu.wait_dma2 semaphore(%arg12 : memref<!tpu.dma_semaphore, #tpu.memory_space<semaphore_mem>>) src(%dma_wait3A_138 : memref<128xi32, #tpu.memory_space<hbm>>) dst(%dma_wait3A_137 : memref<128xi32, #tpu.memory_space<vmem>>)
      %dma_wait3A_139 = arith.constant 1 : i32
      %dma_wait3A_140 = arith.constant 0 : i32
      %dma_wait3A_141 = arith.constant 0 : i32
      %dma_wait3A_142 = tpu.memref_slice %arg10[%dma_wait3A_139, %dma_wait3A_140, %dma_wait3A_141] : memref<2x128x128xf32, #tpu.memory_space<vmem>> -> memref<1x128x128xf32, #tpu.memory_space<vmem>>
      %dma_wait3A_143 = tpu.memref_squeeze %dma_wait3A_142 : memref<1x128x128xf32, #tpu.memory_space<vmem>> -> memref<128x128xf32, #tpu.memory_space<vmem>>
      %dma_wait3A_144 = arith.constant 0 : i32
      %dma_wait3A_145 = tpu.memref_slice %arg4[%add3A_48, %dma_wait3A_144] : memref<163840x128xf32, #tpu.memory_space<hbm>> -> memref<128x128xf32, #tpu.memory_space<hbm>>
      %dma_wait3A_146 = arith.constant 0 : i32
      %dma_wait3A_147 = arith.constant 0 : i32
      %dma_wait3A_148 = tpu.memref_slice %arg10[%dma_wait3A_139, %dma_wait3A_146, %dma_wait3A_147] : memref<2x128x128xf32, #tpu.memory_space<vmem>> -> memref<1x128x128xf32, #tpu.memory_space<vmem>>
      %dma_wait3A_149 = tpu.memref_squeeze %dma_wait3A_148 : memref<1x128x128xf32, #tpu.memory_space<vmem>> -> memref<128x128xf32, #tpu.memory_space<vmem>>
      %dma_wait3A_150 = arith.constant 0 : i32
      %dma_wait3A_151 = tpu.memref_slice %arg4[%add3A_48, %dma_wait3A_150] : memref<163840x128xf32, #tpu.memory_space<hbm>> -> memref<128x128xf32, #tpu.memory_space<hbm>>
      tpu.wait_dma2 semaphore(%arg14 : memref<!tpu.dma_semaphore, #tpu.memory_space<semaphore_mem>>) src(%dma_wait3A_151 : memref<128x128xf32, #tpu.memory_space<hbm>>) dst(%dma_wait3A_149 : memref<128x128xf32, #tpu.memory_space<vmem>>)
      %dma_start3A_152 = arith.constant 1 : i32
      %dma_start3A_153 = arith.constant 1 : i32
      %dma_start3A_154 = arith.constant 0 : i32
      %dma_start3A_155 = arith.constant 0 : i32
      %dma_start3A_156 = arith.constant 0 : i32
      %dma_start3A_157 = tpu.memref_slice %arg10[%dma_start3A_152, %dma_start3A_155, %dma_start3A_156] : memref<2x128x128xf32, #tpu.memory_space<vmem>> -> memref<1x128x128xf32, #tpu.memory_space<vmem>>
      %dma_start3A_158 = tpu.memref_squeeze %dma_start3A_157 : memref<1x128x128xf32, #tpu.memory_space<vmem>> -> memref<128x128xf32, #tpu.memory_space<vmem>>
      %dma_start3A_159 = arith.constant 0 : i32
      %dma_start3A_160 = tpu.memref_slice %arg9[%dma_start3A_153, %dma_start3A_154, %dma_start3A_159] : memref<2x1x128xi32, #tpu.memory_space<vmem>> -> memref<1x1x128xi32, #tpu.memory_space<vmem>>
      %dma_start3A_161 = tpu.memref_squeeze %dma_start3A_160 : memref<1x1x128xi32, #tpu.memory_space<vmem>> -> memref<128xi32, #tpu.memory_space<vmem>>
      %dma_start3A_162 = arith.constant 0 : i32
      %dma_start3A_163 = arith.constant 0 : i32
      %dma_start3A_164 = tpu.memref_slice %arg8[%dma_start3A_162, %dma_start3A_163] : memref<10000x128xf32, #tpu.memory_space<vmem_shared>> -> memref<10000x128xf32, #tpu.memory_space<vmem_shared>>
      tpu.enqueue_indirect_dma source(%dma_start3A_158 : memref<128x128xf32, #tpu.memory_space<vmem>>) target(%dma_start3A_164 : memref<10000x128xf32, #tpu.memory_space<vmem_shared>>) offsets(%dma_start3A_161 : memref<128xi32, #tpu.memory_space<vmem>>) semaphore(%arg14 : memref<!tpu.dma_semaphore, #tpu.memory_space<semaphore_mem>>) {add = true}
      %dma_wait3A_165 = arith.constant 0 : i32
      %dma_wait3A_166 = arith.constant 0 : i32
      %dma_wait3A_167 = arith.constant 0 : i32
      %dma_wait3A_168 = arith.constant 0 : i32
      %dma_wait3A_169 = arith.constant 0 : i32
      %dma_wait3A_170 = tpu.memref_slice %arg10[%dma_wait3A_165, %dma_wait3A_168, %dma_wait3A_169] : memref<2x128x128xf32, #tpu.memory_space<vmem>> -> memref<1x128x128xf32, #tpu.memory_space<vmem>>
      %dma_wait3A_171 = tpu.memref_squeeze %dma_wait3A_170 : memref<1x128x128xf32, #tpu.memory_space<vmem>> -> memref<128x128xf32, #tpu.memory_space<vmem>>
      %dma_wait3A_172 = arith.constant 0 : i32
      %dma_wait3A_173 = tpu.memref_slice %arg9[%dma_wait3A_166, %dma_wait3A_167, %dma_wait3A_172] : memref<2x1x128xi32, #tpu.memory_space<vmem>> -> memref<1x1x128xi32, #tpu.memory_space<vmem>>
      %dma_wait3A_174 = tpu.memref_squeeze %dma_wait3A_173 : memref<1x1x128xi32, #tpu.memory_space<vmem>> -> memref<128xi32, #tpu.memory_space<vmem>>
      %dma_wait3A_175 = arith.constant 0 : i32
      %dma_wait3A_176 = arith.constant 0 : i32
      %dma_wait3A_177 = tpu.memref_slice %arg8[%dma_wait3A_175, %dma_wait3A_176] : memref<10000x128xf32, #tpu.memory_space<vmem_shared>> -> memref<10000x128xf32, #tpu.memory_space<vmem_shared>>
      tpu.wait_indirect_dma semaphore(%arg13 : memref<!tpu.dma_semaphore, #tpu.memory_space<semaphore_mem>>) src(%dma_wait3A_171 : memref<128x128xf32, #tpu.memory_space<vmem>>) dst(%dma_wait3A_177 : memref<10000x128xf32, #tpu.memory_space<vmem_shared>>)
      %dma_wait3A_178 = arith.constant 1 : i32
      %dma_wait3A_179 = arith.constant 1 : i32
      %dma_wait3A_180 = arith.constant 0 : i32
      %dma_wait3A_181 = arith.constant 0 : i32
      %dma_wait3A_182 = arith.constant 0 : i32
      %dma_wait3A_183 = tpu.memref_slice %arg10[%dma_wait3A_178, %dma_wait3A_181, %dma_wait3A_182] : memref<2x128x128xf32, #tpu.memory_space<vmem>> -> memref<1x128x128xf32, #tpu.memory_space<vmem>>
      %dma_wait3A_184 = tpu.memref_squeeze %dma_wait3A_183 : memref<1x128x128xf32, #tpu.memory_space<vmem>> -> memref<128x128xf32, #tpu.memory_space<vmem>>
      %dma_wait3A_185 = arith.constant 0 : i32
      %dma_wait3A_186 = tpu.memref_slice %arg9[%dma_wait3A_179, %dma_wait3A_180, %dma_wait3A_185] : memref<2x1x128xi32, #tpu.memory_space<vmem>> -> memref<1x1x128xi32, #tpu.memory_space<vmem>>
      %dma_wait3A_187 = tpu.memref_squeeze %dma_wait3A_186 : memref<1x1x128xi32, #tpu.memory_space<vmem>> -> memref<128xi32, #tpu.memory_space<vmem>>
      %dma_wait3A_188 = arith.constant 0 : i32
      %dma_wait3A_189 = arith.constant 0 : i32
      %dma_wait3A_190 = tpu.memref_slice %arg8[%dma_wait3A_188, %dma_wait3A_189] : memref<10000x128xf32, #tpu.memory_space<vmem_shared>> -> memref<10000x128xf32, #tpu.memory_space<vmem_shared>>
      tpu.wait_indirect_dma semaphore(%arg14 : memref<!tpu.dma_semaphore, #tpu.memory_space<semaphore_mem>>) src(%dma_wait3A_184 : memref<128x128xf32, #tpu.memory_space<vmem>>) dst(%dma_wait3A_190 : memref<10000x128xf32, #tpu.memory_space<vmem_shared>>)
    }
    %scan3A_27 = arith.constant 20 : i32
    %barrier3A_28 = arith.constant 0 : index
    tpu.barrier barrier_id(%barrier3A_28)
    %lt3A_29 = arith.constant 10 : i32
    %lt3A_30 = arith.cmpi slt, %arg1, %lt3A_29 : i32
    %convert_element_type3A_31 = arith.extui %lt3A_30 : i1 to i32
    %cond3A_32 = arith.constant 0 : i32
    %cond3A_33 = arith.cmpi ne, %convert_element_type3A_31, %cond3A_32 : i32
    scf.if %cond3A_33 {
      "tpu.region"() ({
        %run_scoped3A = tpu.sem_alloc : memref<!tpu.dma_semaphore, #tpu.memory_space<semaphore_mem>>
        %dma_start3A = arith.constant 0 : i32
        %dma_start3A_34 = tpu.memref_slice %arg7[%arg0, %mul3A_2, %dma_start3A] : memref<2x10000x128xf32, #tpu.memory_space<hbm>> -> memref<1x1000x128xf32, #tpu.memory_space<hbm>>
        %dma_start3A_35 = tpu.memref_squeeze %dma_start3A_34 : memref<1x1000x128xf32, #tpu.memory_space<hbm>> -> memref<1000x128xf32, #tpu.memory_space<hbm>>
        %dma_start3A_36 = arith.constant 0 : i32
        %dma_start3A_37 = tpu.memref_slice %arg8[%mul3A_2, %dma_start3A_36] : memref<10000x128xf32, #tpu.memory_space<vmem_shared>> -> memref<1000x128xf32, #tpu.memory_space<vmem_shared>>
        tpu.enqueue_dma source(%dma_start3A_37 : memref<1000x128xf32, #tpu.memory_space<vmem_shared>>) target(%dma_start3A_35 : memref<1000x128xf32, #tpu.memory_space<hbm>>) target_semaphore(%run_scoped3A : memref<!tpu.dma_semaphore, #tpu.memory_space<semaphore_mem>>)
        %dma_wait3A = arith.constant 0 : i32
        %dma_wait3A_38 = tpu.memref_slice %arg7[%arg0, %mul3A_2, %dma_wait3A] : memref<2x10000x128xf32, #tpu.memory_space<hbm>> -> memref<1x1000x128xf32, #tpu.memory_space<hbm>>
        %dma_wait3A_39 = tpu.memref_squeeze %dma_wait3A_38 : memref<1x1000x128xf32, #tpu.memory_space<hbm>> -> memref<1000x128xf32, #tpu.memory_space<hbm>>
        %dma_wait3A_40 = arith.constant 0 : i32
        %dma_wait3A_41 = tpu.memref_slice %arg8[%mul3A_2, %dma_wait3A_40] : memref<10000x128xf32, #tpu.memory_space<vmem_shared>> -> memref<1000x128xf32, #tpu.memory_space<vmem_shared>>
        tpu.wait_dma2 semaphore(%run_scoped3A : memref<!tpu.dma_semaphore, #tpu.memory_space<semaphore_mem>>) src(%dma_wait3A_41 : memref<1000x128xf32, #tpu.memory_space<vmem_shared>>) dst(%dma_wait3A_39 : memref<1000x128xf32, #tpu.memory_space<hbm>>)
        tpu.yield
      }) : () -> ()
    } else {
    }
    return
  }
}

module attributes {stable_mosaic.version = 14 : i64} {
  func.func @_qkv_body(%arg0: i32, %arg1: memref<1000x128xf32, #tpu.memory_space<vmem>>, %arg2: memref<128x384xf32, #tpu.memory_space<vmem>>, %arg3: memref<1000x384xf32, #tpu.memory_space<vmem>>) attributes {dimension_semantics = [#tpu.dimension_semantics<arbitrary>], iteration_bounds = array<i64: 10>, scalar_prefetch = 0 : i64, scratch_operands = 0 : i64, tpu.core_type = #tpu.core_type<tc>, window_params = [{transform_indices = @transform_0, window_bounds = array<i64: 1000, 128>}, {pipeline_mode = #tpu.pipeline_mode<synchronous>, transform_indices = @transform_1, window_bounds = array<i64: 128, 384>}, {transform_indices = @transform_2, window_bounds = array<i64: 1000, 384>}]} {
    %get3A = arith.constant 0 : index
    %get3A_0 = arith.constant 0 : index
    %get3A_1 = vector.load %arg1[%get3A, %get3A_0] : memref<1000x128xf32, #tpu.memory_space<vmem>>, vector<1000x128xf32>
    %get3A_2 = arith.constant 0 : index
    %get3A_3 = arith.constant 0 : index
    %get3A_4 = vector.load %arg2[%get3A_2, %get3A_3] : memref<128x384xf32, #tpu.memory_space<vmem>>, vector<128x384xf32>
    %dot_general3A = arith.constant dense<0.000000e+00> : vector<1000x384xf32>
    %dot_general3A_5 = tpu.matmul %get3A_1, %get3A_4, %dot_general3A {dimension_numbers = #tpu.dot_dimension_numbers<[1], [0], [0], [1], [0, 0, 1, 1], [], []>, transpose_lhs_hint = false} : vector<1000x128xf32>, vector<128x384xf32>, vector<1000x384xf32> -> vector<1000x384xf32>
    %swap3A = arith.constant 0 : index
    %swap3A_6 = arith.constant 0 : index
    %swap3A_7 = vector.load %arg3[%swap3A, %swap3A_6] : memref<1000x384xf32, #tpu.memory_space<vmem>>, vector<1000x384xf32>
    tpu.vector_store %arg3[%swap3A, %swap3A_6], %dot_general3A_5 {strides = array<i32>} : memref<1000x384xf32, #tpu.memory_space<vmem>>, vector<1000x384xf32>,
    return
  }
  func.func @transform_0(%arg0: i32) -> (i32, i32) {
    %c0_i32 = arith.constant 0 : i32
    %c0_i32_0 = arith.constant 0 : i32
    return %arg0, %c0_i32 : i32, i32
  }
  func.func @transform_1(%arg0: i32) -> (i32, i32) {
    %c0_i32 = arith.constant 0 : i32
    %c0_i32_0 = arith.constant 0 : i32
    %c0_i32_1 = arith.constant 0 : i32
    return %c0_i32, %c0_i32_0 : i32, i32
  }
  func.func @transform_2(%arg0: i32) -> (i32, i32) {
    %c0_i32 = arith.constant 0 : i32
    %c0_i32_0 = arith.constant 0 : i32
    return %arg0, %c0_i32 : i32, i32
  }
}

module attributes {stable_mosaic.version = 14 : i64} {
  func.func @_edge_body(%arg0: i32, %arg1: memref<4096x128xf32, #tpu.memory_space<vmem>>, %arg2: memref<4096x256xf32, #tpu.memory_space<vmem>>, %arg3: memref<128x16xf32, #tpu.memory_space<vmem>>, %arg4: memref<16x128xf32, #tpu.memory_space<vmem>>, %arg5: memref<4096x128xf32, #tpu.memory_space<vmem>>, %arg6: memref<4096x128xf32, #tpu.memory_space<vmem>>) attributes {dimension_semantics = [#tpu.dimension_semantics<arbitrary>], iteration_bounds = array<i64: 40>, scalar_prefetch = 0 : i64, scratch_operands = 0 : i64, tpu.core_type = #tpu.core_type<tc>, window_params = [{transform_indices = @transform_0, window_bounds = array<i64: 4096, 128>}, {transform_indices = @transform_1, window_bounds = array<i64: 4096, 256>}, {pipeline_mode = #tpu.pipeline_mode<synchronous>, transform_indices = @transform_2, window_bounds = array<i64: 128, 16>}, {pipeline_mode = #tpu.pipeline_mode<synchronous>, transform_indices = @transform_3, window_bounds = array<i64: 16, 128>}, {transform_indices = @transform_4, window_bounds = array<i64: 4096, 128>}, {transform_indices = @transform_5, window_bounds = array<i64: 4096, 128>}]} {
    %get3A = arith.constant 0 : index
    %get3A_0 = arith.constant 0 : index
    %get3A_1 = vector.load %arg2[%get3A, %get3A_0] : memref<4096x256xf32, #tpu.memory_space<vmem>>, vector<4096x128xf32>
    %get3A_2 = arith.constant 0 : index
    %get3A_3 = arith.constant 128 : index
    %get3A_4 = vector.load %arg2[%get3A_2, %get3A_3] : memref<4096x256xf32, #tpu.memory_space<vmem>>, vector<4096x128xf32>
    %get3A_5 = arith.constant 0 : index
    %get3A_6 = arith.constant 0 : index
    %get3A_7 = vector.load %arg1[%get3A_5, %get3A_6] : memref<4096x128xf32, #tpu.memory_space<vmem>>, vector<4096x128xf32>
    %mul3A = arith.mulf %get3A_7, %get3A_1 : vector<4096x128xf32>
    %get3A_8 = arith.constant 0 : index
    %get3A_9 = arith.constant 0 : index
    %get3A_10 = vector.load %arg3[%get3A_8, %get3A_9] : memref<128x16xf32, #tpu.memory_space<vmem>>, vector<128x16xf32>
    %dot_general3A = arith.constant dense<0.000000e+00> : vector<4096x16xf32>
    %dot_general3A_11 = tpu.matmul %mul3A, %get3A_10, %dot_general3A {dimension_numbers = #tpu.dot_dimension_numbers<[1], [0], [0], [1], [0, 0, 1, 1], [], []>, transpose_lhs_hint = false} : vector<4096x128xf32>, vector<128x16xf32>, vector<4096x16xf32> -> vector<4096x16xf32>
    %jit3A = arith.constant -1.000000e+01 : f32
    %jit3A_12 = arith.constant 1.000000e+01 : f32
    %max3A = vector.broadcast %jit3A : f32 to vector<4096x16xf32>
    %max3A_13 = arith.maximumf %max3A, %dot_general3A_11 : vector<4096x16xf32>
    %min3A = vector.broadcast %jit3A_12 : f32 to vector<4096x16xf32>
    %min3A_14 = arith.minimumf %min3A, %max3A_13 : vector<4096x16xf32>
    %exp3A = math.exp %min3A_14 : vector<4096x16xf32>
    %mul3A_15 = arith.constant 4096 : i32
    %mul3A_16 = arith.muli %arg0, %mul3A_15 : i32
    %add3A = arith.constant 163840 : i32
    %add3A_17 = arith.addi %add3A, %mul3A_16 : i32
    %iota3A = tpu.iota {dimensions = array<i32: 0>} : vector<4096x16xi32>
    %add3A_18 = vector.broadcast %add3A_17 : i32 to vector<4096x16xi32>
    %add3A_19 = arith.addi %add3A_18, %iota3A : vector<4096x16xi32>
    %lt3A = arith.constant 320000 : i32
    %lt3A_20 = vector.broadcast %lt3A : i32 to vector<4096x16xi32>
    %lt3A_21 = arith.cmpi slt, %add3A_19, %lt3A_20 : vector<4096x16xi32>
    %jit3A_22 = arith.constant 0.000000e+00 : f32
    %broadcast_in_dim3A = vector.broadcast %jit3A_22 : f32 to vector<4096x16xf32>
    %select_n3A = arith.select %lt3A_21, %exp3A, %broadcast_in_dim3A : vector<4096x16xi1>, vector<4096x16xf32>
    %get3A_23 = arith.constant 0 : index
    %get3A_24 = arith.constant 0 : index
    %get3A_25 = vector.load %arg4[%get3A_23, %get3A_24] : memref<16x128xf32, #tpu.memory_space<vmem>>, vector<16x128xf32>
    %dot_general3A_26 = arith.constant dense<0.000000e+00> : vector<4096x128xf32>
    %dot_general3A_27 = tpu.matmul %select_n3A, %get3A_25, %dot_general3A_26 {dimension_numbers = #tpu.dot_dimension_numbers<[1], [0], [0], [1], [0, 0, 1, 1], [], []>, transpose_lhs_hint = false} : vector<4096x16xf32>, vector<16x128xf32>, vector<4096x128xf32> -> vector<4096x128xf32>
    %mul3A_28 = arith.mulf %get3A_4, %dot_general3A_27 : vector<4096x128xf32>
    %swap3A = arith.constant 0 : index
    %swap3A_29 = arith.constant 0 : index
    %swap3A_30 = vector.load %arg5[%swap3A, %swap3A_29] : memref<4096x128xf32, #tpu.memory_space<vmem>>, vector<4096x128xf32>
    tpu.vector_store %arg5[%swap3A, %swap3A_29], %mul3A_28 {strides = array<i32>} : memref<4096x128xf32, #tpu.memory_space<vmem>>, vector<4096x128xf32>,
    %swap3A_31 = arith.constant 0 : index
    %swap3A_32 = arith.constant 0 : index
    %swap3A_33 = vector.load %arg6[%swap3A_31, %swap3A_32] : memref<4096x128xf32, #tpu.memory_space<vmem>>, vector<4096x128xf32>
    tpu.vector_store %arg6[%swap3A_31, %swap3A_32], %dot_general3A_27 {strides = array<i32>} : memref<4096x128xf32, #tpu.memory_space<vmem>>, vector<4096x128xf32>,
    return
  }
  func.func @transform_0(%arg0: i32) -> (i32, i32) {
    %c0_i32 = arith.constant 0 : i32
    %c0_i32_0 = arith.constant 0 : i32
    return %arg0, %c0_i32 : i32, i32
  }
  func.func @transform_1(%arg0: i32) -> (i32, i32) {
    %c0_i32 = arith.constant 0 : i32
    %c0_i32_0 = arith.constant 0 : i32
    return %arg0, %c0_i32 : i32, i32
  }
  func.func @transform_2(%arg0: i32) -> (i32, i32) {
    %c0_i32 = arith.constant 0 : i32
    %c0_i32_0 = arith.constant 0 : i32
    %c0_i32_1 = arith.constant 0 : i32
    return %c0_i32, %c0_i32_0 : i32, i32
  }
  func.func @transform_3(%arg0: i32) -> (i32, i32) {
    %c0_i32 = arith.constant 0 : i32
    %c0_i32_0 = arith.constant 0 : i32
    %c0_i32_1 = arith.constant 0 : i32
    return %c0_i32, %c0_i32_0 : i32, i32
  }
  func.func @transform_4(%arg0: i32) -> (i32, i32) {
    %c0_i32 = arith.constant 0 : i32
    %c0_i32_0 = arith.constant 0 : i32
    return %arg0, %c0_i32 : i32, i32
  }
  func.func @transform_5(%arg0: i32) -> (i32, i32) {
    %c0_i32 = arith.constant 0 : i32
    %c0_i32_0 = arith.constant 0 : i32
    return %arg0, %c0_i32 : i32, i32
  }
}

module attributes {stable_mosaic.version = 14 : i64} {
  func.func @_edge_body(%arg0: i32, %arg1: memref<4096x128xf32, #tpu.memory_space<vmem>>, %arg2: memref<4096x256xf32, #tpu.memory_space<vmem>>, %arg3: memref<128x16xf32, #tpu.memory_space<vmem>>, %arg4: memref<16x128xf32, #tpu.memory_space<vmem>>, %arg5: memref<4096x128xf32, #tpu.memory_space<vmem>>, %arg6: memref<4096x128xf32, #tpu.memory_space<vmem>>) attributes {dimension_semantics = [#tpu.dimension_semantics<arbitrary>], iteration_bounds = array<i64: 40>, scalar_prefetch = 0 : i64, scratch_operands = 0 : i64, tpu.core_type = #tpu.core_type<tc>, window_params = [{transform_indices = @transform_0, window_bounds = array<i64: 4096, 128>}, {transform_indices = @transform_1, window_bounds = array<i64: 4096, 256>}, {pipeline_mode = #tpu.pipeline_mode<synchronous>, transform_indices = @transform_2, window_bounds = array<i64: 128, 16>}, {pipeline_mode = #tpu.pipeline_mode<synchronous>, transform_indices = @transform_3, window_bounds = array<i64: 16, 128>}, {transform_indices = @transform_4, window_bounds = array<i64: 4096, 128>}, {transform_indices = @transform_5, window_bounds = array<i64: 4096, 128>}]} {
    %get3A = arith.constant 0 : index
    %get3A_0 = arith.constant 0 : index
    %get3A_1 = vector.load %arg2[%get3A, %get3A_0] : memref<4096x256xf32, #tpu.memory_space<vmem>>, vector<4096x128xf32>
    %get3A_2 = arith.constant 0 : index
    %get3A_3 = arith.constant 128 : index
    %get3A_4 = vector.load %arg2[%get3A_2, %get3A_3] : memref<4096x256xf32, #tpu.memory_space<vmem>>, vector<4096x128xf32>
    %get3A_5 = arith.constant 0 : index
    %get3A_6 = arith.constant 0 : index
    %get3A_7 = vector.load %arg1[%get3A_5, %get3A_6] : memref<4096x128xf32, #tpu.memory_space<vmem>>, vector<4096x128xf32>
    %mul3A = arith.mulf %get3A_7, %get3A_1 : vector<4096x128xf32>
    %get3A_8 = arith.constant 0 : index
    %get3A_9 = arith.constant 0 : index
    %get3A_10 = vector.load %arg3[%get3A_8, %get3A_9] : memref<128x16xf32, #tpu.memory_space<vmem>>, vector<128x16xf32>
    %dot_general3A = arith.constant dense<0.000000e+00> : vector<4096x16xf32>
    %dot_general3A_11 = tpu.matmul %mul3A, %get3A_10, %dot_general3A {dimension_numbers = #tpu.dot_dimension_numbers<[1], [0], [0], [1], [0, 0, 1, 1], [], []>, transpose_lhs_hint = false} : vector<4096x128xf32>, vector<128x16xf32>, vector<4096x16xf32> -> vector<4096x16xf32>
    %jit3A = arith.constant -1.000000e+01 : f32
    %jit3A_12 = arith.constant 1.000000e+01 : f32
    %max3A = vector.broadcast %jit3A : f32 to vector<4096x16xf32>
    %max3A_13 = arith.maximumf %max3A, %dot_general3A_11 : vector<4096x16xf32>
    %min3A = vector.broadcast %jit3A_12 : f32 to vector<4096x16xf32>
    %min3A_14 = arith.minimumf %min3A, %max3A_13 : vector<4096x16xf32>
    %exp3A = math.exp %min3A_14 : vector<4096x16xf32>
    %mul3A_15 = arith.constant 4096 : i32
    %mul3A_16 = arith.muli %arg0, %mul3A_15 : i32
    %add3A = arith.constant 0 : i32
    %add3A_17 = arith.addi %add3A, %mul3A_16 : i32
    %iota3A = tpu.iota {dimensions = array<i32: 0>} : vector<4096x16xi32>
    %add3A_18 = vector.broadcast %add3A_17 : i32 to vector<4096x16xi32>
    %add3A_19 = arith.addi %add3A_18, %iota3A : vector<4096x16xi32>
    %lt3A = arith.constant 320000 : i32
    %lt3A_20 = vector.broadcast %lt3A : i32 to vector<4096x16xi32>
    %lt3A_21 = arith.cmpi slt, %add3A_19, %lt3A_20 : vector<4096x16xi32>
    %jit3A_22 = arith.constant 0.000000e+00 : f32
    %broadcast_in_dim3A = vector.broadcast %jit3A_22 : f32 to vector<4096x16xf32>
    %select_n3A = arith.select %lt3A_21, %exp3A, %broadcast_in_dim3A : vector<4096x16xi1>, vector<4096x16xf32>
    %get3A_23 = arith.constant 0 : index
    %get3A_24 = arith.constant 0 : index
    %get3A_25 = vector.load %arg4[%get3A_23, %get3A_24] : memref<16x128xf32, #tpu.memory_space<vmem>>, vector<16x128xf32>
    %dot_general3A_26 = arith.constant dense<0.000000e+00> : vector<4096x128xf32>
    %dot_general3A_27 = tpu.matmul %select_n3A, %get3A_25, %dot_general3A_26 {dimension_numbers = #tpu.dot_dimension_numbers<[1], [0], [0], [1], [0, 0, 1, 1], [], []>, transpose_lhs_hint = false} : vector<4096x16xf32>, vector<16x128xf32>, vector<4096x128xf32> -> vector<4096x128xf32>
    %mul3A_28 = arith.mulf %get3A_4, %dot_general3A_27 : vector<4096x128xf32>
    %swap3A = arith.constant 0 : index
    %swap3A_29 = arith.constant 0 : index
    %swap3A_30 = vector.load %arg5[%swap3A, %swap3A_29] : memref<4096x128xf32, #tpu.memory_space<vmem>>, vector<4096x128xf32>
    tpu.vector_store %arg5[%swap3A, %swap3A_29], %mul3A_28 {strides = array<i32>} : memref<4096x128xf32, #tpu.memory_space<vmem>>, vector<4096x128xf32>,
    %swap3A_31 = arith.constant 0 : index
    %swap3A_32 = arith.constant 0 : index
    %swap3A_33 = vector.load %arg6[%swap3A_31, %swap3A_32] : memref<4096x128xf32, #tpu.memory_space<vmem>>, vector<4096x128xf32>
    tpu.vector_store %arg6[%swap3A_31, %swap3A_32], %dot_general3A_27 {strides = array<i32>} : memref<4096x128xf32, #tpu.memory_space<vmem>>, vector<4096x128xf32>,
    return
  }
  func.func @transform_0(%arg0: i32) -> (i32, i32) {
    %c0_i32 = arith.constant 0 : i32
    %c0_i32_0 = arith.constant 0 : i32
    return %arg0, %c0_i32 : i32, i32
  }
  func.func @transform_1(%arg0: i32) -> (i32, i32) {
    %c0_i32 = arith.constant 0 : i32
    %c0_i32_0 = arith.constant 0 : i32
    return %arg0, %c0_i32 : i32, i32
  }
  func.func @transform_2(%arg0: i32) -> (i32, i32) {
    %c0_i32 = arith.constant 0 : i32
    %c0_i32_0 = arith.constant 0 : i32
    %c0_i32_1 = arith.constant 0 : i32
    return %c0_i32, %c0_i32_0 : i32, i32
  }
  func.func @transform_3(%arg0: i32) -> (i32, i32) {
    %c0_i32 = arith.constant 0 : i32
    %c0_i32_0 = arith.constant 0 : i32
    %c0_i32_1 = arith.constant 0 : i32
    return %c0_i32, %c0_i32_0 : i32, i32
  }
  func.func @transform_4(%arg0: i32) -> (i32, i32) {
    %c0_i32 = arith.constant 0 : i32
    %c0_i32_0 = arith.constant 0 : i32
    return %arg0, %c0_i32 : i32, i32
  }
  func.func @transform_5(%arg0: i32) -> (i32, i32) {
    %c0_i32 = arith.constant 0 : i32
    %c0_i32_0 = arith.constant 0 : i32
    return %arg0, %c0_i32 : i32, i32
  }
}

module attributes {stable_mosaic.version = 14 : i64} {
  func.func @_fin_body(%arg0: i32, %arg1: memref<2x1000x128xf32, #tpu.memory_space<vmem>>, %arg2: memref<2x1000x128xf32, #tpu.memory_space<vmem>>, %arg3: memref<2x1000x128xf32, #tpu.memory_space<vmem>>, %arg4: memref<2x1000x128xf32, #tpu.memory_space<vmem>>, %arg5: memref<1000x128xf32, #tpu.memory_space<vmem>>) attributes {dimension_semantics = [#tpu.dimension_semantics<arbitrary>], iteration_bounds = array<i64: 10>, scalar_prefetch = 0 : i64, scratch_operands = 0 : i64, tpu.core_type = #tpu.core_type<tc>, window_params = [{transform_indices = @transform_0, window_bounds = array<i64: 2, 1000, 128>}, {transform_indices = @transform_1, window_bounds = array<i64: 2, 1000, 128>}, {transform_indices = @transform_2, window_bounds = array<i64: 2, 1000, 128>}, {transform_indices = @transform_3, window_bounds = array<i64: 2, 1000, 128>}, {transform_indices = @transform_4, window_bounds = array<i64: 1000, 128>}]} {
    %get3A = arith.constant 0 : index
    %get3A_0 = arith.constant 0 : index
    %get3A_1 = arith.constant 0 : index
    %get3A_2 = vector.load %arg1[%get3A, %get3A_0, %get3A_1] : memref<2x1000x128xf32, #tpu.memory_space<vmem>>, vector<1x1000x128xf32>
    %get3A_3 = vector.shape_cast %get3A_2 : vector<1x1000x128xf32> to vector<1000x128xf32>
    %get3A_4 = arith.constant 1 : index
    %get3A_5 = arith.constant 0 : index
    %get3A_6 = arith.constant 0 : index
    %get3A_7 = vector.load %arg1[%get3A_4, %get3A_5, %get3A_6] : memref<2x1000x128xf32, #tpu.memory_space<vmem>>, vector<1x1000x128xf32>
    %get3A_8 = vector.shape_cast %get3A_7 : vector<1x1000x128xf32> to vector<1000x128xf32>
    %add3A = arith.addf %get3A_3, %get3A_8 : vector<1000x128xf32>
    %get3A_9 = arith.constant 0 : index
    %get3A_10 = arith.constant 0 : index
    %get3A_11 = arith.constant 0 : index
    %get3A_12 = vector.load %arg2[%get3A_9, %get3A_10, %get3A_11] : memref<2x1000x128xf32, #tpu.memory_space<vmem>>, vector<1x1000x128xf32>
    %get3A_13 = vector.shape_cast %get3A_12 : vector<1x1000x128xf32> to vector<1000x128xf32>
    %add3A_14 = arith.addf %add3A, %get3A_13 : vector<1000x128xf32>
    %get3A_15 = arith.constant 1 : index
    %get3A_16 = arith.constant 0 : index
    %get3A_17 = arith.constant 0 : index
    %get3A_18 = vector.load %arg2[%get3A_15, %get3A_16, %get3A_17] : memref<2x1000x128xf32, #tpu.memory_space<vmem>>, vector<1x1000x128xf32>
    %get3A_19 = vector.shape_cast %get3A_18 : vector<1x1000x128xf32> to vector<1000x128xf32>
    %add3A_20 = arith.addf %add3A_14, %get3A_19 : vector<1000x128xf32>
    %get3A_21 = arith.constant 0 : index
    %get3A_22 = arith.constant 0 : index
    %get3A_23 = arith.constant 0 : index
    %get3A_24 = vector.load %arg3[%get3A_21, %get3A_22, %get3A_23] : memref<2x1000x128xf32, #tpu.memory_space<vmem>>, vector<1x1000x128xf32>
    %get3A_25 = vector.shape_cast %get3A_24 : vector<1x1000x128xf32> to vector<1000x128xf32>
    %get3A_26 = arith.constant 1 : index
    %get3A_27 = arith.constant 0 : index
    %get3A_28 = arith.constant 0 : index
    %get3A_29 = vector.load %arg3[%get3A_26, %get3A_27, %get3A_28] : memref<2x1000x128xf32, #tpu.memory_space<vmem>>, vector<1x1000x128xf32>
    %get3A_30 = vector.shape_cast %get3A_29 : vector<1x1000x128xf32> to vector<1000x128xf32>
    %add3A_31 = arith.addf %get3A_25, %get3A_30 : vector<1000x128xf32>
    %add3A_32 = arith.constant 9.99999993E-9 : f32
    %add3A_33 = vector.broadcast %add3A_32 : f32 to vector<1000x128xf32>
    %add3A_34 = arith.addf %add3A_31, %add3A_33 : vector<1000x128xf32>
    %get3A_35 = arith.constant 0 : index
    %get3A_36 = arith.constant 0 : index
    %get3A_37 = arith.constant 0 : index
    %get3A_38 = vector.load %arg4[%get3A_35, %get3A_36, %get3A_37] : memref<2x1000x128xf32, #tpu.memory_space<vmem>>, vector<1x1000x128xf32>
    %get3A_39 = vector.shape_cast %get3A_38 : vector<1x1000x128xf32> to vector<1000x128xf32>
    %add3A_40 = arith.addf %add3A_34, %get3A_39 : vector<1000x128xf32>
    %get3A_41 = arith.constant 1 : index
    %get3A_42 = arith.constant 0 : index
    %get3A_43 = arith.constant 0 : index
    %get3A_44 = vector.load %arg4[%get3A_41, %get3A_42, %get3A_43] : memref<2x1000x128xf32, #tpu.memory_space<vmem>>, vector<1x1000x128xf32>
    %get3A_45 = vector.shape_cast %get3A_44 : vector<1x1000x128xf32> to vector<1000x128xf32>
    %add3A_46 = arith.addf %add3A_40, %get3A_45 : vector<1000x128xf32>
    %div3A = arith.divf %add3A_20, %add3A_46 : vector<1000x128xf32>
    %swap3A = arith.constant 0 : index
    %swap3A_47 = arith.constant 0 : index
    %swap3A_48 = vector.load %arg5[%swap3A, %swap3A_47] : memref<1000x128xf32, #tpu.memory_space<vmem>>, vector<1000x128xf32>
    tpu.vector_store %arg5[%swap3A, %swap3A_47], %div3A {strides = array<i32>} : memref<1000x128xf32, #tpu.memory_space<vmem>>, vector<1000x128xf32>,
    return
  }
  func.func @transform_0(%arg0: i32) -> (i32, i32, i32) {
    %c0_i32 = arith.constant 0 : i32
    %c0_i32_0 = arith.constant 0 : i32
    %c0_i32_1 = arith.constant 0 : i32
    return %c0_i32, %arg0, %c0_i32_0 : i32, i32, i32
  }
  func.func @transform_1(%arg0: i32) -> (i32, i32, i32) {
    %c0_i32 = arith.constant 0 : i32
    %c0_i32_0 = arith.constant 0 : i32
    %c0_i32_1 = arith.constant 0 : i32
    return %c0_i32, %arg0, %c0_i32_0 : i32, i32, i32
  }
  func.func @transform_2(%arg0: i32) -> (i32, i32, i32) {
    %c0_i32 = arith.constant 0 : i32
    %c0_i32_0 = arith.constant 0 : i32
    %c0_i32_1 = arith.constant 0 : i32
    return %c0_i32, %arg0, %c0_i32_0 : i32, i32, i32
  }
  func.func @transform_3(%arg0: i32) -> (i32, i32, i32) {
    %c0_i32 = arith.constant 0 : i32
    %c0_i32_0 = arith.constant 0 : i32
    %c0_i32_1 = arith.constant 0 : i32
    return %c0_i32, %arg0, %c0_i32_0 : i32, i32, i32
  }
  func.func @transform_4(%arg0: i32) -> (i32, i32) {
    %c0_i32 = arith.constant 0 : i32
    %c0_i32_0 = arith.constant 0 : i32
    return %arg0, %c0_i32 : i32, i32
  }
}

</mosaic_0001>

<sc_bundles>
// kernel: kernel.10.cloned.1.call-start
scs
__scs_entry_jumppad:
0x0: {  	(pc) =	sbr.rel $0x88, $3  }
0x1: {  	(tag) =	ssettag $0x0;
	lr =	simm.s32 $0x1  }
0x2: {  	[smem:$0x3F9C] =	sst lr;
	_ =	strace $0xD0000000  }
0x3: {  	_ = 	snop  }
0x4: {  	_ = 	snop  }
0x5: {  	_ = 	snop  }
0x6: {  	_ = 	snop  }
0x7: {  	_ = 	snop  }
__scs_overlays_trampoline_lowered:
0x8: {  	[smem:$0x3FAB] =	sst s0  }
0x9: {  	[smem:$0x3FAC] =	sst s1  }
0xa: {  	[smem:$0x3FAD] =	sst s2  }
0xb: {  	[smem:$0x3FAE] =	sst s3  }
0xc: {  	[smem:$0x3FAF] =	sst s4  }
0xd: {  	[smem:$0x3FB0] =	sst s5  }
0xe: {  	[smem:$0x3FB1] =	sst s6  }
0xf: {  	[smem:$0x3FB2] =	sst s7  }
0x10: {  	[smem:$0x3FB3] =	sst s8  }
0x11: {  	[smem:$0x3FB4] =	sst s9;
	s0 =	simm.s32 @!p0 $0x0  }
0x12: {  	s1 =	sld [smem:$0x3F9A];
	s0 =	simm.s32 @p0 $0x1  }
0x13: {  	[smem:$0x3FB5] =	sst s0;
	s0 =	simm.s32 @!p1 $0x0  }
0x14: {  	s2 =	sld [smem:$0x3F99];
	s0 =	simm.s32 @p1 $0x1  }
0x15: {  	[smem:$0x3FB6] =	sst s0;
	s0 =	simm.s32 @!p2 $0x0  }
0x16: {  	s3 =	sld [smem:$0x3FDB];
	s0 =	simm.s32 @p2 $0x1  }
0x17: {  	s4 =	simm.s32 $0x1BF5;
	[smem:$0x3FB8] =	sst s0  }
0x18: {  	s0 =	sld [smem:$0x3F9B];
	_ =	swait.ge [sflag:s4], $0x0  }
0x19: {  	s7 =	sld [smem:$0x3F9C]  }
0x1a: {  	s8 =	sadd.s32 $0xFFFFE003, lr  }
0x1b: {  	s9 =	sadd.s32 $0xFFFFFEF7, lr;
	s5 =	simm.s32 $0xFFFFFFFF;
	p2 =	slt.u32 s8, $0xFFFFF086  }
0x1c: {  	p1 =	slt.u32 s9, $0xF7A;
	s5 =	simm.s32 @!p2 $0x0  }
0x1d: {  	s5 =	simm.s32 @p1 $0x1;
	p0 =	seq.s32 s7, s2  }
0x1e: {  	s7 =	smul.u32 @!p0 $0xF7A, s2;
	p2 =	seq.s32 @!p0 s5, $0x0  }
0x1f: {  	s9 =	smul.u32 $0xF7A, s1;
	s8 =	simm.s32 @!p0 $0x1BF5;
	p2 =	por !p2, p0  }
0x20: {  	[sflag:s8] =	ssyncset.s32 @!p0 $0xFFFFF086;
	s6 =	sadd.s32 @!p0 s3, s7;
	s7 =	simm.s32 @!p0 $0x108  }
0x21: {  	s3 =	sadd.s32 s3, s9;
	s6 =	sadd.s32 @!p0 $0x88, s6;
	s7 =	simm.s32 @p2 $0x1082  }
0x22: {  	[simem:s7], [sflag:s8] =	dma.local @!p0 [hbm:s6], $0xF7A  }
0x23: {  	s9 =	sor.u32 $0xD0000000, s2;
	s6 =	simm.s32 $0x108;
	_ =	swait.ge @!p0 [sflag:s8], $0x0  }
0x24: {  	s3 =	sadd.s32 $0x88, s3;
	s6 =	simm.s32 @!p1 $0x1082;
	[sflag:s4] =	ssyncset.s32 $0xFFFFF086  }
0x25: {  	[simem:s6], [sflag:s4] =	dma.local [hbm:s3], $0xF7A  }
0x26: {  	[smem:$0x3F9C] =	sst s1;
	(tag) =	ssettag s2;
	_ =	strace s9  }
0x27: {  	s1 =	sld [smem:$0x3FAC]  }
0x28: {  	s2 =	sld [smem:$0x3FAD]  }
0x29: {  	s4 =	sld [smem:$0x3FAF]  }
0x2a: {  	p0 =	seq.s32 s5, $0x0;
	s5 =	sld [smem:$0x3FB0]  }
0x2b: {  	s6 =	sld [smem:$0x3FB1]  }
0x2c: {  	s7 =	sld [smem:$0x3FB2]  }
0x2d: {  	s3 =	simm.s32 $0x108;
	s8 =	sld [smem:$0x3FB3]  }
0x2e: {  	s3 =	simm.s32 @!p0 $0x1082;
	s9 =	sld [smem:$0x3FB4]  }
0x2f: {  	lr =	sadd.s32 s0, s3;
	s0 =	sld [smem:$0x3FAB]  }
0x30: {  	s3 =	sld [smem:$0x3FAE]  }
0x31: {  	[smem:$0x3FB7] =	sst s10  }
0x32: {  	s10 =	sld [smem:$0x3FB5];
	_ =	sdelay $0x3  }
0x33: {  	p0 =	seq.s32 s10, $0x1;
	s10 =	sld [smem:$0x3FB7];
	_ =	sdelay $0x3  }
0x34: {  	[smem:$0x3FB7] =	sst s10  }
0x35: {  	s10 =	sld [smem:$0x3FB6];
	_ =	sdelay $0x3  }
0x36: {  	p1 =	seq.s32 s10, $0x1;
	s10 =	sld [smem:$0x3FB7];
	_ =	sdelay $0x3  }
0x37: {  	[smem:$0x3FB7] =	sst s10  }
0x38: {  	s10 =	sld [smem:$0x3FB8]  }
0x39: {  	_ = 	snop;
	(pc) =	sbr.ind lr, $3  }
0x3a: {  	_ = 	snop  }
0x3b: {  	_ = 	snop  }
0x3c: {  	p2 =	seq.s32 s10, $0x1;
	s10 =	sld [smem:$0x3FB7]  }
0x3d: {  	_ =	shalt  }
0x3e: {  	_ =	shalt  }
0x3f: {  	_ =	shalt  }
0x40: {  	_ =	shalt  }
0x41: {  	_ =	shalt  }
0x42: {  	_ =	shalt  }
0x43: {  	_ =	shalt  }
0x44: {  	_ =	shalt  }
0x45: {  	_ =	shalt  }
0x46: {  	_ =	shalt  }
0x47: {  	_ =	shalt  }
0x48: {  	_ =	shalt  }
0x49: {  	_ =	shalt  }
0x4a: {  	_ =	shalt  }
0x4b: {  	_ =	shalt  }
0x4c: {  	_ =	shalt  }
0x4d: {  	_ =	shalt  }
0x4e: {  	_ =	shalt  }
0x4f: {  	_ =	shalt  }
0x50: {  	_ =	shalt  }
0x51: {  	_ =	shalt  }
0x52: {  	_ =	shalt  }
0x53: {  	_ =	shalt  }
0x54: {  	_ =	shalt  }
0x55: {  	_ =	shalt  }
0x56: {  	_ =	shalt  }
0x57: {  	_ =	shalt  }
0x58: {  	_ =	shalt  }
0x59: {  	_ =	shalt  }
0x5a: {  	_ =	shalt  }
0x5b: {  	_ =	shalt  }
0x5c: {  	_ =	shalt  }
0x5d: {  	_ =	shalt  }
0x5e: {  	_ =	shalt  }
0x5f: {  	_ =	shalt  }
0x60: {  	_ =	shalt  }
0x61: {  	_ =	shalt  }
0x62: {  	_ =	shalt  }
0x63: {  	_ =	shalt  }
0x64: {  	_ =	shalt  }
0x65: {  	_ =	shalt  }
0x66: {  	_ =	shalt  }
0x67: {  	_ =	shalt  }
0x68: {  	_ =	shalt  }
0x69: {  	_ =	shalt  }
0x6a: {  	_ =	shalt  }
0x6b: {  	_ =	shalt  }
0x6c: {  	_ =	shalt  }
0x6d: {  	_ =	shalt  }
0x6e: {  	_ =	shalt  }
0x6f: {  	_ =	shalt  }
0x70: {  	_ =	shalt  }
0x71: {  	_ =	shalt  }
0x72: {  	_ =	shalt  }
0x73: {  	_ =	shalt  }
0x74: {  	_ =	shalt  }
0x75: {  	_ =	shalt  }
0x76: {  	_ =	shalt  }
0x77: {  	_ =	shalt  }
0x78: {  	_ =	shalt  }
0x79: {  	_ =	shalt  }
0x7a: {  	_ =	shalt  }
0x7b: {  	_ =	shalt  }
0x7c: {  	_ =	shalt  }
0x7d: {  	_ =	shalt  }
0x7e: {  	_ =	shalt  }
0x7f: {  	_ =	shalt  }
0x80: {  	_ =	shalt  }
0x81: {  	_ =	shalt  }
0x82: {  	_ =	shalt  }
0x83: {  	_ =	shalt  }
0x84: {  	_ =	shalt  }
0x85: {  	_ =	shalt  }
0x86: {  	_ =	shalt  }
0x87: {  	_ =	shalt  }
.Lfunc_end0:
.L_simem_size_0:
called_computation_lowered:
.L_overlay_start_0:
0x88: {  	s2 =	sld [smem:$0x3FD9]  }
0x89: {  	s3 =	sld [smem:$0x3FFE];
	_ =	sdelay $0x1  }
0x8a: {  	s1 =	srdreg.scid  }
0x8b: {  	s0 =	sand.u32 $0x1, s1  }
0x8c: {  	s17 =	sshll.u32 s0, $0xA;
	s2 =	sadd.s32 s3, s2  }
0x8d: {  	s2 =	sadd.s32 s2, s17  }
0x8e: {  	[smem:$0x3FC3] =	sst s2  }
0x8f: {  	_ = 	snop  }
0x90: {  	s18 =	sld [smem:$0x3FD0];
	(tm) =	ssettm $0x1  }
0x91: {  	s19 =	sld [smem:$0x3FFB];
	_ =	sdelay $0x3  }
0x92: {  	_ =	strace s19  }
0x93: {  	s2 =	sld [smem:$0x3FFC];
	_ =	sdelay $0x3  }
0x94: {  	_ =	strace s2  }
0x95: {  	s2 =	sld [smem:$0x3FFD];
	_ =	sdelay $0x3  }
0x96: {  	_ =	strace s2  }
0x97: {  	_ =	strace $0x8FFFFFFF  }
0x98: {  	s20 =	sld [smem:$0x3FDB];
	_ =	sdelay $0x1  }
0x99: {  	s4 =	simm.s32 $_scs_section_size  }
0x9a: {  	s5 =	simm.s32 $_size__tile_overlayer_lowered;
	s6 =	simm.s32 $_tile_overlayer_lowered  }
0x9b: {  	s7 =	simm.s32 $0x1BFF;
	s21 =	sshll.u32 s6, $0x1;
	s4 =	sadd.s32 s4, s20  }
0x9c: {  	s22 =	simm.s32 $0x0;
	s5 =	sshll.u32 s5, $0x1;
	s6 =	sadd.s32 s21, s4  }
0x9d: {  	[timem:s22], [sflag:s7] =	dma.local [hbm:s6], s5  }
0x9e: {  	_ =	swait.ge [sflag:s7], s5  }
0x9f: {  	s5 =	ssub.s32 $0x0, s5;
	[sflag:s7] =	ssyncset.done $0x0  }
0xa0: {  	[sflag:s7] =	ssyncadd.s32 s5;
	_ =	sdelay $0x1  }
0xa1: {  	s23 =	simm.s32 $0x1B8B  }
0xa2: {  	_ =	swait.ge [sflag:s23], $0x1  }
0xa3: {  	[sflag:s23] =	ssyncset.done $0x0  }
0xa4: {  	[sflag:s23] =	ssyncadd.s32 $0xFFFFFFFF  }
0xa5: {  	s5 =	sld [smem:$0x0]  }
0xa6: {  	s6 =	sand.u32 $0xFFFFFFFE, s1  }
0xa7: {  	p0 =	sne.s32 s1, s6  }
0xa8: {  	s6 =	sshll.u32 @p0 s6, $0xE  }
0xa9: {  	s6 =	sadd.s32 @p0 $0x11B8D, s6;
	s7 =	sshll.u32 @p0 s5, $0x11  }
0xaa: {  	s6 =	sor.u32 @p0 s7, s6  }
0xab: {  	[sflag:s6] =	ssyncadd.remote.s32 @p0 $0x1;
	_ =	sdelay $0x1  }
0xac: {  	s6 =	simm.s32 @p0 $0x1B8D  }
0xad: {  	_ =	swait.eq @p0 [sflag:s6], $0x1  }
0xae: {  	[sflag:s6] =	ssyncadd.s32 @p0 $0xFFFFFFFF  }
0xaf: {  	s7 =	sshll.u32 @!p0 s1, $0xE  }
0xb0: {  	s7 =	sor.u32 @!p0 $0x4000, s7;
	s6 =	simm.s32 @!p0 $0x1B8D  }
0xb1: {  	s5 =	sshll.u32 @!p0 s5, $0x11;
	s7 =	sadd.s32 @!p0 $0x11B8D, s7;
	_ =	swait.eq @!p0 [sflag:s6], $0x1  }
0xb2: {  	s5 =	sor.u32 @!p0 s5, s7;
	[sflag:s6] =	ssyncadd.s32 @!p0 $0xFFFFFFFF  }
0xb3: {  	s25 =	simm.s32 $0x1B8E;
	s24 =	sld [smem:$0x3FFE];
	[sflag:s5] =	ssyncadd.remote.s32 @!p0 $0x1  }
0xb4: {  	s26 =	simm.s32 $execute0_lowered;
	[smem:$0x3FD2] =	sst s25  }
0xb5: {  	s6 =	sshll.u32 s26, $0x1;
	_ =	strace $0x80000049;
	[dreg:$0x1] =	wrdreg $0xFFFFFFFF  }
0xb6: {  	s28 =	simm.s32 $_size_execute0_lowered;
	s4 =	sadd.s32 s4, s6;
	[dreg:$0x0] =	wrdreg $0x0  }
0xb7: {  	s6 =	sshll.u32 s28, $0x1;
	[dreg:$0x2] =	wrdreg s4  }
0xb8: {  	[dreg:$0x3] =	wrdreg s6  }
0xb9: {  	[dreg:$0x4] =	wrdreg $0xC0  }
0xba: {  	_ =	task [dreg:s22], $0x5FFFF  }
0xbb: {  	[dreg:$0x1] =	wrdreg $0xFFFFFFFF  }
0xbc: {  	[dreg:$0x0] =	wrdreg $0x60  }
0xbd: {  	[dreg:$0x2] =	wrdreg s18  }
0xbe: {  	[dreg:$0x3] =	wrdreg s24  }
0xbf: {  	[dreg:$0x4] =	wrdreg $0x9  }
0xc0: {  	_ =	task.clear_ibuf [dreg:s22], $0x5FFFF;
	_ =	strace $0x90000049  }
0xc1: {  	s29 =	simm.s32 $0x9;
	_ =	strace $0x8000004B  }
0xc2: {  	_ =	swait.ge [sflag:s29], $0x1  }
0xc3: {  	[sflag:s29] =	ssyncadd.s32 $0xFFFFFFFF  }
0xc4: {  	_ =	strace $0x9000004B  }
0xc5: {  	_ =	sfence  }
0xc6: {  	s30 =	sld [smem:$0x0];
	_ =	sdelay $0x2  }
0xc7: {  	s31 =	sshll.u32 s1, $0xD;
	s1 =	sshrl.u32 s1, $0x2  }
0xc8: {  	s4 =	sand.u32 $0x4000, s31;
	s1 =	sadd.s32 s1, s30  }
0xc9: {  	s0 =	sor.u32 s4, s0;
	s1 =	sshll.u32 s1, $0x11  }
0xca: {  	s0 =	sor.u32 s1, s0  }
0xcb: {  	s0 =	sadd.s32 $0x8F2B, s0  }
0xcc: {  	[sflag:s0] =	ssyncadd.remote.s32 $0x1  }
0xcd: {  	_ =	sfence.sel $0xFFFF  }
0xce: {  	[dreg:$0x0] =	wrdreg $0xFFFFFFFF;
	(pc) =	sbr.abs _section_cstart, $3  }
0xcf: {  	[dreg:$0x1] =	wrdreg $0xFFFFFFFF  }
0xd0: {  	_ =	task.clear_ibuf [dreg:s22], $0x2FFFF;
	_ =	strace $0x9FFFFFFF  }
0xd1: {  	(tm) =	ssettm $0x7FFFFFFF  }
tec
execute0_lowered:
.L_overlay_start_1:
0x0: {  	(tag) =	ssettag $0x1  }
0x1: {  	s2 =	rddreg [dreg:$0x0]  }
0x2: {  	s5 =	rddreg [dreg:$0x1];
	s3 =	simm.s32 $0x0  }
0x3: {  	s29 =	simm.s32 $0x100;
	[smem:$0x7FF] =	sst s3  }
0x4: {  	s30 =	simm.s32 $0x180;
	_ =	strace $0x8000004A;
	[dreg:$0x7] =	wrdreg s29  }
0x5: {  	s1 =	srdreg.scid;
	s31 =	simm.s32 $0x8A00;
	[dreg:$0x8] =	wrdreg s30  }
0x6: {  	s6 =	sand.u32 $0x1, s1;
	s1 =	simm.s32 $0x9200;
	[dreg:$0x9] =	wrdreg s31  }
0x7: {  	s12 =	simm.s32 $0xAA00;
	[dreg:$0xa] =	wrdreg s1  }
0x8: {  	s13 =	simm.s32 $0xB200;
	[dreg:$0xd] =	wrdreg s12  }
0x9: {  	s14 =	simm.s32 $0xBA00;
	[dreg:$0xe] =	wrdreg s13  }
0xa: {  	s16 =	simm.s32 $0xC200;
	[dreg:$0xf] =	wrdreg s14  }
0xb: {  	s0 =	stileid.u32;
	s18 =	simm.s32 $0xCA00;
	[dreg:$0x10] =	wrdreg s16  }
0xc: {  	s19 =	simm.s32 $0xD200;
	s21 =	simm.s32 $0xE200;
	[dreg:$0x11] =	wrdreg s18  }
0xd: {  	s22 =	simm.s32 $0xEA00;
	s24 =	simm.s32 $0xF200;
	[dreg:$0x12] =	wrdreg s19  }
0xe: {  	s25 =	simm.s32 $0xFA00;
	s4 =	smul.u32 $0x2800, s0;
	[dreg:$0x14] =	wrdreg s21  }
0xf: {  	s26 =	simm.s32 $0x10A00;
	s11 =	smul.u32 $0x50000, s0;
	[dreg:$0x15] =	wrdreg s22  }
0x10: {  	s28 =	sadd.s32 $0x7DAA00, s5;
	s7 =	smul.u32 $0x1400, s6;
	[dreg:$0x16] =	wrdreg s24  }
0x11: {  	s9 =	sadd.s32 $0x7DFA00, s5;
	s20 =	smul.u32 $0x28000, s6;
	[dreg:$0x17] =	wrdreg s25  }
0x12: {  	s15 =	ssub.s32 $0x2, s6;
	s23 =	smul.u32 $0x14000, s6;
	[dreg:$0x18] =	wrdreg s26  }
0x13: {  	s29 =	simm.s32 $0x11A00;
	s30 =	simm.s32 $0x12200;
	s12 =	simm.s32 $0x12A00  }
0x14: {  	s13 =	simm.s32 $0x13200;
	s14 =	simm.s32 $0x13A00;
	s31 =	simm.s32 $0x14A00  }
0x15: {  	s16 =	simm.s32 $0x15A00;
	s18 =	simm.s32 $0x16A00;
	[dreg:$0x1a] =	wrdreg s29  }
0x16: {  	s19 =	simm.s32 $0x17200;
	s21 =	simm.s32 $0x3;
	[dreg:$0x1b] =	wrdreg s30  }
0x17: {  	s22 =	simm.s32 $0x5;
	s24 =	simm.s32 $0x6;
	[dreg:$0x1c] =	wrdreg s12  }
0x18: {  	s25 =	simm.s32 $0x0;
	[dreg:$0x1d] =	wrdreg s13;
	s4 =	sadd.s32 s7, s4  }
0x19: {  	s17 =	sshrl.u32 s15, $0x1;
	[dreg:$0x1e] =	wrdreg s14;
	s8 =	sshrl.u32 s4, $0x3  }
0x1a: {  	[smem:$0x7FD] =	sst s31;
	s4 =	sor.u32 $0x80, s4;
	s10 =	sadd.s32 s8, s28  }
0x1b: {  	s8 =	sadd.s32 s8, s9;
	s4 =	sshrl.u32 s4, $0x3;
	[dreg:$0x3] =	wrdreg s10  }
0x1c: {  	s12 =	simm.s32 $0x2;
	[dreg:$0x4] =	wrdreg s8;
	s7 =	sadd.s32 s4, s28  }
0x1d: {  	s13 =	simm.s32 $0x4200;
	s4 =	sadd.s32 s4, s9;
	[dreg:$0x5] =	wrdreg s7  }
0x1e: {  	s14 =	simm.s32 $0x10200;
	s8 =	simm.s32 $0x9A00;
	[dreg:$0x6] =	wrdreg s4  }
0x1f: {  	s9 =	smul.u32 $0x28000, s0;
	s10 =	simm.s32 $0xA200;
	[dreg:$0xb] =	wrdreg s8  }
0x20: {  	s28 =	simm.s32 $0x11200;
	s4 =	sadd.s32 $0x2800, s5;
	[dreg:$0xc] =	wrdreg s10  }
0x21: {  	s7 =	ssub.s32 s15, s17;
	[dreg:$0x19] =	wrdreg s28;
	s10 =	simm.s32 $0x200  }
0x22: {  	s15 =	simm.s32 $0x14200;
	s17 =	simm.s32 $0x16200;
	s8 =	sadd.s32 s9, s5  }
0x23: {  	s9 =	sadd.s32 s11, s5;
	s11 =	simm.s32 $0xDA00;
	[dreg:$0x1f] =	wrdreg s15  }
0x24: {  	s5 =	smax.u32 s7, $0x1;
	s15 =	simm.s32 $0x15200;
	[dreg:$0x13] =	wrdreg s11  }
0x25: {  	v2 =	vlaneseq.u32;
	s9 =	sadd.s32 s20, s9;
	s8 =	sadd.s32 s23, s8;
	s11 =	simm.s32 $0x8200  }
0x26: {  	vm0 =	vmmov $0xffff;
	v1 =	vshrl.u32 v2, $0x3;
	s20 =	simm.s32 $0x17A00;
	s23 =	simm.s32 $0x4;
	s6 =	sadd.s32 $0xA64A00, s9  }
0x27: {  	v0 =	vand.u32 $0x7, v2;
	v2 =	vor.u32 $0x8, v2;
	v1 =	vmul.u32 $0x8, v1;
	s7 =	sadd.s32 $0x7E4A00, s8;
	s8 =	simm.s32 $0x80;
	s9 =	simm.s32 $0x1  }
.LBB2_1:
0x28: {  	s26 =	smov.u32 s7;
	s28 =	smov.u32 s6;
	s29 =	simm.s32 $0x0  }
.LBB2_2:
0x29: {  	s30 =	rddreg [dreg:$0x4]  }
0x2a: {  	s31 =	rddreg [dreg:$0x3]  }
0x2b: {  	s1 =	rddreg [dreg:$0x7];
	s30 =	sadd.s32 s29, s30  }
0x2c: {  	[tilespmem:s3], [sflag:$0x1] =	stream.linear.gather [hbm4b:s30+s3], $0x80, $0x38;
	[tilespmem:$0x18200] =	vst v63  }
0x2d: {  	s30 =	sadd.s32 s29, s31;
	s31 =	rddreg [dreg:$0x6]  }
0x2e: {  	[tilespmem:s1], [sflag:$0x1] =	stream.linear.gather [hbm4b:s30+s3], $0x80, $0x38;
	[tilespmem:$0x18200] =	vst v63  }
0x2f: {  	s1 =	rddreg [dreg:$0x5];
	s30 =	sadd.s32 s29, s31  }
0x30: {  	[tilespmem:s8], [sflag:$0x2] =	stream.linear.gather [hbm4b:s30+s3], $0x80, $0x38;
	[tilespmem:$0x18200] =	vst v63  }
0x31: {  	s31 =	rddreg [dreg:$0x8];
	s1 =	sadd.s32 s29, s1  }
0x32: {  	[tilespmem:s31], [sflag:$0x2] =	stream.linear.gather [hbm4b:s1+s3], $0x80, $0x38;
	[tilespmem:$0x18200] =	vst v63  }
0x33: {  	_ =	swait.ge [sflag:s9], $0x80  }
0x34: {  	[sflag:s9] =	ssyncset.done $0x0  }
0x35: {  	[sflag:s9] =	ssyncadd.s32 $0xFFFFFF80  }
0x36: {  	_ =	swait.ge [sflag:s9], $0x80  }
0x37: {  	[sflag:s9] =	ssyncset.done $0x0  }
0x38: {  	[sflag:s9] =	ssyncadd.s32 $0xFFFFFF80  }
0x39: {  	[tilespmem:s10], [sflag:$0x3] =	stream.indirect.gather [hbm4b:s2+s8], $0x80, s3, s8, $0xb8;
	[tilespmem:$0x18200] =	vst v63  }
0x3a: {  	v3 =	vld [tilespmem:$0x100];
	_ =	sdelay $0x4  }
0x3b: {  	v4 =	vshll.u32 v3, $0x1  }
0x3c: {  	v3 =	vand.u32 $0x7, v3;
	v4 =	vand.u32 $0xFFFFFFF0, v4  }
0x3d: {  	v3 =	vor.u32 v3, v4  }
0x3e: {  	v4 =	vperm.xlane v3, v0;
	_ =	sdelay $0x1  }
0x3f: {  	v3 =	vperm.xlane v3, v2;
	v4 =	vadd.s32 v1, v4;
	_ =	sdelay $0x1  }
0x40: {  	v3 =	vadd.s32 v1, v3;
	_ =	sdelay $0x2  }
0x41: {  	[tilespmem:s11], [sflag:$0x5] =	stream.indirect_vreg.gather [hbm4b:s4+s3], $0x80, v4, vm0, $0xb8;
	[tilespmem:$0x18200] =	vst v63  }
0x42: {  	s30 =	rddreg [dreg:$0x9]  }
0x43: {  	[tilespmem:s30], [sflag:$0x5] =	stream.indirect_vreg.gather [hbm4b:s4+s3], $0x80, v3, vm0, $0xb8;
	[tilespmem:$0x18200] =	vst v63  }
0x44: {  	v3 =	vld [tilespmem:$0x110];
	_ =	sdelay $0x4  }
0x45: {  	v49 =	vshll.u32 v3, $0x1  }
0x46: {  	v3 =	vand.u32 $0x7, v3;
	v4 =	vand.u32 $0xFFFFFFF0, v49  }
0x47: {  	v3 =	vor.u32 v3, v4  }
0x48: {  	v4 =	vperm.xlane v3, v0;
	_ =	sdelay $0x1  }
0x49: {  	v3 =	vperm.xlane v3, v2;
	v4 =	vadd.s32 v1, v4;
	_ =	sdelay $0x1  }
0x4a: {  	v3 =	vadd.s32 v1, v3;
	_ =	sdelay $0x1  }
0x4b: {  	s1 =	rddreg [dreg:$0xa]  }
0x4c: {  	[tilespmem:s1], [sflag:$0x5] =	stream.indirect_vreg.gather [hbm4b:s4+s3], $0x80, v4, vm0, $0xb8;
	[tilespmem:$0x18200] =	vst v63  }
0x4d: {  	s31 =	rddreg [dreg:$0xb]  }
0x4e: {  	[tilespmem:s31], [sflag:$0x5] =	stream.indirect_vreg.gather [hbm4b:s4+s3], $0x80, v3, vm0, $0xb8;
	[tilespmem:$0x18200] =	vst v63  }
0x4f: {  	v3 =	vld [tilespmem:$0x120];
	_ =	sdelay $0x4  }
0x50: {  	v50 =	vshll.u32 v3, $0x1  }
0x51: {  	v3 =	vand.u32 $0x7, v3;
	v4 =	vand.u32 $0xFFFFFFF0, v50  }
0x52: {  	v3 =	vor.u32 v3, v4  }
0x53: {  	v4 =	vperm.xlane v3, v0;
	_ =	sdelay $0x1  }
0x54: {  	v3 =	vperm.xlane v3, v2;
	v4 =	vadd.s32 v1, v4;
	_ =	sdelay $0x1  }
0x55: {  	v3 =	vadd.s32 v1, v3;
	_ =	sdelay $0x1  }
0x56: {  	s1 =	rddreg [dreg:$0xc]  }
0x57: {  	[tilespmem:s1], [sflag:$0x5] =	stream.indirect_vreg.gather [hbm4b:s4+s3], $0x80, v4, vm0, $0xb8;
	[tilespmem:$0x18200] =	vst v63  }
0x58: {  	s31 =	rddreg [dreg:$0xd]  }
0x59: {  	[tilespmem:s31], [sflag:$0x5] =	stream.indirect_vreg.gather [hbm4b:s4+s3], $0x80, v3, vm0, $0xb8;
	[tilespmem:$0x18200] =	vst v63  }
0x5a: {  	v3 =	vld [tilespmem:$0x130];
	_ =	sdelay $0x4  }
0x5b: {  	v51 =	vshll.u32 v3, $0x1  }
0x5c: {  	v3 =	vand.u32 $0x7, v3;
	v4 =	vand.u32 $0xFFFFFFF0, v51  }
0x5d: {  	v3 =	vor.u32 v3, v4  }
0x5e: {  	v4 =	vperm.xlane v3, v0;
	_ =	sdelay $0x1  }
0x5f: {  	v3 =	vperm.xlane v3, v2;
	v4 =	vadd.s32 v1, v4;
	_ =	sdelay $0x1  }
0x60: {  	v3 =	vadd.s32 v1, v3;
	_ =	sdelay $0x1  }
0x61: {  	s1 =	rddreg [dreg:$0xe]  }
0x62: {  	[tilespmem:s1], [sflag:$0x5] =	stream.indirect_vreg.gather [hbm4b:s4+s3], $0x80, v4, vm0, $0xb8;
	[tilespmem:$0x18200] =	vst v63  }
0x63: {  	s31 =	rddreg [dreg:$0xf]  }
0x64: {  	[tilespmem:s31], [sflag:$0x5] =	stream.indirect_vreg.gather [hbm4b:s4+s3], $0x80, v3, vm0, $0xb8;
	[tilespmem:$0x18200] =	vst v63  }
0x65: {  	v3 =	vld [tilespmem:$0x140];
	_ =	sdelay $0x4  }
0x66: {  	v52 =	vshll.u32 v3, $0x1  }
0x67: {  	v3 =	vand.u32 $0x7, v3;
	v4 =	vand.u32 $0xFFFFFFF0, v52  }
0x68: {  	v3 =	vor.u32 v3, v4  }
0x69: {  	v4 =	vperm.xlane v3, v0;
	_ =	sdelay $0x1  }
0x6a: {  	v3 =	vperm.xlane v3, v2;
	v4 =	vadd.s32 v1, v4;
	_ =	sdelay $0x1  }
0x6b: {  	v3 =	vadd.s32 v1, v3;
	_ =	sdelay $0x1  }
0x6c: {  	s1 =	rddreg [dreg:$0x10]  }
0x6d: {  	[tilespmem:s1], [sflag:$0x5] =	stream.indirect_vreg.gather [hbm4b:s4+s3], $0x80, v4, vm0, $0xb8;
	[tilespmem:$0x18200] =	vst v63  }
0x6e: {  	s31 =	rddreg [dreg:$0x11]  }
0x6f: {  	[tilespmem:s31], [sflag:$0x5] =	stream.indirect_vreg.gather [hbm4b:s4+s3], $0x80, v3, vm0, $0xb8;
	[tilespmem:$0x18200] =	vst v63  }
0x70: {  	v3 =	vld [tilespmem:$0x150];
	_ =	sdelay $0x4  }
0x71: {  	v53 =	vshll.u32 v3, $0x1  }
0x72: {  	v3 =	vand.u32 $0x7, v3;
	v4 =	vand.u32 $0xFFFFFFF0, v53  }
0x73: {  	v3 =	vor.u32 v3, v4  }
0x74: {  	v4 =	vperm.xlane v3, v0;
	_ =	sdelay $0x1  }
0x75: {  	v3 =	vperm.xlane v3, v2;
	v4 =	vadd.s32 v1, v4;
	_ =	sdelay $0x1  }
0x76: {  	v3 =	vadd.s32 v1, v3;
	_ =	sdelay $0x1  }
0x77: {  	s1 =	rddreg [dreg:$0x12]  }
0x78: {  	[tilespmem:s1], [sflag:$0x5] =	stream.indirect_vreg.gather [hbm4b:s4+s3], $0x80, v4, vm0, $0xb8;
	[tilespmem:$0x18200] =	vst v63  }
0x79: {  	s31 =	rddreg [dreg:$0x13]  }
0x7a: {  	[tilespmem:s31], [sflag:$0x5] =	stream.indirect_vreg.gather [hbm4b:s4+s3], $0x80, v3, vm0, $0xb8;
	[tilespmem:$0x18200] =	vst v63  }
0x7b: {  	v3 =	vld [tilespmem:$0x160];
	_ =	sdelay $0x4  }
0x7c: {  	v54 =	vshll.u32 v3, $0x1  }
0x7d: {  	v3 =	vand.u32 $0x7, v3;
	v4 =	vand.u32 $0xFFFFFFF0, v54  }
0x7e: {  	v3 =	vor.u32 v3, v4  }
0x7f: {  	v4 =	vperm.xlane v3, v0;
	_ =	sdelay $0x1  }
0x80: {  	v3 =	vperm.xlane v3, v2;
	v4 =	vadd.s32 v1, v4;
	_ =	sdelay $0x1  }
0x81: {  	v3 =	vadd.s32 v1, v3;
	_ =	sdelay $0x1  }
0x82: {  	s1 =	rddreg [dreg:$0x14]  }
0x83: {  	[tilespmem:s1], [sflag:$0x5] =	stream.indirect_vreg.gather [hbm4b:s4+s3], $0x80, v4, vm0, $0xb8;
	[tilespmem:$0x18200] =	vst v63  }
0x84: {  	s31 =	rddreg [dreg:$0x15]  }
0x85: {  	[tilespmem:s31], [sflag:$0x5] =	stream.indirect_vreg.gather [hbm4b:s4+s3], $0x80, v3, vm0, $0xb8;
	[tilespmem:$0x18200] =	vst v63  }
0x86: {  	v3 =	vld [tilespmem:$0x170];
	_ =	sdelay $0x4  }
0x87: {  	v55 =	vshll.u32 v3, $0x1  }
0x88: {  	v3 =	vand.u32 $0x7, v3;
	v4 =	vand.u32 $0xFFFFFFF0, v55  }
0x89: {  	v3 =	vor.u32 v3, v4  }
0x8a: {  	v4 =	vperm.xlane v3, v0;
	_ =	sdelay $0x1  }
0x8b: {  	v3 =	vperm.xlane v3, v2;
	v4 =	vadd.s32 v1, v4;
	_ =	sdelay $0x1  }
0x8c: {  	v3 =	vadd.s32 v1, v3;
	_ =	sdelay $0x1  }
0x8d: {  	s1 =	rddreg [dreg:$0x16]  }
0x8e: {  	[tilespmem:s1], [sflag:$0x5] =	stream.indirect_vreg.gather [hbm4b:s4+s3], $0x80, v4, vm0, $0xb8;
	[tilespmem:$0x18200] =	vst v63  }
0x8f: {  	s31 =	rddreg [dreg:$0x17]  }
0x90: {  	[tilespmem:s31], [sflag:$0x5] =	stream.indirect_vreg.gather [hbm4b:s4+s3], $0x80, v3, vm0, $0xb8;
	[tilespmem:$0x18200] =	vst v63  }
0x91: {  	_ =	swait.ge [sflag:s12], $0x80  }
0x92: {  	[sflag:s12] =	ssyncset.done $0x0  }
0x93: {  	[sflag:s12] =	ssyncadd.s32 $0xFFFFFF80  }
0x94: {  	_ =	swait.ge [sflag:s12], $0x80  }
0x95: {  	[sflag:s12] =	ssyncset.done $0x0  }
0x96: {  	[sflag:s12] =	ssyncadd.s32 $0xFFFFFF80  }
0x97: {  	[tilespmem:s13], [sflag:$0x4] =	stream.indirect.gather [hbm4b:s2+s8], $0x80, s8, s8, $0xb8;
	[tilespmem:$0x18200] =	vst v63  }
0x98: {  	v3 =	vld [tilespmem:$0x180];
	_ =	sdelay $0x4  }
0x99: {  	v56 =	vshll.u32 v3, $0x1  }
0x9a: {  	v3 =	vand.u32 $0x7, v3;
	v4 =	vand.u32 $0xFFFFFFF0, v56  }
0x9b: {  	v3 =	vor.u32 v3, v4  }
0x9c: {  	v4 =	vperm.xlane v3, v0;
	_ =	sdelay $0x1  }
0x9d: {  	v3 =	vperm.xlane v3, v2;
	v4 =	vadd.s32 v1, v4;
	_ =	sdelay $0x1  }
0x9e: {  	v3 =	vadd.s32 v1, v3;
	_ =	sdelay $0x2  }
0x9f: {  	[tilespmem:s14], [sflag:$0x6] =	stream.indirect_vreg.gather [hbm4b:s4+s3], $0x80, v4, vm0, $0xb8;
	[tilespmem:$0x18200] =	vst v63  }
0xa0: {  	s30 =	rddreg [dreg:$0x18]  }
0xa1: {  	[tilespmem:s30], [sflag:$0x6] =	stream.indirect_vreg.gather [hbm4b:s4+s3], $0x80, v3, vm0, $0xb8;
	[tilespmem:$0x18200] =	vst v63  }
0xa2: {  	v3 =	vld [tilespmem:$0x190];
	_ =	sdelay $0x4  }
0xa3: {  	v57 =	vshll.u32 v3, $0x1  }
0xa4: {  	v3 =	vand.u32 $0x7, v3;
	v4 =	vand.u32 $0xFFFFFFF0, v57  }
0xa5: {  	v3 =	vor.u32 v3, v4  }
0xa6: {  	v4 =	vperm.xlane v3, v0;
	_ =	sdelay $0x1  }
0xa7: {  	v3 =	vperm.xlane v3, v2;
	v4 =	vadd.s32 v1, v4;
	_ =	sdelay $0x1  }
0xa8: {  	v3 =	vadd.s32 v1, v3;
	_ =	sdelay $0x1  }
0xa9: {  	s1 =	rddreg [dreg:$0x19]  }
0xaa: {  	[tilespmem:s1], [sflag:$0x6] =	stream.indirect_vreg.gather [hbm4b:s4+s3], $0x80, v4, vm0, $0xb8;
	[tilespmem:$0x18200] =	vst v63  }
0xab: {  	s31 =	rddreg [dreg:$0x1a]  }
0xac: {  	[tilespmem:s31], [sflag:$0x6] =	stream.indirect_vreg.gather [hbm4b:s4+s3], $0x80, v3, vm0, $0xb8;
	[tilespmem:$0x18200] =	vst v63  }
0xad: {  	v3 =	vld [tilespmem:$0x1A0];
	_ =	sdelay $0x4  }
0xae: {  	v58 =	vshll.u32 v3, $0x1  }
0xaf: {  	v3 =	vand.u32 $0x7, v3;
	v4 =	vand.u32 $0xFFFFFFF0, v58  }
0xb0: {  	v3 =	vor.u32 v3, v4  }
0xb1: {  	v4 =	vperm.xlane v3, v0;
	_ =	sdelay $0x1  }
0xb2: {  	v3 =	vperm.xlane v3, v2;
	v4 =	vadd.s32 v1, v4;
	_ =	sdelay $0x1  }
0xb3: {  	v3 =	vadd.s32 v1, v3;
	_ =	sdelay $0x1  }
0xb4: {  	s1 =	rddreg [dreg:$0x1b]  }
0xb5: {  	[tilespmem:s1], [sflag:$0x6] =	stream.indirect_vreg.gather [hbm4b:s4+s3], $0x80, v4, vm0, $0xb8;
	[tilespmem:$0x18200] =	vst v63  }
0xb6: {  	s31 =	rddreg [dreg:$0x1c]  }
0xb7: {  	[tilespmem:s31], [sflag:$0x6] =	stream.indirect_vreg.gather [hbm4b:s4+s3], $0x80, v3, vm0, $0xb8;
	[tilespmem:$0x18200] =	vst v63  }
0xb8: {  	v3 =	vld [tilespmem:$0x1B0];
	_ =	sdelay $0x4  }
0xb9: {  	v59 =	vshll.u32 v3, $0x1  }
0xba: {  	v3 =	vand.u32 $0x7, v3;
	v4 =	vand.u32 $0xFFFFFFF0, v59  }
0xbb: {  	v3 =	vor.u32 v3, v4  }
0xbc: {  	v4 =	vperm.xlane v3, v0;
	_ =	sdelay $0x1  }
0xbd: {  	v3 =	vperm.xlane v3, v2;
	v4 =	vadd.s32 v1, v4;
	_ =	sdelay $0x1  }
0xbe: {  	v3 =	vadd.s32 v1, v3;
	_ =	sdelay $0x1  }
0xbf: {  	s1 =	rddreg [dreg:$0x1d]  }
0xc0: {  	[tilespmem:s1], [sflag:$0x6] =	stream.indirect_vreg.gather [hbm4b:s4+s3], $0x80, v4, vm0, $0xb8;
	[tilespmem:$0x18200] =	vst v63  }
0xc1: {  	s31 =	rddreg [dreg:$0x1e]  }
0xc2: {  	[tilespmem:s31], [sflag:$0x6] =	stream.indirect_vreg.gather [hbm4b:s4+s3], $0x80, v3, vm0, $0xb8;
	[tilespmem:$0x18200] =	vst v63  }
0xc3: {  	v3 =	vld [tilespmem:$0x1C0];
	_ =	sdelay $0x4  }
0xc4: {  	v60 =	vshll.u32 v3, $0x1  }
0xc5: {  	v3 =	vand.u32 $0x7, v3;
	v4 =	vand.u32 $0xFFFFFFF0, v60  }
0xc6: {  	v3 =	vor.u32 v3, v4  }
0xc7: {  	v4 =	vperm.xlane v3, v0;
	_ =	sdelay $0x1  }
0xc8: {  	v3 =	vperm.xlane v3, v2;
	v4 =	vadd.s32 v1, v4;
	_ =	sdelay $0x1  }
0xc9: {  	v3 =	vadd.s32 v1, v3  }
0xca: {  	s1 =	rddreg [dreg:$0x1f]  }
0xcb: {  	s31 =	sld [smem:$0x7FD]  }
0xcc: {  	[tilespmem:s1], [sflag:$0x6] =	stream.indirect_vreg.gather [hbm4b:s4+s3], $0x80, v4, vm0, $0xb8;
	[tilespmem:$0x18200] =	vst v63  }
0xcd: {  	_ = 	snop  }
0xce: {  	[tilespmem:s31], [sflag:$0x6] =	stream.indirect_vreg.gather [hbm4b:s4+s3], $0x80, v3, vm0, $0xb8;
	[tilespmem:$0x18200] =	vst v63  }
0xcf: {  	v3 =	vld [tilespmem:$0x1D0];
	_ =	sdelay $0x4  }
0xd0: {  	v61 =	vshll.u32 v3, $0x1  }
0xd1: {  	v3 =	vand.u32 $0x7, v3;
	v4 =	vand.u32 $0xFFFFFFF0, v61  }
0xd2: {  	v3 =	vor.u32 v3, v4  }
0xd3: {  	v4 =	vperm.xlane v3, v0;
	_ =	sdelay $0x1  }
0xd4: {  	v3 =	vperm.xlane v3, v2;
	v4 =	vadd.s32 v1, v4;
	_ =	sdelay $0x1  }
0xd5: {  	v3 =	vadd.s32 v1, v3;
	_ =	sdelay $0x2  }
0xd6: {  	[tilespmem:s15], [sflag:$0x6] =	stream.indirect_vreg.gather [hbm4b:s4+s3], $0x80, v4, vm0, $0xb8;
	[tilespmem:$0x18200] =	vst v63  }
0xd7: {  	_ = 	snop  }
0xd8: {  	[tilespmem:s16], [sflag:$0x6] =	stream.indirect_vreg.gather [hbm4b:s4+s3], $0x80, v3, vm0, $0xb8;
	[tilespmem:$0x18200] =	vst v63  }
0xd9: {  	v3 =	vld [tilespmem:$0x1E0];
	_ =	sdelay $0x4  }
0xda: {  	v62 =	vshll.u32 v3, $0x1  }
0xdb: {  	v3 =	vand.u32 $0x7, v3;
	v4 =	vand.u32 $0xFFFFFFF0, v62  }
0xdc: {  	v3 =	vor.u32 v3, v4  }
0xdd: {  	v4 =	vperm.xlane v3, v0;
	_ =	sdelay $0x1  }
0xde: {  	v3 =	vperm.xlane v3, v2;
	v4 =	vadd.s32 v1, v4;
	_ =	sdelay $0x1  }
0xdf: {  	v3 =	vadd.s32 v1, v3;
	_ =	sdelay $0x2  }
0xe0: {  	[tilespmem:s17], [sflag:$0x6] =	stream.indirect_vreg.gather [hbm4b:s4+s3], $0x80, v4, vm0, $0xb8;
	[tilespmem:$0x18200] =	vst v63  }
0xe1: {  	_ = 	snop  }
0xe2: {  	[tilespmem:s18], [sflag:$0x6] =	stream.indirect_vreg.gather [hbm4b:s4+s3], $0x80, v3, vm0, $0xb8;
	[tilespmem:$0x18200] =	vst v63  }
0xe3: {  	v3 =	vld [tilespmem:$0x1F0];
	_ =	sdelay $0x4  }
0xe4: {  	v63 =	vshll.u32 v3, $0x1  }
0xe5: {  	v3 =	vand.u32 $0x7, v3;
	v4 =	vand.u32 $0xFFFFFFF0, v63  }
0xe6: {  	v3 =	vor.u32 v3, v4  }
0xe7: {  	v4 =	vperm.xlane v3, v0;
	_ =	sdelay $0x1  }
0xe8: {  	v3 =	vperm.xlane v3, v2;
	v4 =	vadd.s32 v1, v4;
	_ =	sdelay $0x1  }
0xe9: {  	v3 =	vadd.s32 v1, v3;
	_ =	sdelay $0x2  }
0xea: {  	[tilespmem:s19], [sflag:$0x6] =	stream.indirect_vreg.gather [hbm4b:s4+s3], $0x80, v4, vm0, $0xb8;
	[tilespmem:$0x18200] =	vst v63  }
0xeb: {  	_ = 	snop  }
0xec: {  	[tilespmem:s20], [sflag:$0x6] =	stream.indirect_vreg.gather [hbm4b:s4+s3], $0x80, v3, vm0, $0xb8;
	[tilespmem:$0x18200] =	vst v63  }
0xed: {  	_ =	swait.ge [sflag:s21], $0x4000  }
0xee: {  	[sflag:s21] =	ssyncset.done $0x0  }
0xef: {  	[sflag:s21] =	ssyncadd.s32 $0xFFFFC000  }
0xf0: {  	[hbm4b:s26+s3] =	stream.linear.scatter [tilespmem:s10], [sflag:$0x3], $0x4000, $0x38;
	[tilespmem:$0x18200] =	vst v63  }
0xf1: {  	_ =	swait.ge [sflag:s22], $0x8000  }
0xf2: {  	[sflag:s22] =	ssyncset.done $0x0  }
0xf3: {  	[sflag:s22] =	ssyncadd.s32 $0xFFFF8000  }
0xf4: {  	[hbm4b:s28+s3] =	stream.linear.scatter [tilespmem:s11], [sflag:$0x5], $0x8000, $0x38;
	[tilespmem:$0x18200] =	vst v63  }
0xf5: {  	_ =	swait.ge [sflag:s23], $0x4000  }
0xf6: {  	[sflag:s23] =	ssyncset.done $0x0  }
0xf7: {  	s30 =	sadd.s32 $0x800, s26;
	[sflag:s23] =	ssyncadd.s32 $0xFFFFC000  }
0xf8: {  	[hbm4b:s30+s3] =	stream.linear.scatter [tilespmem:s13], [sflag:$0x4], $0x4000, $0x38;
	[tilespmem:$0x18200] =	vst v63  }
0xf9: {  	_ =	swait.ge [sflag:s24], $0x8000  }
0xfa: {  	[sflag:s24] =	ssyncset.done $0x0  }
0xfb: {  	s31 =	sadd.s32 $0x1000, s28;
	[sflag:s24] =	ssyncadd.s32 $0xFFFF8000  }
0xfc: {  	[hbm4b:s31+s3] =	stream.linear.scatter [tilespmem:s14], [sflag:$0x6], $0x8000, $0x38;
	[tilespmem:$0x18200] =	vst v63  }
0xfd: {  	_ =	swait.ge [sflag:s21], $0x4000  }
0xfe: {  	[sflag:s21] =	ssyncset.done $0x0  }
0xff: {  	[sflag:s21] =	ssyncadd.s32 $0xFFFFC000  }
0x100: {  	_ =	swait.ge [sflag:s22], $0x8000  }
0x101: {  	[sflag:s22] =	ssyncset.done $0x0  }
0x102: {  	[sflag:s22] =	ssyncadd.s32 $0xFFFF8000  }
0x103: {  	p0 =	sne.s32 s29, $0x260;
	_ =	swait.ge [sflag:s23], $0x4000  }
.Ltmp0:
0x104: {  	[sflag:s23] =	ssyncset.done $0x0;
	(pc) =	sbr.rel @p0 .LBB2_2-.Ltmp0, $4  }
0x105: {  	[sflag:s23] =	ssyncadd.s32 $0xFFFFC000  }
0x106: {  	_ =	swait.ge [sflag:s24], $0x8000  }
0x107: {  	s29 =	sadd.s32 $0x20, s29;
	[sflag:s24] =	ssyncset.done $0x0  }
0x108: {  	s26 =	sadd.s32 $0x1000, s26;
	s28 =	sadd.s32 $0x2000, s28;
	[sflag:s24] =	ssyncadd.s32 $0xFFFF8000  }
0x109: {  	s25 =	sadd.s32 $0x1, s25  }
0x10a: {  	p0 =	sne.s32 s25, s5  }
.Ltmp1:
0x10b: {  	_ = 	snop;
	(pc) =	sbr.rel @p0 .LBB2_1-.Ltmp1, $1  }
0x10c: {  	_ =	sdelay $0x3  }
0x10d: {  	_ =	sfence.sel $0x180000  }
0x10e: {  	[bflag:$0x0] =	sbarrier.arrive $0xFFFF  }
0x10f: {  	_ =	strace $0x9000004A  }
0x110: {  	[bflag:$0x2] =	sbarrier.arrive $0xFFFF  }
0x111: {  	p0 =	sne.s32 s0, $0x0;
	s0 =	rddreg [dreg:$0x2]  }
0x112: {  	s0 =	sadd.s32 @!p0 $0x100000, s0  }
0x113: {  	[sflag:s0] =	ssyncadd.tile.s32 @!p0 $0x1;
	_ =	shalt  }
.Lfunc_end2:
_tile_overlayer_lowered:
.L_overlay_start_2:
0x114: {  	(tag) =	ssettag $0x2  }
0x115: {  	s0 =	rddreg [dreg:$0x0];
	s2 =	stileid.u32  }
0x116: {  	s1 =	rddreg [dreg:$0x1];
	p0 =	sne.s32 s2, $0x0  }
0x117: {  	s3 =	rddreg [dreg:$0x2];
	[bflag:$0x3] =	sbarrier.arrive $0xFFFF;
	s2 =	simm.s32 @!p0 $0x1C07  }
0x118: {  	[timem:s3], [sflag:s2] =	dma.local @!p0 [hbm:s0], s1  }
0x119: {  	s0 =	simm.s32 @!p0 $0x7  }
0x11a: {  	_ =	swait.ge @!p0 [sflag:s0], s1  }
0x11b: {  	s1 =	ssub.s32 @!p0 $0x0, s1;
	[sflag:s0] =	ssyncset.done @!p0 $0x0  }
0x11c: {  	[sflag:s0] =	ssyncadd.s32 @!p0 s1  }
0x11d: {  	[bflag:$0x3] =	sbarrier.arrive $0xFFFF  }
0x11e: {  	_ =	shalt  }

// kernel: kernel.13.cloned.1.call-start
scs
__scs_entry_jumppad:
0x0: {  	(pc) =	sbr.rel $0x88, $3  }
0x1: {  	(tag) =	ssettag $0x0;
	lr =	simm.s32 $0x1  }
0x2: {  	[smem:$0x3F9C] =	sst lr;
	_ =	strace $0xD0000000  }
0x3: {  	_ = 	snop  }
0x4: {  	_ = 	snop  }
0x5: {  	_ = 	snop  }
0x6: {  	_ = 	snop  }
0x7: {  	_ = 	snop  }
__scs_overlays_trampoline_lowered:
0x8: {  	[smem:$0x3FAB] =	sst s0  }
0x9: {  	[smem:$0x3FAC] =	sst s1  }
0xa: {  	[smem:$0x3FAD] =	sst s2  }
0xb: {  	[smem:$0x3FAE] =	sst s3  }
0xc: {  	[smem:$0x3FAF] =	sst s4  }
0xd: {  	[smem:$0x3FB0] =	sst s5  }
0xe: {  	[smem:$0x3FB1] =	sst s6  }
0xf: {  	[smem:$0x3FB2] =	sst s7  }
0x10: {  	[smem:$0x3FB3] =	sst s8  }
0x11: {  	[smem:$0x3FB4] =	sst s9;
	s0 =	simm.s32 @!p0 $0x0  }
0x12: {  	s1 =	sld [smem:$0x3F9A];
	s0 =	simm.s32 @p0 $0x1  }
0x13: {  	[smem:$0x3FB5] =	sst s0;
	s0 =	simm.s32 @!p1 $0x0  }
0x14: {  	s2 =	sld [smem:$0x3F99];
	s0 =	simm.s32 @p1 $0x1  }
0x15: {  	[smem:$0x3FB6] =	sst s0;
	s0 =	simm.s32 @!p2 $0x0  }
0x16: {  	s3 =	sld [smem:$0x3FDB];
	s0 =	simm.s32 @p2 $0x1  }
0x17: {  	s4 =	simm.s32 $0x1BF5;
	[smem:$0x3FB8] =	sst s0  }
0x18: {  	s0 =	sld [smem:$0x3F9B];
	_ =	swait.ge [sflag:s4], $0x0  }
0x19: {  	s7 =	sld [smem:$0x3F9C]  }
0x1a: {  	s8 =	sadd.s32 $0xFFFFE003, lr  }
0x1b: {  	s9 =	sadd.s32 $0xFFFFFEF7, lr;
	s5 =	simm.s32 $0xFFFFFFFF;
	p2 =	slt.u32 s8, $0xFFFFF086  }
0x1c: {  	p1 =	slt.u32 s9, $0xF7A;
	s5 =	simm.s32 @!p2 $0x0  }
0x1d: {  	s5 =	simm.s32 @p1 $0x1;
	p0 =	seq.s32 s7, s2  }
0x1e: {  	s7 =	smul.u32 @!p0 $0xF7A, s2;
	p2 =	seq.s32 @!p0 s5, $0x0  }
0x1f: {  	s9 =	smul.u32 $0xF7A, s1;
	s8 =	simm.s32 @!p0 $0x1BF5;
	p2 =	por !p2, p0  }
0x20: {  	[sflag:s8] =	ssyncset.s32 @!p0 $0xFFFFF086;
	s6 =	sadd.s32 @!p0 s3, s7;
	s7 =	simm.s32 @!p0 $0x108  }
0x21: {  	s3 =	sadd.s32 s3, s9;
	s6 =	sadd.s32 @!p0 $0x88, s6;
	s7 =	simm.s32 @p2 $0x1082  }
0x22: {  	[simem:s7], [sflag:s8] =	dma.local @!p0 [hbm:s6], $0xF7A  }
0x23: {  	s9 =	sor.u32 $0xD0000000, s2;
	s6 =	simm.s32 $0x108;
	_ =	swait.ge @!p0 [sflag:s8], $0x0  }
0x24: {  	s3 =	sadd.s32 $0x88, s3;
	s6 =	simm.s32 @!p1 $0x1082;
	[sflag:s4] =	ssyncset.s32 $0xFFFFF086  }
0x25: {  	[simem:s6], [sflag:s4] =	dma.local [hbm:s3], $0xF7A  }
0x26: {  	[smem:$0x3F9C] =	sst s1;
	(tag) =	ssettag s2;
	_ =	strace s9  }
0x27: {  	s1 =	sld [smem:$0x3FAC]  }
0x28: {  	s2 =	sld [smem:$0x3FAD]  }
0x29: {  	s4 =	sld [smem:$0x3FAF]  }
0x2a: {  	p0 =	seq.s32 s5, $0x0;
	s5 =	sld [smem:$0x3FB0]  }
0x2b: {  	s6 =	sld [smem:$0x3FB1]  }
0x2c: {  	s7 =	sld [smem:$0x3FB2]  }
0x2d: {  	s3 =	simm.s32 $0x108;
	s8 =	sld [smem:$0x3FB3]  }
0x2e: {  	s3 =	simm.s32 @!p0 $0x1082;
	s9 =	sld [smem:$0x3FB4]  }
0x2f: {  	lr =	sadd.s32 s0, s3;
	s0 =	sld [smem:$0x3FAB]  }
0x30: {  	s3 =	sld [smem:$0x3FAE]  }
0x31: {  	[smem:$0x3FB7] =	sst s10  }
0x32: {  	s10 =	sld [smem:$0x3FB5];
	_ =	sdelay $0x3  }
0x33: {  	p0 =	seq.s32 s10, $0x1;
	s10 =	sld [smem:$0x3FB7];
	_ =	sdelay $0x3  }
0x34: {  	[smem:$0x3FB7] =	sst s10  }
0x35: {  	s10 =	sld [smem:$0x3FB6];
	_ =	sdelay $0x3  }
0x36: {  	p1 =	seq.s32 s10, $0x1;
	s10 =	sld [smem:$0x3FB7];
	_ =	sdelay $0x3  }
0x37: {  	[smem:$0x3FB7] =	sst s10  }
0x38: {  	s10 =	sld [smem:$0x3FB8]  }
0x39: {  	_ = 	snop;
	(pc) =	sbr.ind lr, $3  }
0x3a: {  	_ = 	snop  }
0x3b: {  	_ = 	snop  }
0x3c: {  	p2 =	seq.s32 s10, $0x1;
	s10 =	sld [smem:$0x3FB7]  }
0x3d: {  	_ =	shalt  }
0x3e: {  	_ =	shalt  }
0x3f: {  	_ =	shalt  }
0x40: {  	_ =	shalt  }
0x41: {  	_ =	shalt  }
0x42: {  	_ =	shalt  }
0x43: {  	_ =	shalt  }
0x44: {  	_ =	shalt  }
0x45: {  	_ =	shalt  }
0x46: {  	_ =	shalt  }
0x47: {  	_ =	shalt  }
0x48: {  	_ =	shalt  }
0x49: {  	_ =	shalt  }
0x4a: {  	_ =	shalt  }
0x4b: {  	_ =	shalt  }
0x4c: {  	_ =	shalt  }
0x4d: {  	_ =	shalt  }
0x4e: {  	_ =	shalt  }
0x4f: {  	_ =	shalt  }
0x50: {  	_ =	shalt  }
0x51: {  	_ =	shalt  }
0x52: {  	_ =	shalt  }
0x53: {  	_ =	shalt  }
0x54: {  	_ =	shalt  }
0x55: {  	_ =	shalt  }
0x56: {  	_ =	shalt  }
0x57: {  	_ =	shalt  }
0x58: {  	_ =	shalt  }
0x59: {  	_ =	shalt  }
0x5a: {  	_ =	shalt  }
0x5b: {  	_ =	shalt  }
0x5c: {  	_ =	shalt  }
0x5d: {  	_ =	shalt  }
0x5e: {  	_ =	shalt  }
0x5f: {  	_ =	shalt  }
0x60: {  	_ =	shalt  }
0x61: {  	_ =	shalt  }
0x62: {  	_ =	shalt  }
0x63: {  	_ =	shalt  }
0x64: {  	_ =	shalt  }
0x65: {  	_ =	shalt  }
0x66: {  	_ =	shalt  }
0x67: {  	_ =	shalt  }
0x68: {  	_ =	shalt  }
0x69: {  	_ =	shalt  }
0x6a: {  	_ =	shalt  }
0x6b: {  	_ =	shalt  }
0x6c: {  	_ =	shalt  }
0x6d: {  	_ =	shalt  }
0x6e: {  	_ =	shalt  }
0x6f: {  	_ =	shalt  }
0x70: {  	_ =	shalt  }
0x71: {  	_ =	shalt  }
0x72: {  	_ =	shalt  }
0x73: {  	_ =	shalt  }
0x74: {  	_ =	shalt  }
0x75: {  	_ =	shalt  }
0x76: {  	_ =	shalt  }
0x77: {  	_ =	shalt  }
0x78: {  	_ =	shalt  }
0x79: {  	_ =	shalt  }
0x7a: {  	_ =	shalt  }
0x7b: {  	_ =	shalt  }
0x7c: {  	_ =	shalt  }
0x7d: {  	_ =	shalt  }
0x7e: {  	_ =	shalt  }
0x7f: {  	_ =	shalt  }
0x80: {  	_ =	shalt  }
0x81: {  	_ =	shalt  }
0x82: {  	_ =	shalt  }
0x83: {  	_ =	shalt  }
0x84: {  	_ =	shalt  }
0x85: {  	_ =	shalt  }
0x86: {  	_ =	shalt  }
0x87: {  	_ =	shalt  }
.Lfunc_end0:
.L_simem_size_0:
called_computation.1_lowered:
.L_overlay_start_0:
0x88: {  	s2 =	sld [smem:$0x3FD9]  }
0x89: {  	s3 =	sld [smem:$0x3FFE];
	_ =	sdelay $0x1  }
0x8a: {  	s1 =	srdreg.scid  }
0x8b: {  	s0 =	sand.u32 $0x1, s1  }
0x8c: {  	s17 =	sshll.u32 s0, $0xA;
	s2 =	sadd.s32 s3, s2  }
0x8d: {  	s2 =	sadd.s32 s2, s17  }
0x8e: {  	[smem:$0x3FC3] =	sst s2  }
0x8f: {  	_ = 	snop  }
0x90: {  	(tm) =	ssettm $0x1  }
0x91: {  	s18 =	sld [smem:$0x3FFB];
	_ =	sdelay $0x3  }
0x92: {  	_ =	strace s18  }
0x93: {  	s2 =	sld [smem:$0x3FFC];
	_ =	sdelay $0x3  }
0x94: {  	_ =	strace s2  }
0x95: {  	s2 =	sld [smem:$0x3FFD];
	_ =	sdelay $0x3  }
0x96: {  	_ =	strace s2  }
0x97: {  	_ =	strace $0x8FFFFFFF  }
0x98: {  	s19 =	sld [smem:$0x3FDB];
	_ =	sdelay $0x1  }
0x99: {  	s20 =	simm.s32 $_scs_section_size  }
0x9a: {  	s4 =	simm.s32 $_size__tile_overlayer_lowered;
	s5 =	simm.s32 $_tile_overlayer_lowered  }
0x9b: {  	s6 =	simm.s32 $0x1BFF;
	s21 =	sshll.u32 s5, $0x1;
	s3 =	sadd.s32 s20, s19  }
0x9c: {  	s22 =	simm.s32 $0x0;
	s4 =	sshll.u32 s4, $0x1;
	s5 =	sadd.s32 s21, s3  }
0x9d: {  	[timem:s22], [sflag:s6] =	dma.local [hbm:s5], s4  }
0x9e: {  	_ =	swait.ge [sflag:s6], s4  }
0x9f: {  	s4 =	ssub.s32 $0x0, s4;
	[sflag:s6] =	ssyncset.done $0x0  }
0xa0: {  	[sflag:s6] =	ssyncadd.s32 s4;
	_ =	sdelay $0x1  }
0xa1: {  	s23 =	simm.s32 $0x1B8B  }
0xa2: {  	_ =	swait.ge [sflag:s23], $0x1  }
0xa3: {  	[sflag:s23] =	ssyncset.done $0x0  }
0xa4: {  	[sflag:s23] =	ssyncadd.s32 $0xFFFFFFFF  }
0xa5: {  	s4 =	sld [smem:$0x0]  }
0xa6: {  	s5 =	sand.u32 $0xFFFFFFFE, s1  }
0xa7: {  	p0 =	sne.s32 s1, s5  }
0xa8: {  	s5 =	sshll.u32 @p0 s5, $0xE  }
0xa9: {  	s5 =	sadd.s32 @p0 $0x11B8D, s5;
	s6 =	sshll.u32 @p0 s4, $0x11  }
0xaa: {  	s5 =	sor.u32 @p0 s6, s5  }
0xab: {  	[sflag:s5] =	ssyncadd.remote.s32 @p0 $0x1;
	_ =	sdelay $0x1  }
0xac: {  	s5 =	simm.s32 @p0 $0x1B8D  }
0xad: {  	_ =	swait.eq @p0 [sflag:s5], $0x1  }
0xae: {  	[sflag:s5] =	ssyncadd.s32 @p0 $0xFFFFFFFF  }
0xaf: {  	s6 =	sshll.u32 @!p0 s1, $0xE  }
0xb0: {  	s6 =	sor.u32 @!p0 $0x4000, s6;
	s5 =	simm.s32 @!p0 $0x1B8D  }
0xb1: {  	s4 =	sshll.u32 @!p0 s4, $0x11;
	s6 =	sadd.s32 @!p0 $0x11B8D, s6;
	_ =	swait.eq @!p0 [sflag:s5], $0x1  }
0xb2: {  	s4 =	sor.u32 @!p0 s4, s6;
	[sflag:s5] =	ssyncadd.s32 @!p0 $0xFFFFFFFF  }
0xb3: {  	s25 =	simm.s32 $0x1B8E;
	s24 =	sld [smem:$0x3FFE];
	[sflag:s4] =	ssyncadd.remote.s32 @!p0 $0x1  }
0xb4: {  	s26 =	simm.s32 $execute0_lowered;
	[smem:$0x3FD2] =	sst s25  }
0xb5: {  	s5 =	sshll.u32 s26, $0x1;
	_ =	strace $0x8000004F;
	[dreg:$0x1] =	wrdreg $0xFFFFFFFF  }
0xb6: {  	s28 =	simm.s32 $_size_execute0_lowered;
	s3 =	sadd.s32 s3, s5;
	[dreg:$0x0] =	wrdreg $0x0  }
0xb7: {  	s5 =	sshll.u32 s28, $0x1;
	[dreg:$0x2] =	wrdreg s3  }
0xb8: {  	[dreg:$0x3] =	wrdreg s5  }
0xb9: {  	[dreg:$0x4] =	wrdreg $0xC0  }
0xba: {  	_ =	task [dreg:s22], $0x5FFFF  }
0xbb: {  	[dreg:$0x1] =	wrdreg $0xFFFFFFFF  }
0xbc: {  	[dreg:$0x0] =	wrdreg $0x60  }
0xbd: {  	[dreg:$0x2] =	wrdreg s24  }
0xbe: {  	[dreg:$0x3] =	wrdreg $0x0  }
0xbf: {  	[dreg:$0x4] =	wrdreg $0x9  }
0xc0: {  	_ =	task.clear_ibuf [dreg:s22], $0x5FFFF;
	_ =	strace $0x9000004F  }
0xc1: {  	s29 =	simm.s32 $0x9;
	_ =	strace $0x80000051  }
0xc2: {  	_ =	swait.ge [sflag:s29], $0x1  }
0xc3: {  	[sflag:s29] =	ssyncadd.s32 $0xFFFFFFFF  }
0xc4: {  	_ =	strace $0x90000051  }
0xc5: {  	_ =	sfence  }
0xc6: {  	s30 =	sld [smem:$0x0];
	_ =	sdelay $0x2  }
0xc7: {  	s31 =	sshll.u32 s1, $0xD;
	s1 =	sshrl.u32 s1, $0x2  }
0xc8: {  	s4 =	sand.u32 $0x4000, s31;
	s1 =	sadd.s32 s1, s30  }
0xc9: {  	s0 =	sor.u32 s4, s0;
	s1 =	sshll.u32 s1, $0x11  }
0xca: {  	s0 =	sor.u32 s1, s0  }
0xcb: {  	s0 =	sadd.s32 $0x8F2B, s0  }
0xcc: {  	[sflag:s0] =	ssyncadd.remote.s32 $0x1  }
0xcd: {  	_ =	sfence.sel $0xFFFF  }
0xce: {  	[dreg:$0x0] =	wrdreg $0xFFFFFFFF;
	(pc) =	sbr.abs _section_cstart, $3  }
0xcf: {  	[dreg:$0x1] =	wrdreg $0xFFFFFFFF  }
0xd0: {  	_ =	task.clear_ibuf [dreg:s22], $0x2FFFF;
	_ =	strace $0x9FFFFFFF  }
0xd1: {  	(tm) =	ssettm $0x7FFFFFFF  }
tec
execute0_lowered:
.L_overlay_start_1:
0x0: {  	(tag) =	ssettag $0x1  }
0x1: {  	s4 =	rddreg [dreg:$0x0]  }
0x2: {  	s2 =	rddreg [dreg:$0x1]  }
0x3: {  	s0 =	rddreg [dreg:$0x2];
	s1 =	stileid.u32  }
0x4: {  	s6 =	srdreg.scid;
	s5 =	smul.u32 $0x28000, s1  }
0x5: {  	s3 =	simm.s32 $0x0;
	s17 =	simm.s32 $0x13900;
	s7 =	smul.u32 $0x1F400, s1  }
0x6: {  	s18 =	simm.s32 $0x17980;
	s19 =	simm.s32 $0x1;
	s10 =	smul.u32 $0x7D000, s1  }
0x7: {  	s20 =	simm.s32 $0x3;
	s21 =	simm.s32 $0x80;
	s25 =	smul.u32 $0x3E80, s1  }
0x8: {  	s6 =	sand.u32 $0x1, s6;
	s11 =	sadd.s32 $0x7DFA00, s4;
	s26 =	smul.u32 $0x2800, s1  }
0x9: {  	[smem:$0x7FF] =	sst s3;
	s23 =	sadd.s32 $0x5AA00, s4;
	s8 =	smul.u32 $0x138800, s6  }
0xa: {  	p0 =	sgt.u32 s1, $0x9;
	_ =	strace $0x80000050;
	s14 =	smul.u32 $0x14000, s6  }
0xb: {  	s24 =	ssub.s32 $0x2, s6;
	s16 =	smul.u32 $0x1400, s6;
	s9 =	sadd.s32 s5, s4  }
0xc: {  	s13 =	sshrl.u32 s24, $0x1;
	s10 =	sshrl.u32 s10, $0x2;
	s22 =	sadd.s32 s7, s8  }
0xd: {  	s13 =	ssub.s32 s24, s13;
	s15 =	sadd.s32 s10, s2;
	s7 =	sshrl.u32 s7, $0x3  }
0xe: {  	s28 =	sadd.s32 s14, s9;
	s10 =	sadd.s32 s16, s26;
	s16 =	simm.s32 $0x13980  }
0xf: {  	s24 =	simm.s32 $0x0;
	s5 =	sshrl.u32 s22, $0x3;
	s6 =	sadd.s32 s23, s7  }
0x10: {  	s8 =	smax.u32 s13, $0x1;
	s9 =	sadd.s32 $0x11E000, s28;
	s29 =	sshrl.u32 s10, $0x3  }
0x11: {  	s30 =	sor.u32 $0x80, s10;
	s13 =	sshll.u32 @!p0 s1, $0x6;
	s14 =	sshrl.u32 @!p0 s15, $0x3  }
0x12: {  	s15 =	simm.s32 $0x13880;
	s22 =	simm.s32 $0x2;
	s12 =	sadd.s32 s5, s4  }
0x13: {  	s4 =	sadd.s32 s23, s25;
	s10 =	sadd.s32 s29, s11;
	s31 =	sshrl.u32 s30, $0x3  }
0x14: {  	s13 =	sor.u32 @!p0 $0x1C05, s13;
	s23 =	simm.s32 $0x4;
	s5 =	sadd.s32 $0x2800, s12  }
0x15: {  	s7 =	sadd.s32 $0x61E000, s12;
	s11 =	sadd.s32 s31, s11;
	s12 =	sadd.s32 $0x39E000, s28  }
.LBB2_1:
0x16: {  	[spmem:s14], [sflag:s13] =	dma.local @!p0 [hbm:s4], $0x3E80  }
0x17: {  	s25 =	simm.s32 @!p0 $0x5  }
0x18: {  	_ =	swait.ge @!p0 [sflag:s25], $0x3E80  }
0x19: {  	[sflag:s25] =	ssyncset.done @!p0 $0x0  }
0x1a: {  	[sflag:s25] =	ssyncadd.s32 @!p0 $0xFFFFC180  }
0x1b: {  	s29 =	sadd.s32 $0x0, s10;
	[bflag:$0x0] =	sbarrier.arrive $0xFFFF  }
0x1c: {  	[tilespmem:s15], [sflag:$0x1] =	stream.linear.gather [hbm4b:s29+s3], $0x80, $0x38;
	[tilespmem:$0x1B980] =	vst v63  }
0x1d: {  	_ = 	snop  }
0x1e: {  	[tilespmem:s16], [sflag:$0x3] =	stream.linear.gather [hbm4b:s9+s3], $0x4000, $0x38;
	[tilespmem:$0x1B980] =	vst v63  }
0x1f: {  	s30 =	sadd.s32 $0x0, s11  }
0x20: {  	[tilespmem:s17], [sflag:$0x2] =	stream.linear.gather [hbm4b:s30+s3], $0x80, $0x38;
	[tilespmem:$0x1B980] =	vst v63  }
0x21: {  	s31 =	sadd.s32 $0x800, s9  }
0x22: {  	[tilespmem:s18], [sflag:$0x4] =	stream.linear.gather [hbm4b:s31+s3], $0x4000, $0x38;
	[tilespmem:$0x1B980] =	vst v63  }
0x23: {  	_ =	swait.ge [sflag:s19], $0x80  }
0x24: {  	[sflag:s19] =	ssyncset.done $0x0  }
0x25: {  	[sflag:s19] =	ssyncadd.s32 $0xFFFFFF80  }
0x26: {  	_ =	swait.ge [sflag:s20], $0x4000  }
0x27: {  	[sflag:s20] =	ssyncset.done $0x0  }
0x28: {  	[sflag:s20] =	ssyncadd.s32 $0xFFFFC000  }
0x29: {  	[spmem:s2] =	stream.indirect.scatter.add.f32 [tilespmem:s16], [sflag:$0x3], $0x80, s15, s21, $0xb8;
	[tilespmem:$0x1B980] =	vst v63  }
0x2a: {  	_ =	swait.ge [sflag:s22], $0x80  }
0x2b: {  	[sflag:s22] =	ssyncset.done $0x0  }
0x2c: {  	[sflag:s22] =	ssyncadd.s32 $0xFFFFFF80  }
0x2d: {  	_ =	swait.ge [sflag:s23], $0x4000  }
0x2e: {  	[sflag:s23] =	ssyncset.done $0x0  }
0x2f: {  	[sflag:s23] =	ssyncadd.s32 $0xFFFFC000  }
0x30: {  	[spmem:s2] =	stream.indirect.scatter.add.f32 [tilespmem:s18], [sflag:$0x4], $0x80, s17, s21, $0xb8;
	[tilespmem:$0x1B980] =	vst v63  }
0x31: {  	_ =	swait.ge [sflag:s20], $0x4000  }
0x32: {  	[sflag:s20] =	ssyncset.done $0x0  }
0x33: {  	[sflag:s20] =	ssyncadd.s32 $0xFFFFC000  }
0x34: {  	s28 =	simm.s32 $0x40;
	_ =	swait.ge [sflag:s23], $0x4000  }
0x35: {  	s26 =	sadd.s32 $0x1000, s9;
	s25 =	simm.s32 $0x20;
	[sflag:s23] =	ssyncset.done $0x0  }
.LBB2_2:
0x36: {  	s29 =	sadd.s32 s25, s10  }
0x37: {  	[sflag:s23] =	ssyncadd.s32 $0xFFFFC000;
	s30 =	smov.u32 s28;
	s31 =	sadd.s32 $0x20, s28  }
0x38: {  	[tilespmem:s15], [sflag:$0x1] =	stream.linear.gather [hbm4b:s29+s3], $0x80, $0x38;
	[tilespmem:$0x1B980] =	vst v63  }
0x39: {  	p1 =	sne.s32 s28, $0x260  }
0x3a: {  	[tilespmem:s16], [sflag:$0x3] =	stream.linear.gather [hbm4b:s26+s3], $0x4000, $0x38;
	[tilespmem:$0x1B980] =	vst v63  }
0x3b: {  	s28 =	sadd.s32 s25, s11;
	s25 =	smov.u32 s30  }
0x3c: {  	[tilespmem:s17], [sflag:$0x2] =	stream.linear.gather [hbm4b:s28+s3], $0x80, $0x38;
	[tilespmem:$0x1B980] =	vst v63  }
0x3d: {  	s28 =	sadd.s32 $0x800, s26  }
0x3e: {  	[tilespmem:s18], [sflag:$0x4] =	stream.linear.gather [hbm4b:s28+s3], $0x4000, $0x38;
	[tilespmem:$0x1B980] =	vst v63  }
0x3f: {  	_ =	swait.ge [sflag:s19], $0x80  }
0x40: {  	[sflag:s19] =	ssyncset.done $0x0  }
0x41: {  	[sflag:s19] =	ssyncadd.s32 $0xFFFFFF80  }
0x42: {  	_ =	swait.ge [sflag:s20], $0x4000  }
0x43: {  	[sflag:s20] =	ssyncset.done $0x0  }
0x44: {  	[sflag:s20] =	ssyncadd.s32 $0xFFFFC000  }
0x45: {  	[spmem:s2] =	stream.indirect.scatter.add.f32 [tilespmem:s16], [sflag:$0x3], $0x80, s15, s21, $0xb8;
	[tilespmem:$0x1B980] =	vst v63  }
0x46: {  	_ =	swait.ge [sflag:s22], $0x80  }
0x47: {  	[sflag:s22] =	ssyncset.done $0x0  }
0x48: {  	[sflag:s22] =	ssyncadd.s32 $0xFFFFFF80  }
0x49: {  	_ =	swait.ge [sflag:s23], $0x4000  }
0x4a: {  	[sflag:s23] =	ssyncset.done $0x0  }
0x4b: {  	[sflag:s23] =	ssyncadd.s32 $0xFFFFC000  }
0x4c: {  	[spmem:s2] =	stream.indirect.scatter.add.f32 [tilespmem:s18], [sflag:$0x4], $0x80, s17, s21, $0xb8;
	[tilespmem:$0x1B980] =	vst v63  }
.Ltmp0:
0x4d: {  	_ =	swait.ge [sflag:s20], $0x4000;
	(pc) =	sbr.rel @p1 .LBB2_2-.Ltmp0, $4  }
0x4e: {  	[sflag:s20] =	ssyncset.done $0x0  }
0x4f: {  	[sflag:s20] =	ssyncadd.s32 $0xFFFFC000  }
0x50: {  	_ =	swait.ge [sflag:s23], $0x4000  }
0x51: {  	s26 =	sadd.s32 $0x1000, s26;
	s28 =	smov.u32 s31;
	[sflag:s23] =	ssyncset.done $0x0  }
0x52: {  	s28 =	sadd.s32 s25, s10;
	[sflag:s23] =	ssyncadd.s32 $0xFFFFC000  }
0x53: {  	[tilespmem:s15], [sflag:$0x1] =	stream.linear.gather [hbm4b:s28+s3], $0x80, $0x38;
	[tilespmem:$0x1B980] =	vst v63  }
0x54: {  	_ = 	snop  }
0x55: {  	[tilespmem:s16], [sflag:$0x3] =	stream.linear.gather [hbm4b:s26+s3], $0x4000, $0x38;
	[tilespmem:$0x1B980] =	vst v63  }
0x56: {  	s31 =	sadd.s32 s25, s11  }
0x57: {  	[tilespmem:s17], [sflag:$0x2] =	stream.linear.gather [hbm4b:s31+s3], $0x80, $0x38;
	[tilespmem:$0x1B980] =	vst v63  }
0x58: {  	s26 =	sadd.s32 $0x800, s26  }
0x59: {  	[tilespmem:s18], [sflag:$0x4] =	stream.linear.gather [hbm4b:s26+s3], $0x4000, $0x38;
	[tilespmem:$0x1B980] =	vst v63  }
0x5a: {  	_ =	swait.ge [sflag:s19], $0x80  }
0x5b: {  	[sflag:s19] =	ssyncset.done $0x0  }
0x5c: {  	[sflag:s19] =	ssyncadd.s32 $0xFFFFFF80  }
0x5d: {  	_ =	swait.ge [sflag:s20], $0x4000  }
0x5e: {  	[sflag:s20] =	ssyncset.done $0x0  }
0x5f: {  	[sflag:s20] =	ssyncadd.s32 $0xFFFFC000  }
0x60: {  	[spmem:s2] =	stream.indirect.scatter.add.f32 [tilespmem:s16], [sflag:$0x3], $0x80, s15, s21, $0xb8;
	[tilespmem:$0x1B980] =	vst v63  }
0x61: {  	_ =	swait.ge [sflag:s22], $0x80  }
0x62: {  	[sflag:s22] =	ssyncset.done $0x0  }
0x63: {  	[sflag:s22] =	ssyncadd.s32 $0xFFFFFF80  }
0x64: {  	_ =	swait.ge [sflag:s23], $0x4000  }
0x65: {  	[sflag:s23] =	ssyncset.done $0x0  }
0x66: {  	[sflag:s23] =	ssyncadd.s32 $0xFFFFC000  }
0x67: {  	[spmem:s2] =	stream.indirect.scatter.add.f32 [tilespmem:s18], [sflag:$0x4], $0x80, s17, s21, $0xb8;
	[tilespmem:$0x1B980] =	vst v63  }
0x68: {  	_ =	swait.ge [sflag:s20], $0x4000  }
0x69: {  	[sflag:s20] =	ssyncset.done $0x0  }
0x6a: {  	[sflag:s20] =	ssyncadd.s32 $0xFFFFC000  }
0x6b: {  	_ =	swait.ge [sflag:s23], $0x4000  }
0x6c: {  	[sflag:s23] =	ssyncset.done $0x0  }
0x6d: {  	[sflag:s23] =	ssyncadd.s32 $0xFFFFC000  }
0x6e: {  	s25 =	simm.s32 @!p0 $0x5;
	[bflag:$0x0] =	sbarrier.arrive $0xFFFF  }
0x6f: {  	[hbm:s5], [sflag:s13] =	dma.local @!p0 [spmem:s14], $0x3E80  }
0x70: {  	_ =	swait.ge @!p0 [sflag:s25], $0x3E80  }
0x71: {  	[sflag:s25] =	ssyncset.done @!p0 $0x0  }
0x72: {  	[sflag:s25] =	ssyncadd.s32 @!p0 $0xFFFFC180  }
0x73: {  	[spmem:s14], [sflag:s13] =	dma.local @!p0 [hbm:s6], $0x3E80  }
0x74: {  	_ =	swait.ge @!p0 [sflag:s25], $0x3E80  }
0x75: {  	[sflag:s25] =	ssyncset.done @!p0 $0x0  }
0x76: {  	[sflag:s25] =	ssyncadd.s32 @!p0 $0xFFFFC180  }
0x77: {  	s29 =	sadd.s32 $0x0, s10;
	[bflag:$0x0] =	sbarrier.arrive $0xFFFF  }
0x78: {  	[tilespmem:s15], [sflag:$0x1] =	stream.linear.gather [hbm4b:s29+s3], $0x80, $0x38;
	[tilespmem:$0x1B980] =	vst v63  }
0x79: {  	_ = 	snop  }
0x7a: {  	[tilespmem:s16], [sflag:$0x3] =	stream.linear.gather [hbm4b:s12+s3], $0x4000, $0x38;
	[tilespmem:$0x1B980] =	vst v63  }
0x7b: {  	s30 =	sadd.s32 $0x0, s11  }
0x7c: {  	[tilespmem:s17], [sflag:$0x2] =	stream.linear.gather [hbm4b:s30+s3], $0x80, $0x38;
	[tilespmem:$0x1B980] =	vst v63  }
0x7d: {  	s31 =	sadd.s32 $0x800, s12  }
0x7e: {  	[tilespmem:s18], [sflag:$0x4] =	stream.linear.gather [hbm4b:s31+s3], $0x4000, $0x38;
	[tilespmem:$0x1B980] =	vst v63  }
0x7f: {  	_ =	swait.ge [sflag:s19], $0x80  }
0x80: {  	[sflag:s19] =	ssyncset.done $0x0  }
0x81: {  	[sflag:s19] =	ssyncadd.s32 $0xFFFFFF80  }
0x82: {  	_ =	swait.ge [sflag:s20], $0x4000  }
0x83: {  	[sflag:s20] =	ssyncset.done $0x0  }
0x84: {  	[sflag:s20] =	ssyncadd.s32 $0xFFFFC000  }
0x85: {  	[spmem:s2] =	stream.indirect.scatter.add.f32 [tilespmem:s16], [sflag:$0x3], $0x80, s15, s21, $0xb8;
	[tilespmem:$0x1B980] =	vst v63  }
0x86: {  	_ =	swait.ge [sflag:s22], $0x80  }
0x87: {  	[sflag:s22] =	ssyncset.done $0x0  }
0x88: {  	[sflag:s22] =	ssyncadd.s32 $0xFFFFFF80  }
0x89: {  	_ =	swait.ge [sflag:s23], $0x4000  }
0x8a: {  	[sflag:s23] =	ssyncset.done $0x0  }
0x8b: {  	[sflag:s23] =	ssyncadd.s32 $0xFFFFC000  }
0x8c: {  	[spmem:s2] =	stream.indirect.scatter.add.f32 [tilespmem:s18], [sflag:$0x4], $0x80, s17, s21, $0xb8;
	[tilespmem:$0x1B980] =	vst v63  }
0x8d: {  	_ =	swait.ge [sflag:s20], $0x4000  }
0x8e: {  	[sflag:s20] =	ssyncset.done $0x0  }
0x8f: {  	[sflag:s20] =	ssyncadd.s32 $0xFFFFC000  }
0x90: {  	s28 =	simm.s32 $0x40;
	_ =	swait.ge [sflag:s23], $0x4000  }
0x91: {  	s26 =	sadd.s32 $0x1000, s12;
	s25 =	simm.s32 $0x20;
	[sflag:s23] =	ssyncset.done $0x0  }
.LBB2_4:
0x92: {  	s29 =	sadd.s32 s25, s10  }
0x93: {  	[sflag:s23] =	ssyncadd.s32 $0xFFFFC000;
	s30 =	smov.u32 s28;
	s31 =	sadd.s32 $0x20, s28  }
0x94: {  	[tilespmem:s15], [sflag:$0x1] =	stream.linear.gather [hbm4b:s29+s3], $0x80, $0x38;
	[tilespmem:$0x1B980] =	vst v63  }
0x95: {  	p1 =	sne.s32 s28, $0x260  }
0x96: {  	[tilespmem:s16], [sflag:$0x3] =	stream.linear.gather [hbm4b:s26+s3], $0x4000, $0x38;
	[tilespmem:$0x1B980] =	vst v63  }
0x97: {  	s28 =	sadd.s32 s25, s11;
	s25 =	smov.u32 s30  }
0x98: {  	[tilespmem:s17], [sflag:$0x2] =	stream.linear.gather [hbm4b:s28+s3], $0x80, $0x38;
	[tilespmem:$0x1B980] =	vst v63  }
0x99: {  	s28 =	sadd.s32 $0x800, s26  }
0x9a: {  	[tilespmem:s18], [sflag:$0x4] =	stream.linear.gather [hbm4b:s28+s3], $0x4000, $0x38;
	[tilespmem:$0x1B980] =	vst v63  }
0x9b: {  	_ =	swait.ge [sflag:s19], $0x80  }
0x9c: {  	[sflag:s19] =	ssyncset.done $0x0  }
0x9d: {  	[sflag:s19] =	ssyncadd.s32 $0xFFFFFF80  }
0x9e: {  	_ =	swait.ge [sflag:s20], $0x4000  }
0x9f: {  	[sflag:s20] =	ssyncset.done $0x0  }
0xa0: {  	[sflag:s20] =	ssyncadd.s32 $0xFFFFC000  }
0xa1: {  	[spmem:s2] =	stream.indirect.scatter.add.f32 [tilespmem:s16], [sflag:$0x3], $0x80, s15, s21, $0xb8;
	[tilespmem:$0x1B980] =	vst v63  }
0xa2: {  	_ =	swait.ge [sflag:s22], $0x80  }
0xa3: {  	[sflag:s22] =	ssyncset.done $0x0  }
0xa4: {  	[sflag:s22] =	ssyncadd.s32 $0xFFFFFF80  }
0xa5: {  	_ =	swait.ge [sflag:s23], $0x4000  }
0xa6: {  	[sflag:s23] =	ssyncset.done $0x0  }
0xa7: {  	[sflag:s23] =	ssyncadd.s32 $0xFFFFC000  }
0xa8: {  	[spmem:s2] =	stream.indirect.scatter.add.f32 [tilespmem:s18], [sflag:$0x4], $0x80, s17, s21, $0xb8;
	[tilespmem:$0x1B980] =	vst v63  }
.Ltmp1:
0xa9: {  	_ =	swait.ge [sflag:s20], $0x4000;
	(pc) =	sbr.rel @p1 .LBB2_4-.Ltmp1, $4  }
0xaa: {  	[sflag:s20] =	ssyncset.done $0x0  }
0xab: {  	[sflag:s20] =	ssyncadd.s32 $0xFFFFC000  }
0xac: {  	_ =	swait.ge [sflag:s23], $0x4000  }
0xad: {  	s26 =	sadd.s32 $0x1000, s26;
	s28 =	smov.u32 s31;
	[sflag:s23] =	ssyncset.done $0x0  }
0xae: {  	s28 =	sadd.s32 s25, s10;
	[sflag:s23] =	ssyncadd.s32 $0xFFFFC000  }
0xaf: {  	[tilespmem:s15], [sflag:$0x1] =	stream.linear.gather [hbm4b:s28+s3], $0x80, $0x38;
	[tilespmem:$0x1B980] =	vst v63  }
0xb0: {  	_ = 	snop  }
0xb1: {  	[tilespmem:s16], [sflag:$0x3] =	stream.linear.gather [hbm4b:s26+s3], $0x4000, $0x38;
	[tilespmem:$0x1B980] =	vst v63  }
0xb2: {  	s30 =	sadd.s32 s25, s11  }
0xb3: {  	[tilespmem:s17], [sflag:$0x2] =	stream.linear.gather [hbm4b:s30+s3], $0x80, $0x38;
	[tilespmem:$0x1B980] =	vst v63  }
0xb4: {  	s31 =	sadd.s32 $0x800, s26  }
0xb5: {  	[tilespmem:s18], [sflag:$0x4] =	stream.linear.gather [hbm4b:s31+s3], $0x4000, $0x38;
	[tilespmem:$0x1B980] =	vst v63  }
0xb6: {  	_ =	swait.ge [sflag:s19], $0x80  }
0xb7: {  	[sflag:s19] =	ssyncset.done $0x0  }
0xb8: {  	[sflag:s19] =	ssyncadd.s32 $0xFFFFFF80  }
0xb9: {  	_ =	swait.ge [sflag:s20], $0x4000  }
0xba: {  	[sflag:s20] =	ssyncset.done $0x0  }
0xbb: {  	[sflag:s20] =	ssyncadd.s32 $0xFFFFC000  }
0xbc: {  	[spmem:s2] =	stream.indirect.scatter.add.f32 [tilespmem:s16], [sflag:$0x3], $0x80, s15, s21, $0xb8;
	[tilespmem:$0x1B980] =	vst v63  }
0xbd: {  	_ =	swait.ge [sflag:s22], $0x80  }
0xbe: {  	[sflag:s22] =	ssyncset.done $0x0  }
0xbf: {  	[sflag:s22] =	ssyncadd.s32 $0xFFFFFF80  }
0xc0: {  	_ =	swait.ge [sflag:s23], $0x4000  }
0xc1: {  	[sflag:s23] =	ssyncset.done $0x0  }
0xc2: {  	[sflag:s23] =	ssyncadd.s32 $0xFFFFC000  }
0xc3: {  	[spmem:s2] =	stream.indirect.scatter.add.f32 [tilespmem:s18], [sflag:$0x4], $0x80, s17, s21, $0xb8;
	[tilespmem:$0x1B980] =	vst v63  }
0xc4: {  	_ =	swait.ge [sflag:s20], $0x4000  }
0xc5: {  	[sflag:s20] =	ssyncset.done $0x0  }
0xc6: {  	[sflag:s20] =	ssyncadd.s32 $0xFFFFC000  }
0xc7: {  	_ =	swait.ge [sflag:s23], $0x4000  }
0xc8: {  	s24 =	sadd.s32 $0x1, s24;
	[sflag:s23] =	ssyncset.done $0x0  }
0xc9: {  	p1 =	sne.s32 s24, s8;
	[sflag:s23] =	ssyncadd.s32 $0xFFFFC000  }
.Ltmp2:
0xca: {  	s25 =	simm.s32 @!p0 $0x5;
	[bflag:$0x0] =	sbarrier.arrive $0xFFFF;
	(pc) =	sbr.rel @p1 .LBB2_1-.Ltmp2, $4  }
0xcb: {  	[hbm:s7], [sflag:s13] =	dma.local @!p0 [spmem:s14], $0x3E80  }
0xcc: {  	_ =	swait.ge @!p0 [sflag:s25], $0x3E80  }
0xcd: {  	[sflag:s25] =	ssyncset.done @!p0 $0x0  }
0xce: {  	[sflag:s25] =	ssyncadd.s32 @!p0 $0xFFFFC180  }
0xcf: {  	_ =	sfence.sel $0x180000  }
0xd0: {  	[bflag:$0x0] =	sbarrier.arrive $0xFFFF  }
0xd1: {  	p0 =	sne.s32 s1, $0x0;
	_ =	strace $0x90000050  }
0xd2: {  	s0 =	sadd.s32 @!p0 $0x100000, s0;
	[bflag:$0x2] =	sbarrier.arrive $0xFFFF  }
0xd3: {  	[sflag:s0] =	ssyncadd.tile.s32 @!p0 $0x1;
	_ =	shalt  }
.Lfunc_end2:
_tile_overlayer_lowered:
.L_overlay_start_2:
0xd4: {  	(tag) =	ssettag $0x2  }
0xd5: {  	s0 =	rddreg [dreg:$0x0];
	s2 =	stileid.u32  }
0xd6: {  	s1 =	rddreg [dreg:$0x1];
	p0 =	sne.s32 s2, $0x0  }
0xd7: {  	s3 =	rddreg [dreg:$0x2];
	[bflag:$0x3] =	sbarrier.arrive $0xFFFF;
	s2 =	simm.s32 @!p0 $0x1C05  }
0xd8: {  	[timem:s3], [sflag:s2] =	dma.local @!p0 [hbm:s0], s1  }
0xd9: {  	s0 =	simm.s32 @!p0 $0x5  }
0xda: {  	_ =	swait.ge @!p0 [sflag:s0], s1  }
0xdb: {  	s1 =	ssub.s32 @!p0 $0x0, s1;
	[sflag:s0] =	ssyncset.done @!p0 $0x0  }
0xdc: {  	[sflag:s0] =	ssyncadd.s32 @!p0 s1  }
0xdd: {  	[bflag:$0x3] =	sbarrier.arrive $0xFFFF  }
0xde: {  	_ =	shalt  }

// kernel: kernel.16.cloned.1.call-start
scs
__scs_entry_jumppad:
0x0: {  	(pc) =	sbr.rel $0x88, $3  }
0x1: {  	(tag) =	ssettag $0x0;
	lr =	simm.s32 $0x1  }
0x2: {  	[smem:$0x3F9C] =	sst lr;
	_ =	strace $0xD0000000  }
0x3: {  	_ = 	snop  }
0x4: {  	_ = 	snop  }
0x5: {  	_ = 	snop  }
0x6: {  	_ = 	snop  }
0x7: {  	_ = 	snop  }
__scs_overlays_trampoline_lowered:
0x8: {  	[smem:$0x3FAB] =	sst s0  }
0x9: {  	[smem:$0x3FAC] =	sst s1  }
0xa: {  	[smem:$0x3FAD] =	sst s2  }
0xb: {  	[smem:$0x3FAE] =	sst s3  }
0xc: {  	[smem:$0x3FAF] =	sst s4  }
0xd: {  	[smem:$0x3FB0] =	sst s5  }
0xe: {  	[smem:$0x3FB1] =	sst s6  }
0xf: {  	[smem:$0x3FB2] =	sst s7  }
0x10: {  	[smem:$0x3FB3] =	sst s8  }
0x11: {  	[smem:$0x3FB4] =	sst s9;
	s0 =	simm.s32 @!p0 $0x0  }
0x12: {  	s1 =	sld [smem:$0x3F9A];
	s0 =	simm.s32 @p0 $0x1  }
0x13: {  	[smem:$0x3FB5] =	sst s0;
	s0 =	simm.s32 @!p1 $0x0  }
0x14: {  	s2 =	sld [smem:$0x3F99];
	s0 =	simm.s32 @p1 $0x1  }
0x15: {  	[smem:$0x3FB6] =	sst s0;
	s0 =	simm.s32 @!p2 $0x0  }
0x16: {  	s3 =	sld [smem:$0x3FDB];
	s0 =	simm.s32 @p2 $0x1  }
0x17: {  	s4 =	simm.s32 $0x1BF5;
	[smem:$0x3FB8] =	sst s0  }
0x18: {  	s0 =	sld [smem:$0x3F9B];
	_ =	swait.ge [sflag:s4], $0x0  }
0x19: {  	s7 =	sld [smem:$0x3F9C]  }
0x1a: {  	s8 =	sadd.s32 $0xFFFFE003, lr  }
0x1b: {  	s9 =	sadd.s32 $0xFFFFFEF7, lr;
	s5 =	simm.s32 $0xFFFFFFFF;
	p2 =	slt.u32 s8, $0xFFFFF086  }
0x1c: {  	p1 =	slt.u32 s9, $0xF7A;
	s5 =	simm.s32 @!p2 $0x0  }
0x1d: {  	s5 =	simm.s32 @p1 $0x1;
	p0 =	seq.s32 s7, s2  }
0x1e: {  	s7 =	smul.u32 @!p0 $0xF7A, s2;
	p2 =	seq.s32 @!p0 s5, $0x0  }
0x1f: {  	s9 =	smul.u32 $0xF7A, s1;
	s8 =	simm.s32 @!p0 $0x1BF5;
	p2 =	por !p2, p0  }
0x20: {  	[sflag:s8] =	ssyncset.s32 @!p0 $0xFFFFF086;
	s6 =	sadd.s32 @!p0 s3, s7;
	s7 =	simm.s32 @!p0 $0x108  }
0x21: {  	s3 =	sadd.s32 s3, s9;
	s6 =	sadd.s32 @!p0 $0x88, s6;
	s7 =	simm.s32 @p2 $0x1082  }
0x22: {  	[simem:s7], [sflag:s8] =	dma.local @!p0 [hbm:s6], $0xF7A  }
0x23: {  	s9 =	sor.u32 $0xD0000000, s2;
	s6 =	simm.s32 $0x108;
	_ =	swait.ge @!p0 [sflag:s8], $0x0  }
0x24: {  	s3 =	sadd.s32 $0x88, s3;
	s6 =	simm.s32 @!p1 $0x1082;
	[sflag:s4] =	ssyncset.s32 $0xFFFFF086  }
0x25: {  	[simem:s6], [sflag:s4] =	dma.local [hbm:s3], $0xF7A  }
0x26: {  	[smem:$0x3F9C] =	sst s1;
	(tag) =	ssettag s2;
	_ =	strace s9  }
0x27: {  	s1 =	sld [smem:$0x3FAC]  }
0x28: {  	s2 =	sld [smem:$0x3FAD]  }
0x29: {  	s4 =	sld [smem:$0x3FAF]  }
0x2a: {  	p0 =	seq.s32 s5, $0x0;
	s5 =	sld [smem:$0x3FB0]  }
0x2b: {  	s6 =	sld [smem:$0x3FB1]  }
0x2c: {  	s7 =	sld [smem:$0x3FB2]  }
0x2d: {  	s3 =	simm.s32 $0x108;
	s8 =	sld [smem:$0x3FB3]  }
0x2e: {  	s3 =	simm.s32 @!p0 $0x1082;
	s9 =	sld [smem:$0x3FB4]  }
0x2f: {  	lr =	sadd.s32 s0, s3;
	s0 =	sld [smem:$0x3FAB]  }
0x30: {  	s3 =	sld [smem:$0x3FAE]  }
0x31: {  	[smem:$0x3FB7] =	sst s10  }
0x32: {  	s10 =	sld [smem:$0x3FB5];
	_ =	sdelay $0x3  }
0x33: {  	p0 =	seq.s32 s10, $0x1;
	s10 =	sld [smem:$0x3FB7];
	_ =	sdelay $0x3  }
0x34: {  	[smem:$0x3FB7] =	sst s10  }
0x35: {  	s10 =	sld [smem:$0x3FB6];
	_ =	sdelay $0x3  }
0x36: {  	p1 =	seq.s32 s10, $0x1;
	s10 =	sld [smem:$0x3FB7];
	_ =	sdelay $0x3  }
0x37: {  	[smem:$0x3FB7] =	sst s10  }
0x38: {  	s10 =	sld [smem:$0x3FB8]  }
0x39: {  	_ = 	snop;
	(pc) =	sbr.ind lr, $3  }
0x3a: {  	_ = 	snop  }
0x3b: {  	_ = 	snop  }
0x3c: {  	p2 =	seq.s32 s10, $0x1;
	s10 =	sld [smem:$0x3FB7]  }
0x3d: {  	_ =	shalt  }
0x3e: {  	_ =	shalt  }
0x3f: {  	_ =	shalt  }
0x40: {  	_ =	shalt  }
0x41: {  	_ =	shalt  }
0x42: {  	_ =	shalt  }
0x43: {  	_ =	shalt  }
0x44: {  	_ =	shalt  }
0x45: {  	_ =	shalt  }
0x46: {  	_ =	shalt  }
0x47: {  	_ =	shalt  }
0x48: {  	_ =	shalt  }
0x49: {  	_ =	shalt  }
0x4a: {  	_ =	shalt  }
0x4b: {  	_ =	shalt  }
0x4c: {  	_ =	shalt  }
0x4d: {  	_ =	shalt  }
0x4e: {  	_ =	shalt  }
0x4f: {  	_ =	shalt  }
0x50: {  	_ =	shalt  }
0x51: {  	_ =	shalt  }
0x52: {  	_ =	shalt  }
0x53: {  	_ =	shalt  }
0x54: {  	_ =	shalt  }
0x55: {  	_ =	shalt  }
0x56: {  	_ =	shalt  }
0x57: {  	_ =	shalt  }
0x58: {  	_ =	shalt  }
0x59: {  	_ =	shalt  }
0x5a: {  	_ =	shalt  }
0x5b: {  	_ =	shalt  }
0x5c: {  	_ =	shalt  }
0x5d: {  	_ =	shalt  }
0x5e: {  	_ =	shalt  }
0x5f: {  	_ =	shalt  }
0x60: {  	_ =	shalt  }
0x61: {  	_ =	shalt  }
0x62: {  	_ =	shalt  }
0x63: {  	_ =	shalt  }
0x64: {  	_ =	shalt  }
0x65: {  	_ =	shalt  }
0x66: {  	_ =	shalt  }
0x67: {  	_ =	shalt  }
0x68: {  	_ =	shalt  }
0x69: {  	_ =	shalt  }
0x6a: {  	_ =	shalt  }
0x6b: {  	_ =	shalt  }
0x6c: {  	_ =	shalt  }
0x6d: {  	_ =	shalt  }
0x6e: {  	_ =	shalt  }
0x6f: {  	_ =	shalt  }
0x70: {  	_ =	shalt  }
0x71: {  	_ =	shalt  }
0x72: {  	_ =	shalt  }
0x73: {  	_ =	shalt  }
0x74: {  	_ =	shalt  }
0x75: {  	_ =	shalt  }
0x76: {  	_ =	shalt  }
0x77: {  	_ =	shalt  }
0x78: {  	_ =	shalt  }
0x79: {  	_ =	shalt  }
0x7a: {  	_ =	shalt  }
0x7b: {  	_ =	shalt  }
0x7c: {  	_ =	shalt  }
0x7d: {  	_ =	shalt  }
0x7e: {  	_ =	shalt  }
0x7f: {  	_ =	shalt  }
0x80: {  	_ =	shalt  }
0x81: {  	_ =	shalt  }
0x82: {  	_ =	shalt  }
0x83: {  	_ =	shalt  }
0x84: {  	_ =	shalt  }
0x85: {  	_ =	shalt  }
0x86: {  	_ =	shalt  }
0x87: {  	_ =	shalt  }
.Lfunc_end0:
.L_simem_size_0:
called_computation.2_lowered:
.L_overlay_start_0:
0x88: {  	s2 =	sld [smem:$0x3FD9]  }
0x89: {  	s3 =	sld [smem:$0x3FFE];
	_ =	sdelay $0x1  }
0x8a: {  	s1 =	srdreg.scid  }
0x8b: {  	s0 =	sand.u32 $0x1, s1  }
0x8c: {  	s17 =	sshll.u32 s0, $0xA;
	s2 =	sadd.s32 s3, s2  }
0x8d: {  	s2 =	sadd.s32 s2, s17  }
0x8e: {  	[smem:$0x3FC3] =	sst s2  }
0x8f: {  	_ = 	snop  }
0x90: {  	s2 =	sld [smem:$0x3FD0];
	(tm) =	ssettm $0x1  }
0x91: {  	s18 =	sld [smem:$0x3FFB];
	_ =	sdelay $0x3  }
0x92: {  	_ =	strace s18  }
0x93: {  	s3 =	sld [smem:$0x3FFC];
	_ =	sdelay $0x3  }
0x94: {  	_ =	strace s3  }
0x95: {  	s3 =	sld [smem:$0x3FFD];
	_ =	sdelay $0x3  }
0x96: {  	_ =	strace s3  }
0x97: {  	_ =	strace $0x8FFFFFFF  }
0x98: {  	s19 =	sld [smem:$0x3FDB];
	_ =	sdelay $0x1  }
0x99: {  	s4 =	simm.s32 $_scs_section_size  }
0x9a: {  	s5 =	simm.s32 $_size__tile_overlayer_lowered;
	s6 =	simm.s32 $_tile_overlayer_lowered  }
0x9b: {  	s22 =	simm.s32 $0x1BFF;
	s21 =	sshll.u32 s6, $0x1;
	s3 =	sadd.s32 s4, s19  }
0x9c: {  	s7 =	simm.s32 $0x0;
	s20 =	sshll.u32 s5, $0x1;
	s5 =	sadd.s32 s21, s3  }
0x9d: {  	[timem:s7], [sflag:s22] =	dma.local [hbm:s5], s20  }
0x9e: {  	_ =	swait.ge [sflag:s22], s20  }
0x9f: {  	s4 =	ssub.s32 $0x0, s20;
	[sflag:s22] =	ssyncset.done $0x0  }
0xa0: {  	[sflag:s22] =	ssyncadd.s32 s4;
	_ =	sdelay $0x1  }
0xa1: {  	s23 =	simm.s32 $0x1B8B  }
0xa2: {  	_ =	swait.ge [sflag:s23], $0x1  }
0xa3: {  	[sflag:s23] =	ssyncset.done $0x0  }
0xa4: {  	s25 =	simm.s32 $0x1B8E;
	s24 =	sld [smem:$0x3FFE];
	[sflag:s23] =	ssyncadd.s32 $0xFFFFFFFF  }
0xa5: {  	s26 =	simm.s32 $execute0_lowered;
	[smem:$0x3FD2] =	sst s25  }
0xa6: {  	s5 =	sshll.u32 s26, $0x1;
	_ =	strace $0x80000046;
	[dreg:$0x1] =	wrdreg $0xFFFFFFFF  }
0xa7: {  	s28 =	simm.s32 $_size_execute0_lowered;
	s3 =	sadd.s32 s3, s5;
	[dreg:$0x0] =	wrdreg $0x0  }
0xa8: {  	s5 =	sshll.u32 s28, $0x1;
	[dreg:$0x2] =	wrdreg s3  }
0xa9: {  	[dreg:$0x3] =	wrdreg s5  }
0xaa: {  	[dreg:$0x4] =	wrdreg $0xC0  }
0xab: {  	_ =	task [dreg:s7], $0x5FFFF  }
0xac: {  	[dreg:$0x1] =	wrdreg $0xFFFFFFFF  }
0xad: {  	[dreg:$0x0] =	wrdreg $0x60  }
0xae: {  	[dreg:$0x2] =	wrdreg s2  }
0xaf: {  	[dreg:$0x3] =	wrdreg s24  }
0xb0: {  	[dreg:$0x4] =	wrdreg $0xA  }
0xb1: {  	_ =	task.clear_ibuf [dreg:s7], $0x5FFFF;
	_ =	strace $0x90000046  }
0xb2: {  	s29 =	simm.s32 $0xA;
	_ =	strace $0x80000048  }
0xb3: {  	_ =	swait.ge [sflag:s29], $0x1  }
0xb4: {  	[sflag:s29] =	ssyncadd.s32 $0xFFFFFFFF  }
0xb5: {  	_ =	strace $0x90000048  }
0xb6: {  	_ =	sfence  }
0xb7: {  	s30 =	sld [smem:$0x0];
	_ =	sdelay $0x2  }
0xb8: {  	s31 =	sshll.u32 s1, $0xD;
	s1 =	sshrl.u32 s1, $0x2  }
0xb9: {  	s3 =	sand.u32 $0x4000, s31;
	s1 =	sadd.s32 s1, s30  }
0xba: {  	s0 =	sor.u32 s3, s0;
	s1 =	sshll.u32 s1, $0x11  }
0xbb: {  	s0 =	sor.u32 s1, s0  }
0xbc: {  	s0 =	sadd.s32 $0x8F2B, s0  }
0xbd: {  	[sflag:s0] =	ssyncadd.remote.s32 $0x1  }
0xbe: {  	_ =	sfence.sel $0xFFFF  }
0xbf: {  	[dreg:$0x0] =	wrdreg $0xFFFFFFFF;
	(pc) =	sbr.abs _section_cstart, $3  }
0xc0: {  	[dreg:$0x1] =	wrdreg $0xFFFFFFFF  }
0xc1: {  	_ =	task.clear_ibuf [dreg:s7], $0x2FFFF;
	_ =	strace $0x9FFFFFFF  }
0xc2: {  	(tm) =	ssettm $0x7FFFFFFF  }
0xc3: {  	_ =	shalt  }
tec
execute0_lowered:
.L_overlay_start_1:
0x0: {  	(tag) =	ssettag $0x1  }
0x1: {  	s2 =	rddreg [dreg:$0x0]  }
0x2: {  	s5 =	rddreg [dreg:$0x1];
	s3 =	simm.s32 $0x0  }
0x3: {  	s29 =	simm.s32 $0x100;
	[smem:$0x7FF] =	sst s3  }
0x4: {  	s30 =	simm.s32 $0x180;
	_ =	strace $0x80000047;
	[dreg:$0x7] =	wrdreg s29  }
0x5: {  	s1 =	srdreg.scid;
	s31 =	simm.s32 $0x8A00;
	[dreg:$0x8] =	wrdreg s30  }
0x6: {  	s6 =	sand.u32 $0x1, s1;
	s1 =	simm.s32 $0x9200;
	[dreg:$0x9] =	wrdreg s31  }
0x7: {  	s12 =	simm.s32 $0xAA00;
	[dreg:$0xa] =	wrdreg s1  }
0x8: {  	s13 =	simm.s32 $0xB200;
	[dreg:$0xd] =	wrdreg s12  }
0x9: {  	s14 =	simm.s32 $0xBA00;
	[dreg:$0xe] =	wrdreg s13  }
0xa: {  	s16 =	simm.s32 $0xC200;
	[dreg:$0xf] =	wrdreg s14  }
0xb: {  	s0 =	stileid.u32;
	s18 =	simm.s32 $0xCA00;
	[dreg:$0x10] =	wrdreg s16  }
0xc: {  	s19 =	simm.s32 $0xD200;
	s21 =	simm.s32 $0xE200;
	[dreg:$0x11] =	wrdreg s18  }
0xd: {  	s22 =	simm.s32 $0xEA00;
	s24 =	simm.s32 $0xF200;
	[dreg:$0x12] =	wrdreg s19  }
0xe: {  	s25 =	simm.s32 $0xFA00;
	s4 =	smul.u32 $0x2800, s0;
	[dreg:$0x14] =	wrdreg s21  }
0xf: {  	s26 =	simm.s32 $0x10A00;
	s11 =	smul.u32 $0x50000, s0;
	[dreg:$0x15] =	wrdreg s22  }
0x10: {  	s28 =	sadd.s32 $0x50A00, s5;
	s7 =	smul.u32 $0x1400, s6;
	[dreg:$0x16] =	wrdreg s24  }
0x11: {  	s9 =	sadd.s32 $0x55A00, s5;
	s20 =	smul.u32 $0x28000, s6;
	[dreg:$0x17] =	wrdreg s25  }
0x12: {  	s15 =	ssub.s32 $0x2, s6;
	s23 =	smul.u32 $0x14000, s6;
	[dreg:$0x18] =	wrdreg s26  }
0x13: {  	s29 =	simm.s32 $0x11A00;
	s30 =	simm.s32 $0x12200;
	s12 =	simm.s32 $0x12A00  }
0x14: {  	s13 =	simm.s32 $0x13200;
	s14 =	simm.s32 $0x13A00;
	s31 =	simm.s32 $0x14A00  }
0x15: {  	s16 =	simm.s32 $0x15A00;
	s18 =	simm.s32 $0x16A00;
	[dreg:$0x1a] =	wrdreg s29  }
0x16: {  	s19 =	simm.s32 $0x17200;
	s21 =	simm.s32 $0x3;
	[dreg:$0x1b] =	wrdreg s30  }
0x17: {  	s22 =	simm.s32 $0x5;
	s24 =	simm.s32 $0x6;
	[dreg:$0x1c] =	wrdreg s12  }
0x18: {  	s25 =	simm.s32 $0x0;
	[dreg:$0x1d] =	wrdreg s13;
	s4 =	sadd.s32 s7, s4  }
0x19: {  	s17 =	sshrl.u32 s15, $0x1;
	[dreg:$0x1e] =	wrdreg s14;
	s8 =	sshrl.u32 s4, $0x3  }
0x1a: {  	[smem:$0x7FD] =	sst s31;
	s4 =	sor.u32 $0x80, s4;
	s10 =	sadd.s32 s8, s28  }
0x1b: {  	s8 =	sadd.s32 s8, s9;
	s4 =	sshrl.u32 s4, $0x3;
	[dreg:$0x3] =	wrdreg s10  }
0x1c: {  	s12 =	simm.s32 $0x2;
	[dreg:$0x4] =	wrdreg s8;
	s7 =	sadd.s32 s4, s28  }
0x1d: {  	s13 =	simm.s32 $0x4200;
	s4 =	sadd.s32 s4, s9;
	[dreg:$0x5] =	wrdreg s7  }
0x1e: {  	s14 =	simm.s32 $0x10200;
	s8 =	simm.s32 $0x9A00;
	[dreg:$0x6] =	wrdreg s4  }
0x1f: {  	s9 =	smul.u32 $0x28000, s0;
	s10 =	simm.s32 $0xA200;
	[dreg:$0xb] =	wrdreg s8  }
0x20: {  	s28 =	simm.s32 $0x11200;
	s4 =	sadd.s32 $0x2800, s5;
	[dreg:$0xc] =	wrdreg s10  }
0x21: {  	s7 =	ssub.s32 s15, s17;
	[dreg:$0x19] =	wrdreg s28;
	s10 =	simm.s32 $0x200  }
0x22: {  	s15 =	simm.s32 $0x14200;
	s17 =	simm.s32 $0x16200;
	s8 =	sadd.s32 s9, s5  }
0x23: {  	s9 =	sadd.s32 s11, s5;
	s11 =	simm.s32 $0xDA00;
	[dreg:$0x1f] =	wrdreg s15  }
0x24: {  	s5 =	smax.u32 s7, $0x1;
	s15 =	simm.s32 $0x15200;
	[dreg:$0x13] =	wrdreg s11  }
0x25: {  	v2 =	vlaneseq.u32;
	s9 =	sadd.s32 s20, s9;
	s8 =	sadd.s32 s23, s8;
	s11 =	simm.s32 $0x8200  }
0x26: {  	vm0 =	vmmov $0xffff;
	v1 =	vshrl.u32 v2, $0x3;
	s20 =	simm.s32 $0x17A00;
	s23 =	simm.s32 $0x4;
	s6 =	sadd.s32 $0x2DAA00, s9  }
0x27: {  	v0 =	vand.u32 $0x7, v2;
	v2 =	vor.u32 $0x8, v2;
	v1 =	vmul.u32 $0x8, v1;
	s7 =	sadd.s32 $0x5AA00, s8;
	s8 =	simm.s32 $0x80;
	s9 =	simm.s32 $0x1  }
.LBB2_1:
0x28: {  	s26 =	smov.u32 s7;
	s28 =	smov.u32 s6;
	s29 =	simm.s32 $0x0  }
.LBB2_2:
0x29: {  	s30 =	rddreg [dreg:$0x4]  }
0x2a: {  	s31 =	rddreg [dreg:$0x3]  }
0x2b: {  	s1 =	rddreg [dreg:$0x7];
	s30 =	sadd.s32 s29, s30  }
0x2c: {  	[tilespmem:s3], [sflag:$0x1] =	stream.linear.gather [hbm4b:s30+s3], $0x80, $0x38;
	[tilespmem:$0x18200] =	vst v63  }
0x2d: {  	s30 =	sadd.s32 s29, s31;
	s31 =	rddreg [dreg:$0x6]  }
0x2e: {  	[tilespmem:s1], [sflag:$0x1] =	stream.linear.gather [hbm4b:s30+s3], $0x80, $0x38;
	[tilespmem:$0x18200] =	vst v63  }
0x2f: {  	s1 =	rddreg [dreg:$0x5];
	s30 =	sadd.s32 s29, s31  }
0x30: {  	[tilespmem:s8], [sflag:$0x2] =	stream.linear.gather [hbm4b:s30+s3], $0x80, $0x38;
	[tilespmem:$0x18200] =	vst v63  }
0x31: {  	s31 =	rddreg [dreg:$0x8];
	s1 =	sadd.s32 s29, s1  }
0x32: {  	[tilespmem:s31], [sflag:$0x2] =	stream.linear.gather [hbm4b:s1+s3], $0x80, $0x38;
	[tilespmem:$0x18200] =	vst v63  }
0x33: {  	_ =	swait.ge [sflag:s9], $0x80  }
0x34: {  	[sflag:s9] =	ssyncset.done $0x0  }
0x35: {  	[sflag:s9] =	ssyncadd.s32 $0xFFFFFF80  }
0x36: {  	_ =	swait.ge [sflag:s9], $0x80  }
0x37: {  	[sflag:s9] =	ssyncset.done $0x0  }
0x38: {  	[sflag:s9] =	ssyncadd.s32 $0xFFFFFF80  }
0x39: {  	[tilespmem:s10], [sflag:$0x3] =	stream.indirect.gather [hbm4b:s2+s8], $0x80, s3, s8, $0xb8;
	[tilespmem:$0x18200] =	vst v63  }
0x3a: {  	v3 =	vld [tilespmem:$0x100];
	_ =	sdelay $0x4  }
0x3b: {  	v4 =	vshll.u32 v3, $0x1  }
0x3c: {  	v3 =	vand.u32 $0x7, v3;
	v4 =	vand.u32 $0xFFFFFFF0, v4  }
0x3d: {  	v3 =	vor.u32 v3, v4  }
0x3e: {  	v4 =	vperm.xlane v3, v0;
	_ =	sdelay $0x1  }
0x3f: {  	v3 =	vperm.xlane v3, v2;
	v4 =	vadd.s32 v1, v4;
	_ =	sdelay $0x1  }
0x40: {  	v3 =	vadd.s32 v1, v3;
	_ =	sdelay $0x2  }
0x41: {  	[tilespmem:s11], [sflag:$0x5] =	stream.indirect_vreg.gather [hbm4b:s4+s3], $0x80, v4, vm0, $0xb8;
	[tilespmem:$0x18200] =	vst v63  }
0x42: {  	s30 =	rddreg [dreg:$0x9]  }
0x43: {  	[tilespmem:s30], [sflag:$0x5] =	stream.indirect_vreg.gather [hbm4b:s4+s3], $0x80, v3, vm0, $0xb8;
	[tilespmem:$0x18200] =	vst v63  }
0x44: {  	v3 =	vld [tilespmem:$0x110];
	_ =	sdelay $0x4  }
0x45: {  	v49 =	vshll.u32 v3, $0x1  }
0x46: {  	v3 =	vand.u32 $0x7, v3;
	v4 =	vand.u32 $0xFFFFFFF0, v49  }
0x47: {  	v3 =	vor.u32 v3, v4  }
0x48: {  	v4 =	vperm.xlane v3, v0;
	_ =	sdelay $0x1  }
0x49: {  	v3 =	vperm.xlane v3, v2;
	v4 =	vadd.s32 v1, v4;
	_ =	sdelay $0x1  }
0x4a: {  	v3 =	vadd.s32 v1, v3;
	_ =	sdelay $0x1  }
0x4b: {  	s1 =	rddreg [dreg:$0xa]  }
0x4c: {  	[tilespmem:s1], [sflag:$0x5] =	stream.indirect_vreg.gather [hbm4b:s4+s3], $0x80, v4, vm0, $0xb8;
	[tilespmem:$0x18200] =	vst v63  }
0x4d: {  	s31 =	rddreg [dreg:$0xb]  }
0x4e: {  	[tilespmem:s31], [sflag:$0x5] =	stream.indirect_vreg.gather [hbm4b:s4+s3], $0x80, v3, vm0, $0xb8;
	[tilespmem:$0x18200] =	vst v63  }
0x4f: {  	v3 =	vld [tilespmem:$0x120];
	_ =	sdelay $0x4  }
0x50: {  	v50 =	vshll.u32 v3, $0x1  }
0x51: {  	v3 =	vand.u32 $0x7, v3;
	v4 =	vand.u32 $0xFFFFFFF0, v50  }
0x52: {  	v3 =	vor.u32 v3, v4  }
0x53: {  	v4 =	vperm.xlane v3, v0;
	_ =	sdelay $0x1  }
0x54: {  	v3 =	vperm.xlane v3, v2;
	v4 =	vadd.s32 v1, v4;
	_ =	sdelay $0x1  }
0x55: {  	v3 =	vadd.s32 v1, v3;
	_ =	sdelay $0x1  }
0x56: {  	s1 =	rddreg [dreg:$0xc]  }
0x57: {  	[tilespmem:s1], [sflag:$0x5] =	stream.indirect_vreg.gather [hbm4b:s4+s3], $0x80, v4, vm0, $0xb8;
	[tilespmem:$0x18200] =	vst v63  }
0x58: {  	s31 =	rddreg [dreg:$0xd]  }
0x59: {  	[tilespmem:s31], [sflag:$0x5] =	stream.indirect_vreg.gather [hbm4b:s4+s3], $0x80, v3, vm0, $0xb8;
	[tilespmem:$0x18200] =	vst v63  }
0x5a: {  	v3 =	vld [tilespmem:$0x130];
	_ =	sdelay $0x4  }
0x5b: {  	v51 =	vshll.u32 v3, $0x1  }
0x5c: {  	v3 =	vand.u32 $0x7, v3;
	v4 =	vand.u32 $0xFFFFFFF0, v51  }
0x5d: {  	v3 =	vor.u32 v3, v4  }
0x5e: {  	v4 =	vperm.xlane v3, v0;
	_ =	sdelay $0x1  }
0x5f: {  	v3 =	vperm.xlane v3, v2;
	v4 =	vadd.s32 v1, v4;
	_ =	sdelay $0x1  }
0x60: {  	v3 =	vadd.s32 v1, v3;
	_ =	sdelay $0x1  }
0x61: {  	s1 =	rddreg [dreg:$0xe]  }
0x62: {  	[tilespmem:s1], [sflag:$0x5] =	stream.indirect_vreg.gather [hbm4b:s4+s3], $0x80, v4, vm0, $0xb8;
	[tilespmem:$0x18200] =	vst v63  }
0x63: {  	s31 =	rddreg [dreg:$0xf]  }
0x64: {  	[tilespmem:s31], [sflag:$0x5] =	stream.indirect_vreg.gather [hbm4b:s4+s3], $0x80, v3, vm0, $0xb8;
	[tilespmem:$0x18200] =	vst v63  }
0x65: {  	v3 =	vld [tilespmem:$0x140];
	_ =	sdelay $0x4  }
0x66: {  	v52 =	vshll.u32 v3, $0x1  }
0x67: {  	v3 =	vand.u32 $0x7, v3;
	v4 =	vand.u32 $0xFFFFFFF0, v52  }
0x68: {  	v3 =	vor.u32 v3, v4  }
0x69: {  	v4 =	vperm.xlane v3, v0;
	_ =	sdelay $0x1  }
0x6a: {  	v3 =	vperm.xlane v3, v2;
	v4 =	vadd.s32 v1, v4;
	_ =	sdelay $0x1  }
0x6b: {  	v3 =	vadd.s32 v1, v3;
	_ =	sdelay $0x1  }
0x6c: {  	s1 =	rddreg [dreg:$0x10]  }
0x6d: {  	[tilespmem:s1], [sflag:$0x5] =	stream.indirect_vreg.gather [hbm4b:s4+s3], $0x80, v4, vm0, $0xb8;
	[tilespmem:$0x18200] =	vst v63  }
0x6e: {  	s31 =	rddreg [dreg:$0x11]  }
0x6f: {  	[tilespmem:s31], [sflag:$0x5] =	stream.indirect_vreg.gather [hbm4b:s4+s3], $0x80, v3, vm0, $0xb8;
	[tilespmem:$0x18200] =	vst v63  }
0x70: {  	v3 =	vld [tilespmem:$0x150];
	_ =	sdelay $0x4  }
0x71: {  	v53 =	vshll.u32 v3, $0x1  }
0x72: {  	v3 =	vand.u32 $0x7, v3;
	v4 =	vand.u32 $0xFFFFFFF0, v53  }
0x73: {  	v3 =	vor.u32 v3, v4  }
0x74: {  	v4 =	vperm.xlane v3, v0;
	_ =	sdelay $0x1  }
0x75: {  	v3 =	vperm.xlane v3, v2;
	v4 =	vadd.s32 v1, v4;
	_ =	sdelay $0x1  }
0x76: {  	v3 =	vadd.s32 v1, v3;
	_ =	sdelay $0x1  }
0x77: {  	s1 =	rddreg [dreg:$0x12]  }
0x78: {  	[tilespmem:s1], [sflag:$0x5] =	stream.indirect_vreg.gather [hbm4b:s4+s3], $0x80, v4, vm0, $0xb8;
	[tilespmem:$0x18200] =	vst v63  }
0x79: {  	s31 =	rddreg [dreg:$0x13]  }
0x7a: {  	[tilespmem:s31], [sflag:$0x5] =	stream.indirect_vreg.gather [hbm4b:s4+s3], $0x80, v3, vm0, $0xb8;
	[tilespmem:$0x18200] =	vst v63  }
0x7b: {  	v3 =	vld [tilespmem:$0x160];
	_ =	sdelay $0x4  }
0x7c: {  	v54 =	vshll.u32 v3, $0x1  }
0x7d: {  	v3 =	vand.u32 $0x7, v3;
	v4 =	vand.u32 $0xFFFFFFF0, v54  }
0x7e: {  	v3 =	vor.u32 v3, v4  }
0x7f: {  	v4 =	vperm.xlane v3, v0;
	_ =	sdelay $0x1  }
0x80: {  	v3 =	vperm.xlane v3, v2;
	v4 =	vadd.s32 v1, v4;
	_ =	sdelay $0x1  }
0x81: {  	v3 =	vadd.s32 v1, v3;
	_ =	sdelay $0x1  }
0x82: {  	s1 =	rddreg [dreg:$0x14]  }
0x83: {  	[tilespmem:s1], [sflag:$0x5] =	stream.indirect_vreg.gather [hbm4b:s4+s3], $0x80, v4, vm0, $0xb8;
	[tilespmem:$0x18200] =	vst v63  }
0x84: {  	s31 =	rddreg [dreg:$0x15]  }
0x85: {  	[tilespmem:s31], [sflag:$0x5] =	stream.indirect_vreg.gather [hbm4b:s4+s3], $0x80, v3, vm0, $0xb8;
	[tilespmem:$0x18200] =	vst v63  }
0x86: {  	v3 =	vld [tilespmem:$0x170];
	_ =	sdelay $0x4  }
0x87: {  	v55 =	vshll.u32 v3, $0x1  }
0x88: {  	v3 =	vand.u32 $0x7, v3;
	v4 =	vand.u32 $0xFFFFFFF0, v55  }
0x89: {  	v3 =	vor.u32 v3, v4  }
0x8a: {  	v4 =	vperm.xlane v3, v0;
	_ =	sdelay $0x1  }
0x8b: {  	v3 =	vperm.xlane v3, v2;
	v4 =	vadd.s32 v1, v4;
	_ =	sdelay $0x1  }
0x8c: {  	v3 =	vadd.s32 v1, v3;
	_ =	sdelay $0x1  }
0x8d: {  	s1 =	rddreg [dreg:$0x16]  }
0x8e: {  	[tilespmem:s1], [sflag:$0x5] =	stream.indirect_vreg.gather [hbm4b:s4+s3], $0x80, v4, vm0, $0xb8;
	[tilespmem:$0x18200] =	vst v63  }
0x8f: {  	s31 =	rddreg [dreg:$0x17]  }
0x90: {  	[tilespmem:s31], [sflag:$0x5] =	stream.indirect_vreg.gather [hbm4b:s4+s3], $0x80, v3, vm0, $0xb8;
	[tilespmem:$0x18200] =	vst v63  }
0x91: {  	_ =	swait.ge [sflag:s12], $0x80  }
0x92: {  	[sflag:s12] =	ssyncset.done $0x0  }
0x93: {  	[sflag:s12] =	ssyncadd.s32 $0xFFFFFF80  }
0x94: {  	_ =	swait.ge [sflag:s12], $0x80  }
0x95: {  	[sflag:s12] =	ssyncset.done $0x0  }
0x96: {  	[sflag:s12] =	ssyncadd.s32 $0xFFFFFF80  }
0x97: {  	[tilespmem:s13], [sflag:$0x4] =	stream.indirect.gather [hbm4b:s2+s8], $0x80, s8, s8, $0xb8;
	[tilespmem:$0x18200] =	vst v63  }
0x98: {  	v3 =	vld [tilespmem:$0x180];
	_ =	sdelay $0x4  }
0x99: {  	v56 =	vshll.u32 v3, $0x1  }
0x9a: {  	v3 =	vand.u32 $0x7, v3;
	v4 =	vand.u32 $0xFFFFFFF0, v56  }
0x9b: {  	v3 =	vor.u32 v3, v4  }
0x9c: {  	v4 =	vperm.xlane v3, v0;
	_ =	sdelay $0x1  }
0x9d: {  	v3 =	vperm.xlane v3, v2;
	v4 =	vadd.s32 v1, v4;
	_ =	sdelay $0x1  }
0x9e: {  	v3 =	vadd.s32 v1, v3;
	_ =	sdelay $0x2  }
0x9f: {  	[tilespmem:s14], [sflag:$0x6] =	stream.indirect_vreg.gather [hbm4b:s4+s3], $0x80, v4, vm0, $0xb8;
	[tilespmem:$0x18200] =	vst v63  }
0xa0: {  	s30 =	rddreg [dreg:$0x18]  }
0xa1: {  	[tilespmem:s30], [sflag:$0x6] =	stream.indirect_vreg.gather [hbm4b:s4+s3], $0x80, v3, vm0, $0xb8;
	[tilespmem:$0x18200] =	vst v63  }
0xa2: {  	v3 =	vld [tilespmem:$0x190];
	_ =	sdelay $0x4  }
0xa3: {  	v57 =	vshll.u32 v3, $0x1  }
0xa4: {  	v3 =	vand.u32 $0x7, v3;
	v4 =	vand.u32 $0xFFFFFFF0, v57  }
0xa5: {  	v3 =	vor.u32 v3, v4  }
0xa6: {  	v4 =	vperm.xlane v3, v0;
	_ =	sdelay $0x1  }
0xa7: {  	v3 =	vperm.xlane v3, v2;
	v4 =	vadd.s32 v1, v4;
	_ =	sdelay $0x1  }
0xa8: {  	v3 =	vadd.s32 v1, v3;
	_ =	sdelay $0x1  }
0xa9: {  	s1 =	rddreg [dreg:$0x19]  }
0xaa: {  	[tilespmem:s1], [sflag:$0x6] =	stream.indirect_vreg.gather [hbm4b:s4+s3], $0x80, v4, vm0, $0xb8;
	[tilespmem:$0x18200] =	vst v63  }
0xab: {  	s31 =	rddreg [dreg:$0x1a]  }
0xac: {  	[tilespmem:s31], [sflag:$0x6] =	stream.indirect_vreg.gather [hbm4b:s4+s3], $0x80, v3, vm0, $0xb8;
	[tilespmem:$0x18200] =	vst v63  }
0xad: {  	v3 =	vld [tilespmem:$0x1A0];
	_ =	sdelay $0x4  }
0xae: {  	v58 =	vshll.u32 v3, $0x1  }
0xaf: {  	v3 =	vand.u32 $0x7, v3;
	v4 =	vand.u32 $0xFFFFFFF0, v58  }
0xb0: {  	v3 =	vor.u32 v3, v4  }
0xb1: {  	v4 =	vperm.xlane v3, v0;
	_ =	sdelay $0x1  }
0xb2: {  	v3 =	vperm.xlane v3, v2;
	v4 =	vadd.s32 v1, v4;
	_ =	sdelay $0x1  }
0xb3: {  	v3 =	vadd.s32 v1, v3;
	_ =	sdelay $0x1  }
0xb4: {  	s1 =	rddreg [dreg:$0x1b]  }
0xb5: {  	[tilespmem:s1], [sflag:$0x6] =	stream.indirect_vreg.gather [hbm4b:s4+s3], $0x80, v4, vm0, $0xb8;
	[tilespmem:$0x18200] =	vst v63  }
0xb6: {  	s31 =	rddreg [dreg:$0x1c]  }
0xb7: {  	[tilespmem:s31], [sflag:$0x6] =	stream.indirect_vreg.gather [hbm4b:s4+s3], $0x80, v3, vm0, $0xb8;
	[tilespmem:$0x18200] =	vst v63  }
0xb8: {  	v3 =	vld [tilespmem:$0x1B0];
	_ =	sdelay $0x4  }
0xb9: {  	v59 =	vshll.u32 v3, $0x1  }
0xba: {  	v3 =	vand.u32 $0x7, v3;
	v4 =	vand.u32 $0xFFFFFFF0, v59  }
0xbb: {  	v3 =	vor.u32 v3, v4  }
0xbc: {  	v4 =	vperm.xlane v3, v0;
	_ =	sdelay $0x1  }
0xbd: {  	v3 =	vperm.xlane v3, v2;
	v4 =	vadd.s32 v1, v4;
	_ =	sdelay $0x1  }
0xbe: {  	v3 =	vadd.s32 v1, v3;
	_ =	sdelay $0x1  }
0xbf: {  	s1 =	rddreg [dreg:$0x1d]  }
0xc0: {  	[tilespmem:s1], [sflag:$0x6] =	stream.indirect_vreg.gather [hbm4b:s4+s3], $0x80, v4, vm0, $0xb8;
	[tilespmem:$0x18200] =	vst v63  }
0xc1: {  	s31 =	rddreg [dreg:$0x1e]  }
0xc2: {  	[tilespmem:s31], [sflag:$0x6] =	stream.indirect_vreg.gather [hbm4b:s4+s3], $0x80, v3, vm0, $0xb8;
	[tilespmem:$0x18200] =	vst v63  }
0xc3: {  	v3 =	vld [tilespmem:$0x1C0];
	_ =	sdelay $0x4  }
0xc4: {  	v60 =	vshll.u32 v3, $0x1  }
0xc5: {  	v3 =	vand.u32 $0x7, v3;
	v4 =	vand.u32 $0xFFFFFFF0, v60  }
0xc6: {  	v3 =	vor.u32 v3, v4  }
0xc7: {  	v4 =	vperm.xlane v3, v0;
	_ =	sdelay $0x1  }
0xc8: {  	v3 =	vperm.xlane v3, v2;
	v4 =	vadd.s32 v1, v4;
	_ =	sdelay $0x1  }
0xc9: {  	v3 =	vadd.s32 v1, v3  }
0xca: {  	s1 =	rddreg [dreg:$0x1f]  }
0xcb: {  	s31 =	sld [smem:$0x7FD]  }
0xcc: {  	[tilespmem:s1], [sflag:$0x6] =	stream.indirect_vreg.gather [hbm4b:s4+s3], $0x80, v4, vm0, $0xb8;
	[tilespmem:$0x18200] =	vst v63  }
0xcd: {  	_ = 	snop  }
0xce: {  	[tilespmem:s31], [sflag:$0x6] =	stream.indirect_vreg.gather [hbm4b:s4+s3], $0x80, v3, vm0, $0xb8;
	[tilespmem:$0x18200] =	vst v63  }
0xcf: {  	v3 =	vld [tilespmem:$0x1D0];
	_ =	sdelay $0x4  }
0xd0: {  	v61 =	vshll.u32 v3, $0x1  }
0xd1: {  	v3 =	vand.u32 $0x7, v3;
	v4 =	vand.u32 $0xFFFFFFF0, v61  }
0xd2: {  	v3 =	vor.u32 v3, v4  }
0xd3: {  	v4 =	vperm.xlane v3, v0;
	_ =	sdelay $0x1  }
0xd4: {  	v3 =	vperm.xlane v3, v2;
	v4 =	vadd.s32 v1, v4;
	_ =	sdelay $0x1  }
0xd5: {  	v3 =	vadd.s32 v1, v3;
	_ =	sdelay $0x2  }
0xd6: {  	[tilespmem:s15], [sflag:$0x6] =	stream.indirect_vreg.gather [hbm4b:s4+s3], $0x80, v4, vm0, $0xb8;
	[tilespmem:$0x18200] =	vst v63  }
0xd7: {  	_ = 	snop  }
0xd8: {  	[tilespmem:s16], [sflag:$0x6] =	stream.indirect_vreg.gather [hbm4b:s4+s3], $0x80, v3, vm0, $0xb8;
	[tilespmem:$0x18200] =	vst v63  }
0xd9: {  	v3 =	vld [tilespmem:$0x1E0];
	_ =	sdelay $0x4  }
0xda: {  	v62 =	vshll.u32 v3, $0x1  }
0xdb: {  	v3 =	vand.u32 $0x7, v3;
	v4 =	vand.u32 $0xFFFFFFF0, v62  }
0xdc: {  	v3 =	vor.u32 v3, v4  }
0xdd: {  	v4 =	vperm.xlane v3, v0;
	_ =	sdelay $0x1  }
0xde: {  	v3 =	vperm.xlane v3, v2;
	v4 =	vadd.s32 v1, v4;
	_ =	sdelay $0x1  }
0xdf: {  	v3 =	vadd.s32 v1, v3;
	_ =	sdelay $0x2  }
0xe0: {  	[tilespmem:s17], [sflag:$0x6] =	stream.indirect_vreg.gather [hbm4b:s4+s3], $0x80, v4, vm0, $0xb8;
	[tilespmem:$0x18200] =	vst v63  }
0xe1: {  	_ = 	snop  }
0xe2: {  	[tilespmem:s18], [sflag:$0x6] =	stream.indirect_vreg.gather [hbm4b:s4+s3], $0x80, v3, vm0, $0xb8;
	[tilespmem:$0x18200] =	vst v63  }
0xe3: {  	v3 =	vld [tilespmem:$0x1F0];
	_ =	sdelay $0x4  }
0xe4: {  	v63 =	vshll.u32 v3, $0x1  }
0xe5: {  	v3 =	vand.u32 $0x7, v3;
	v4 =	vand.u32 $0xFFFFFFF0, v63  }
0xe6: {  	v3 =	vor.u32 v3, v4  }
0xe7: {  	v4 =	vperm.xlane v3, v0;
	_ =	sdelay $0x1  }
0xe8: {  	v3 =	vperm.xlane v3, v2;
	v4 =	vadd.s32 v1, v4;
	_ =	sdelay $0x1  }
0xe9: {  	v3 =	vadd.s32 v1, v3;
	_ =	sdelay $0x2  }
0xea: {  	[tilespmem:s19], [sflag:$0x6] =	stream.indirect_vreg.gather [hbm4b:s4+s3], $0x80, v4, vm0, $0xb8;
	[tilespmem:$0x18200] =	vst v63  }
0xeb: {  	_ = 	snop  }
0xec: {  	[tilespmem:s20], [sflag:$0x6] =	stream.indirect_vreg.gather [hbm4b:s4+s3], $0x80, v3, vm0, $0xb8;
	[tilespmem:$0x18200] =	vst v63  }
0xed: {  	_ =	swait.ge [sflag:s21], $0x4000  }
0xee: {  	[sflag:s21] =	ssyncset.done $0x0  }
0xef: {  	[sflag:s21] =	ssyncadd.s32 $0xFFFFC000  }
0xf0: {  	[hbm4b:s26+s3] =	stream.linear.scatter [tilespmem:s10], [sflag:$0x3], $0x4000, $0x38;
	[tilespmem:$0x18200] =	vst v63  }
0xf1: {  	_ =	swait.ge [sflag:s22], $0x8000  }
0xf2: {  	[sflag:s22] =	ssyncset.done $0x0  }
0xf3: {  	[sflag:s22] =	ssyncadd.s32 $0xFFFF8000  }
0xf4: {  	[hbm4b:s28+s3] =	stream.linear.scatter [tilespmem:s11], [sflag:$0x5], $0x8000, $0x38;
	[tilespmem:$0x18200] =	vst v63  }
0xf5: {  	_ =	swait.ge [sflag:s23], $0x4000  }
0xf6: {  	[sflag:s23] =	ssyncset.done $0x0  }
0xf7: {  	s30 =	sadd.s32 $0x800, s26;
	[sflag:s23] =	ssyncadd.s32 $0xFFFFC000  }
0xf8: {  	[hbm4b:s30+s3] =	stream.linear.scatter [tilespmem:s13], [sflag:$0x4], $0x4000, $0x38;
	[tilespmem:$0x18200] =	vst v63  }
0xf9: {  	_ =	swait.ge [sflag:s24], $0x8000  }
0xfa: {  	[sflag:s24] =	ssyncset.done $0x0  }
0xfb: {  	s31 =	sadd.s32 $0x1000, s28;
	[sflag:s24] =	ssyncadd.s32 $0xFFFF8000  }
0xfc: {  	[hbm4b:s31+s3] =	stream.linear.scatter [tilespmem:s14], [sflag:$0x6], $0x8000, $0x38;
	[tilespmem:$0x18200] =	vst v63  }
0xfd: {  	_ =	swait.ge [sflag:s21], $0x4000  }
0xfe: {  	[sflag:s21] =	ssyncset.done $0x0  }
0xff: {  	[sflag:s21] =	ssyncadd.s32 $0xFFFFC000  }
0x100: {  	_ =	swait.ge [sflag:s22], $0x8000  }
0x101: {  	[sflag:s22] =	ssyncset.done $0x0  }
0x102: {  	[sflag:s22] =	ssyncadd.s32 $0xFFFF8000  }
0x103: {  	p0 =	sne.s32 s29, $0x260;
	_ =	swait.ge [sflag:s23], $0x4000  }
.Ltmp0:
0x104: {  	[sflag:s23] =	ssyncset.done $0x0;
	(pc) =	sbr.rel @p0 .LBB2_2-.Ltmp0, $4  }
0x105: {  	[sflag:s23] =	ssyncadd.s32 $0xFFFFC000  }
0x106: {  	_ =	swait.ge [sflag:s24], $0x8000  }
0x107: {  	s29 =	sadd.s32 $0x20, s29;
	[sflag:s24] =	ssyncset.done $0x0  }
0x108: {  	s26 =	sadd.s32 $0x1000, s26;
	s28 =	sadd.s32 $0x2000, s28;
	[sflag:s24] =	ssyncadd.s32 $0xFFFF8000  }
0x109: {  	s25 =	sadd.s32 $0x1, s25  }
0x10a: {  	p0 =	sne.s32 s25, s5  }
.Ltmp1:
0x10b: {  	_ = 	snop;
	(pc) =	sbr.rel @p0 .LBB2_1-.Ltmp1, $1  }
0x10c: {  	_ =	sdelay $0x3  }
0x10d: {  	_ =	sfence.sel $0x180000  }
0x10e: {  	[bflag:$0x0] =	sbarrier.arrive $0xFFFF  }
0x10f: {  	_ =	strace $0x90000047  }
0x110: {  	[bflag:$0x2] =	sbarrier.arrive $0xFFFF  }
0x111: {  	p0 =	sne.s32 s0, $0x0;
	s0 =	rddreg [dreg:$0x2]  }
0x112: {  	s0 =	sadd.s32 @!p0 $0x100000, s0  }
0x113: {  	[sflag:s0] =	ssyncadd.tile.s32 @!p0 $0x1;
	_ =	shalt  }
.Lfunc_end2:
_tile_overlayer_lowered:
.L_overlay_start_2:
0x114: {  	(tag) =	ssettag $0x2  }
0x115: {  	s0 =	rddreg [dreg:$0x0];
	s2 =	stileid.u32  }
0x116: {  	s1 =	rddreg [dreg:$0x1];
	p0 =	sne.s32 s2, $0x0  }
0x117: {  	s3 =	rddreg [dreg:$0x2];
	[bflag:$0x3] =	sbarrier.arrive $0xFFFF;
	s2 =	simm.s32 @!p0 $0x1C07  }
0x118: {  	[timem:s3], [sflag:s2] =	dma.local @!p0 [hbm:s0], s1  }
0x119: {  	s0 =	simm.s32 @!p0 $0x7  }
0x11a: {  	_ =	swait.ge @!p0 [sflag:s0], s1  }
0x11b: {  	s1 =	ssub.s32 @!p0 $0x0, s1;
	[sflag:s0] =	ssyncset.done @!p0 $0x0  }
0x11c: {  	[sflag:s0] =	ssyncadd.s32 @!p0 s1  }
0x11d: {  	[bflag:$0x3] =	sbarrier.arrive $0xFFFF  }
0x11e: {  	_ =	shalt  }

// kernel: kernel.19.cloned.1.call-start
scs
__scs_entry_jumppad:
0x0: {  	(pc) =	sbr.rel $0x88, $3  }
0x1: {  	(tag) =	ssettag $0x0;
	lr =	simm.s32 $0x1  }
0x2: {  	[smem:$0x3F9C] =	sst lr;
	_ =	strace $0xD0000000  }
0x3: {  	_ = 	snop  }
0x4: {  	_ = 	snop  }
0x5: {  	_ = 	snop  }
0x6: {  	_ = 	snop  }
0x7: {  	_ = 	snop  }
__scs_overlays_trampoline_lowered:
0x8: {  	[smem:$0x3FAB] =	sst s0  }
0x9: {  	[smem:$0x3FAC] =	sst s1  }
0xa: {  	[smem:$0x3FAD] =	sst s2  }
0xb: {  	[smem:$0x3FAE] =	sst s3  }
0xc: {  	[smem:$0x3FAF] =	sst s4  }
0xd: {  	[smem:$0x3FB0] =	sst s5  }
0xe: {  	[smem:$0x3FB1] =	sst s6  }
0xf: {  	[smem:$0x3FB2] =	sst s7  }
0x10: {  	[smem:$0x3FB3] =	sst s8  }
0x11: {  	[smem:$0x3FB4] =	sst s9;
	s0 =	simm.s32 @!p0 $0x0  }
0x12: {  	s1 =	sld [smem:$0x3F9A];
	s0 =	simm.s32 @p0 $0x1  }
0x13: {  	[smem:$0x3FB5] =	sst s0;
	s0 =	simm.s32 @!p1 $0x0  }
0x14: {  	s2 =	sld [smem:$0x3F99];
	s0 =	simm.s32 @p1 $0x1  }
0x15: {  	[smem:$0x3FB6] =	sst s0;
	s0 =	simm.s32 @!p2 $0x0  }
0x16: {  	s3 =	sld [smem:$0x3FDB];
	s0 =	simm.s32 @p2 $0x1  }
0x17: {  	s4 =	simm.s32 $0x1BF5;
	[smem:$0x3FB8] =	sst s0  }
0x18: {  	s0 =	sld [smem:$0x3F9B];
	_ =	swait.ge [sflag:s4], $0x0  }
0x19: {  	s7 =	sld [smem:$0x3F9C]  }
0x1a: {  	s8 =	sadd.s32 $0xFFFFE003, lr  }
0x1b: {  	s9 =	sadd.s32 $0xFFFFFEF7, lr;
	s5 =	simm.s32 $0xFFFFFFFF;
	p2 =	slt.u32 s8, $0xFFFFF086  }
0x1c: {  	p1 =	slt.u32 s9, $0xF7A;
	s5 =	simm.s32 @!p2 $0x0  }
0x1d: {  	s5 =	simm.s32 @p1 $0x1;
	p0 =	seq.s32 s7, s2  }
0x1e: {  	s7 =	smul.u32 @!p0 $0xF7A, s2;
	p2 =	seq.s32 @!p0 s5, $0x0  }
0x1f: {  	s9 =	smul.u32 $0xF7A, s1;
	s8 =	simm.s32 @!p0 $0x1BF5;
	p2 =	por !p2, p0  }
0x20: {  	[sflag:s8] =	ssyncset.s32 @!p0 $0xFFFFF086;
	s6 =	sadd.s32 @!p0 s3, s7;
	s7 =	simm.s32 @!p0 $0x108  }
0x21: {  	s3 =	sadd.s32 s3, s9;
	s6 =	sadd.s32 @!p0 $0x88, s6;
	s7 =	simm.s32 @p2 $0x1082  }
0x22: {  	[simem:s7], [sflag:s8] =	dma.local @!p0 [hbm:s6], $0xF7A  }
0x23: {  	s9 =	sor.u32 $0xD0000000, s2;
	s6 =	simm.s32 $0x108;
	_ =	swait.ge @!p0 [sflag:s8], $0x0  }
0x24: {  	s3 =	sadd.s32 $0x88, s3;
	s6 =	simm.s32 @!p1 $0x1082;
	[sflag:s4] =	ssyncset.s32 $0xFFFFF086  }
0x25: {  	[simem:s6], [sflag:s4] =	dma.local [hbm:s3], $0xF7A  }
0x26: {  	[smem:$0x3F9C] =	sst s1;
	(tag) =	ssettag s2;
	_ =	strace s9  }
0x27: {  	s1 =	sld [smem:$0x3FAC]  }
0x28: {  	s2 =	sld [smem:$0x3FAD]  }
0x29: {  	s4 =	sld [smem:$0x3FAF]  }
0x2a: {  	p0 =	seq.s32 s5, $0x0;
	s5 =	sld [smem:$0x3FB0]  }
0x2b: {  	s6 =	sld [smem:$0x3FB1]  }
0x2c: {  	s7 =	sld [smem:$0x3FB2]  }
0x2d: {  	s3 =	simm.s32 $0x108;
	s8 =	sld [smem:$0x3FB3]  }
0x2e: {  	s3 =	simm.s32 @!p0 $0x1082;
	s9 =	sld [smem:$0x3FB4]  }
0x2f: {  	lr =	sadd.s32 s0, s3;
	s0 =	sld [smem:$0x3FAB]  }
0x30: {  	s3 =	sld [smem:$0x3FAE]  }
0x31: {  	[smem:$0x3FB7] =	sst s10  }
0x32: {  	s10 =	sld [smem:$0x3FB5];
	_ =	sdelay $0x3  }
0x33: {  	p0 =	seq.s32 s10, $0x1;
	s10 =	sld [smem:$0x3FB7];
	_ =	sdelay $0x3  }
0x34: {  	[smem:$0x3FB7] =	sst s10  }
0x35: {  	s10 =	sld [smem:$0x3FB6];
	_ =	sdelay $0x3  }
0x36: {  	p1 =	seq.s32 s10, $0x1;
	s10 =	sld [smem:$0x3FB7];
	_ =	sdelay $0x3  }
0x37: {  	[smem:$0x3FB7] =	sst s10  }
0x38: {  	s10 =	sld [smem:$0x3FB8]  }
0x39: {  	_ = 	snop;
	(pc) =	sbr.ind lr, $3  }
0x3a: {  	_ = 	snop  }
0x3b: {  	_ = 	snop  }
0x3c: {  	p2 =	seq.s32 s10, $0x1;
	s10 =	sld [smem:$0x3FB7]  }
0x3d: {  	_ =	shalt  }
0x3e: {  	_ =	shalt  }
0x3f: {  	_ =	shalt  }
0x40: {  	_ =	shalt  }
0x41: {  	_ =	shalt  }
0x42: {  	_ =	shalt  }
0x43: {  	_ =	shalt  }
0x44: {  	_ =	shalt  }
0x45: {  	_ =	shalt  }
0x46: {  	_ =	shalt  }
0x47: {  	_ =	shalt  }
0x48: {  	_ =	shalt  }
0x49: {  	_ =	shalt  }
0x4a: {  	_ =	shalt  }
0x4b: {  	_ =	shalt  }
0x4c: {  	_ =	shalt  }
0x4d: {  	_ =	shalt  }
0x4e: {  	_ =	shalt  }
0x4f: {  	_ =	shalt  }
0x50: {  	_ =	shalt  }
0x51: {  	_ =	shalt  }
0x52: {  	_ =	shalt  }
0x53: {  	_ =	shalt  }
0x54: {  	_ =	shalt  }
0x55: {  	_ =	shalt  }
0x56: {  	_ =	shalt  }
0x57: {  	_ =	shalt  }
0x58: {  	_ =	shalt  }
0x59: {  	_ =	shalt  }
0x5a: {  	_ =	shalt  }
0x5b: {  	_ =	shalt  }
0x5c: {  	_ =	shalt  }
0x5d: {  	_ =	shalt  }
0x5e: {  	_ =	shalt  }
0x5f: {  	_ =	shalt  }
0x60: {  	_ =	shalt  }
0x61: {  	_ =	shalt  }
0x62: {  	_ =	shalt  }
0x63: {  	_ =	shalt  }
0x64: {  	_ =	shalt  }
0x65: {  	_ =	shalt  }
0x66: {  	_ =	shalt  }
0x67: {  	_ =	shalt  }
0x68: {  	_ =	shalt  }
0x69: {  	_ =	shalt  }
0x6a: {  	_ =	shalt  }
0x6b: {  	_ =	shalt  }
0x6c: {  	_ =	shalt  }
0x6d: {  	_ =	shalt  }
0x6e: {  	_ =	shalt  }
0x6f: {  	_ =	shalt  }
0x70: {  	_ =	shalt  }
0x71: {  	_ =	shalt  }
0x72: {  	_ =	shalt  }
0x73: {  	_ =	shalt  }
0x74: {  	_ =	shalt  }
0x75: {  	_ =	shalt  }
0x76: {  	_ =	shalt  }
0x77: {  	_ =	shalt  }
0x78: {  	_ =	shalt  }
0x79: {  	_ =	shalt  }
0x7a: {  	_ =	shalt  }
0x7b: {  	_ =	shalt  }
0x7c: {  	_ =	shalt  }
0x7d: {  	_ =	shalt  }
0x7e: {  	_ =	shalt  }
0x7f: {  	_ =	shalt  }
0x80: {  	_ =	shalt  }
0x81: {  	_ =	shalt  }
0x82: {  	_ =	shalt  }
0x83: {  	_ =	shalt  }
0x84: {  	_ =	shalt  }
0x85: {  	_ =	shalt  }
0x86: {  	_ =	shalt  }
0x87: {  	_ =	shalt  }
.Lfunc_end0:
.L_simem_size_0:
called_computation.3_lowered:
.L_overlay_start_0:
0x88: {  	s2 =	sld [smem:$0x3FD9]  }
0x89: {  	s3 =	sld [smem:$0x3FFE];
	_ =	sdelay $0x1  }
0x8a: {  	s1 =	srdreg.scid  }
0x8b: {  	s0 =	sand.u32 $0x1, s1  }
0x8c: {  	s17 =	sshll.u32 s0, $0xA;
	s2 =	sadd.s32 s3, s2  }
0x8d: {  	s2 =	sadd.s32 s2, s17  }
0x8e: {  	[smem:$0x3FC3] =	sst s2  }
0x8f: {  	_ = 	snop  }
0x90: {  	(tm) =	ssettm $0x1  }
0x91: {  	s18 =	sld [smem:$0x3FFB];
	_ =	sdelay $0x3  }
0x92: {  	_ =	strace s18  }
0x93: {  	s2 =	sld [smem:$0x3FFC];
	_ =	sdelay $0x3  }
0x94: {  	_ =	strace s2  }
0x95: {  	s2 =	sld [smem:$0x3FFD];
	_ =	sdelay $0x3  }
0x96: {  	_ =	strace s2  }
0x97: {  	_ =	strace $0x8FFFFFFF  }
0x98: {  	s19 =	sld [smem:$0x3FDB];
	_ =	sdelay $0x1  }
0x99: {  	s20 =	simm.s32 $_scs_section_size  }
0x9a: {  	s4 =	simm.s32 $_size__tile_overlayer_lowered;
	s5 =	simm.s32 $_tile_overlayer_lowered  }
0x9b: {  	s6 =	simm.s32 $0x1BFF;
	s21 =	sshll.u32 s5, $0x1;
	s3 =	sadd.s32 s20, s19  }
0x9c: {  	s22 =	simm.s32 $0x0;
	s4 =	sshll.u32 s4, $0x1;
	s5 =	sadd.s32 s21, s3  }
0x9d: {  	[timem:s22], [sflag:s6] =	dma.local [hbm:s5], s4  }
0x9e: {  	_ =	swait.ge [sflag:s6], s4  }
0x9f: {  	s4 =	ssub.s32 $0x0, s4;
	[sflag:s6] =	ssyncset.done $0x0  }
0xa0: {  	[sflag:s6] =	ssyncadd.s32 s4;
	_ =	sdelay $0x1  }
0xa1: {  	s23 =	simm.s32 $0x1B8B  }
0xa2: {  	_ =	swait.ge [sflag:s23], $0x1  }
0xa3: {  	[sflag:s23] =	ssyncset.done $0x0  }
0xa4: {  	[sflag:s23] =	ssyncadd.s32 $0xFFFFFFFF  }
0xa5: {  	s4 =	sld [smem:$0x0]  }
0xa6: {  	s5 =	sand.u32 $0xFFFFFFFE, s1  }
0xa7: {  	p0 =	sne.s32 s1, s5  }
0xa8: {  	s5 =	sshll.u32 @p0 s5, $0xE  }
0xa9: {  	s5 =	sadd.s32 @p0 $0x11B8D, s5;
	s6 =	sshll.u32 @p0 s4, $0x11  }
0xaa: {  	s5 =	sor.u32 @p0 s6, s5  }
0xab: {  	[sflag:s5] =	ssyncadd.remote.s32 @p0 $0x1;
	_ =	sdelay $0x1  }
0xac: {  	s5 =	simm.s32 @p0 $0x1B8D  }
0xad: {  	_ =	swait.eq @p0 [sflag:s5], $0x1  }
0xae: {  	[sflag:s5] =	ssyncadd.s32 @p0 $0xFFFFFFFF  }
0xaf: {  	s6 =	sshll.u32 @!p0 s1, $0xE  }
0xb0: {  	s6 =	sor.u32 @!p0 $0x4000, s6;
	s5 =	simm.s32 @!p0 $0x1B8D  }
0xb1: {  	s4 =	sshll.u32 @!p0 s4, $0x11;
	s6 =	sadd.s32 @!p0 $0x11B8D, s6;
	_ =	swait.eq @!p0 [sflag:s5], $0x1  }
0xb2: {  	s4 =	sor.u32 @!p0 s4, s6;
	[sflag:s5] =	ssyncadd.s32 @!p0 $0xFFFFFFFF  }
0xb3: {  	s25 =	simm.s32 $0x1B8E;
	s24 =	sld [smem:$0x3FFE];
	[sflag:s4] =	ssyncadd.remote.s32 @!p0 $0x1  }
0xb4: {  	s26 =	simm.s32 $execute0_lowered;
	[smem:$0x3FD2] =	sst s25  }
0xb5: {  	s5 =	sshll.u32 s26, $0x1;
	_ =	strace $0x8000004C;
	[dreg:$0x1] =	wrdreg $0xFFFFFFFF  }
0xb6: {  	s28 =	simm.s32 $_size_execute0_lowered;
	s3 =	sadd.s32 s3, s5;
	[dreg:$0x0] =	wrdreg $0x0  }
0xb7: {  	s5 =	sshll.u32 s28, $0x1;
	[dreg:$0x2] =	wrdreg s3  }
0xb8: {  	[dreg:$0x3] =	wrdreg s5  }
0xb9: {  	[dreg:$0x4] =	wrdreg $0xC0  }
0xba: {  	_ =	task [dreg:s22], $0x5FFFF  }
0xbb: {  	[dreg:$0x1] =	wrdreg $0xFFFFFFFF  }
0xbc: {  	[dreg:$0x0] =	wrdreg $0x60  }
0xbd: {  	[dreg:$0x2] =	wrdreg s24  }
0xbe: {  	[dreg:$0x3] =	wrdreg $0x0  }
0xbf: {  	[dreg:$0x4] =	wrdreg $0xA  }
0xc0: {  	_ =	task.clear_ibuf [dreg:s22], $0x5FFFF;
	_ =	strace $0x9000004C  }
0xc1: {  	s29 =	simm.s32 $0xA;
	_ =	strace $0x8000004E  }
0xc2: {  	_ =	swait.ge [sflag:s29], $0x1  }
0xc3: {  	[sflag:s29] =	ssyncadd.s32 $0xFFFFFFFF  }
0xc4: {  	_ =	strace $0x9000004E  }
0xc5: {  	_ =	sfence  }
0xc6: {  	s30 =	sld [smem:$0x0];
	_ =	sdelay $0x2  }
0xc7: {  	s31 =	sshll.u32 s1, $0xD;
	s1 =	sshrl.u32 s1, $0x2  }
0xc8: {  	s4 =	sand.u32 $0x4000, s31;
	s1 =	sadd.s32 s1, s30  }
0xc9: {  	s0 =	sor.u32 s4, s0;
	s1 =	sshll.u32 s1, $0x11  }
0xca: {  	s0 =	sor.u32 s1, s0  }
0xcb: {  	s0 =	sadd.s32 $0x8F2B, s0  }
0xcc: {  	[sflag:s0] =	ssyncadd.remote.s32 $0x1  }
0xcd: {  	_ =	sfence.sel $0xFFFF  }
0xce: {  	[dreg:$0x0] =	wrdreg $0xFFFFFFFF;
	(pc) =	sbr.abs _section_cstart, $3  }
0xcf: {  	[dreg:$0x1] =	wrdreg $0xFFFFFFFF  }
0xd0: {  	_ =	task.clear_ibuf [dreg:s22], $0x2FFFF;
	_ =	strace $0x9FFFFFFF  }
0xd1: {  	(tm) =	ssettm $0x7FFFFFFF  }
tec
execute0_lowered:
.L_overlay_start_1:
0x0: {  	(tag) =	ssettag $0x1  }
0x1: {  	s4 =	rddreg [dreg:$0x0]  }
0x2: {  	s2 =	rddreg [dreg:$0x1]  }
0x3: {  	s0 =	rddreg [dreg:$0x2];
	s1 =	stileid.u32  }
0x4: {  	s6 =	srdreg.scid;
	s5 =	smul.u32 $0x28000, s1  }
0x5: {  	s3 =	simm.s32 $0x0;
	s17 =	simm.s32 $0x13900;
	s7 =	smul.u32 $0x1F400, s1  }
0x6: {  	s18 =	simm.s32 $0x17980;
	s19 =	simm.s32 $0x1;
	s10 =	smul.u32 $0x7D000, s1  }
0x7: {  	s20 =	simm.s32 $0x3;
	s21 =	simm.s32 $0x80;
	s25 =	smul.u32 $0x3E80, s1  }
0x8: {  	s6 =	sand.u32 $0x1, s6;
	[smem:$0x7FF] =	sst s3;
	s26 =	smul.u32 $0x2800, s1  }
0x9: {  	s11 =	sadd.s32 $0x55A00, s4;
	s23 =	sadd.s32 $0x5AA00, s4;
	s8 =	smul.u32 $0x138800, s6  }
0xa: {  	p0 =	sgt.u32 s1, $0x9;
	_ =	strace $0x8000004D;
	s14 =	smul.u32 $0x14000, s6  }
0xb: {  	s24 =	ssub.s32 $0x2, s6;
	s16 =	smul.u32 $0x1400, s6;
	s9 =	sadd.s32 s5, s4  }
0xc: {  	s13 =	sshrl.u32 s24, $0x1;
	s10 =	sshrl.u32 s10, $0x2;
	s22 =	sadd.s32 s7, s8  }
0xd: {  	s13 =	ssub.s32 s24, s13;
	s15 =	sadd.s32 s10, s2;
	s7 =	sshrl.u32 s7, $0x3  }
0xe: {  	s28 =	sadd.s32 s14, s9;
	s10 =	sadd.s32 s16, s26;
	s16 =	simm.s32 $0x13980  }
0xf: {  	s24 =	simm.s32 $0x0;
	s5 =	sshrl.u32 s22, $0x3;
	s6 =	sadd.s32 s23, s7  }
0x10: {  	s8 =	smax.u32 s13, $0x1;
	s9 =	sadd.s32 $0xF64A00, s28;
	s29 =	sshrl.u32 s10, $0x3  }
0x11: {  	s30 =	sor.u32 $0x80, s10;
	s13 =	sshll.u32 @!p0 s1, $0x6;
	s14 =	sshrl.u32 @!p0 s15, $0x3  }
0x12: {  	s15 =	simm.s32 $0x13880;
	s22 =	simm.s32 $0x2;
	s12 =	sadd.s32 s5, s4  }
0x13: {  	s4 =	sadd.s32 s23, s25;
	s10 =	sadd.s32 s29, s11;
	s31 =	sshrl.u32 s30, $0x3  }
0x14: {  	s13 =	sor.u32 @!p0 $0x1C05, s13;
	s23 =	simm.s32 $0x4;
	s5 =	sadd.s32 $0x81C00, s12  }
0x15: {  	s7 =	sadd.s32 $0xCFE00, s12;
	s11 =	sadd.s32 s31, s11;
	s12 =	sadd.s32 $0x11E4A00, s28  }
.LBB2_1:
0x16: {  	[spmem:s14], [sflag:s13] =	dma.local @!p0 [hbm:s4], $0x3E80  }
0x17: {  	s25 =	simm.s32 @!p0 $0x5  }
0x18: {  	_ =	swait.ge @!p0 [sflag:s25], $0x3E80  }
0x19: {  	[sflag:s25] =	ssyncset.done @!p0 $0x0  }
0x1a: {  	[sflag:s25] =	ssyncadd.s32 @!p0 $0xFFFFC180  }
0x1b: {  	s29 =	sadd.s32 $0x0, s10;
	[bflag:$0x0] =	sbarrier.arrive $0xFFFF  }
0x1c: {  	[tilespmem:s15], [sflag:$0x1] =	stream.linear.gather [hbm4b:s29+s3], $0x80, $0x38;
	[tilespmem:$0x1B980] =	vst v63  }
0x1d: {  	_ = 	snop  }
0x1e: {  	[tilespmem:s16], [sflag:$0x3] =	stream.linear.gather [hbm4b:s9+s3], $0x4000, $0x38;
	[tilespmem:$0x1B980] =	vst v63  }
0x1f: {  	s30 =	sadd.s32 $0x0, s11  }
0x20: {  	[tilespmem:s17], [sflag:$0x2] =	stream.linear.gather [hbm4b:s30+s3], $0x80, $0x38;
	[tilespmem:$0x1B980] =	vst v63  }
0x21: {  	s31 =	sadd.s32 $0x800, s9  }
0x22: {  	[tilespmem:s18], [sflag:$0x4] =	stream.linear.gather [hbm4b:s31+s3], $0x4000, $0x38;
	[tilespmem:$0x1B980] =	vst v63  }
0x23: {  	_ =	swait.ge [sflag:s19], $0x80  }
0x24: {  	[sflag:s19] =	ssyncset.done $0x0  }
0x25: {  	[sflag:s19] =	ssyncadd.s32 $0xFFFFFF80  }
0x26: {  	_ =	swait.ge [sflag:s20], $0x4000  }
0x27: {  	[sflag:s20] =	ssyncset.done $0x0  }
0x28: {  	[sflag:s20] =	ssyncadd.s32 $0xFFFFC000  }
0x29: {  	[spmem:s2] =	stream.indirect.scatter.add.f32 [tilespmem:s16], [sflag:$0x3], $0x80, s15, s21, $0xb8;
	[tilespmem:$0x1B980] =	vst v63  }
0x2a: {  	_ =	swait.ge [sflag:s22], $0x80  }
0x2b: {  	[sflag:s22] =	ssyncset.done $0x0  }
0x2c: {  	[sflag:s22] =	ssyncadd.s32 $0xFFFFFF80  }
0x2d: {  	_ =	swait.ge [sflag:s23], $0x4000  }
0x2e: {  	[sflag:s23] =	ssyncset.done $0x0  }
0x2f: {  	[sflag:s23] =	ssyncadd.s32 $0xFFFFC000  }
0x30: {  	[spmem:s2] =	stream.indirect.scatter.add.f32 [tilespmem:s18], [sflag:$0x4], $0x80, s17, s21, $0xb8;
	[tilespmem:$0x1B980] =	vst v63  }
0x31: {  	_ =	swait.ge [sflag:s20], $0x4000  }
0x32: {  	[sflag:s20] =	ssyncset.done $0x0  }
0x33: {  	[sflag:s20] =	ssyncadd.s32 $0xFFFFC000  }
0x34: {  	s28 =	simm.s32 $0x40;
	_ =	swait.ge [sflag:s23], $0x4000  }
0x35: {  	s26 =	sadd.s32 $0x1000, s9;
	s25 =	simm.s32 $0x20;
	[sflag:s23] =	ssyncset.done $0x0  }
.LBB2_2:
0x36: {  	s29 =	sadd.s32 s25, s10  }
0x37: {  	[sflag:s23] =	ssyncadd.s32 $0xFFFFC000;
	s30 =	smov.u32 s28;
	s31 =	sadd.s32 $0x20, s28  }
0x38: {  	[tilespmem:s15], [sflag:$0x1] =	stream.linear.gather [hbm4b:s29+s3], $0x80, $0x38;
	[tilespmem:$0x1B980] =	vst v63  }
0x39: {  	p1 =	sne.s32 s28, $0x260  }
0x3a: {  	[tilespmem:s16], [sflag:$0x3] =	stream.linear.gather [hbm4b:s26+s3], $0x4000, $0x38;
	[tilespmem:$0x1B980] =	vst v63  }
0x3b: {  	s28 =	sadd.s32 s25, s11;
	s25 =	smov.u32 s30  }
0x3c: {  	[tilespmem:s17], [sflag:$0x2] =	stream.linear.gather [hbm4b:s28+s3], $0x80, $0x38;
	[tilespmem:$0x1B980] =	vst v63  }
0x3d: {  	s28 =	sadd.s32 $0x800, s26  }
0x3e: {  	[tilespmem:s18], [sflag:$0x4] =	stream.linear.gather [hbm4b:s28+s3], $0x4000, $0x38;
	[tilespmem:$0x1B980] =	vst v63  }
0x3f: {  	_ =	swait.ge [sflag:s19], $0x80  }
0x40: {  	[sflag:s19] =	ssyncset.done $0x0  }
0x41: {  	[sflag:s19] =	ssyncadd.s32 $0xFFFFFF80  }
0x42: {  	_ =	swait.ge [sflag:s20], $0x4000  }
0x43: {  	[sflag:s20] =	ssyncset.done $0x0  }
0x44: {  	[sflag:s20] =	ssyncadd.s32 $0xFFFFC000  }
0x45: {  	[spmem:s2] =	stream.indirect.scatter.add.f32 [tilespmem:s16], [sflag:$0x3], $0x80, s15, s21, $0xb8;
	[tilespmem:$0x1B980] =	vst v63  }
0x46: {  	_ =	swait.ge [sflag:s22], $0x80  }
0x47: {  	[sflag:s22] =	ssyncset.done $0x0  }
0x48: {  	[sflag:s22] =	ssyncadd.s32 $0xFFFFFF80  }
0x49: {  	_ =	swait.ge [sflag:s23], $0x4000  }
0x4a: {  	[sflag:s23] =	ssyncset.done $0x0  }
0x4b: {  	[sflag:s23] =	ssyncadd.s32 $0xFFFFC000  }
0x4c: {  	[spmem:s2] =	stream.indirect.scatter.add.f32 [tilespmem:s18], [sflag:$0x4], $0x80, s17, s21, $0xb8;
	[tilespmem:$0x1B980] =	vst v63  }
.Ltmp0:
0x4d: {  	_ =	swait.ge [sflag:s20], $0x4000;
	(pc) =	sbr.rel @p1 .LBB2_2-.Ltmp0, $4  }
0x4e: {  	[sflag:s20] =	ssyncset.done $0x0  }
0x4f: {  	[sflag:s20] =	ssyncadd.s32 $0xFFFFC000  }
0x50: {  	_ =	swait.ge [sflag:s23], $0x4000  }
0x51: {  	s26 =	sadd.s32 $0x1000, s26;
	s28 =	smov.u32 s31;
	[sflag:s23] =	ssyncset.done $0x0  }
0x52: {  	s28 =	sadd.s32 s25, s10;
	[sflag:s23] =	ssyncadd.s32 $0xFFFFC000  }
0x53: {  	[tilespmem:s15], [sflag:$0x1] =	stream.linear.gather [hbm4b:s28+s3], $0x80, $0x38;
	[tilespmem:$0x1B980] =	vst v63  }
0x54: {  	_ = 	snop  }
0x55: {  	[tilespmem:s16], [sflag:$0x3] =	stream.linear.gather [hbm4b:s26+s3], $0x4000, $0x38;
	[tilespmem:$0x1B980] =	vst v63  }
0x56: {  	s31 =	sadd.s32 s25, s11  }
0x57: {  	[tilespmem:s17], [sflag:$0x2] =	stream.linear.gather [hbm4b:s31+s3], $0x80, $0x38;
	[tilespmem:$0x1B980] =	vst v63  }
0x58: {  	s26 =	sadd.s32 $0x800, s26  }
0x59: {  	[tilespmem:s18], [sflag:$0x4] =	stream.linear.gather [hbm4b:s26+s3], $0x4000, $0x38;
	[tilespmem:$0x1B980] =	vst v63  }
0x5a: {  	_ =	swait.ge [sflag:s19], $0x80  }
0x5b: {  	[sflag:s19] =	ssyncset.done $0x0  }
0x5c: {  	[sflag:s19] =	ssyncadd.s32 $0xFFFFFF80  }
0x5d: {  	_ =	swait.ge [sflag:s20], $0x4000  }
0x5e: {  	[sflag:s20] =	ssyncset.done $0x0  }
0x5f: {  	[sflag:s20] =	ssyncadd.s32 $0xFFFFC000  }
0x60: {  	[spmem:s2] =	stream.indirect.scatter.add.f32 [tilespmem:s16], [sflag:$0x3], $0x80, s15, s21, $0xb8;
	[tilespmem:$0x1B980] =	vst v63  }
0x61: {  	_ =	swait.ge [sflag:s22], $0x80  }
0x62: {  	[sflag:s22] =	ssyncset.done $0x0  }
0x63: {  	[sflag:s22] =	ssyncadd.s32 $0xFFFFFF80  }
0x64: {  	_ =	swait.ge [sflag:s23], $0x4000  }
0x65: {  	[sflag:s23] =	ssyncset.done $0x0  }
0x66: {  	[sflag:s23] =	ssyncadd.s32 $0xFFFFC000  }
0x67: {  	[spmem:s2] =	stream.indirect.scatter.add.f32 [tilespmem:s18], [sflag:$0x4], $0x80, s17, s21, $0xb8;
	[tilespmem:$0x1B980] =	vst v63  }
0x68: {  	_ =	swait.ge [sflag:s20], $0x4000  }
0x69: {  	[sflag:s20] =	ssyncset.done $0x0  }
0x6a: {  	[sflag:s20] =	ssyncadd.s32 $0xFFFFC000  }
0x6b: {  	_ =	swait.ge [sflag:s23], $0x4000  }
0x6c: {  	[sflag:s23] =	ssyncset.done $0x0  }
0x6d: {  	[sflag:s23] =	ssyncadd.s32 $0xFFFFC000  }
0x6e: {  	s25 =	simm.s32 @!p0 $0x5;
	[bflag:$0x0] =	sbarrier.arrive $0xFFFF  }
0x6f: {  	[hbm:s5], [sflag:s13] =	dma.local @!p0 [spmem:s14], $0x3E80  }
0x70: {  	_ =	swait.ge @!p0 [sflag:s25], $0x3E80  }
0x71: {  	[sflag:s25] =	ssyncset.done @!p0 $0x0  }
0x72: {  	[sflag:s25] =	ssyncadd.s32 @!p0 $0xFFFFC180  }
0x73: {  	[spmem:s14], [sflag:s13] =	dma.local @!p0 [hbm:s6], $0x3E80  }
0x74: {  	_ =	swait.ge @!p0 [sflag:s25], $0x3E80  }
0x75: {  	[sflag:s25] =	ssyncset.done @!p0 $0x0  }
0x76: {  	[sflag:s25] =	ssyncadd.s32 @!p0 $0xFFFFC180  }
0x77: {  	s29 =	sadd.s32 $0x0, s10;
	[bflag:$0x0] =	sbarrier.arrive $0xFFFF  }
0x78: {  	[tilespmem:s15], [sflag:$0x1] =	stream.linear.gather [hbm4b:s29+s3], $0x80, $0x38;
	[tilespmem:$0x1B980] =	vst v63  }
0x79: {  	_ = 	snop  }
0x7a: {  	[tilespmem:s16], [sflag:$0x3] =	stream.linear.gather [hbm4b:s12+s3], $0x4000, $0x38;
	[tilespmem:$0x1B980] =	vst v63  }
0x7b: {  	s30 =	sadd.s32 $0x0, s11  }
0x7c: {  	[tilespmem:s17], [sflag:$0x2] =	stream.linear.gather [hbm4b:s30+s3], $0x80, $0x38;
	[tilespmem:$0x1B980] =	vst v63  }
0x7d: {  	s31 =	sadd.s32 $0x800, s12  }
0x7e: {  	[tilespmem:s18], [sflag:$0x4] =	stream.linear.gather [hbm4b:s31+s3], $0x4000, $0x38;
	[tilespmem:$0x1B980] =	vst v63  }
0x7f: {  	_ =	swait.ge [sflag:s19], $0x80  }
0x80: {  	[sflag:s19] =	ssyncset.done $0x0  }
0x81: {  	[sflag:s19] =	ssyncadd.s32 $0xFFFFFF80  }
0x82: {  	_ =	swait.ge [sflag:s20], $0x4000  }
0x83: {  	[sflag:s20] =	ssyncset.done $0x0  }
0x84: {  	[sflag:s20] =	ssyncadd.s32 $0xFFFFC000  }
0x85: {  	[spmem:s2] =	stream.indirect.scatter.add.f32 [tilespmem:s16], [sflag:$0x3], $0x80, s15, s21, $0xb8;
	[tilespmem:$0x1B980] =	vst v63  }
0x86: {  	_ =	swait.ge [sflag:s22], $0x80  }
0x87: {  	[sflag:s22] =	ssyncset.done $0x0  }
0x88: {  	[sflag:s22] =	ssyncadd.s32 $0xFFFFFF80  }
0x89: {  	_ =	swait.ge [sflag:s23], $0x4000  }
0x8a: {  	[sflag:s23] =	ssyncset.done $0x0  }
0x8b: {  	[sflag:s23] =	ssyncadd.s32 $0xFFFFC000  }
0x8c: {  	[spmem:s2] =	stream.indirect.scatter.add.f32 [tilespmem:s18], [sflag:$0x4], $0x80, s17, s21, $0xb8;
	[tilespmem:$0x1B980] =	vst v63  }
0x8d: {  	_ =	swait.ge [sflag:s20], $0x4000  }
0x8e: {  	[sflag:s20] =	ssyncset.done $0x0  }
0x8f: {  	[sflag:s20] =	ssyncadd.s32 $0xFFFFC000  }
0x90: {  	s28 =	simm.s32 $0x40;
	_ =	swait.ge [sflag:s23], $0x4000  }
0x91: {  	s26 =	sadd.s32 $0x1000, s12;
	s25 =	simm.s32 $0x20;
	[sflag:s23] =	ssyncset.done $0x0  }
.LBB2_4:
0x92: {  	s29 =	sadd.s32 s25, s10  }
0x93: {  	[sflag:s23] =	ssyncadd.s32 $0xFFFFC000;
	s30 =	smov.u32 s28;
	s31 =	sadd.s32 $0x20, s28  }
0x94: {  	[tilespmem:s15], [sflag:$0x1] =	stream.linear.gather [hbm4b:s29+s3], $0x80, $0x38;
	[tilespmem:$0x1B980] =	vst v63  }
0x95: {  	p1 =	sne.s32 s28, $0x260  }
0x96: {  	[tilespmem:s16], [sflag:$0x3] =	stream.linear.gather [hbm4b:s26+s3], $0x4000, $0x38;
	[tilespmem:$0x1B980] =	vst v63  }
0x97: {  	s28 =	sadd.s32 s25, s11;
	s25 =	smov.u32 s30  }
0x98: {  	[tilespmem:s17], [sflag:$0x2] =	stream.linear.gather [hbm4b:s28+s3], $0x80, $0x38;
	[tilespmem:$0x1B980] =	vst v63  }
0x99: {  	s28 =	sadd.s32 $0x800, s26  }
0x9a: {  	[tilespmem:s18], [sflag:$0x4] =	stream.linear.gather [hbm4b:s28+s3], $0x4000, $0x38;
	[tilespmem:$0x1B980] =	vst v63  }
0x9b: {  	_ =	swait.ge [sflag:s19], $0x80  }
0x9c: {  	[sflag:s19] =	ssyncset.done $0x0  }
0x9d: {  	[sflag:s19] =	ssyncadd.s32 $0xFFFFFF80  }
0x9e: {  	_ =	swait.ge [sflag:s20], $0x4000  }
0x9f: {  	[sflag:s20] =	ssyncset.done $0x0  }
0xa0: {  	[sflag:s20] =	ssyncadd.s32 $0xFFFFC000  }
0xa1: {  	[spmem:s2] =	stream.indirect.scatter.add.f32 [tilespmem:s16], [sflag:$0x3], $0x80, s15, s21, $0xb8;
	[tilespmem:$0x1B980] =	vst v63  }
0xa2: {  	_ =	swait.ge [sflag:s22], $0x80  }
0xa3: {  	[sflag:s22] =	ssyncset.done $0x0  }
0xa4: {  	[sflag:s22] =	ssyncadd.s32 $0xFFFFFF80  }
0xa5: {  	_ =	swait.ge [sflag:s23], $0x4000  }
0xa6: {  	[sflag:s23] =	ssyncset.done $0x0  }
0xa7: {  	[sflag:s23] =	ssyncadd.s32 $0xFFFFC000  }
0xa8: {  	[spmem:s2] =	stream.indirect.scatter.add.f32 [tilespmem:s18], [sflag:$0x4], $0x80, s17, s21, $0xb8;
	[tilespmem:$0x1B980] =	vst v63  }
.Ltmp1:
0xa9: {  	_ =	swait.ge [sflag:s20], $0x4000;
	(pc) =	sbr.rel @p1 .LBB2_4-.Ltmp1, $4  }
0xaa: {  	[sflag:s20] =	ssyncset.done $0x0  }
0xab: {  	[sflag:s20] =	ssyncadd.s32 $0xFFFFC000  }
0xac: {  	_ =	swait.ge [sflag:s23], $0x4000  }
0xad: {  	s26 =	sadd.s32 $0x1000, s26;
	s28 =	smov.u32 s31;
	[sflag:s23] =	ssyncset.done $0x0  }
0xae: {  	s28 =	sadd.s32 s25, s10;
	[sflag:s23] =	ssyncadd.s32 $0xFFFFC000  }
0xaf: {  	[tilespmem:s15], [sflag:$0x1] =	stream.linear.gather [hbm4b:s28+s3], $0x80, $0x38;
	[tilespmem:$0x1B980] =	vst v63  }
0xb0: {  	_ = 	snop  }
0xb1: {  	[tilespmem:s16], [sflag:$0x3] =	stream.linear.gather [hbm4b:s26+s3], $0x4000, $0x38;
	[tilespmem:$0x1B980] =	vst v63  }
0xb2: {  	s30 =	sadd.s32 s25, s11  }
0xb3: {  	[tilespmem:s17], [sflag:$0x2] =	stream.linear.gather [hbm4b:s30+s3], $0x80, $0x38;
	[tilespmem:$0x1B980] =	vst v63  }
0xb4: {  	s31 =	sadd.s32 $0x800, s26  }
0xb5: {  	[tilespmem:s18], [sflag:$0x4] =	stream.linear.gather [hbm4b:s31+s3], $0x4000, $0x38;
	[tilespmem:$0x1B980] =	vst v63  }
0xb6: {  	_ =	swait.ge [sflag:s19], $0x80  }
0xb7: {  	[sflag:s19] =	ssyncset.done $0x0  }
0xb8: {  	[sflag:s19] =	ssyncadd.s32 $0xFFFFFF80  }
0xb9: {  	_ =	swait.ge [sflag:s20], $0x4000  }
0xba: {  	[sflag:s20] =	ssyncset.done $0x0  }
0xbb: {  	[sflag:s20] =	ssyncadd.s32 $0xFFFFC000  }
0xbc: {  	[spmem:s2] =	stream.indirect.scatter.add.f32 [tilespmem:s16], [sflag:$0x3], $0x80, s15, s21, $0xb8;
	[tilespmem:$0x1B980] =	vst v63  }
0xbd: {  	_ =	swait.ge [sflag:s22], $0x80  }
0xbe: {  	[sflag:s22] =	ssyncset.done $0x0  }
0xbf: {  	[sflag:s22] =	ssyncadd.s32 $0xFFFFFF80  }
0xc0: {  	_ =	swait.ge [sflag:s23], $0x4000  }
0xc1: {  	[sflag:s23] =	ssyncset.done $0x0  }
0xc2: {  	[sflag:s23] =	ssyncadd.s32 $0xFFFFC000  }
0xc3: {  	[spmem:s2] =	stream.indirect.scatter.add.f32 [tilespmem:s18], [sflag:$0x4], $0x80, s17, s21, $0xb8;
	[tilespmem:$0x1B980] =	vst v63  }
0xc4: {  	_ =	swait.ge [sflag:s20], $0x4000  }
0xc5: {  	[sflag:s20] =	ssyncset.done $0x0  }
0xc6: {  	[sflag:s20] =	ssyncadd.s32 $0xFFFFC000  }
0xc7: {  	_ =	swait.ge [sflag:s23], $0x4000  }
0xc8: {  	s24 =	sadd.s32 $0x1, s24;
	[sflag:s23] =	ssyncset.done $0x0  }
0xc9: {  	p1 =	sne.s32 s24, s8;
	[sflag:s23] =	ssyncadd.s32 $0xFFFFC000  }
.Ltmp2:
0xca: {  	s25 =	simm.s32 @!p0 $0x5;
	[bflag:$0x0] =	sbarrier.arrive $0xFFFF;
	(pc) =	sbr.rel @p1 .LBB2_1-.Ltmp2, $4  }
0xcb: {  	[hbm:s7], [sflag:s13] =	dma.local @!p0 [spmem:s14], $0x3E80  }
0xcc: {  	_ =	swait.ge @!p0 [sflag:s25], $0x3E80  }
0xcd: {  	[sflag:s25] =	ssyncset.done @!p0 $0x0  }
0xce: {  	[sflag:s25] =	ssyncadd.s32 @!p0 $0xFFFFC180  }
0xcf: {  	_ =	sfence.sel $0x180000  }
0xd0: {  	[bflag:$0x0] =	sbarrier.arrive $0xFFFF  }
0xd1: {  	p0 =	sne.s32 s1, $0x0;
	_ =	strace $0x9000004D  }
0xd2: {  	s0 =	sadd.s32 @!p0 $0x100000, s0;
	[bflag:$0x2] =	sbarrier.arrive $0xFFFF  }
0xd3: {  	[sflag:s0] =	ssyncadd.tile.s32 @!p0 $0x1;
	_ =	shalt  }
.Lfunc_end2:
_tile_overlayer_lowered:
.L_overlay_start_2:
0xd4: {  	(tag) =	ssettag $0x2  }
0xd5: {  	s0 =	rddreg [dreg:$0x0];
	s2 =	stileid.u32  }
0xd6: {  	s1 =	rddreg [dreg:$0x1];
	p0 =	sne.s32 s2, $0x0  }
0xd7: {  	s3 =	rddreg [dreg:$0x2];
	[bflag:$0x3] =	sbarrier.arrive $0xFFFF;
	s2 =	simm.s32 @!p0 $0x1C05  }
0xd8: {  	[timem:s3], [sflag:s2] =	dma.local @!p0 [hbm:s0], s1  }
0xd9: {  	s0 =	simm.s32 @!p0 $0x5  }
0xda: {  	_ =	swait.ge @!p0 [sflag:s0], s1  }
0xdb: {  	s1 =	ssub.s32 @!p0 $0x0, s1;
	[sflag:s0] =	ssyncset.done @!p0 $0x0  }
0xdc: {  	[sflag:s0] =	ssyncadd.s32 @!p0 s1  }
0xdd: {  	[bflag:$0x3] =	sbarrier.arrive $0xFFFF  }
0xde: {  	_ =	shalt  }

</sc_bundles>
